<compile_context>
chip_gen: v7x
topology: tpu7x:2x2x1
jax: 0.10.2.dev20260603
libtpu: 0.0.44.dev20260713+nightly
codegen_flags: <defaults>
</compile_context>

<pallas_src>
import functools

import jax
import jax.numpy as jnp
from jax import lax
from jax.experimental import pallas as pl
from jax.experimental.pallas import tpu as pltpu
from jax.experimental.pallas import tpu_sc as plsc

N = 10000
D_IN = 128
D_HID = 128
D_OUT = 64
E = 320000

NC = 2
NS = 16
NW = NC * NS
L = 128
CH = 80
NP = 5
PCH = CH // NP
EPT = CH * L
EPAD = EPT * NW
SR = 640
NACC = SR * NS

_mesh = plsc.VectorSubcoreMesh(core_axis_name="c", subcore_axis_name="s")


@functools.partial(
    pl.kernel,
    out_type=jax.ShapeDtypeStruct((NC * NACC,), jnp.float32),
    mesh=_mesh,
    scratch_types=[
        pltpu.VMEM((CH, L), jnp.int32),
        pltpu.VMEM((SR,), jnp.float32),
        pltpu.VMEM_SHARED((NACC,), jnp.float32),
    ],
)
def _deg_sc(dst_hbm, out_hbm, idx_v, buf_v, acc):
    c = lax.axis_index("c")
    s = lax.axis_index("s")
    w = c * NS + s

    def fill0(i, carry):
        buf_v[pl.ds(i * 16, 16)] = jnp.zeros((16,), jnp.float32)
        return carry

    lax.fori_loop(0, SR // 16, fill0, 0)
    pltpu.sync_copy(buf_v, acc.at[pl.ds(s * SR, SR)])

    def fill1(i, carry):
        buf_v[pl.ds(i * 16, 16)] = jnp.ones((16,), jnp.float32)
        return carry

    lax.fori_loop(0, L // 16, fill1, 0)
    pltpu.sync_copy(dst_hbm.at[w], idx_v)
    plsc.subcore_barrier()

    def body(j, carry):
        pltpu.sync_copy(buf_v.at[pl.ds(0, L)], acc.at[idx_v.at[j]], add=True)
        return carry

    lax.fori_loop(0, CH, body, 0)
    plsc.subcore_barrier()
    pltpu.sync_copy(acc.at[pl.ds(s * SR, SR)], buf_v)
    pltpu.sync_copy(buf_v, out_hbm.at[pl.ds(c * NACC + s * SR, SR)])


def _make_edge_agg(D):
    @functools.partial(
        pl.kernel,
        out_type=jax.ShapeDtypeStruct((NC, NACC, D), jnp.float32),
        mesh=_mesh,
        scratch_types=[
            pltpu.VMEM((PCH, L), jnp.int32),
            pltpu.VMEM((PCH, L), jnp.int32),
            pltpu.VMEM((PCH, L), jnp.int32),
            pltpu.VMEM((PCH, L), jnp.int32),
            pltpu.VMEM((L, D), jnp.float32),
            pltpu.VMEM((L, D), jnp.float32),
            pltpu.VMEM_SHARED((NACC, D), jnp.float32),
            pltpu.SemaphoreType.DMA,
            pltpu.SemaphoreType.DMA,
        ],
    )
    def _agg(h_hbm, src_hbm, dst_hbm, out_hbm, sidx0, didx0, sidx1, didx1,
             rows_a, rows_b, acc, ga, gb):
        c = lax.axis_index("c")
        s = lax.axis_index("s")
        w = c * NS + s

        def z(i, carry):
            r = i // (D // 16)
            col = (i % (D // 16)) * 16
            rows_a[r, pl.ds(col, 16)] = jnp.zeros((16,), jnp.float32)
            return carry

        lax.fori_loop(0, L * (D // 16), z, 0)
        base = s * SR
        for k in range(SR // L):
            pltpu.sync_copy(rows_a, acc.at[pl.ds(base + k * L, L)])
        plsc.subcore_barrier()

        def gather(si, buf, sem):
            pltpu.async_copy(h_hbm.at[si], buf, sem)

        def gather_wait(si, buf, sem):
            pltpu.make_async_copy(h_hbm.at[si], buf, sem).wait()

        def scat(di, buf):
            pltpu.sync_copy(buf, acc.at[di], add=True)

        banks = ((sidx0, didx0), (sidx1, didx1))
        pltpu.sync_copy(src_hbm.at[w, pl.ds(0, PCH)], sidx0)
        pltpu.sync_copy(dst_hbm.at[w, pl.ds(0, PCH)], didx0)
        gather(sidx0.at[0], rows_a, ga)
        for p in range(NP):
            sidx, didx = banks[p % 2]
            nsidx, ndidx = banks[(p + 1) % 2]
            if p + 1 < NP:
                pltpu.sync_copy(src_hbm.at[w, pl.ds((p + 1) * PCH, PCH)], nsidx)
                pltpu.sync_copy(dst_hbm.at[w, pl.ds((p + 1) * PCH, PCH)], ndidx)

            def body(k, carry):
                e = 2 * k
                gather(sidx.at[e + 1], rows_b, gb)
                gather_wait(sidx.at[e], rows_a, ga)
                scat(didx.at[e], rows_a)
                gather(sidx.at[e + 2], rows_a, ga)
                gather_wait(sidx.at[e + 1], rows_b, gb)
                scat(didx.at[e + 1], rows_b)
                return carry

            lax.fori_loop(0, PCH // 2 - 1, body, 0)
            e = PCH - 2
            gather(sidx.at[e + 1], rows_b, gb)
            gather_wait(sidx.at[e], rows_a, ga)
            scat(didx.at[e], rows_a)
            if p + 1 < NP:
                gather(nsidx.at[0], rows_a, ga)
            gather_wait(sidx.at[e + 1], rows_b, gb)
            scat(didx.at[e + 1], rows_b)
        plsc.subcore_barrier()
        for k in range(SR // L):
            pltpu.sync_copy(acc.at[pl.ds(base + k * L, L)],
                            out_hbm.at[c, pl.ds(base + k * L, L)])

    return _agg


_agg128 = _make_edge_agg(D_HID)


_BR = 2000


def _mm1_body(d0_ref, d1_ref, x_ref, w_ref, h_ref, dinv_ref):
    deg = d0_ref[...] + d1_ref[...] + 1.0
    dinv = lax.rsqrt(jnp.maximum(deg, 1.0))
    dinv_ref[...] = dinv
    h = jnp.dot(x_ref[...], w_ref[...], preferred_element_type=jnp.float32)
    h_ref[...] = h * dinv


_mm1 = pl.pallas_call(
    _mm1_body,
    grid=(N // _BR,),
    in_specs=[
        pl.BlockSpec((_BR, 1), lambda i: (i, 0)),
        pl.BlockSpec((_BR, 1), lambda i: (i, 0)),
        pl.BlockSpec((_BR, D_IN), lambda i: (i, 0)),
        pl.BlockSpec((D_IN, D_HID), lambda i: (0, 0)),
    ],
    out_specs=[
        pl.BlockSpec((_BR, D_HID), lambda i: (i, 0)),
        pl.BlockSpec((_BR, 1), lambda i: (i, 0)),
    ],
    out_shape=[
        jax.ShapeDtypeStruct((N, D_HID), jnp.float32),
        jax.ShapeDtypeStruct((N, 1), jnp.float32),
    ],
)


def _mm2_body(p_ref, h1_ref, dinv_ref, b1_ref, w2_ref, h2_ref):
    dinv = dinv_ref[...]
    srow = (p_ref[0] + p_ref[1] + h1_ref[...]) * dinv + b1_ref[...]
    z = jnp.maximum(srow, 0.0)
    h2 = jnp.dot(z, w2_ref[...], preferred_element_type=jnp.float32)
    h2_ref[...] = h2 * dinv


_mm2 = pl.pallas_call(
    _mm2_body,
    grid=(N // _BR,),
    in_specs=[
        pl.BlockSpec((NC, _BR, D_HID), lambda i: (0, i, 0)),
        pl.BlockSpec((_BR, D_HID), lambda i: (i, 0)),
        pl.BlockSpec((_BR, 1), lambda i: (i, 0)),
        pl.BlockSpec((1, D_HID), lambda i: (0, 0)),
        pl.BlockSpec((D_HID, D_HID), lambda i: (0, 0)),
    ],
    out_specs=pl.BlockSpec((_BR, D_HID), lambda i: (i, 0)),
    out_shape=jax.ShapeDtypeStruct((N, D_HID), jnp.float32),
)


def _fin_body(q_ref, h2_ref, dinv_ref, b2_ref, o_ref):
    z = ((q_ref[0, :, :D_OUT] + q_ref[1, :, :D_OUT] + h2_ref[..., :D_OUT])
         * dinv_ref[...] + b2_ref[...])
    m = jnp.max(z, axis=1, keepdims=True)
    lse = jnp.log(jnp.sum(jnp.exp(z - m), axis=1, keepdims=True)) + m
    o_ref[...] = z - lse


_fin = pl.pallas_call(
    _fin_body,
    grid=(N // _BR,),
    in_specs=[
        pl.BlockSpec((NC, _BR, D_HID), lambda i: (0, i, 0)),
        pl.BlockSpec((_BR, D_HID), lambda i: (i, 0)),
        pl.BlockSpec((_BR, 1), lambda i: (i, 0)),
        pl.BlockSpec((1, D_OUT), lambda i: (0, 0)),
    ],
    out_specs=pl.BlockSpec((_BR, D_OUT), lambda i: (i, 0)),
    out_shape=jax.ShapeDtypeStruct((N, D_OUT), jnp.float32),
)


def kernel(x, edge_index, W1, b1, W2, b2):
    src = edge_index[0]
    dst = edge_index[1]
    npad = EPAD - E
    ar = jnp.arange(npad, dtype=jnp.int32)
    src3 = jnp.concatenate([src, ar % N]).reshape(NW, CH, L)
    dst3 = jnp.concatenate([dst, N + (ar % (NACC - N))]).reshape(NW, CH, L)

    degp = _deg_sc(dst3).reshape(NC, NACC)
    d0 = degp[0, :N, None]
    d1 = degp[1, :N, None]
    h1p, dinv = _mm1(d0, d1, x, W1)
    p = _agg128(h1p, src3, dst3)
    W2p = jnp.pad(W2, ((0, 0), (0, D_HID - D_OUT)))
    h2p = _mm2(p, h1p, dinv, b1.reshape(1, D_HID), W2p)
    q = _agg128(h2p, src3, dst3)
    return _fin(q, h2p, dinv, b2.reshape(1, D_OUT))

# --- scband reference (transcript-rebuilt; emitter-appended) ---
"""Pipeline reference for scband-gcn-83124797047020 (READ-ONLY COPY).

The authoritative reference and input builder live on the scoring server;
editing this copy changes nothing except your own understanding.
"""

import jax, jax.numpy as jnp
import numpy as np

N = 10000
D_IN = 128
D_HID = 128
D_OUT = 64
E = 320000


def gcn_conv(x, edge_index, W, b):
    # PyG-style GCNConv: add self-loops, symmetric deg^-1/2 normalization,
    # linear transform, gather messages at src, scatter-add to dst, add bias.
    src = edge_index[0]
    dst = edge_index[1]
    loop = jnp.arange(N, dtype=src.dtype)
    src = jnp.concatenate([src, loop])
    dst = jnp.concatenate([dst, loop])
    ones = jnp.ones(src.shape[0], dtype=x.dtype)
    deg = jax.ops.segment_sum(ones, dst, num_segments=N)
    dinv = jax.lax.rsqrt(jnp.maximum(deg, 1.0))
    norm = dinv[src] * dinv[dst]
    h = x @ W
    msg = h[src] * norm[:, None]
    out = jax.ops.segment_sum(msg, dst, num_segments=N)
    return out + b


def setup_inputs(seed: int = 0) -> dict:
    key = jax.random.key(seed)
    k1, k2, k3, k4, k5, k6 = jax.random.split(key, 6)
    x = jax.random.normal(k1, (N, D_IN), dtype=jnp.float32)
    edge_index = jax.random.randint(k2, (2, E), 0, N, dtype=jnp.int32)
    # learned parameters, glorot-ish scale
    W1 = jax.random.normal(k3, (D_IN, D_HID), dtype=jnp.float32) * (1.0 / np.sqrt(D_IN))
    b1 = jnp.zeros((D_HID,), dtype=jnp.float32)
    W2 = jax.random.normal(k4, (D_HID, D_OUT), dtype=jnp.float32) * (1.0 / np.sqrt(D_HID))
    b2 = jnp.zeros((D_OUT,), dtype=jnp.float32)
    return {"x": x, "edge_index": edge_index, "W1": W1, "b1": b1, "W2": W2, "b2": b2}


def reference(x, edge_index, W1, b1, W2, b2):
    h = gcn_conv(x, edge_index, W1, b1)
    h = jax.nn.relu(h)
    h = gcn_conv(h, edge_index, W2, b2)
    return jax.nn.log_softmax(h, axis=1)

if __name__ == "__main__":
    import jax
    _d = setup_inputs()
    print(jax.jit(kernel)(*tuple(_d.values())))

</pallas_src>

<mosaic_0001>
#map = affine_map<(d0, d1) -> (0, 0)>
#map1 = affine_map<(d0, d1) -> (0, 0, 0)>
module attributes {stable_mosaic.version = 14 : i64} {
  func.func @_agg(%arg0: i32, %arg1: i32, %arg2: memref<10000x128xf32, #tpu.memory_space<hbm>>, %arg3: memref<32x80x128xi32, #tpu.memory_space<hbm>>, %arg4: memref<32x80x128xi32, #tpu.memory_space<hbm>>, %arg5: memref<2x10240x128xf32, #tpu.memory_space<hbm>>, %arg6: memref<16x128xi32, #tpu.memory_space<vmem>>, %arg7: memref<16x128xi32, #tpu.memory_space<vmem>>, %arg8: memref<16x128xi32, #tpu.memory_space<vmem>>, %arg9: memref<16x128xi32, #tpu.memory_space<vmem>>, %arg10: memref<128x128xf32, #tpu.memory_space<vmem>>, %arg11: memref<128x128xf32, #tpu.memory_space<vmem>>, %arg12: memref<10240x128xf32, #tpu.memory_space<vmem_shared>>, %arg13: memref<!tpu.dma_semaphore, #tpu.memory_space<semaphore_mem>>, %arg14: memref<!tpu.dma_semaphore, #tpu.memory_space<semaphore_mem>>) attributes {dimension_semantics = [#tpu.dimension_semantics<core_parallel>, #tpu.dimension_semantics<subcore_parallel>], iteration_bounds = array<i64: 2, 16>, scalar_prefetch = 0 : i64, scratch_operands = 9 : i64, tpu.core_type = #tpu.core_type<sc_vector_subcore>, window_params = [{transform_indices = #map}, {transform_indices = #map1}, {transform_indices = #map1}, {transform_indices = #map1}]} {
    %mul3A = arith.constant 16 : i32
    %mul3A_0 = arith.muli %arg0, %mul3A : i32
    %add3A = arith.addi %mul3A_0, %arg1 : i32
    %scan3A = arith.constant 0 : i32
    %scan3A_1 = arith.constant 0 : i32
    %scan3A_2 = arith.constant 1024 : i32
    %scan3A_3 = arith.addi %scan3A_1, %scan3A_2 : i32
    %scan3A_4 = arith.constant 1 : i32
    scf.for %scan3A_216 = %scan3A_1 to %scan3A_3 step %scan3A_4  : i32 {
      %jit3A = arith.constant 8 : i32
      %div3A = arith.divsi %scan3A_216, %jit3A : i32
      %sign3A = arith.constant 0 : i32
      %sign3A_217 = arith.cmpi sgt, %scan3A_216, %sign3A : i32
      %sign3A_218 = arith.extui %sign3A_217 : i1 to i32
      %sign3A_219 = arith.constant 0 : i32
      %sign3A_220 = arith.cmpi slt, %scan3A_216, %sign3A_219 : i32
      %sign3A_221 = arith.extui %sign3A_220 : i1 to i32
      %sign3A_222 = arith.subi %sign3A_218, %sign3A_221 : i32
      %sign3A_223 = arith.constant 0 : i32
      %sign3A_224 = arith.cmpi sgt, %jit3A, %sign3A_223 : i32
      %sign3A_225 = arith.extui %sign3A_224 : i1 to i32
      %sign3A_226 = arith.constant 0 : i32
      %sign3A_227 = arith.cmpi slt, %jit3A, %sign3A_226 : i32
      %sign3A_228 = arith.extui %sign3A_227 : i1 to i32
      %sign3A_229 = arith.subi %sign3A_225, %sign3A_228 : i32
      %ne3A = arith.cmpi ne, %sign3A_222, %sign3A_229 : i32
      %rem3A = arith.remsi %scan3A_216, %jit3A : i32
      %ne3A_230 = arith.constant 0 : i32
      %ne3A_231 = arith.cmpi ne, %rem3A, %ne3A_230 : i32
      %and3A = arith.andi %ne3A, %ne3A_231 : i1
      %sub3A = arith.constant 1 : i32
      %sub3A_232 = arith.subi %div3A, %sub3A : i32
      %select_n3A = arith.select %and3A, %sub3A_232, %div3A : i32
      %jit3A_233 = arith.constant 8 : i32
      %eq3A = arith.constant 0 : i32
      %eq3A_234 = arith.cmpi eq, %jit3A_233, %eq3A : i32
      %jit3A_235 = arith.constant 1 : i32
      %select_n3A_236 = arith.select %eq3A_234, %jit3A_235, %jit3A_233 : i32
      %rem3A_237 = arith.remsi %scan3A_216, %select_n3A_236 : i32
      %ne3A_238 = arith.constant 0 : i32
      %ne3A_239 = arith.cmpi ne, %rem3A_237, %ne3A_238 : i32
      %lt3A = arith.constant 0 : i32
      %lt3A_240 = arith.cmpi slt, %rem3A_237, %lt3A : i32
      %lt3A_241 = arith.constant 0 : i32
      %lt3A_242 = arith.cmpi slt, %select_n3A_236, %lt3A_241 : i32
      %ne3A_243 = arith.xori %lt3A_240, %lt3A_242 : i1
      %and3A_244 = arith.andi %ne3A_243, %ne3A_239 : i1
      %add3A_245 = arith.addi %rem3A_237, %select_n3A_236 : i32
      %select_n3A_246 = arith.select %and3A_244, %add3A_245, %rem3A_237 : i32
      %mul3A_247 = arith.constant 16 : i32
      %mul3A_248 = arith.muli %select_n3A_246, %mul3A_247 : i32
      %broadcast_in_dim3A = arith.constant 0.000000e+00 : f32
      %broadcast_in_dim3A_249 = vector.broadcast %broadcast_in_dim3A : f32 to vector<16xf32>
      %swap3A = arith.index_cast %select_n3A : i32 to index
      %swap3A_250 = arith.index_cast %mul3A_248 : i32 to index
      %swap3A_251 = tpu.vector_load %arg10[%swap3A, %swap3A_250] {strides = array<i32>} : memref<128x128xf32, #tpu.memory_space<vmem>>, vector<1x16xf32>,
      %swap3A_252 = vector.shape_cast %swap3A_251 : vector<1x16xf32> to vector<16xf32>
      %swap3A_253 = vector.shape_cast %broadcast_in_dim3A_249 : vector<16xf32> to vector<1x16xf32>
      tpu.vector_store %arg10[%swap3A, %swap3A_250], %swap3A_253 {strides = array<i32>} : memref<128x128xf32, #tpu.memory_space<vmem>>, vector<1x16xf32>,
    }
    %scan3A_5 = arith.constant 1024 : i32
    %mul3A_6 = arith.constant 640 : i32
    %mul3A_7 = arith.muli %arg1, %mul3A_6 : i32
    %add3A_8 = arith.constant 0 : i32
    %add3A_9 = arith.addi %mul3A_7, %add3A_8 : i32
    "tpu.region"() ({
      %run_scoped3A_216 = tpu.sem_alloc : memref<!tpu.dma_semaphore, #tpu.memory_space<semaphore_mem>>
      %dma_start3A_217 = arith.constant 0 : i32
      %dma_start3A_218 = tpu.memref_slice %arg12[%add3A_9, %dma_start3A_217] : memref<10240x128xf32, #tpu.memory_space<vmem_shared>> -> memref<128x128xf32, #tpu.memory_space<vmem_shared>>
      %dma_start3A_219 = arith.constant 0 : i32
      %dma_start3A_220 = tpu.memref_slice %arg12[%add3A_9, %dma_start3A_219] : memref<10240x128xf32, #tpu.memory_space<vmem_shared>> -> memref<128x128xf32, #tpu.memory_space<vmem_shared>>
      tpu.enqueue_dma source(%arg10 : memref<128x128xf32, #tpu.memory_space<vmem>>) target(%dma_start3A_220 : memref<128x128xf32, #tpu.memory_space<vmem_shared>>) target_semaphore(%run_scoped3A_216 : memref<!tpu.dma_semaphore, #tpu.memory_space<semaphore_mem>>)
      %dma_wait3A_221 = arith.constant 0 : i32
      %dma_wait3A_222 = tpu.memref_slice %arg12[%add3A_9, %dma_wait3A_221] : memref<10240x128xf32, #tpu.memory_space<vmem_shared>> -> memref<128x128xf32, #tpu.memory_space<vmem_shared>>
      %dma_wait3A_223 = arith.constant 0 : i32
      %dma_wait3A_224 = tpu.memref_slice %arg12[%add3A_9, %dma_wait3A_223] : memref<10240x128xf32, #tpu.memory_space<vmem_shared>> -> memref<128x128xf32, #tpu.memory_space<vmem_shared>>
      tpu.wait_dma2 semaphore(%run_scoped3A_216 : memref<!tpu.dma_semaphore, #tpu.memory_space<semaphore_mem>>) src(%arg10 : memref<128x128xf32, #tpu.memory_space<vmem>>) dst(%dma_wait3A_224 : memref<128x128xf32, #tpu.memory_space<vmem_shared>>)
      tpu.yield
    }) : () -> ()
    %add3A_10 = arith.constant 128 : i32
    %add3A_11 = arith.addi %mul3A_7, %add3A_10 : i32
    "tpu.region"() ({
      %run_scoped3A_216 = tpu.sem_alloc : memref<!tpu.dma_semaphore, #tpu.memory_space<semaphore_mem>>
      %dma_start3A_217 = arith.constant 0 : i32
      %dma_start3A_218 = tpu.memref_slice %arg12[%add3A_11, %dma_start3A_217] : memref<10240x128xf32, #tpu.memory_space<vmem_shared>> -> memref<128x128xf32, #tpu.memory_space<vmem_shared>>
      %dma_start3A_219 = arith.constant 0 : i32
      %dma_start3A_220 = tpu.memref_slice %arg12[%add3A_11, %dma_start3A_219] : memref<10240x128xf32, #tpu.memory_space<vmem_shared>> -> memref<128x128xf32, #tpu.memory_space<vmem_shared>>
      tpu.enqueue_dma source(%arg10 : memref<128x128xf32, #tpu.memory_space<vmem>>) target(%dma_start3A_220 : memref<128x128xf32, #tpu.memory_space<vmem_shared>>) target_semaphore(%run_scoped3A_216 : memref<!tpu.dma_semaphore, #tpu.memory_space<semaphore_mem>>)
      %dma_wait3A_221 = arith.constant 0 : i32
      %dma_wait3A_222 = tpu.memref_slice %arg12[%add3A_11, %dma_wait3A_221] : memref<10240x128xf32, #tpu.memory_space<vmem_shared>> -> memref<128x128xf32, #tpu.memory_space<vmem_shared>>
      %dma_wait3A_223 = arith.constant 0 : i32
      %dma_wait3A_224 = tpu.memref_slice %arg12[%add3A_11, %dma_wait3A_223] : memref<10240x128xf32, #tpu.memory_space<vmem_shared>> -> memref<128x128xf32, #tpu.memory_space<vmem_shared>>
      tpu.wait_dma2 semaphore(%run_scoped3A_216 : memref<!tpu.dma_semaphore, #tpu.memory_space<semaphore_mem>>) src(%arg10 : memref<128x128xf32, #tpu.memory_space<vmem>>) dst(%dma_wait3A_224 : memref<128x128xf32, #tpu.memory_space<vmem_shared>>)
      tpu.yield
    }) : () -> ()
    %add3A_12 = arith.constant 256 : i32
    %add3A_13 = arith.addi %mul3A_7, %add3A_12 : i32
    "tpu.region"() ({
      %run_scoped3A_216 = tpu.sem_alloc : memref<!tpu.dma_semaphore, #tpu.memory_space<semaphore_mem>>
      %dma_start3A_217 = arith.constant 0 : i32
      %dma_start3A_218 = tpu.memref_slice %arg12[%add3A_13, %dma_start3A_217] : memref<10240x128xf32, #tpu.memory_space<vmem_shared>> -> memref<128x128xf32, #tpu.memory_space<vmem_shared>>
      %dma_start3A_219 = arith.constant 0 : i32
      %dma_start3A_220 = tpu.memref_slice %arg12[%add3A_13, %dma_start3A_219] : memref<10240x128xf32, #tpu.memory_space<vmem_shared>> -> memref<128x128xf32, #tpu.memory_space<vmem_shared>>
      tpu.enqueue_dma source(%arg10 : memref<128x128xf32, #tpu.memory_space<vmem>>) target(%dma_start3A_220 : memref<128x128xf32, #tpu.memory_space<vmem_shared>>) target_semaphore(%run_scoped3A_216 : memref<!tpu.dma_semaphore, #tpu.memory_space<semaphore_mem>>)
      %dma_wait3A_221 = arith.constant 0 : i32
      %dma_wait3A_222 = tpu.memref_slice %arg12[%add3A_13, %dma_wait3A_221] : memref<10240x128xf32, #tpu.memory_space<vmem_shared>> -> memref<128x128xf32, #tpu.memory_space<vmem_shared>>
      %dma_wait3A_223 = arith.constant 0 : i32
      %dma_wait3A_224 = tpu.memref_slice %arg12[%add3A_13, %dma_wait3A_223] : memref<10240x128xf32, #tpu.memory_space<vmem_shared>> -> memref<128x128xf32, #tpu.memory_space<vmem_shared>>
      tpu.wait_dma2 semaphore(%run_scoped3A_216 : memref<!tpu.dma_semaphore, #tpu.memory_space<semaphore_mem>>) src(%arg10 : memref<128x128xf32, #tpu.memory_space<vmem>>) dst(%dma_wait3A_224 : memref<128x128xf32, #tpu.memory_space<vmem_shared>>)
      tpu.yield
    }) : () -> ()
    %add3A_14 = arith.constant 384 : i32
    %add3A_15 = arith.addi %mul3A_7, %add3A_14 : i32
    "tpu.region"() ({
      %run_scoped3A_216 = tpu.sem_alloc : memref<!tpu.dma_semaphore, #tpu.memory_space<semaphore_mem>>
      %dma_start3A_217 = arith.constant 0 : i32
      %dma_start3A_218 = tpu.memref_slice %arg12[%add3A_15, %dma_start3A_217] : memref<10240x128xf32, #tpu.memory_space<vmem_shared>> -> memref<128x128xf32, #tpu.memory_space<vmem_shared>>
      %dma_start3A_219 = arith.constant 0 : i32
      %dma_start3A_220 = tpu.memref_slice %arg12[%add3A_15, %dma_start3A_219] : memref<10240x128xf32, #tpu.memory_space<vmem_shared>> -> memref<128x128xf32, #tpu.memory_space<vmem_shared>>
      tpu.enqueue_dma source(%arg10 : memref<128x128xf32, #tpu.memory_space<vmem>>) target(%dma_start3A_220 : memref<128x128xf32, #tpu.memory_space<vmem_shared>>) target_semaphore(%run_scoped3A_216 : memref<!tpu.dma_semaphore, #tpu.memory_space<semaphore_mem>>)
      %dma_wait3A_221 = arith.constant 0 : i32
      %dma_wait3A_222 = tpu.memref_slice %arg12[%add3A_15, %dma_wait3A_221] : memref<10240x128xf32, #tpu.memory_space<vmem_shared>> -> memref<128x128xf32, #tpu.memory_space<vmem_shared>>
      %dma_wait3A_223 = arith.constant 0 : i32
      %dma_wait3A_224 = tpu.memref_slice %arg12[%add3A_15, %dma_wait3A_223] : memref<10240x128xf32, #tpu.memory_space<vmem_shared>> -> memref<128x128xf32, #tpu.memory_space<vmem_shared>>
      tpu.wait_dma2 semaphore(%run_scoped3A_216 : memref<!tpu.dma_semaphore, #tpu.memory_space<semaphore_mem>>) src(%arg10 : memref<128x128xf32, #tpu.memory_space<vmem>>) dst(%dma_wait3A_224 : memref<128x128xf32, #tpu.memory_space<vmem_shared>>)
      tpu.yield
    }) : () -> ()
    %add3A_16 = arith.constant 512 : i32
    %add3A_17 = arith.addi %mul3A_7, %add3A_16 : i32
    "tpu.region"() ({
      %run_scoped3A_216 = tpu.sem_alloc : memref<!tpu.dma_semaphore, #tpu.memory_space<semaphore_mem>>
      %dma_start3A_217 = arith.constant 0 : i32
      %dma_start3A_218 = tpu.memref_slice %arg12[%add3A_17, %dma_start3A_217] : memref<10240x128xf32, #tpu.memory_space<vmem_shared>> -> memref<128x128xf32, #tpu.memory_space<vmem_shared>>
      %dma_start3A_219 = arith.constant 0 : i32
      %dma_start3A_220 = tpu.memref_slice %arg12[%add3A_17, %dma_start3A_219] : memref<10240x128xf32, #tpu.memory_space<vmem_shared>> -> memref<128x128xf32, #tpu.memory_space<vmem_shared>>
      tpu.enqueue_dma source(%arg10 : memref<128x128xf32, #tpu.memory_space<vmem>>) target(%dma_start3A_220 : memref<128x128xf32, #tpu.memory_space<vmem_shared>>) target_semaphore(%run_scoped3A_216 : memref<!tpu.dma_semaphore, #tpu.memory_space<semaphore_mem>>)
      %dma_wait3A_221 = arith.constant 0 : i32
      %dma_wait3A_222 = tpu.memref_slice %arg12[%add3A_17, %dma_wait3A_221] : memref<10240x128xf32, #tpu.memory_space<vmem_shared>> -> memref<128x128xf32, #tpu.memory_space<vmem_shared>>
      %dma_wait3A_223 = arith.constant 0 : i32
      %dma_wait3A_224 = tpu.memref_slice %arg12[%add3A_17, %dma_wait3A_223] : memref<10240x128xf32, #tpu.memory_space<vmem_shared>> -> memref<128x128xf32, #tpu.memory_space<vmem_shared>>
      tpu.wait_dma2 semaphore(%run_scoped3A_216 : memref<!tpu.dma_semaphore, #tpu.memory_space<semaphore_mem>>) src(%arg10 : memref<128x128xf32, #tpu.memory_space<vmem>>) dst(%dma_wait3A_224 : memref<128x128xf32, #tpu.memory_space<vmem_shared>>)
      tpu.yield
    }) : () -> ()
    %barrier3A = arith.constant 0 : index
    tpu.barrier barrier_id(%barrier3A)
    "tpu.region"() ({
      %run_scoped3A_216 = tpu.sem_alloc : memref<!tpu.dma_semaphore, #tpu.memory_space<semaphore_mem>>
      %dma_start3A_217 = arith.constant 0 : i32
      %dma_start3A_218 = arith.constant 0 : i32
      %dma_start3A_219 = tpu.memref_slice %arg3[%add3A, %dma_start3A_217, %dma_start3A_218] : memref<32x80x128xi32, #tpu.memory_space<hbm>> -> memref<1x16x128xi32, #tpu.memory_space<hbm>>
      %dma_start3A_220 = tpu.memref_squeeze %dma_start3A_219 : memref<1x16x128xi32, #tpu.memory_space<hbm>> -> memref<16x128xi32, #tpu.memory_space<hbm>>
      %dma_start3A_221 = arith.constant 0 : i32
      %dma_start3A_222 = arith.constant 0 : i32
      %dma_start3A_223 = tpu.memref_slice %arg3[%add3A, %dma_start3A_221, %dma_start3A_222] : memref<32x80x128xi32, #tpu.memory_space<hbm>> -> memref<1x16x128xi32, #tpu.memory_space<hbm>>
      %dma_start3A_224 = tpu.memref_squeeze %dma_start3A_223 : memref<1x16x128xi32, #tpu.memory_space<hbm>> -> memref<16x128xi32, #tpu.memory_space<hbm>>
      tpu.enqueue_dma source(%dma_start3A_224 : memref<16x128xi32, #tpu.memory_space<hbm>>) target(%arg6 : memref<16x128xi32, #tpu.memory_space<vmem>>) target_semaphore(%run_scoped3A_216 : memref<!tpu.dma_semaphore, #tpu.memory_space<semaphore_mem>>)
      %dma_wait3A_225 = arith.constant 0 : i32
      %dma_wait3A_226 = arith.constant 0 : i32
      %dma_wait3A_227 = tpu.memref_slice %arg3[%add3A, %dma_wait3A_225, %dma_wait3A_226] : memref<32x80x128xi32, #tpu.memory_space<hbm>> -> memref<1x16x128xi32, #tpu.memory_space<hbm>>
      %dma_wait3A_228 = tpu.memref_squeeze %dma_wait3A_227 : memref<1x16x128xi32, #tpu.memory_space<hbm>> -> memref<16x128xi32, #tpu.memory_space<hbm>>
      %dma_wait3A_229 = arith.constant 0 : i32
      %dma_wait3A_230 = arith.constant 0 : i32
      %dma_wait3A_231 = tpu.memref_slice %arg3[%add3A, %dma_wait3A_229, %dma_wait3A_230] : memref<32x80x128xi32, #tpu.memory_space<hbm>> -> memref<1x16x128xi32, #tpu.memory_space<hbm>>
      %dma_wait3A_232 = tpu.memref_squeeze %dma_wait3A_231 : memref<1x16x128xi32, #tpu.memory_space<hbm>> -> memref<16x128xi32, #tpu.memory_space<hbm>>
      tpu.wait_dma2 semaphore(%run_scoped3A_216 : memref<!tpu.dma_semaphore, #tpu.memory_space<semaphore_mem>>) src(%dma_wait3A_232 : memref<16x128xi32, #tpu.memory_space<hbm>>) dst(%arg6 : memref<16x128xi32, #tpu.memory_space<vmem>>)
      tpu.yield
    }) : () -> ()
    "tpu.region"() ({
      %run_scoped3A_216 = tpu.sem_alloc : memref<!tpu.dma_semaphore, #tpu.memory_space<semaphore_mem>>
      %dma_start3A_217 = arith.constant 0 : i32
      %dma_start3A_218 = arith.constant 0 : i32
      %dma_start3A_219 = tpu.memref_slice %arg4[%add3A, %dma_start3A_217, %dma_start3A_218] : memref<32x80x128xi32, #tpu.memory_space<hbm>> -> memref<1x16x128xi32, #tpu.memory_space<hbm>>
      %dma_start3A_220 = tpu.memref_squeeze %dma_start3A_219 : memref<1x16x128xi32, #tpu.memory_space<hbm>> -> memref<16x128xi32, #tpu.memory_space<hbm>>
      %dma_start3A_221 = arith.constant 0 : i32
      %dma_start3A_222 = arith.constant 0 : i32
      %dma_start3A_223 = tpu.memref_slice %arg4[%add3A, %dma_start3A_221, %dma_start3A_222] : memref<32x80x128xi32, #tpu.memory_space<hbm>> -> memref<1x16x128xi32, #tpu.memory_space<hbm>>
      %dma_start3A_224 = tpu.memref_squeeze %dma_start3A_223 : memref<1x16x128xi32, #tpu.memory_space<hbm>> -> memref<16x128xi32, #tpu.memory_space<hbm>>
      tpu.enqueue_dma source(%dma_start3A_224 : memref<16x128xi32, #tpu.memory_space<hbm>>) target(%arg7 : memref<16x128xi32, #tpu.memory_space<vmem>>) target_semaphore(%run_scoped3A_216 : memref<!tpu.dma_semaphore, #tpu.memory_space<semaphore_mem>>)
      %dma_wait3A_225 = arith.constant 0 : i32
      %dma_wait3A_226 = arith.constant 0 : i32
      %dma_wait3A_227 = tpu.memref_slice %arg4[%add3A, %dma_wait3A_225, %dma_wait3A_226] : memref<32x80x128xi32, #tpu.memory_space<hbm>> -> memref<1x16x128xi32, #tpu.memory_space<hbm>>
      %dma_wait3A_228 = tpu.memref_squeeze %dma_wait3A_227 : memref<1x16x128xi32, #tpu.memory_space<hbm>> -> memref<16x128xi32, #tpu.memory_space<hbm>>
      %dma_wait3A_229 = arith.constant 0 : i32
      %dma_wait3A_230 = arith.constant 0 : i32
      %dma_wait3A_231 = tpu.memref_slice %arg4[%add3A, %dma_wait3A_229, %dma_wait3A_230] : memref<32x80x128xi32, #tpu.memory_space<hbm>> -> memref<1x16x128xi32, #tpu.memory_space<hbm>>
      %dma_wait3A_232 = tpu.memref_squeeze %dma_wait3A_231 : memref<1x16x128xi32, #tpu.memory_space<hbm>> -> memref<16x128xi32, #tpu.memory_space<hbm>>
      tpu.wait_dma2 semaphore(%run_scoped3A_216 : memref<!tpu.dma_semaphore, #tpu.memory_space<semaphore_mem>>) src(%dma_wait3A_232 : memref<16x128xi32, #tpu.memory_space<hbm>>) dst(%arg7 : memref<16x128xi32, #tpu.memory_space<vmem>>)
      tpu.yield
    }) : () -> ()
    %dma_start3A = arith.constant 0 : i32
    %dma_start3A_18 = arith.constant 0 : i32
    %dma_start3A_19 = tpu.memref_slice %arg6[%dma_start3A, %dma_start3A_18] : memref<16x128xi32, #tpu.memory_space<vmem>> -> memref<1x128xi32, #tpu.memory_space<vmem>>
    %dma_start3A_20 = tpu.memref_squeeze %dma_start3A_19 : memref<1x128xi32, #tpu.memory_space<vmem>> -> memref<128xi32, #tpu.memory_space<vmem>>
    %dma_start3A_21 = arith.constant 0 : i32
    %dma_start3A_22 = arith.constant 0 : i32
    %dma_start3A_23 = tpu.memref_slice %arg2[%dma_start3A_21, %dma_start3A_22] : memref<10000x128xf32, #tpu.memory_space<hbm>> -> memref<10000x128xf32, #tpu.memory_space<hbm>>
    tpu.enqueue_indirect_dma source(%dma_start3A_23 : memref<10000x128xf32, #tpu.memory_space<hbm>>) target(%arg10 : memref<128x128xf32, #tpu.memory_space<vmem>>) offsets(%dma_start3A_20 : memref<128xi32, #tpu.memory_space<vmem>>) semaphore(%arg13 : memref<!tpu.dma_semaphore, #tpu.memory_space<semaphore_mem>>)
    "tpu.region"() ({
      %run_scoped3A_216 = tpu.sem_alloc : memref<!tpu.dma_semaphore, #tpu.memory_space<semaphore_mem>>
      %dma_start3A_217 = arith.constant 16 : i32
      %dma_start3A_218 = arith.constant 0 : i32
      %dma_start3A_219 = tpu.memref_slice %arg3[%add3A, %dma_start3A_217, %dma_start3A_218] : memref<32x80x128xi32, #tpu.memory_space<hbm>> -> memref<1x16x128xi32, #tpu.memory_space<hbm>>
      %dma_start3A_220 = tpu.memref_squeeze %dma_start3A_219 : memref<1x16x128xi32, #tpu.memory_space<hbm>> -> memref<16x128xi32, #tpu.memory_space<hbm>>
      %dma_start3A_221 = arith.constant 16 : i32
      %dma_start3A_222 = arith.constant 0 : i32
      %dma_start3A_223 = tpu.memref_slice %arg3[%add3A, %dma_start3A_221, %dma_start3A_222] : memref<32x80x128xi32, #tpu.memory_space<hbm>> -> memref<1x16x128xi32, #tpu.memory_space<hbm>>
      %dma_start3A_224 = tpu.memref_squeeze %dma_start3A_223 : memref<1x16x128xi32, #tpu.memory_space<hbm>> -> memref<16x128xi32, #tpu.memory_space<hbm>>
      tpu.enqueue_dma source(%dma_start3A_224 : memref<16x128xi32, #tpu.memory_space<hbm>>) target(%arg8 : memref<16x128xi32, #tpu.memory_space<vmem>>) target_semaphore(%run_scoped3A_216 : memref<!tpu.dma_semaphore, #tpu.memory_space<semaphore_mem>>)
      %dma_wait3A_225 = arith.constant 16 : i32
      %dma_wait3A_226 = arith.constant 0 : i32
      %dma_wait3A_227 = tpu.memref_slice %arg3[%add3A, %dma_wait3A_225, %dma_wait3A_226] : memref<32x80x128xi32, #tpu.memory_space<hbm>> -> memref<1x16x128xi32, #tpu.memory_space<hbm>>
      %dma_wait3A_228 = tpu.memref_squeeze %dma_wait3A_227 : memref<1x16x128xi32, #tpu.memory_space<hbm>> -> memref<16x128xi32, #tpu.memory_space<hbm>>
      %dma_wait3A_229 = arith.constant 16 : i32
      %dma_wait3A_230 = arith.constant 0 : i32
      %dma_wait3A_231 = tpu.memref_slice %arg3[%add3A, %dma_wait3A_229, %dma_wait3A_230] : memref<32x80x128xi32, #tpu.memory_space<hbm>> -> memref<1x16x128xi32, #tpu.memory_space<hbm>>
      %dma_wait3A_232 = tpu.memref_squeeze %dma_wait3A_231 : memref<1x16x128xi32, #tpu.memory_space<hbm>> -> memref<16x128xi32, #tpu.memory_space<hbm>>
      tpu.wait_dma2 semaphore(%run_scoped3A_216 : memref<!tpu.dma_semaphore, #tpu.memory_space<semaphore_mem>>) src(%dma_wait3A_232 : memref<16x128xi32, #tpu.memory_space<hbm>>) dst(%arg8 : memref<16x128xi32, #tpu.memory_space<vmem>>)
      tpu.yield
    }) : () -> ()
    "tpu.region"() ({
      %run_scoped3A_216 = tpu.sem_alloc : memref<!tpu.dma_semaphore, #tpu.memory_space<semaphore_mem>>
      %dma_start3A_217 = arith.constant 16 : i32
      %dma_start3A_218 = arith.constant 0 : i32
      %dma_start3A_219 = tpu.memref_slice %arg4[%add3A, %dma_start3A_217, %dma_start3A_218] : memref<32x80x128xi32, #tpu.memory_space<hbm>> -> memref<1x16x128xi32, #tpu.memory_space<hbm>>
      %dma_start3A_220 = tpu.memref_squeeze %dma_start3A_219 : memref<1x16x128xi32, #tpu.memory_space<hbm>> -> memref<16x128xi32, #tpu.memory_space<hbm>>
      %dma_start3A_221 = arith.constant 16 : i32
      %dma_start3A_222 = arith.constant 0 : i32
      %dma_start3A_223 = tpu.memref_slice %arg4[%add3A, %dma_start3A_221, %dma_start3A_222] : memref<32x80x128xi32, #tpu.memory_space<hbm>> -> memref<1x16x128xi32, #tpu.memory_space<hbm>>
      %dma_start3A_224 = tpu.memref_squeeze %dma_start3A_223 : memref<1x16x128xi32, #tpu.memory_space<hbm>> -> memref<16x128xi32, #tpu.memory_space<hbm>>
      tpu.enqueue_dma source(%dma_start3A_224 : memref<16x128xi32, #tpu.memory_space<hbm>>) target(%arg9 : memref<16x128xi32, #tpu.memory_space<vmem>>) target_semaphore(%run_scoped3A_216 : memref<!tpu.dma_semaphore, #tpu.memory_space<semaphore_mem>>)
      %dma_wait3A_225 = arith.constant 16 : i32
      %dma_wait3A_226 = arith.constant 0 : i32
      %dma_wait3A_227 = tpu.memref_slice %arg4[%add3A, %dma_wait3A_225, %dma_wait3A_226] : memref<32x80x128xi32, #tpu.memory_space<hbm>> -> memref<1x16x128xi32, #tpu.memory_space<hbm>>
      %dma_wait3A_228 = tpu.memref_squeeze %dma_wait3A_227 : memref<1x16x128xi32, #tpu.memory_space<hbm>> -> memref<16x128xi32, #tpu.memory_space<hbm>>
      %dma_wait3A_229 = arith.constant 16 : i32
      %dma_wait3A_230 = arith.constant 0 : i32
      %dma_wait3A_231 = tpu.memref_slice %arg4[%add3A, %dma_wait3A_229, %dma_wait3A_230] : memref<32x80x128xi32, #tpu.memory_space<hbm>> -> memref<1x16x128xi32, #tpu.memory_space<hbm>>
      %dma_wait3A_232 = tpu.memref_squeeze %dma_wait3A_231 : memref<1x16x128xi32, #tpu.memory_space<hbm>> -> memref<16x128xi32, #tpu.memory_space<hbm>>
      tpu.wait_dma2 semaphore(%run_scoped3A_216 : memref<!tpu.dma_semaphore, #tpu.memory_space<semaphore_mem>>) src(%dma_wait3A_232 : memref<16x128xi32, #tpu.memory_space<hbm>>) dst(%arg9 : memref<16x128xi32, #tpu.memory_space<vmem>>)
      tpu.yield
    }) : () -> ()
    %scan3A_24 = arith.constant 0 : i32
    %scan3A_25 = arith.constant 0 : i32
    %scan3A_26 = arith.constant 7 : i32
    %scan3A_27 = arith.addi %scan3A_25, %scan3A_26 : i32
    %scan3A_28 = arith.constant 1 : i32
    scf.for %scan3A_216 = %scan3A_25 to %scan3A_27 step %scan3A_28  : i32 {
      %mul3A_217 = arith.constant 2 : i32
      %mul3A_218 = arith.muli %mul3A_217, %scan3A_216 : i32
      %add3A_219 = arith.constant 1 : i32
      %add3A_220 = arith.addi %mul3A_218, %add3A_219 : i32
      %dma_start3A_221 = arith.constant 0 : i32
      %dma_start3A_222 = tpu.memref_slice %arg6[%add3A_220, %dma_start3A_221] : memref<16x128xi32, #tpu.memory_space<vmem>> -> memref<1x128xi32, #tpu.memory_space<vmem>>
      %dma_start3A_223 = tpu.memref_squeeze %dma_start3A_222 : memref<1x128xi32, #tpu.memory_space<vmem>> -> memref<128xi32, #tpu.memory_space<vmem>>
      %dma_start3A_224 = arith.constant 0 : i32
      %dma_start3A_225 = arith.constant 0 : i32
      %dma_start3A_226 = tpu.memref_slice %arg2[%dma_start3A_224, %dma_start3A_225] : memref<10000x128xf32, #tpu.memory_space<hbm>> -> memref<10000x128xf32, #tpu.memory_space<hbm>>
      tpu.enqueue_indirect_dma source(%dma_start3A_226 : memref<10000x128xf32, #tpu.memory_space<hbm>>) target(%arg11 : memref<128x128xf32, #tpu.memory_space<vmem>>) offsets(%dma_start3A_223 : memref<128xi32, #tpu.memory_space<vmem>>) semaphore(%arg14 : memref<!tpu.dma_semaphore, #tpu.memory_space<semaphore_mem>>)
      %dma_wait3A_227 = arith.constant 0 : i32
      %dma_wait3A_228 = tpu.memref_slice %arg6[%mul3A_218, %dma_wait3A_227] : memref<16x128xi32, #tpu.memory_space<vmem>> -> memref<1x128xi32, #tpu.memory_space<vmem>>
      %dma_wait3A_229 = tpu.memref_squeeze %dma_wait3A_228 : memref<1x128xi32, #tpu.memory_space<vmem>> -> memref<128xi32, #tpu.memory_space<vmem>>
      %dma_wait3A_230 = arith.constant 0 : i32
      %dma_wait3A_231 = arith.constant 0 : i32
      %dma_wait3A_232 = tpu.memref_slice %arg2[%dma_wait3A_230, %dma_wait3A_231] : memref<10000x128xf32, #tpu.memory_space<hbm>> -> memref<10000x128xf32, #tpu.memory_space<hbm>>
      tpu.wait_indirect_dma semaphore(%arg13 : memref<!tpu.dma_semaphore, #tpu.memory_space<semaphore_mem>>) src(%dma_wait3A_232 : memref<10000x128xf32, #tpu.memory_space<hbm>>) dst(%arg10 : memref<128x128xf32, #tpu.memory_space<vmem>>)
      "tpu.region"() ({
        %run_scoped3A_251 = tpu.sem_alloc : memref<!tpu.dma_semaphore, #tpu.memory_space<semaphore_mem>>
        %dma_start3A_252 = arith.constant 0 : i32
        %dma_start3A_253 = tpu.memref_slice %arg7[%mul3A_218, %dma_start3A_252] : memref<16x128xi32, #tpu.memory_space<vmem>> -> memref<1x128xi32, #tpu.memory_space<vmem>>
        %dma_start3A_254 = tpu.memref_squeeze %dma_start3A_253 : memref<1x128xi32, #tpu.memory_space<vmem>> -> memref<128xi32, #tpu.memory_space<vmem>>
        %dma_start3A_255 = arith.constant 0 : i32
        %dma_start3A_256 = arith.constant 0 : i32
        %dma_start3A_257 = tpu.memref_slice %arg12[%dma_start3A_255, %dma_start3A_256] : memref<10240x128xf32, #tpu.memory_space<vmem_shared>> -> memref<10240x128xf32, #tpu.memory_space<vmem_shared>>
        tpu.enqueue_indirect_dma source(%arg10 : memref<128x128xf32, #tpu.memory_space<vmem>>) target(%dma_start3A_257 : memref<10240x128xf32, #tpu.memory_space<vmem_shared>>) offsets(%dma_start3A_254 : memref<128xi32, #tpu.memory_space<vmem>>) semaphore(%run_scoped3A_251 : memref<!tpu.dma_semaphore, #tpu.memory_space<semaphore_mem>>) {add = true}
        %dma_wait3A_258 = arith.constant 0 : i32
        %dma_wait3A_259 = tpu.memref_slice %arg7[%mul3A_218, %dma_wait3A_258] : memref<16x128xi32, #tpu.memory_space<vmem>> -> memref<1x128xi32, #tpu.memory_space<vmem>>
        %dma_wait3A_260 = tpu.memref_squeeze %dma_wait3A_259 : memref<1x128xi32, #tpu.memory_space<vmem>> -> memref<128xi32, #tpu.memory_space<vmem>>
        %dma_wait3A_261 = arith.constant 0 : i32
        %dma_wait3A_262 = arith.constant 0 : i32
        %dma_wait3A_263 = tpu.memref_slice %arg12[%dma_wait3A_261, %dma_wait3A_262] : memref<10240x128xf32, #tpu.memory_space<vmem_shared>> -> memref<10240x128xf32, #tpu.memory_space<vmem_shared>>
        tpu.wait_indirect_dma semaphore(%run_scoped3A_251 : memref<!tpu.dma_semaphore, #tpu.memory_space<semaphore_mem>>) src(%arg10 : memref<128x128xf32, #tpu.memory_space<vmem>>) dst(%dma_wait3A_263 : memref<10240x128xf32, #tpu.memory_space<vmem_shared>>)
        tpu.yield
      }) : () -> ()
      %add3A_233 = arith.constant 2 : i32
      %add3A_234 = arith.addi %mul3A_218, %add3A_233 : i32
      %dma_start3A_235 = arith.constant 0 : i32
      %dma_start3A_236 = tpu.memref_slice %arg6[%add3A_234, %dma_start3A_235] : memref<16x128xi32, #tpu.memory_space<vmem>> -> memref<1x128xi32, #tpu.memory_space<vmem>>
      %dma_start3A_237 = tpu.memref_squeeze %dma_start3A_236 : memref<1x128xi32, #tpu.memory_space<vmem>> -> memref<128xi32, #tpu.memory_space<vmem>>
      %dma_start3A_238 = arith.constant 0 : i32
      %dma_start3A_239 = arith.constant 0 : i32
      %dma_start3A_240 = tpu.memref_slice %arg2[%dma_start3A_238, %dma_start3A_239] : memref<10000x128xf32, #tpu.memory_space<hbm>> -> memref<10000x128xf32, #tpu.memory_space<hbm>>
      tpu.enqueue_indirect_dma source(%dma_start3A_240 : memref<10000x128xf32, #tpu.memory_space<hbm>>) target(%arg10 : memref<128x128xf32, #tpu.memory_space<vmem>>) offsets(%dma_start3A_237 : memref<128xi32, #tpu.memory_space<vmem>>) semaphore(%arg13 : memref<!tpu.dma_semaphore, #tpu.memory_space<semaphore_mem>>)
      %add3A_241 = arith.constant 1 : i32
      %add3A_242 = arith.addi %mul3A_218, %add3A_241 : i32
      %dma_wait3A_243 = arith.constant 0 : i32
      %dma_wait3A_244 = tpu.memref_slice %arg6[%add3A_242, %dma_wait3A_243] : memref<16x128xi32, #tpu.memory_space<vmem>> -> memref<1x128xi32, #tpu.memory_space<vmem>>
      %dma_wait3A_245 = tpu.memref_squeeze %dma_wait3A_244 : memref<1x128xi32, #tpu.memory_space<vmem>> -> memref<128xi32, #tpu.memory_space<vmem>>
      %dma_wait3A_246 = arith.constant 0 : i32
      %dma_wait3A_247 = arith.constant 0 : i32
      %dma_wait3A_248 = tpu.memref_slice %arg2[%dma_wait3A_246, %dma_wait3A_247] : memref<10000x128xf32, #tpu.memory_space<hbm>> -> memref<10000x128xf32, #tpu.memory_space<hbm>>
      tpu.wait_indirect_dma semaphore(%arg14 : memref<!tpu.dma_semaphore, #tpu.memory_space<semaphore_mem>>) src(%dma_wait3A_248 : memref<10000x128xf32, #tpu.memory_space<hbm>>) dst(%arg11 : memref<128x128xf32, #tpu.memory_space<vmem>>)
      %add3A_249 = arith.constant 1 : i32
      %add3A_250 = arith.addi %mul3A_218, %add3A_249 : i32
      "tpu.region"() ({
        %run_scoped3A_251 = tpu.sem_alloc : memref<!tpu.dma_semaphore, #tpu.memory_space<semaphore_mem>>
        %dma_start3A_252 = arith.constant 0 : i32
        %dma_start3A_253 = tpu.memref_slice %arg7[%add3A_250, %dma_start3A_252] : memref<16x128xi32, #tpu.memory_space<vmem>> -> memref<1x128xi32, #tpu.memory_space<vmem>>
        %dma_start3A_254 = tpu.memref_squeeze %dma_start3A_253 : memref<1x128xi32, #tpu.memory_space<vmem>> -> memref<128xi32, #tpu.memory_space<vmem>>
        %dma_start3A_255 = arith.constant 0 : i32
        %dma_start3A_256 = arith.constant 0 : i32
        %dma_start3A_257 = tpu.memref_slice %arg12[%dma_start3A_255, %dma_start3A_256] : memref<10240x128xf32, #tpu.memory_space<vmem_shared>> -> memref<10240x128xf32, #tpu.memory_space<vmem_shared>>
        tpu.enqueue_indirect_dma source(%arg11 : memref<128x128xf32, #tpu.memory_space<vmem>>) target(%dma_start3A_257 : memref<10240x128xf32, #tpu.memory_space<vmem_shared>>) offsets(%dma_start3A_254 : memref<128xi32, #tpu.memory_space<vmem>>) semaphore(%run_scoped3A_251 : memref<!tpu.dma_semaphore, #tpu.memory_space<semaphore_mem>>) {add = true}
        %dma_wait3A_258 = arith.constant 0 : i32
        %dma_wait3A_259 = tpu.memref_slice %arg7[%add3A_250, %dma_wait3A_258] : memref<16x128xi32, #tpu.memory_space<vmem>> -> memref<1x128xi32, #tpu.memory_space<vmem>>
        %dma_wait3A_260 = tpu.memref_squeeze %dma_wait3A_259 : memref<1x128xi32, #tpu.memory_space<vmem>> -> memref<128xi32, #tpu.memory_space<vmem>>
        %dma_wait3A_261 = arith.constant 0 : i32
        %dma_wait3A_262 = arith.constant 0 : i32
        %dma_wait3A_263 = tpu.memref_slice %arg12[%dma_wait3A_261, %dma_wait3A_262] : memref<10240x128xf32, #tpu.memory_space<vmem_shared>> -> memref<10240x128xf32, #tpu.memory_space<vmem_shared>>
        tpu.wait_indirect_dma semaphore(%run_scoped3A_251 : memref<!tpu.dma_semaphore, #tpu.memory_space<semaphore_mem>>) src(%arg11 : memref<128x128xf32, #tpu.memory_space<vmem>>) dst(%dma_wait3A_263 : memref<10240x128xf32, #tpu.memory_space<vmem_shared>>)
        tpu.yield
      }) : () -> ()
    }
    %scan3A_29 = arith.constant 7 : i32
    %dma_start3A_30 = arith.constant 15 : i32
    %dma_start3A_31 = arith.constant 0 : i32
    %dma_start3A_32 = tpu.memref_slice %arg6[%dma_start3A_30, %dma_start3A_31] : memref<16x128xi32, #tpu.memory_space<vmem>> -> memref<1x128xi32, #tpu.memory_space<vmem>>
    %dma_start3A_33 = tpu.memref_squeeze %dma_start3A_32 : memref<1x128xi32, #tpu.memory_space<vmem>> -> memref<128xi32, #tpu.memory_space<vmem>>
    %dma_start3A_34 = arith.constant 0 : i32
    %dma_start3A_35 = arith.constant 0 : i32
    %dma_start3A_36 = tpu.memref_slice %arg2[%dma_start3A_34, %dma_start3A_35] : memref<10000x128xf32, #tpu.memory_space<hbm>> -> memref<10000x128xf32, #tpu.memory_space<hbm>>
    tpu.enqueue_indirect_dma source(%dma_start3A_36 : memref<10000x128xf32, #tpu.memory_space<hbm>>) target(%arg11 : memref<128x128xf32, #tpu.memory_space<vmem>>) offsets(%dma_start3A_33 : memref<128xi32, #tpu.memory_space<vmem>>) semaphore(%arg14 : memref<!tpu.dma_semaphore, #tpu.memory_space<semaphore_mem>>)
    %dma_wait3A = arith.constant 14 : i32
    %dma_wait3A_37 = arith.constant 0 : i32
    %dma_wait3A_38 = tpu.memref_slice %arg6[%dma_wait3A, %dma_wait3A_37] : memref<16x128xi32, #tpu.memory_space<vmem>> -> memref<1x128xi32, #tpu.memory_space<vmem>>
    %dma_wait3A_39 = tpu.memref_squeeze %dma_wait3A_38 : memref<1x128xi32, #tpu.memory_space<vmem>> -> memref<128xi32, #tpu.memory_space<vmem>>
    %dma_wait3A_40 = arith.constant 0 : i32
    %dma_wait3A_41 = arith.constant 0 : i32
    %dma_wait3A_42 = tpu.memref_slice %arg2[%dma_wait3A_40, %dma_wait3A_41] : memref<10000x128xf32, #tpu.memory_space<hbm>> -> memref<10000x128xf32, #tpu.memory_space<hbm>>
    tpu.wait_indirect_dma semaphore(%arg13 : memref<!tpu.dma_semaphore, #tpu.memory_space<semaphore_mem>>) src(%dma_wait3A_42 : memref<10000x128xf32, #tpu.memory_space<hbm>>) dst(%arg10 : memref<128x128xf32, #tpu.memory_space<vmem>>)
    %run_scoped3A = arith.constant 14 : i32
    "tpu.region"() ({
      %run_scoped3A_216 = tpu.sem_alloc : memref<!tpu.dma_semaphore, #tpu.memory_space<semaphore_mem>>
      %dma_start3A_217 = arith.constant 0 : i32
      %dma_start3A_218 = tpu.memref_slice %arg7[%run_scoped3A, %dma_start3A_217] : memref<16x128xi32, #tpu.memory_space<vmem>> -> memref<1x128xi32, #tpu.memory_space<vmem>>
      %dma_start3A_219 = tpu.memref_squeeze %dma_start3A_218 : memref<1x128xi32, #tpu.memory_space<vmem>> -> memref<128xi32, #tpu.memory_space<vmem>>
      %dma_start3A_220 = arith.constant 0 : i32
      %dma_start3A_221 = arith.constant 0 : i32
      %dma_start3A_222 = tpu.memref_slice %arg12[%dma_start3A_220, %dma_start3A_221] : memref<10240x128xf32, #tpu.memory_space<vmem_shared>> -> memref<10240x128xf32, #tpu.memory_space<vmem_shared>>
      tpu.enqueue_indirect_dma source(%arg10 : memref<128x128xf32, #tpu.memory_space<vmem>>) target(%dma_start3A_222 : memref<10240x128xf32, #tpu.memory_space<vmem_shared>>) offsets(%dma_start3A_219 : memref<128xi32, #tpu.memory_space<vmem>>) semaphore(%run_scoped3A_216 : memref<!tpu.dma_semaphore, #tpu.memory_space<semaphore_mem>>) {add = true}
      %dma_wait3A_223 = arith.constant 0 : i32
      %dma_wait3A_224 = tpu.memref_slice %arg7[%run_scoped3A, %dma_wait3A_223] : memref<16x128xi32, #tpu.memory_space<vmem>> -> memref<1x128xi32, #tpu.memory_space<vmem>>
      %dma_wait3A_225 = tpu.memref_squeeze %dma_wait3A_224 : memref<1x128xi32, #tpu.memory_space<vmem>> -> memref<128xi32, #tpu.memory_space<vmem>>
      %dma_wait3A_226 = arith.constant 0 : i32
      %dma_wait3A_227 = arith.constant 0 : i32
      %dma_wait3A_228 = tpu.memref_slice %arg12[%dma_wait3A_226, %dma_wait3A_227] : memref<10240x128xf32, #tpu.memory_space<vmem_shared>> -> memref<10240x128xf32, #tpu.memory_space<vmem_shared>>
      tpu.wait_indirect_dma semaphore(%run_scoped3A_216 : memref<!tpu.dma_semaphore, #tpu.memory_space<semaphore_mem>>) src(%arg10 : memref<128x128xf32, #tpu.memory_space<vmem>>) dst(%dma_wait3A_228 : memref<10240x128xf32, #tpu.memory_space<vmem_shared>>)
      tpu.yield
    }) : () -> ()
    %dma_start3A_43 = arith.constant 0 : i32
    %dma_start3A_44 = arith.constant 0 : i32
    %dma_start3A_45 = tpu.memref_slice %arg8[%dma_start3A_43, %dma_start3A_44] : memref<16x128xi32, #tpu.memory_space<vmem>> -> memref<1x128xi32, #tpu.memory_space<vmem>>
    %dma_start3A_46 = tpu.memref_squeeze %dma_start3A_45 : memref<1x128xi32, #tpu.memory_space<vmem>> -> memref<128xi32, #tpu.memory_space<vmem>>
    %dma_start3A_47 = arith.constant 0 : i32
    %dma_start3A_48 = arith.constant 0 : i32
    %dma_start3A_49 = tpu.memref_slice %arg2[%dma_start3A_47, %dma_start3A_48] : memref<10000x128xf32, #tpu.memory_space<hbm>> -> memref<10000x128xf32, #tpu.memory_space<hbm>>
    tpu.enqueue_indirect_dma source(%dma_start3A_49 : memref<10000x128xf32, #tpu.memory_space<hbm>>) target(%arg10 : memref<128x128xf32, #tpu.memory_space<vmem>>) offsets(%dma_start3A_46 : memref<128xi32, #tpu.memory_space<vmem>>) semaphore(%arg13 : memref<!tpu.dma_semaphore, #tpu.memory_space<semaphore_mem>>)
    %dma_wait3A_50 = arith.constant 15 : i32
    %dma_wait3A_51 = arith.constant 0 : i32
    %dma_wait3A_52 = tpu.memref_slice %arg6[%dma_wait3A_50, %dma_wait3A_51] : memref<16x128xi32, #tpu.memory_space<vmem>> -> memref<1x128xi32, #tpu.memory_space<vmem>>
    %dma_wait3A_53 = tpu.memref_squeeze %dma_wait3A_52 : memref<1x128xi32, #tpu.memory_space<vmem>> -> memref<128xi32, #tpu.memory_space<vmem>>
    %dma_wait3A_54 = arith.constant 0 : i32
    %dma_wait3A_55 = arith.constant 0 : i32
    %dma_wait3A_56 = tpu.memref_slice %arg2[%dma_wait3A_54, %dma_wait3A_55] : memref<10000x128xf32, #tpu.memory_space<hbm>> -> memref<10000x128xf32, #tpu.memory_space<hbm>>
    tpu.wait_indirect_dma semaphore(%arg14 : memref<!tpu.dma_semaphore, #tpu.memory_space<semaphore_mem>>) src(%dma_wait3A_56 : memref<10000x128xf32, #tpu.memory_space<hbm>>) dst(%arg11 : memref<128x128xf32, #tpu.memory_space<vmem>>)
    %run_scoped3A_57 = arith.constant 15 : i32
    "tpu.region"() ({
      %run_scoped3A_216 = tpu.sem_alloc : memref<!tpu.dma_semaphore, #tpu.memory_space<semaphore_mem>>
      %dma_start3A_217 = arith.constant 0 : i32
      %dma_start3A_218 = tpu.memref_slice %arg7[%run_scoped3A_57, %dma_start3A_217] : memref<16x128xi32, #tpu.memory_space<vmem>> -> memref<1x128xi32, #tpu.memory_space<vmem>>
      %dma_start3A_219 = tpu.memref_squeeze %dma_start3A_218 : memref<1x128xi32, #tpu.memory_space<vmem>> -> memref<128xi32, #tpu.memory_space<vmem>>
      %dma_start3A_220 = arith.constant 0 : i32
      %dma_start3A_221 = arith.constant 0 : i32
      %dma_start3A_222 = tpu.memref_slice %arg12[%dma_start3A_220, %dma_start3A_221] : memref<10240x128xf32, #tpu.memory_space<vmem_shared>> -> memref<10240x128xf32, #tpu.memory_space<vmem_shared>>
      tpu.enqueue_indirect_dma source(%arg11 : memref<128x128xf32, #tpu.memory_space<vmem>>) target(%dma_start3A_222 : memref<10240x128xf32, #tpu.memory_space<vmem_shared>>) offsets(%dma_start3A_219 : memref<128xi32, #tpu.memory_space<vmem>>) semaphore(%run_scoped3A_216 : memref<!tpu.dma_semaphore, #tpu.memory_space<semaphore_mem>>) {add = true}
      %dma_wait3A_223 = arith.constant 0 : i32
      %dma_wait3A_224 = tpu.memref_slice %arg7[%run_scoped3A_57, %dma_wait3A_223] : memref<16x128xi32, #tpu.memory_space<vmem>> -> memref<1x128xi32, #tpu.memory_space<vmem>>
      %dma_wait3A_225 = tpu.memref_squeeze %dma_wait3A_224 : memref<1x128xi32, #tpu.memory_space<vmem>> -> memref<128xi32, #tpu.memory_space<vmem>>
      %dma_wait3A_226 = arith.constant 0 : i32
      %dma_wait3A_227 = arith.constant 0 : i32
      %dma_wait3A_228 = tpu.memref_slice %arg12[%dma_wait3A_226, %dma_wait3A_227] : memref<10240x128xf32, #tpu.memory_space<vmem_shared>> -> memref<10240x128xf32, #tpu.memory_space<vmem_shared>>
      tpu.wait_indirect_dma semaphore(%run_scoped3A_216 : memref<!tpu.dma_semaphore, #tpu.memory_space<semaphore_mem>>) src(%arg11 : memref<128x128xf32, #tpu.memory_space<vmem>>) dst(%dma_wait3A_228 : memref<10240x128xf32, #tpu.memory_space<vmem_shared>>)
      tpu.yield
    }) : () -> ()
    "tpu.region"() ({
      %run_scoped3A_216 = tpu.sem_alloc : memref<!tpu.dma_semaphore, #tpu.memory_space<semaphore_mem>>
      %dma_start3A_217 = arith.constant 32 : i32
      %dma_start3A_218 = arith.constant 0 : i32
      %dma_start3A_219 = tpu.memref_slice %arg3[%add3A, %dma_start3A_217, %dma_start3A_218] : memref<32x80x128xi32, #tpu.memory_space<hbm>> -> memref<1x16x128xi32, #tpu.memory_space<hbm>>
      %dma_start3A_220 = tpu.memref_squeeze %dma_start3A_219 : memref<1x16x128xi32, #tpu.memory_space<hbm>> -> memref<16x128xi32, #tpu.memory_space<hbm>>
      %dma_start3A_221 = arith.constant 32 : i32
      %dma_start3A_222 = arith.constant 0 : i32
      %dma_start3A_223 = tpu.memref_slice %arg3[%add3A, %dma_start3A_221, %dma_start3A_222] : memref<32x80x128xi32, #tpu.memory_space<hbm>> -> memref<1x16x128xi32, #tpu.memory_space<hbm>>
      %dma_start3A_224 = tpu.memref_squeeze %dma_start3A_223 : memref<1x16x128xi32, #tpu.memory_space<hbm>> -> memref<16x128xi32, #tpu.memory_space<hbm>>
      tpu.enqueue_dma source(%dma_start3A_224 : memref<16x128xi32, #tpu.memory_space<hbm>>) target(%arg6 : memref<16x128xi32, #tpu.memory_space<vmem>>) target_semaphore(%run_scoped3A_216 : memref<!tpu.dma_semaphore, #tpu.memory_space<semaphore_mem>>)
      %dma_wait3A_225 = arith.constant 32 : i32
      %dma_wait3A_226 = arith.constant 0 : i32
      %dma_wait3A_227 = tpu.memref_slice %arg3[%add3A, %dma_wait3A_225, %dma_wait3A_226] : memref<32x80x128xi32, #tpu.memory_space<hbm>> -> memref<1x16x128xi32, #tpu.memory_space<hbm>>
      %dma_wait3A_228 = tpu.memref_squeeze %dma_wait3A_227 : memref<1x16x128xi32, #tpu.memory_space<hbm>> -> memref<16x128xi32, #tpu.memory_space<hbm>>
      %dma_wait3A_229 = arith.constant 32 : i32
      %dma_wait3A_230 = arith.constant 0 : i32
      %dma_wait3A_231 = tpu.memref_slice %arg3[%add3A, %dma_wait3A_229, %dma_wait3A_230] : memref<32x80x128xi32, #tpu.memory_space<hbm>> -> memref<1x16x128xi32, #tpu.memory_space<hbm>>
      %dma_wait3A_232 = tpu.memref_squeeze %dma_wait3A_231 : memref<1x16x128xi32, #tpu.memory_space<hbm>> -> memref<16x128xi32, #tpu.memory_space<hbm>>
      tpu.wait_dma2 semaphore(%run_scoped3A_216 : memref<!tpu.dma_semaphore, #tpu.memory_space<semaphore_mem>>) src(%dma_wait3A_232 : memref<16x128xi32, #tpu.memory_space<hbm>>) dst(%arg6 : memref<16x128xi32, #tpu.memory_space<vmem>>)
      tpu.yield
    }) : () -> ()
    "tpu.region"() ({
      %run_scoped3A_216 = tpu.sem_alloc : memref<!tpu.dma_semaphore, #tpu.memory_space<semaphore_mem>>
      %dma_start3A_217 = arith.constant 32 : i32
      %dma_start3A_218 = arith.constant 0 : i32
      %dma_start3A_219 = tpu.memref_slice %arg4[%add3A, %dma_start3A_217, %dma_start3A_218] : memref<32x80x128xi32, #tpu.memory_space<hbm>> -> memref<1x16x128xi32, #tpu.memory_space<hbm>>
      %dma_start3A_220 = tpu.memref_squeeze %dma_start3A_219 : memref<1x16x128xi32, #tpu.memory_space<hbm>> -> memref<16x128xi32, #tpu.memory_space<hbm>>
      %dma_start3A_221 = arith.constant 32 : i32
      %dma_start3A_222 = arith.constant 0 : i32
      %dma_start3A_223 = tpu.memref_slice %arg4[%add3A, %dma_start3A_221, %dma_start3A_222] : memref<32x80x128xi32, #tpu.memory_space<hbm>> -> memref<1x16x128xi32, #tpu.memory_space<hbm>>
      %dma_start3A_224 = tpu.memref_squeeze %dma_start3A_223 : memref<1x16x128xi32, #tpu.memory_space<hbm>> -> memref<16x128xi32, #tpu.memory_space<hbm>>
      tpu.enqueue_dma source(%dma_start3A_224 : memref<16x128xi32, #tpu.memory_space<hbm>>) target(%arg7 : memref<16x128xi32, #tpu.memory_space<vmem>>) target_semaphore(%run_scoped3A_216 : memref<!tpu.dma_semaphore, #tpu.memory_space<semaphore_mem>>)
      %dma_wait3A_225 = arith.constant 32 : i32
      %dma_wait3A_226 = arith.constant 0 : i32
      %dma_wait3A_227 = tpu.memref_slice %arg4[%add3A, %dma_wait3A_225, %dma_wait3A_226] : memref<32x80x128xi32, #tpu.memory_space<hbm>> -> memref<1x16x128xi32, #tpu.memory_space<hbm>>
      %dma_wait3A_228 = tpu.memref_squeeze %dma_wait3A_227 : memref<1x16x128xi32, #tpu.memory_space<hbm>> -> memref<16x128xi32, #tpu.memory_space<hbm>>
      %dma_wait3A_229 = arith.constant 32 : i32
      %dma_wait3A_230 = arith.constant 0 : i32
      %dma_wait3A_231 = tpu.memref_slice %arg4[%add3A, %dma_wait3A_229, %dma_wait3A_230] : memref<32x80x128xi32, #tpu.memory_space<hbm>> -> memref<1x16x128xi32, #tpu.memory_space<hbm>>
      %dma_wait3A_232 = tpu.memref_squeeze %dma_wait3A_231 : memref<1x16x128xi32, #tpu.memory_space<hbm>> -> memref<16x128xi32, #tpu.memory_space<hbm>>
      tpu.wait_dma2 semaphore(%run_scoped3A_216 : memref<!tpu.dma_semaphore, #tpu.memory_space<semaphore_mem>>) src(%dma_wait3A_232 : memref<16x128xi32, #tpu.memory_space<hbm>>) dst(%arg7 : memref<16x128xi32, #tpu.memory_space<vmem>>)
      tpu.yield
    }) : () -> ()
    %scan3A_58 = arith.constant 0 : i32
    %scan3A_59 = arith.constant 0 : i32
    %scan3A_60 = arith.constant 7 : i32
    %scan3A_61 = arith.addi %scan3A_59, %scan3A_60 : i32
    %scan3A_62 = arith.constant 1 : i32
    scf.for %scan3A_216 = %scan3A_59 to %scan3A_61 step %scan3A_62  : i32 {
      %mul3A_217 = arith.constant 2 : i32
      %mul3A_218 = arith.muli %mul3A_217, %scan3A_216 : i32
      %add3A_219 = arith.constant 1 : i32
      %add3A_220 = arith.addi %mul3A_218, %add3A_219 : i32
      %dma_start3A_221 = arith.constant 0 : i32
      %dma_start3A_222 = tpu.memref_slice %arg8[%add3A_220, %dma_start3A_221] : memref<16x128xi32, #tpu.memory_space<vmem>> -> memref<1x128xi32, #tpu.memory_space<vmem>>
      %dma_start3A_223 = tpu.memref_squeeze %dma_start3A_222 : memref<1x128xi32, #tpu.memory_space<vmem>> -> memref<128xi32, #tpu.memory_space<vmem>>
      %dma_start3A_224 = arith.constant 0 : i32
      %dma_start3A_225 = arith.constant 0 : i32
      %dma_start3A_226 = tpu.memref_slice %arg2[%dma_start3A_224, %dma_start3A_225] : memref<10000x128xf32, #tpu.memory_space<hbm>> -> memref<10000x128xf32, #tpu.memory_space<hbm>>
      tpu.enqueue_indirect_dma source(%dma_start3A_226 : memref<10000x128xf32, #tpu.memory_space<hbm>>) target(%arg11 : memref<128x128xf32, #tpu.memory_space<vmem>>) offsets(%dma_start3A_223 : memref<128xi32, #tpu.memory_space<vmem>>) semaphore(%arg14 : memref<!tpu.dma_semaphore, #tpu.memory_space<semaphore_mem>>)
      %dma_wait3A_227 = arith.constant 0 : i32
      %dma_wait3A_228 = tpu.memref_slice %arg8[%mul3A_218, %dma_wait3A_227] : memref<16x128xi32, #tpu.memory_space<vmem>> -> memref<1x128xi32, #tpu.memory_space<vmem>>
      %dma_wait3A_229 = tpu.memref_squeeze %dma_wait3A_228 : memref<1x128xi32, #tpu.memory_space<vmem>> -> memref<128xi32, #tpu.memory_space<vmem>>
      %dma_wait3A_230 = arith.constant 0 : i32
      %dma_wait3A_231 = arith.constant 0 : i32
      %dma_wait3A_232 = tpu.memref_slice %arg2[%dma_wait3A_230, %dma_wait3A_231] : memref<10000x128xf32, #tpu.memory_space<hbm>> -> memref<10000x128xf32, #tpu.memory_space<hbm>>
      tpu.wait_indirect_dma semaphore(%arg13 : memref<!tpu.dma_semaphore, #tpu.memory_space<semaphore_mem>>) src(%dma_wait3A_232 : memref<10000x128xf32, #tpu.memory_space<hbm>>) dst(%arg10 : memref<128x128xf32, #tpu.memory_space<vmem>>)
      "tpu.region"() ({
        %run_scoped3A_251 = tpu.sem_alloc : memref<!tpu.dma_semaphore, #tpu.memory_space<semaphore_mem>>
        %dma_start3A_252 = arith.constant 0 : i32
        %dma_start3A_253 = tpu.memref_slice %arg9[%mul3A_218, %dma_start3A_252] : memref<16x128xi32, #tpu.memory_space<vmem>> -> memref<1x128xi32, #tpu.memory_space<vmem>>
        %dma_start3A_254 = tpu.memref_squeeze %dma_start3A_253 : memref<1x128xi32, #tpu.memory_space<vmem>> -> memref<128xi32, #tpu.memory_space<vmem>>
        %dma_start3A_255 = arith.constant 0 : i32
        %dma_start3A_256 = arith.constant 0 : i32
        %dma_start3A_257 = tpu.memref_slice %arg12[%dma_start3A_255, %dma_start3A_256] : memref<10240x128xf32, #tpu.memory_space<vmem_shared>> -> memref<10240x128xf32, #tpu.memory_space<vmem_shared>>
        tpu.enqueue_indirect_dma source(%arg10 : memref<128x128xf32, #tpu.memory_space<vmem>>) target(%dma_start3A_257 : memref<10240x128xf32, #tpu.memory_space<vmem_shared>>) offsets(%dma_start3A_254 : memref<128xi32, #tpu.memory_space<vmem>>) semaphore(%run_scoped3A_251 : memref<!tpu.dma_semaphore, #tpu.memory_space<semaphore_mem>>) {add = true}
        %dma_wait3A_258 = arith.constant 0 : i32
        %dma_wait3A_259 = tpu.memref_slice %arg9[%mul3A_218, %dma_wait3A_258] : memref<16x128xi32, #tpu.memory_space<vmem>> -> memref<1x128xi32, #tpu.memory_space<vmem>>
        %dma_wait3A_260 = tpu.memref_squeeze %dma_wait3A_259 : memref<1x128xi32, #tpu.memory_space<vmem>> -> memref<128xi32, #tpu.memory_space<vmem>>
        %dma_wait3A_261 = arith.constant 0 : i32
        %dma_wait3A_262 = arith.constant 0 : i32
        %dma_wait3A_263 = tpu.memref_slice %arg12[%dma_wait3A_261, %dma_wait3A_262] : memref<10240x128xf32, #tpu.memory_space<vmem_shared>> -> memref<10240x128xf32, #tpu.memory_space<vmem_shared>>
        tpu.wait_indirect_dma semaphore(%run_scoped3A_251 : memref<!tpu.dma_semaphore, #tpu.memory_space<semaphore_mem>>) src(%arg10 : memref<128x128xf32, #tpu.memory_space<vmem>>) dst(%dma_wait3A_263 : memref<10240x128xf32, #tpu.memory_space<vmem_shared>>)
        tpu.yield
      }) : () -> ()
      %add3A_233 = arith.constant 2 : i32
      %add3A_234 = arith.addi %mul3A_218, %add3A_233 : i32
      %dma_start3A_235 = arith.constant 0 : i32
      %dma_start3A_236 = tpu.memref_slice %arg8[%add3A_234, %dma_start3A_235] : memref<16x128xi32, #tpu.memory_space<vmem>> -> memref<1x128xi32, #tpu.memory_space<vmem>>
      %dma_start3A_237 = tpu.memref_squeeze %dma_start3A_236 : memref<1x128xi32, #tpu.memory_space<vmem>> -> memref<128xi32, #tpu.memory_space<vmem>>
      %dma_start3A_238 = arith.constant 0 : i32
      %dma_start3A_239 = arith.constant 0 : i32
      %dma_start3A_240 = tpu.memref_slice %arg2[%dma_start3A_238, %dma_start3A_239] : memref<10000x128xf32, #tpu.memory_space<hbm>> -> memref<10000x128xf32, #tpu.memory_space<hbm>>
      tpu.enqueue_indirect_dma source(%dma_start3A_240 : memref<10000x128xf32, #tpu.memory_space<hbm>>) target(%arg10 : memref<128x128xf32, #tpu.memory_space<vmem>>) offsets(%dma_start3A_237 : memref<128xi32, #tpu.memory_space<vmem>>) semaphore(%arg13 : memref<!tpu.dma_semaphore, #tpu.memory_space<semaphore_mem>>)
      %add3A_241 = arith.constant 1 : i32
      %add3A_242 = arith.addi %mul3A_218, %add3A_241 : i32
      %dma_wait3A_243 = arith.constant 0 : i32
      %dma_wait3A_244 = tpu.memref_slice %arg8[%add3A_242, %dma_wait3A_243] : memref<16x128xi32, #tpu.memory_space<vmem>> -> memref<1x128xi32, #tpu.memory_space<vmem>>
      %dma_wait3A_245 = tpu.memref_squeeze %dma_wait3A_244 : memref<1x128xi32, #tpu.memory_space<vmem>> -> memref<128xi32, #tpu.memory_space<vmem>>
      %dma_wait3A_246 = arith.constant 0 : i32
      %dma_wait3A_247 = arith.constant 0 : i32
      %dma_wait3A_248 = tpu.memref_slice %arg2[%dma_wait3A_246, %dma_wait3A_247] : memref<10000x128xf32, #tpu.memory_space<hbm>> -> memref<10000x128xf32, #tpu.memory_space<hbm>>
      tpu.wait_indirect_dma semaphore(%arg14 : memref<!tpu.dma_semaphore, #tpu.memory_space<semaphore_mem>>) src(%dma_wait3A_248 : memref<10000x128xf32, #tpu.memory_space<hbm>>) dst(%arg11 : memref<128x128xf32, #tpu.memory_space<vmem>>)
      %add3A_249 = arith.constant 1 : i32
      %add3A_250 = arith.addi %mul3A_218, %add3A_249 : i32
      "tpu.region"() ({
        %run_scoped3A_251 = tpu.sem_alloc : memref<!tpu.dma_semaphore, #tpu.memory_space<semaphore_mem>>
        %dma_start3A_252 = arith.constant 0 : i32
        %dma_start3A_253 = tpu.memref_slice %arg9[%add3A_250, %dma_start3A_252] : memref<16x128xi32, #tpu.memory_space<vmem>> -> memref<1x128xi32, #tpu.memory_space<vmem>>
        %dma_start3A_254 = tpu.memref_squeeze %dma_start3A_253 : memref<1x128xi32, #tpu.memory_space<vmem>> -> memref<128xi32, #tpu.memory_space<vmem>>
        %dma_start3A_255 = arith.constant 0 : i32
        %dma_start3A_256 = arith.constant 0 : i32
        %dma_start3A_257 = tpu.memref_slice %arg12[%dma_start3A_255, %dma_start3A_256] : memref<10240x128xf32, #tpu.memory_space<vmem_shared>> -> memref<10240x128xf32, #tpu.memory_space<vmem_shared>>
        tpu.enqueue_indirect_dma source(%arg11 : memref<128x128xf32, #tpu.memory_space<vmem>>) target(%dma_start3A_257 : memref<10240x128xf32, #tpu.memory_space<vmem_shared>>) offsets(%dma_start3A_254 : memref<128xi32, #tpu.memory_space<vmem>>) semaphore(%run_scoped3A_251 : memref<!tpu.dma_semaphore, #tpu.memory_space<semaphore_mem>>) {add = true}
        %dma_wait3A_258 = arith.constant 0 : i32
        %dma_wait3A_259 = tpu.memref_slice %arg9[%add3A_250, %dma_wait3A_258] : memref<16x128xi32, #tpu.memory_space<vmem>> -> memref<1x128xi32, #tpu.memory_space<vmem>>
        %dma_wait3A_260 = tpu.memref_squeeze %dma_wait3A_259 : memref<1x128xi32, #tpu.memory_space<vmem>> -> memref<128xi32, #tpu.memory_space<vmem>>
        %dma_wait3A_261 = arith.constant 0 : i32
        %dma_wait3A_262 = arith.constant 0 : i32
        %dma_wait3A_263 = tpu.memref_slice %arg12[%dma_wait3A_261, %dma_wait3A_262] : memref<10240x128xf32, #tpu.memory_space<vmem_shared>> -> memref<10240x128xf32, #tpu.memory_space<vmem_shared>>
        tpu.wait_indirect_dma semaphore(%run_scoped3A_251 : memref<!tpu.dma_semaphore, #tpu.memory_space<semaphore_mem>>) src(%arg11 : memref<128x128xf32, #tpu.memory_space<vmem>>) dst(%dma_wait3A_263 : memref<10240x128xf32, #tpu.memory_space<vmem_shared>>)
        tpu.yield
      }) : () -> ()
    }
    %scan3A_63 = arith.constant 7 : i32
    %dma_start3A_64 = arith.constant 15 : i32
    %dma_start3A_65 = arith.constant 0 : i32
    %dma_start3A_66 = tpu.memref_slice %arg8[%dma_start3A_64, %dma_start3A_65] : memref<16x128xi32, #tpu.memory_space<vmem>> -> memref<1x128xi32, #tpu.memory_space<vmem>>
    %dma_start3A_67 = tpu.memref_squeeze %dma_start3A_66 : memref<1x128xi32, #tpu.memory_space<vmem>> -> memref<128xi32, #tpu.memory_space<vmem>>
    %dma_start3A_68 = arith.constant 0 : i32
    %dma_start3A_69 = arith.constant 0 : i32
    %dma_start3A_70 = tpu.memref_slice %arg2[%dma_start3A_68, %dma_start3A_69] : memref<10000x128xf32, #tpu.memory_space<hbm>> -> memref<10000x128xf32, #tpu.memory_space<hbm>>
    tpu.enqueue_indirect_dma source(%dma_start3A_70 : memref<10000x128xf32, #tpu.memory_space<hbm>>) target(%arg11 : memref<128x128xf32, #tpu.memory_space<vmem>>) offsets(%dma_start3A_67 : memref<128xi32, #tpu.memory_space<vmem>>) semaphore(%arg14 : memref<!tpu.dma_semaphore, #tpu.memory_space<semaphore_mem>>)
    %dma_wait3A_71 = arith.constant 14 : i32
    %dma_wait3A_72 = arith.constant 0 : i32
    %dma_wait3A_73 = tpu.memref_slice %arg8[%dma_wait3A_71, %dma_wait3A_72] : memref<16x128xi32, #tpu.memory_space<vmem>> -> memref<1x128xi32, #tpu.memory_space<vmem>>
    %dma_wait3A_74 = tpu.memref_squeeze %dma_wait3A_73 : memref<1x128xi32, #tpu.memory_space<vmem>> -> memref<128xi32, #tpu.memory_space<vmem>>
    %dma_wait3A_75 = arith.constant 0 : i32
    %dma_wait3A_76 = arith.constant 0 : i32
    %dma_wait3A_77 = tpu.memref_slice %arg2[%dma_wait3A_75, %dma_wait3A_76] : memref<10000x128xf32, #tpu.memory_space<hbm>> -> memref<10000x128xf32, #tpu.memory_space<hbm>>
    tpu.wait_indirect_dma semaphore(%arg13 : memref<!tpu.dma_semaphore, #tpu.memory_space<semaphore_mem>>) src(%dma_wait3A_77 : memref<10000x128xf32, #tpu.memory_space<hbm>>) dst(%arg10 : memref<128x128xf32, #tpu.memory_space<vmem>>)
    %run_scoped3A_78 = arith.constant 14 : i32
    "tpu.region"() ({
      %run_scoped3A_216 = tpu.sem_alloc : memref<!tpu.dma_semaphore, #tpu.memory_space<semaphore_mem>>
      %dma_start3A_217 = arith.constant 0 : i32
      %dma_start3A_218 = tpu.memref_slice %arg9[%run_scoped3A_78, %dma_start3A_217] : memref<16x128xi32, #tpu.memory_space<vmem>> -> memref<1x128xi32, #tpu.memory_space<vmem>>
      %dma_start3A_219 = tpu.memref_squeeze %dma_start3A_218 : memref<1x128xi32, #tpu.memory_space<vmem>> -> memref<128xi32, #tpu.memory_space<vmem>>
      %dma_start3A_220 = arith.constant 0 : i32
      %dma_start3A_221 = arith.constant 0 : i32
      %dma_start3A_222 = tpu.memref_slice %arg12[%dma_start3A_220, %dma_start3A_221] : memref<10240x128xf32, #tpu.memory_space<vmem_shared>> -> memref<10240x128xf32, #tpu.memory_space<vmem_shared>>
      tpu.enqueue_indirect_dma source(%arg10 : memref<128x128xf32, #tpu.memory_space<vmem>>) target(%dma_start3A_222 : memref<10240x128xf32, #tpu.memory_space<vmem_shared>>) offsets(%dma_start3A_219 : memref<128xi32, #tpu.memory_space<vmem>>) semaphore(%run_scoped3A_216 : memref<!tpu.dma_semaphore, #tpu.memory_space<semaphore_mem>>) {add = true}
      %dma_wait3A_223 = arith.constant 0 : i32
      %dma_wait3A_224 = tpu.memref_slice %arg9[%run_scoped3A_78, %dma_wait3A_223] : memref<16x128xi32, #tpu.memory_space<vmem>> -> memref<1x128xi32, #tpu.memory_space<vmem>>
      %dma_wait3A_225 = tpu.memref_squeeze %dma_wait3A_224 : memref<1x128xi32, #tpu.memory_space<vmem>> -> memref<128xi32, #tpu.memory_space<vmem>>
      %dma_wait3A_226 = arith.constant 0 : i32
      %dma_wait3A_227 = arith.constant 0 : i32
      %dma_wait3A_228 = tpu.memref_slice %arg12[%dma_wait3A_226, %dma_wait3A_227] : memref<10240x128xf32, #tpu.memory_space<vmem_shared>> -> memref<10240x128xf32, #tpu.memory_space<vmem_shared>>
      tpu.wait_indirect_dma semaphore(%run_scoped3A_216 : memref<!tpu.dma_semaphore, #tpu.memory_space<semaphore_mem>>) src(%arg10 : memref<128x128xf32, #tpu.memory_space<vmem>>) dst(%dma_wait3A_228 : memref<10240x128xf32, #tpu.memory_space<vmem_shared>>)
      tpu.yield
    }) : () -> ()
    %dma_start3A_79 = arith.constant 0 : i32
    %dma_start3A_80 = arith.constant 0 : i32
    %dma_start3A_81 = tpu.memref_slice %arg6[%dma_start3A_79, %dma_start3A_80] : memref<16x128xi32, #tpu.memory_space<vmem>> -> memref<1x128xi32, #tpu.memory_space<vmem>>
    %dma_start3A_82 = tpu.memref_squeeze %dma_start3A_81 : memref<1x128xi32, #tpu.memory_space<vmem>> -> memref<128xi32, #tpu.memory_space<vmem>>
    %dma_start3A_83 = arith.constant 0 : i32
    %dma_start3A_84 = arith.constant 0 : i32
    %dma_start3A_85 = tpu.memref_slice %arg2[%dma_start3A_83, %dma_start3A_84] : memref<10000x128xf32, #tpu.memory_space<hbm>> -> memref<10000x128xf32, #tpu.memory_space<hbm>>
    tpu.enqueue_indirect_dma source(%dma_start3A_85 : memref<10000x128xf32, #tpu.memory_space<hbm>>) target(%arg10 : memref<128x128xf32, #tpu.memory_space<vmem>>) offsets(%dma_start3A_82 : memref<128xi32, #tpu.memory_space<vmem>>) semaphore(%arg13 : memref<!tpu.dma_semaphore, #tpu.memory_space<semaphore_mem>>)
    %dma_wait3A_86 = arith.constant 15 : i32
    %dma_wait3A_87 = arith.constant 0 : i32
    %dma_wait3A_88 = tpu.memref_slice %arg8[%dma_wait3A_86, %dma_wait3A_87] : memref<16x128xi32, #tpu.memory_space<vmem>> -> memref<1x128xi32, #tpu.memory_space<vmem>>
    %dma_wait3A_89 = tpu.memref_squeeze %dma_wait3A_88 : memref<1x128xi32, #tpu.memory_space<vmem>> -> memref<128xi32, #tpu.memory_space<vmem>>
    %dma_wait3A_90 = arith.constant 0 : i32
    %dma_wait3A_91 = arith.constant 0 : i32
    %dma_wait3A_92 = tpu.memref_slice %arg2[%dma_wait3A_90, %dma_wait3A_91] : memref<10000x128xf32, #tpu.memory_space<hbm>> -> memref<10000x128xf32, #tpu.memory_space<hbm>>
    tpu.wait_indirect_dma semaphore(%arg14 : memref<!tpu.dma_semaphore, #tpu.memory_space<semaphore_mem>>) src(%dma_wait3A_92 : memref<10000x128xf32, #tpu.memory_space<hbm>>) dst(%arg11 : memref<128x128xf32, #tpu.memory_space<vmem>>)
    %run_scoped3A_93 = arith.constant 15 : i32
    "tpu.region"() ({
      %run_scoped3A_216 = tpu.sem_alloc : memref<!tpu.dma_semaphore, #tpu.memory_space<semaphore_mem>>
      %dma_start3A_217 = arith.constant 0 : i32
      %dma_start3A_218 = tpu.memref_slice %arg9[%run_scoped3A_93, %dma_start3A_217] : memref<16x128xi32, #tpu.memory_space<vmem>> -> memref<1x128xi32, #tpu.memory_space<vmem>>
      %dma_start3A_219 = tpu.memref_squeeze %dma_start3A_218 : memref<1x128xi32, #tpu.memory_space<vmem>> -> memref<128xi32, #tpu.memory_space<vmem>>
      %dma_start3A_220 = arith.constant 0 : i32
      %dma_start3A_221 = arith.constant 0 : i32
      %dma_start3A_222 = tpu.memref_slice %arg12[%dma_start3A_220, %dma_start3A_221] : memref<10240x128xf32, #tpu.memory_space<vmem_shared>> -> memref<10240x128xf32, #tpu.memory_space<vmem_shared>>
      tpu.enqueue_indirect_dma source(%arg11 : memref<128x128xf32, #tpu.memory_space<vmem>>) target(%dma_start3A_222 : memref<10240x128xf32, #tpu.memory_space<vmem_shared>>) offsets(%dma_start3A_219 : memref<128xi32, #tpu.memory_space<vmem>>) semaphore(%run_scoped3A_216 : memref<!tpu.dma_semaphore, #tpu.memory_space<semaphore_mem>>) {add = true}
      %dma_wait3A_223 = arith.constant 0 : i32
      %dma_wait3A_224 = tpu.memref_slice %arg9[%run_scoped3A_93, %dma_wait3A_223] : memref<16x128xi32, #tpu.memory_space<vmem>> -> memref<1x128xi32, #tpu.memory_space<vmem>>
      %dma_wait3A_225 = tpu.memref_squeeze %dma_wait3A_224 : memref<1x128xi32, #tpu.memory_space<vmem>> -> memref<128xi32, #tpu.memory_space<vmem>>
      %dma_wait3A_226 = arith.constant 0 : i32
      %dma_wait3A_227 = arith.constant 0 : i32
      %dma_wait3A_228 = tpu.memref_slice %arg12[%dma_wait3A_226, %dma_wait3A_227] : memref<10240x128xf32, #tpu.memory_space<vmem_shared>> -> memref<10240x128xf32, #tpu.memory_space<vmem_shared>>
      tpu.wait_indirect_dma semaphore(%run_scoped3A_216 : memref<!tpu.dma_semaphore, #tpu.memory_space<semaphore_mem>>) src(%arg11 : memref<128x128xf32, #tpu.memory_space<vmem>>) dst(%dma_wait3A_228 : memref<10240x128xf32, #tpu.memory_space<vmem_shared>>)
      tpu.yield
    }) : () -> ()
    "tpu.region"() ({
      %run_scoped3A_216 = tpu.sem_alloc : memref<!tpu.dma_semaphore, #tpu.memory_space<semaphore_mem>>
      %dma_start3A_217 = arith.constant 48 : i32
      %dma_start3A_218 = arith.constant 0 : i32
      %dma_start3A_219 = tpu.memref_slice %arg3[%add3A, %dma_start3A_217, %dma_start3A_218] : memref<32x80x128xi32, #tpu.memory_space<hbm>> -> memref<1x16x128xi32, #tpu.memory_space<hbm>>
      %dma_start3A_220 = tpu.memref_squeeze %dma_start3A_219 : memref<1x16x128xi32, #tpu.memory_space<hbm>> -> memref<16x128xi32, #tpu.memory_space<hbm>>
      %dma_start3A_221 = arith.constant 48 : i32
      %dma_start3A_222 = arith.constant 0 : i32
      %dma_start3A_223 = tpu.memref_slice %arg3[%add3A, %dma_start3A_221, %dma_start3A_222] : memref<32x80x128xi32, #tpu.memory_space<hbm>> -> memref<1x16x128xi32, #tpu.memory_space<hbm>>
      %dma_start3A_224 = tpu.memref_squeeze %dma_start3A_223 : memref<1x16x128xi32, #tpu.memory_space<hbm>> -> memref<16x128xi32, #tpu.memory_space<hbm>>
      tpu.enqueue_dma source(%dma_start3A_224 : memref<16x128xi32, #tpu.memory_space<hbm>>) target(%arg8 : memref<16x128xi32, #tpu.memory_space<vmem>>) target_semaphore(%run_scoped3A_216 : memref<!tpu.dma_semaphore, #tpu.memory_space<semaphore_mem>>)
      %dma_wait3A_225 = arith.constant 48 : i32
      %dma_wait3A_226 = arith.constant 0 : i32
      %dma_wait3A_227 = tpu.memref_slice %arg3[%add3A, %dma_wait3A_225, %dma_wait3A_226] : memref<32x80x128xi32, #tpu.memory_space<hbm>> -> memref<1x16x128xi32, #tpu.memory_space<hbm>>
      %dma_wait3A_228 = tpu.memref_squeeze %dma_wait3A_227 : memref<1x16x128xi32, #tpu.memory_space<hbm>> -> memref<16x128xi32, #tpu.memory_space<hbm>>
      %dma_wait3A_229 = arith.constant 48 : i32
      %dma_wait3A_230 = arith.constant 0 : i32
      %dma_wait3A_231 = tpu.memref_slice %arg3[%add3A, %dma_wait3A_229, %dma_wait3A_230] : memref<32x80x128xi32, #tpu.memory_space<hbm>> -> memref<1x16x128xi32, #tpu.memory_space<hbm>>
      %dma_wait3A_232 = tpu.memref_squeeze %dma_wait3A_231 : memref<1x16x128xi32, #tpu.memory_space<hbm>> -> memref<16x128xi32, #tpu.memory_space<hbm>>
      tpu.wait_dma2 semaphore(%run_scoped3A_216 : memref<!tpu.dma_semaphore, #tpu.memory_space<semaphore_mem>>) src(%dma_wait3A_232 : memref<16x128xi32, #tpu.memory_space<hbm>>) dst(%arg8 : memref<16x128xi32, #tpu.memory_space<vmem>>)
      tpu.yield
    }) : () -> ()
    "tpu.region"() ({
      %run_scoped3A_216 = tpu.sem_alloc : memref<!tpu.dma_semaphore, #tpu.memory_space<semaphore_mem>>
      %dma_start3A_217 = arith.constant 48 : i32
      %dma_start3A_218 = arith.constant 0 : i32
      %dma_start3A_219 = tpu.memref_slice %arg4[%add3A, %dma_start3A_217, %dma_start3A_218] : memref<32x80x128xi32, #tpu.memory_space<hbm>> -> memref<1x16x128xi32, #tpu.memory_space<hbm>>
      %dma_start3A_220 = tpu.memref_squeeze %dma_start3A_219 : memref<1x16x128xi32, #tpu.memory_space<hbm>> -> memref<16x128xi32, #tpu.memory_space<hbm>>
      %dma_start3A_221 = arith.constant 48 : i32
      %dma_start3A_222 = arith.constant 0 : i32
      %dma_start3A_223 = tpu.memref_slice %arg4[%add3A, %dma_start3A_221, %dma_start3A_222] : memref<32x80x128xi32, #tpu.memory_space<hbm>> -> memref<1x16x128xi32, #tpu.memory_space<hbm>>
      %dma_start3A_224 = tpu.memref_squeeze %dma_start3A_223 : memref<1x16x128xi32, #tpu.memory_space<hbm>> -> memref<16x128xi32, #tpu.memory_space<hbm>>
      tpu.enqueue_dma source(%dma_start3A_224 : memref<16x128xi32, #tpu.memory_space<hbm>>) target(%arg9 : memref<16x128xi32, #tpu.memory_space<vmem>>) target_semaphore(%run_scoped3A_216 : memref<!tpu.dma_semaphore, #tpu.memory_space<semaphore_mem>>)
      %dma_wait3A_225 = arith.constant 48 : i32
      %dma_wait3A_226 = arith.constant 0 : i32
      %dma_wait3A_227 = tpu.memref_slice %arg4[%add3A, %dma_wait3A_225, %dma_wait3A_226] : memref<32x80x128xi32, #tpu.memory_space<hbm>> -> memref<1x16x128xi32, #tpu.memory_space<hbm>>
      %dma_wait3A_228 = tpu.memref_squeeze %dma_wait3A_227 : memref<1x16x128xi32, #tpu.memory_space<hbm>> -> memref<16x128xi32, #tpu.memory_space<hbm>>
      %dma_wait3A_229 = arith.constant 48 : i32
      %dma_wait3A_230 = arith.constant 0 : i32
      %dma_wait3A_231 = tpu.memref_slice %arg4[%add3A, %dma_wait3A_229, %dma_wait3A_230] : memref<32x80x128xi32, #tpu.memory_space<hbm>> -> memref<1x16x128xi32, #tpu.memory_space<hbm>>
      %dma_wait3A_232 = tpu.memref_squeeze %dma_wait3A_231 : memref<1x16x128xi32, #tpu.memory_space<hbm>> -> memref<16x128xi32, #tpu.memory_space<hbm>>
      tpu.wait_dma2 semaphore(%run_scoped3A_216 : memref<!tpu.dma_semaphore, #tpu.memory_space<semaphore_mem>>) src(%dma_wait3A_232 : memref<16x128xi32, #tpu.memory_space<hbm>>) dst(%arg9 : memref<16x128xi32, #tpu.memory_space<vmem>>)
      tpu.yield
    }) : () -> ()
    %scan3A_94 = arith.constant 0 : i32
    %scan3A_95 = arith.constant 0 : i32
    %scan3A_96 = arith.constant 7 : i32
    %scan3A_97 = arith.addi %scan3A_95, %scan3A_96 : i32
    %scan3A_98 = arith.constant 1 : i32
    scf.for %scan3A_216 = %scan3A_95 to %scan3A_97 step %scan3A_98  : i32 {
      %mul3A_217 = arith.constant 2 : i32
      %mul3A_218 = arith.muli %mul3A_217, %scan3A_216 : i32
      %add3A_219 = arith.constant 1 : i32
      %add3A_220 = arith.addi %mul3A_218, %add3A_219 : i32
      %dma_start3A_221 = arith.constant 0 : i32
      %dma_start3A_222 = tpu.memref_slice %arg6[%add3A_220, %dma_start3A_221] : memref<16x128xi32, #tpu.memory_space<vmem>> -> memref<1x128xi32, #tpu.memory_space<vmem>>
      %dma_start3A_223 = tpu.memref_squeeze %dma_start3A_222 : memref<1x128xi32, #tpu.memory_space<vmem>> -> memref<128xi32, #tpu.memory_space<vmem>>
      %dma_start3A_224 = arith.constant 0 : i32
      %dma_start3A_225 = arith.constant 0 : i32
      %dma_start3A_226 = tpu.memref_slice %arg2[%dma_start3A_224, %dma_start3A_225] : memref<10000x128xf32, #tpu.memory_space<hbm>> -> memref<10000x128xf32, #tpu.memory_space<hbm>>
      tpu.enqueue_indirect_dma source(%dma_start3A_226 : memref<10000x128xf32, #tpu.memory_space<hbm>>) target(%arg11 : memref<128x128xf32, #tpu.memory_space<vmem>>) offsets(%dma_start3A_223 : memref<128xi32, #tpu.memory_space<vmem>>) semaphore(%arg14 : memref<!tpu.dma_semaphore, #tpu.memory_space<semaphore_mem>>)
      %dma_wait3A_227 = arith.constant 0 : i32
      %dma_wait3A_228 = tpu.memref_slice %arg6[%mul3A_218, %dma_wait3A_227] : memref<16x128xi32, #tpu.memory_space<vmem>> -> memref<1x128xi32, #tpu.memory_space<vmem>>
      %dma_wait3A_229 = tpu.memref_squeeze %dma_wait3A_228 : memref<1x128xi32, #tpu.memory_space<vmem>> -> memref<128xi32, #tpu.memory_space<vmem>>
      %dma_wait3A_230 = arith.constant 0 : i32
      %dma_wait3A_231 = arith.constant 0 : i32
      %dma_wait3A_232 = tpu.memref_slice %arg2[%dma_wait3A_230, %dma_wait3A_231] : memref<10000x128xf32, #tpu.memory_space<hbm>> -> memref<10000x128xf32, #tpu.memory_space<hbm>>
      tpu.wait_indirect_dma semaphore(%arg13 : memref<!tpu.dma_semaphore, #tpu.memory_space<semaphore_mem>>) src(%dma_wait3A_232 : memref<10000x128xf32, #tpu.memory_space<hbm>>) dst(%arg10 : memref<128x128xf32, #tpu.memory_space<vmem>>)
      "tpu.region"() ({
        %run_scoped3A_251 = tpu.sem_alloc : memref<!tpu.dma_semaphore, #tpu.memory_space<semaphore_mem>>
        %dma_start3A_252 = arith.constant 0 : i32
        %dma_start3A_253 = tpu.memref_slice %arg7[%mul3A_218, %dma_start3A_252] : memref<16x128xi32, #tpu.memory_space<vmem>> -> memref<1x128xi32, #tpu.memory_space<vmem>>
        %dma_start3A_254 = tpu.memref_squeeze %dma_start3A_253 : memref<1x128xi32, #tpu.memory_space<vmem>> -> memref<128xi32, #tpu.memory_space<vmem>>
        %dma_start3A_255 = arith.constant 0 : i32
        %dma_start3A_256 = arith.constant 0 : i32
        %dma_start3A_257 = tpu.memref_slice %arg12[%dma_start3A_255, %dma_start3A_256] : memref<10240x128xf32, #tpu.memory_space<vmem_shared>> -> memref<10240x128xf32, #tpu.memory_space<vmem_shared>>
        tpu.enqueue_indirect_dma source(%arg10 : memref<128x128xf32, #tpu.memory_space<vmem>>) target(%dma_start3A_257 : memref<10240x128xf32, #tpu.memory_space<vmem_shared>>) offsets(%dma_start3A_254 : memref<128xi32, #tpu.memory_space<vmem>>) semaphore(%run_scoped3A_251 : memref<!tpu.dma_semaphore, #tpu.memory_space<semaphore_mem>>) {add = true}
        %dma_wait3A_258 = arith.constant 0 : i32
        %dma_wait3A_259 = tpu.memref_slice %arg7[%mul3A_218, %dma_wait3A_258] : memref<16x128xi32, #tpu.memory_space<vmem>> -> memref<1x128xi32, #tpu.memory_space<vmem>>
        %dma_wait3A_260 = tpu.memref_squeeze %dma_wait3A_259 : memref<1x128xi32, #tpu.memory_space<vmem>> -> memref<128xi32, #tpu.memory_space<vmem>>
        %dma_wait3A_261 = arith.constant 0 : i32
        %dma_wait3A_262 = arith.constant 0 : i32
        %dma_wait3A_263 = tpu.memref_slice %arg12[%dma_wait3A_261, %dma_wait3A_262] : memref<10240x128xf32, #tpu.memory_space<vmem_shared>> -> memref<10240x128xf32, #tpu.memory_space<vmem_shared>>
        tpu.wait_indirect_dma semaphore(%run_scoped3A_251 : memref<!tpu.dma_semaphore, #tpu.memory_space<semaphore_mem>>) src(%arg10 : memref<128x128xf32, #tpu.memory_space<vmem>>) dst(%dma_wait3A_263 : memref<10240x128xf32, #tpu.memory_space<vmem_shared>>)
        tpu.yield
      }) : () -> ()
      %add3A_233 = arith.constant 2 : i32
      %add3A_234 = arith.addi %mul3A_218, %add3A_233 : i32
      %dma_start3A_235 = arith.constant 0 : i32
      %dma_start3A_236 = tpu.memref_slice %arg6[%add3A_234, %dma_start3A_235] : memref<16x128xi32, #tpu.memory_space<vmem>> -> memref<1x128xi32, #tpu.memory_space<vmem>>
      %dma_start3A_237 = tpu.memref_squeeze %dma_start3A_236 : memref<1x128xi32, #tpu.memory_space<vmem>> -> memref<128xi32, #tpu.memory_space<vmem>>
      %dma_start3A_238 = arith.constant 0 : i32
      %dma_start3A_239 = arith.constant 0 : i32
      %dma_start3A_240 = tpu.memref_slice %arg2[%dma_start3A_238, %dma_start3A_239] : memref<10000x128xf32, #tpu.memory_space<hbm>> -> memref<10000x128xf32, #tpu.memory_space<hbm>>
      tpu.enqueue_indirect_dma source(%dma_start3A_240 : memref<10000x128xf32, #tpu.memory_space<hbm>>) target(%arg10 : memref<128x128xf32, #tpu.memory_space<vmem>>) offsets(%dma_start3A_237 : memref<128xi32, #tpu.memory_space<vmem>>) semaphore(%arg13 : memref<!tpu.dma_semaphore, #tpu.memory_space<semaphore_mem>>)
      %add3A_241 = arith.constant 1 : i32
      %add3A_242 = arith.addi %mul3A_218, %add3A_241 : i32
      %dma_wait3A_243 = arith.constant 0 : i32
      %dma_wait3A_244 = tpu.memref_slice %arg6[%add3A_242, %dma_wait3A_243] : memref<16x128xi32, #tpu.memory_space<vmem>> -> memref<1x128xi32, #tpu.memory_space<vmem>>
      %dma_wait3A_245 = tpu.memref_squeeze %dma_wait3A_244 : memref<1x128xi32, #tpu.memory_space<vmem>> -> memref<128xi32, #tpu.memory_space<vmem>>
      %dma_wait3A_246 = arith.constant 0 : i32
      %dma_wait3A_247 = arith.constant 0 : i32
      %dma_wait3A_248 = tpu.memref_slice %arg2[%dma_wait3A_246, %dma_wait3A_247] : memref<10000x128xf32, #tpu.memory_space<hbm>> -> memref<10000x128xf32, #tpu.memory_space<hbm>>
      tpu.wait_indirect_dma semaphore(%arg14 : memref<!tpu.dma_semaphore, #tpu.memory_space<semaphore_mem>>) src(%dma_wait3A_248 : memref<10000x128xf32, #tpu.memory_space<hbm>>) dst(%arg11 : memref<128x128xf32, #tpu.memory_space<vmem>>)
      %add3A_249 = arith.constant 1 : i32
      %add3A_250 = arith.addi %mul3A_218, %add3A_249 : i32
      "tpu.region"() ({
        %run_scoped3A_251 = tpu.sem_alloc : memref<!tpu.dma_semaphore, #tpu.memory_space<semaphore_mem>>
        %dma_start3A_252 = arith.constant 0 : i32
        %dma_start3A_253 = tpu.memref_slice %arg7[%add3A_250, %dma_start3A_252] : memref<16x128xi32, #tpu.memory_space<vmem>> -> memref<1x128xi32, #tpu.memory_space<vmem>>
        %dma_start3A_254 = tpu.memref_squeeze %dma_start3A_253 : memref<1x128xi32, #tpu.memory_space<vmem>> -> memref<128xi32, #tpu.memory_space<vmem>>
        %dma_start3A_255 = arith.constant 0 : i32
        %dma_start3A_256 = arith.constant 0 : i32
        %dma_start3A_257 = tpu.memref_slice %arg12[%dma_start3A_255, %dma_start3A_256] : memref<10240x128xf32, #tpu.memory_space<vmem_shared>> -> memref<10240x128xf32, #tpu.memory_space<vmem_shared>>
        tpu.enqueue_indirect_dma source(%arg11 : memref<128x128xf32, #tpu.memory_space<vmem>>) target(%dma_start3A_257 : memref<10240x128xf32, #tpu.memory_space<vmem_shared>>) offsets(%dma_start3A_254 : memref<128xi32, #tpu.memory_space<vmem>>) semaphore(%run_scoped3A_251 : memref<!tpu.dma_semaphore, #tpu.memory_space<semaphore_mem>>) {add = true}
        %dma_wait3A_258 = arith.constant 0 : i32
        %dma_wait3A_259 = tpu.memref_slice %arg7[%add3A_250, %dma_wait3A_258] : memref<16x128xi32, #tpu.memory_space<vmem>> -> memref<1x128xi32, #tpu.memory_space<vmem>>
        %dma_wait3A_260 = tpu.memref_squeeze %dma_wait3A_259 : memref<1x128xi32, #tpu.memory_space<vmem>> -> memref<128xi32, #tpu.memory_space<vmem>>
        %dma_wait3A_261 = arith.constant 0 : i32
        %dma_wait3A_262 = arith.constant 0 : i32
        %dma_wait3A_263 = tpu.memref_slice %arg12[%dma_wait3A_261, %dma_wait3A_262] : memref<10240x128xf32, #tpu.memory_space<vmem_shared>> -> memref<10240x128xf32, #tpu.memory_space<vmem_shared>>
        tpu.wait_indirect_dma semaphore(%run_scoped3A_251 : memref<!tpu.dma_semaphore, #tpu.memory_space<semaphore_mem>>) src(%arg11 : memref<128x128xf32, #tpu.memory_space<vmem>>) dst(%dma_wait3A_263 : memref<10240x128xf32, #tpu.memory_space<vmem_shared>>)
        tpu.yield
      }) : () -> ()
    }
    %scan3A_99 = arith.constant 7 : i32
    %dma_start3A_100 = arith.constant 15 : i32
    %dma_start3A_101 = arith.constant 0 : i32
    %dma_start3A_102 = tpu.memref_slice %arg6[%dma_start3A_100, %dma_start3A_101] : memref<16x128xi32, #tpu.memory_space<vmem>> -> memref<1x128xi32, #tpu.memory_space<vmem>>
    %dma_start3A_103 = tpu.memref_squeeze %dma_start3A_102 : memref<1x128xi32, #tpu.memory_space<vmem>> -> memref<128xi32, #tpu.memory_space<vmem>>
    %dma_start3A_104 = arith.constant 0 : i32
    %dma_start3A_105 = arith.constant 0 : i32
    %dma_start3A_106 = tpu.memref_slice %arg2[%dma_start3A_104, %dma_start3A_105] : memref<10000x128xf32, #tpu.memory_space<hbm>> -> memref<10000x128xf32, #tpu.memory_space<hbm>>
    tpu.enqueue_indirect_dma source(%dma_start3A_106 : memref<10000x128xf32, #tpu.memory_space<hbm>>) target(%arg11 : memref<128x128xf32, #tpu.memory_space<vmem>>) offsets(%dma_start3A_103 : memref<128xi32, #tpu.memory_space<vmem>>) semaphore(%arg14 : memref<!tpu.dma_semaphore, #tpu.memory_space<semaphore_mem>>)
    %dma_wait3A_107 = arith.constant 14 : i32
    %dma_wait3A_108 = arith.constant 0 : i32
    %dma_wait3A_109 = tpu.memref_slice %arg6[%dma_wait3A_107, %dma_wait3A_108] : memref<16x128xi32, #tpu.memory_space<vmem>> -> memref<1x128xi32, #tpu.memory_space<vmem>>
    %dma_wait3A_110 = tpu.memref_squeeze %dma_wait3A_109 : memref<1x128xi32, #tpu.memory_space<vmem>> -> memref<128xi32, #tpu.memory_space<vmem>>
    %dma_wait3A_111 = arith.constant 0 : i32
    %dma_wait3A_112 = arith.constant 0 : i32
    %dma_wait3A_113 = tpu.memref_slice %arg2[%dma_wait3A_111, %dma_wait3A_112] : memref<10000x128xf32, #tpu.memory_space<hbm>> -> memref<10000x128xf32, #tpu.memory_space<hbm>>
    tpu.wait_indirect_dma semaphore(%arg13 : memref<!tpu.dma_semaphore, #tpu.memory_space<semaphore_mem>>) src(%dma_wait3A_113 : memref<10000x128xf32, #tpu.memory_space<hbm>>) dst(%arg10 : memref<128x128xf32, #tpu.memory_space<vmem>>)
    %run_scoped3A_114 = arith.constant 14 : i32
    "tpu.region"() ({
      %run_scoped3A_216 = tpu.sem_alloc : memref<!tpu.dma_semaphore, #tpu.memory_space<semaphore_mem>>
      %dma_start3A_217 = arith.constant 0 : i32
      %dma_start3A_218 = tpu.memref_slice %arg7[%run_scoped3A_114, %dma_start3A_217] : memref<16x128xi32, #tpu.memory_space<vmem>> -> memref<1x128xi32, #tpu.memory_space<vmem>>
      %dma_start3A_219 = tpu.memref_squeeze %dma_start3A_218 : memref<1x128xi32, #tpu.memory_space<vmem>> -> memref<128xi32, #tpu.memory_space<vmem>>
      %dma_start3A_220 = arith.constant 0 : i32
      %dma_start3A_221 = arith.constant 0 : i32
      %dma_start3A_222 = tpu.memref_slice %arg12[%dma_start3A_220, %dma_start3A_221] : memref<10240x128xf32, #tpu.memory_space<vmem_shared>> -> memref<10240x128xf32, #tpu.memory_space<vmem_shared>>
      tpu.enqueue_indirect_dma source(%arg10 : memref<128x128xf32, #tpu.memory_space<vmem>>) target(%dma_start3A_222 : memref<10240x128xf32, #tpu.memory_space<vmem_shared>>) offsets(%dma_start3A_219 : memref<128xi32, #tpu.memory_space<vmem>>) semaphore(%run_scoped3A_216 : memref<!tpu.dma_semaphore, #tpu.memory_space<semaphore_mem>>) {add = true}
      %dma_wait3A_223 = arith.constant 0 : i32
      %dma_wait3A_224 = tpu.memref_slice %arg7[%run_scoped3A_114, %dma_wait3A_223] : memref<16x128xi32, #tpu.memory_space<vmem>> -> memref<1x128xi32, #tpu.memory_space<vmem>>
      %dma_wait3A_225 = tpu.memref_squeeze %dma_wait3A_224 : memref<1x128xi32, #tpu.memory_space<vmem>> -> memref<128xi32, #tpu.memory_space<vmem>>
      %dma_wait3A_226 = arith.constant 0 : i32
      %dma_wait3A_227 = arith.constant 0 : i32
      %dma_wait3A_228 = tpu.memref_slice %arg12[%dma_wait3A_226, %dma_wait3A_227] : memref<10240x128xf32, #tpu.memory_space<vmem_shared>> -> memref<10240x128xf32, #tpu.memory_space<vmem_shared>>
      tpu.wait_indirect_dma semaphore(%run_scoped3A_216 : memref<!tpu.dma_semaphore, #tpu.memory_space<semaphore_mem>>) src(%arg10 : memref<128x128xf32, #tpu.memory_space<vmem>>) dst(%dma_wait3A_228 : memref<10240x128xf32, #tpu.memory_space<vmem_shared>>)
      tpu.yield
    }) : () -> ()
    %dma_start3A_115 = arith.constant 0 : i32
    %dma_start3A_116 = arith.constant 0 : i32
    %dma_start3A_117 = tpu.memref_slice %arg8[%dma_start3A_115, %dma_start3A_116] : memref<16x128xi32, #tpu.memory_space<vmem>> -> memref<1x128xi32, #tpu.memory_space<vmem>>
    %dma_start3A_118 = tpu.memref_squeeze %dma_start3A_117 : memref<1x128xi32, #tpu.memory_space<vmem>> -> memref<128xi32, #tpu.memory_space<vmem>>
    %dma_start3A_119 = arith.constant 0 : i32
    %dma_start3A_120 = arith.constant 0 : i32
    %dma_start3A_121 = tpu.memref_slice %arg2[%dma_start3A_119, %dma_start3A_120] : memref<10000x128xf32, #tpu.memory_space<hbm>> -> memref<10000x128xf32, #tpu.memory_space<hbm>>
    tpu.enqueue_indirect_dma source(%dma_start3A_121 : memref<10000x128xf32, #tpu.memory_space<hbm>>) target(%arg10 : memref<128x128xf32, #tpu.memory_space<vmem>>) offsets(%dma_start3A_118 : memref<128xi32, #tpu.memory_space<vmem>>) semaphore(%arg13 : memref<!tpu.dma_semaphore, #tpu.memory_space<semaphore_mem>>)
    %dma_wait3A_122 = arith.constant 15 : i32
    %dma_wait3A_123 = arith.constant 0 : i32
    %dma_wait3A_124 = tpu.memref_slice %arg6[%dma_wait3A_122, %dma_wait3A_123] : memref<16x128xi32, #tpu.memory_space<vmem>> -> memref<1x128xi32, #tpu.memory_space<vmem>>
    %dma_wait3A_125 = tpu.memref_squeeze %dma_wait3A_124 : memref<1x128xi32, #tpu.memory_space<vmem>> -> memref<128xi32, #tpu.memory_space<vmem>>
    %dma_wait3A_126 = arith.constant 0 : i32
    %dma_wait3A_127 = arith.constant 0 : i32
    %dma_wait3A_128 = tpu.memref_slice %arg2[%dma_wait3A_126, %dma_wait3A_127] : memref<10000x128xf32, #tpu.memory_space<hbm>> -> memref<10000x128xf32, #tpu.memory_space<hbm>>
    tpu.wait_indirect_dma semaphore(%arg14 : memref<!tpu.dma_semaphore, #tpu.memory_space<semaphore_mem>>) src(%dma_wait3A_128 : memref<10000x128xf32, #tpu.memory_space<hbm>>) dst(%arg11 : memref<128x128xf32, #tpu.memory_space<vmem>>)
    %run_scoped3A_129 = arith.constant 15 : i32
    "tpu.region"() ({
      %run_scoped3A_216 = tpu.sem_alloc : memref<!tpu.dma_semaphore, #tpu.memory_space<semaphore_mem>>
      %dma_start3A_217 = arith.constant 0 : i32
      %dma_start3A_218 = tpu.memref_slice %arg7[%run_scoped3A_129, %dma_start3A_217] : memref<16x128xi32, #tpu.memory_space<vmem>> -> memref<1x128xi32, #tpu.memory_space<vmem>>
      %dma_start3A_219 = tpu.memref_squeeze %dma_start3A_218 : memref<1x128xi32, #tpu.memory_space<vmem>> -> memref<128xi32, #tpu.memory_space<vmem>>
      %dma_start3A_220 = arith.constant 0 : i32
      %dma_start3A_221 = arith.constant 0 : i32
      %dma_start3A_222 = tpu.memref_slice %arg12[%dma_start3A_220, %dma_start3A_221] : memref<10240x128xf32, #tpu.memory_space<vmem_shared>> -> memref<10240x128xf32, #tpu.memory_space<vmem_shared>>
      tpu.enqueue_indirect_dma source(%arg11 : memref<128x128xf32, #tpu.memory_space<vmem>>) target(%dma_start3A_222 : memref<10240x128xf32, #tpu.memory_space<vmem_shared>>) offsets(%dma_start3A_219 : memref<128xi32, #tpu.memory_space<vmem>>) semaphore(%run_scoped3A_216 : memref<!tpu.dma_semaphore, #tpu.memory_space<semaphore_mem>>) {add = true}
      %dma_wait3A_223 = arith.constant 0 : i32
      %dma_wait3A_224 = tpu.memref_slice %arg7[%run_scoped3A_129, %dma_wait3A_223] : memref<16x128xi32, #tpu.memory_space<vmem>> -> memref<1x128xi32, #tpu.memory_space<vmem>>
      %dma_wait3A_225 = tpu.memref_squeeze %dma_wait3A_224 : memref<1x128xi32, #tpu.memory_space<vmem>> -> memref<128xi32, #tpu.memory_space<vmem>>
      %dma_wait3A_226 = arith.constant 0 : i32
      %dma_wait3A_227 = arith.constant 0 : i32
      %dma_wait3A_228 = tpu.memref_slice %arg12[%dma_wait3A_226, %dma_wait3A_227] : memref<10240x128xf32, #tpu.memory_space<vmem_shared>> -> memref<10240x128xf32, #tpu.memory_space<vmem_shared>>
      tpu.wait_indirect_dma semaphore(%run_scoped3A_216 : memref<!tpu.dma_semaphore, #tpu.memory_space<semaphore_mem>>) src(%arg11 : memref<128x128xf32, #tpu.memory_space<vmem>>) dst(%dma_wait3A_228 : memref<10240x128xf32, #tpu.memory_space<vmem_shared>>)
      tpu.yield
    }) : () -> ()
    "tpu.region"() ({
      %run_scoped3A_216 = tpu.sem_alloc : memref<!tpu.dma_semaphore, #tpu.memory_space<semaphore_mem>>
      %dma_start3A_217 = arith.constant 64 : i32
      %dma_start3A_218 = arith.constant 0 : i32
      %dma_start3A_219 = tpu.memref_slice %arg3[%add3A, %dma_start3A_217, %dma_start3A_218] : memref<32x80x128xi32, #tpu.memory_space<hbm>> -> memref<1x16x128xi32, #tpu.memory_space<hbm>>
      %dma_start3A_220 = tpu.memref_squeeze %dma_start3A_219 : memref<1x16x128xi32, #tpu.memory_space<hbm>> -> memref<16x128xi32, #tpu.memory_space<hbm>>
      %dma_start3A_221 = arith.constant 64 : i32
      %dma_start3A_222 = arith.constant 0 : i32
      %dma_start3A_223 = tpu.memref_slice %arg3[%add3A, %dma_start3A_221, %dma_start3A_222] : memref<32x80x128xi32, #tpu.memory_space<hbm>> -> memref<1x16x128xi32, #tpu.memory_space<hbm>>
      %dma_start3A_224 = tpu.memref_squeeze %dma_start3A_223 : memref<1x16x128xi32, #tpu.memory_space<hbm>> -> memref<16x128xi32, #tpu.memory_space<hbm>>
      tpu.enqueue_dma source(%dma_start3A_224 : memref<16x128xi32, #tpu.memory_space<hbm>>) target(%arg6 : memref<16x128xi32, #tpu.memory_space<vmem>>) target_semaphore(%run_scoped3A_216 : memref<!tpu.dma_semaphore, #tpu.memory_space<semaphore_mem>>)
      %dma_wait3A_225 = arith.constant 64 : i32
      %dma_wait3A_226 = arith.constant 0 : i32
      %dma_wait3A_227 = tpu.memref_slice %arg3[%add3A, %dma_wait3A_225, %dma_wait3A_226] : memref<32x80x128xi32, #tpu.memory_space<hbm>> -> memref<1x16x128xi32, #tpu.memory_space<hbm>>
      %dma_wait3A_228 = tpu.memref_squeeze %dma_wait3A_227 : memref<1x16x128xi32, #tpu.memory_space<hbm>> -> memref<16x128xi32, #tpu.memory_space<hbm>>
      %dma_wait3A_229 = arith.constant 64 : i32
      %dma_wait3A_230 = arith.constant 0 : i32
      %dma_wait3A_231 = tpu.memref_slice %arg3[%add3A, %dma_wait3A_229, %dma_wait3A_230] : memref<32x80x128xi32, #tpu.memory_space<hbm>> -> memref<1x16x128xi32, #tpu.memory_space<hbm>>
      %dma_wait3A_232 = tpu.memref_squeeze %dma_wait3A_231 : memref<1x16x128xi32, #tpu.memory_space<hbm>> -> memref<16x128xi32, #tpu.memory_space<hbm>>
      tpu.wait_dma2 semaphore(%run_scoped3A_216 : memref<!tpu.dma_semaphore, #tpu.memory_space<semaphore_mem>>) src(%dma_wait3A_232 : memref<16x128xi32, #tpu.memory_space<hbm>>) dst(%arg6 : memref<16x128xi32, #tpu.memory_space<vmem>>)
      tpu.yield
    }) : () -> ()
    "tpu.region"() ({
      %run_scoped3A_216 = tpu.sem_alloc : memref<!tpu.dma_semaphore, #tpu.memory_space<semaphore_mem>>
      %dma_start3A_217 = arith.constant 64 : i32
      %dma_start3A_218 = arith.constant 0 : i32
      %dma_start3A_219 = tpu.memref_slice %arg4[%add3A, %dma_start3A_217, %dma_start3A_218] : memref<32x80x128xi32, #tpu.memory_space<hbm>> -> memref<1x16x128xi32, #tpu.memory_space<hbm>>
      %dma_start3A_220 = tpu.memref_squeeze %dma_start3A_219 : memref<1x16x128xi32, #tpu.memory_space<hbm>> -> memref<16x128xi32, #tpu.memory_space<hbm>>
      %dma_start3A_221 = arith.constant 64 : i32
      %dma_start3A_222 = arith.constant 0 : i32
      %dma_start3A_223 = tpu.memref_slice %arg4[%add3A, %dma_start3A_221, %dma_start3A_222] : memref<32x80x128xi32, #tpu.memory_space<hbm>> -> memref<1x16x128xi32, #tpu.memory_space<hbm>>
      %dma_start3A_224 = tpu.memref_squeeze %dma_start3A_223 : memref<1x16x128xi32, #tpu.memory_space<hbm>> -> memref<16x128xi32, #tpu.memory_space<hbm>>
      tpu.enqueue_dma source(%dma_start3A_224 : memref<16x128xi32, #tpu.memory_space<hbm>>) target(%arg7 : memref<16x128xi32, #tpu.memory_space<vmem>>) target_semaphore(%run_scoped3A_216 : memref<!tpu.dma_semaphore, #tpu.memory_space<semaphore_mem>>)
      %dma_wait3A_225 = arith.constant 64 : i32
      %dma_wait3A_226 = arith.constant 0 : i32
      %dma_wait3A_227 = tpu.memref_slice %arg4[%add3A, %dma_wait3A_225, %dma_wait3A_226] : memref<32x80x128xi32, #tpu.memory_space<hbm>> -> memref<1x16x128xi32, #tpu.memory_space<hbm>>
      %dma_wait3A_228 = tpu.memref_squeeze %dma_wait3A_227 : memref<1x16x128xi32, #tpu.memory_space<hbm>> -> memref<16x128xi32, #tpu.memory_space<hbm>>
      %dma_wait3A_229 = arith.constant 64 : i32
      %dma_wait3A_230 = arith.constant 0 : i32
      %dma_wait3A_231 = tpu.memref_slice %arg4[%add3A, %dma_wait3A_229, %dma_wait3A_230] : memref<32x80x128xi32, #tpu.memory_space<hbm>> -> memref<1x16x128xi32, #tpu.memory_space<hbm>>
      %dma_wait3A_232 = tpu.memref_squeeze %dma_wait3A_231 : memref<1x16x128xi32, #tpu.memory_space<hbm>> -> memref<16x128xi32, #tpu.memory_space<hbm>>
      tpu.wait_dma2 semaphore(%run_scoped3A_216 : memref<!tpu.dma_semaphore, #tpu.memory_space<semaphore_mem>>) src(%dma_wait3A_232 : memref<16x128xi32, #tpu.memory_space<hbm>>) dst(%arg7 : memref<16x128xi32, #tpu.memory_space<vmem>>)
      tpu.yield
    }) : () -> ()
    %scan3A_130 = arith.constant 0 : i32
    %scan3A_131 = arith.constant 0 : i32
    %scan3A_132 = arith.constant 7 : i32
    %scan3A_133 = arith.addi %scan3A_131, %scan3A_132 : i32
    %scan3A_134 = arith.constant 1 : i32
    scf.for %scan3A_216 = %scan3A_131 to %scan3A_133 step %scan3A_134  : i32 {
      %mul3A_217 = arith.constant 2 : i32
      %mul3A_218 = arith.muli %mul3A_217, %scan3A_216 : i32
      %add3A_219 = arith.constant 1 : i32
      %add3A_220 = arith.addi %mul3A_218, %add3A_219 : i32
      %dma_start3A_221 = arith.constant 0 : i32
      %dma_start3A_222 = tpu.memref_slice %arg8[%add3A_220, %dma_start3A_221] : memref<16x128xi32, #tpu.memory_space<vmem>> -> memref<1x128xi32, #tpu.memory_space<vmem>>
      %dma_start3A_223 = tpu.memref_squeeze %dma_start3A_222 : memref<1x128xi32, #tpu.memory_space<vmem>> -> memref<128xi32, #tpu.memory_space<vmem>>
      %dma_start3A_224 = arith.constant 0 : i32
      %dma_start3A_225 = arith.constant 0 : i32
      %dma_start3A_226 = tpu.memref_slice %arg2[%dma_start3A_224, %dma_start3A_225] : memref<10000x128xf32, #tpu.memory_space<hbm>> -> memref<10000x128xf32, #tpu.memory_space<hbm>>
      tpu.enqueue_indirect_dma source(%dma_start3A_226 : memref<10000x128xf32, #tpu.memory_space<hbm>>) target(%arg11 : memref<128x128xf32, #tpu.memory_space<vmem>>) offsets(%dma_start3A_223 : memref<128xi32, #tpu.memory_space<vmem>>) semaphore(%arg14 : memref<!tpu.dma_semaphore, #tpu.memory_space<semaphore_mem>>)
      %dma_wait3A_227 = arith.constant 0 : i32
      %dma_wait3A_228 = tpu.memref_slice %arg8[%mul3A_218, %dma_wait3A_227] : memref<16x128xi32, #tpu.memory_space<vmem>> -> memref<1x128xi32, #tpu.memory_space<vmem>>
      %dma_wait3A_229 = tpu.memref_squeeze %dma_wait3A_228 : memref<1x128xi32, #tpu.memory_space<vmem>> -> memref<128xi32, #tpu.memory_space<vmem>>
      %dma_wait3A_230 = arith.constant 0 : i32
      %dma_wait3A_231 = arith.constant 0 : i32
      %dma_wait3A_232 = tpu.memref_slice %arg2[%dma_wait3A_230, %dma_wait3A_231] : memref<10000x128xf32, #tpu.memory_space<hbm>> -> memref<10000x128xf32, #tpu.memory_space<hbm>>
      tpu.wait_indirect_dma semaphore(%arg13 : memref<!tpu.dma_semaphore, #tpu.memory_space<semaphore_mem>>) src(%dma_wait3A_232 : memref<10000x128xf32, #tpu.memory_space<hbm>>) dst(%arg10 : memref<128x128xf32, #tpu.memory_space<vmem>>)
      "tpu.region"() ({
        %run_scoped3A_251 = tpu.sem_alloc : memref<!tpu.dma_semaphore, #tpu.memory_space<semaphore_mem>>
        %dma_start3A_252 = arith.constant 0 : i32
        %dma_start3A_253 = tpu.memref_slice %arg9[%mul3A_218, %dma_start3A_252] : memref<16x128xi32, #tpu.memory_space<vmem>> -> memref<1x128xi32, #tpu.memory_space<vmem>>
        %dma_start3A_254 = tpu.memref_squeeze %dma_start3A_253 : memref<1x128xi32, #tpu.memory_space<vmem>> -> memref<128xi32, #tpu.memory_space<vmem>>
        %dma_start3A_255 = arith.constant 0 : i32
        %dma_start3A_256 = arith.constant 0 : i32
        %dma_start3A_257 = tpu.memref_slice %arg12[%dma_start3A_255, %dma_start3A_256] : memref<10240x128xf32, #tpu.memory_space<vmem_shared>> -> memref<10240x128xf32, #tpu.memory_space<vmem_shared>>
        tpu.enqueue_indirect_dma source(%arg10 : memref<128x128xf32, #tpu.memory_space<vmem>>) target(%dma_start3A_257 : memref<10240x128xf32, #tpu.memory_space<vmem_shared>>) offsets(%dma_start3A_254 : memref<128xi32, #tpu.memory_space<vmem>>) semaphore(%run_scoped3A_251 : memref<!tpu.dma_semaphore, #tpu.memory_space<semaphore_mem>>) {add = true}
        %dma_wait3A_258 = arith.constant 0 : i32
        %dma_wait3A_259 = tpu.memref_slice %arg9[%mul3A_218, %dma_wait3A_258] : memref<16x128xi32, #tpu.memory_space<vmem>> -> memref<1x128xi32, #tpu.memory_space<vmem>>
        %dma_wait3A_260 = tpu.memref_squeeze %dma_wait3A_259 : memref<1x128xi32, #tpu.memory_space<vmem>> -> memref<128xi32, #tpu.memory_space<vmem>>
        %dma_wait3A_261 = arith.constant 0 : i32
        %dma_wait3A_262 = arith.constant 0 : i32
        %dma_wait3A_263 = tpu.memref_slice %arg12[%dma_wait3A_261, %dma_wait3A_262] : memref<10240x128xf32, #tpu.memory_space<vmem_shared>> -> memref<10240x128xf32, #tpu.memory_space<vmem_shared>>
        tpu.wait_indirect_dma semaphore(%run_scoped3A_251 : memref<!tpu.dma_semaphore, #tpu.memory_space<semaphore_mem>>) src(%arg10 : memref<128x128xf32, #tpu.memory_space<vmem>>) dst(%dma_wait3A_263 : memref<10240x128xf32, #tpu.memory_space<vmem_shared>>)
        tpu.yield
      }) : () -> ()
      %add3A_233 = arith.constant 2 : i32
      %add3A_234 = arith.addi %mul3A_218, %add3A_233 : i32
      %dma_start3A_235 = arith.constant 0 : i32
      %dma_start3A_236 = tpu.memref_slice %arg8[%add3A_234, %dma_start3A_235] : memref<16x128xi32, #tpu.memory_space<vmem>> -> memref<1x128xi32, #tpu.memory_space<vmem>>
      %dma_start3A_237 = tpu.memref_squeeze %dma_start3A_236 : memref<1x128xi32, #tpu.memory_space<vmem>> -> memref<128xi32, #tpu.memory_space<vmem>>
      %dma_start3A_238 = arith.constant 0 : i32
      %dma_start3A_239 = arith.constant 0 : i32
      %dma_start3A_240 = tpu.memref_slice %arg2[%dma_start3A_238, %dma_start3A_239] : memref<10000x128xf32, #tpu.memory_space<hbm>> -> memref<10000x128xf32, #tpu.memory_space<hbm>>
      tpu.enqueue_indirect_dma source(%dma_start3A_240 : memref<10000x128xf32, #tpu.memory_space<hbm>>) target(%arg10 : memref<128x128xf32, #tpu.memory_space<vmem>>) offsets(%dma_start3A_237 : memref<128xi32, #tpu.memory_space<vmem>>) semaphore(%arg13 : memref<!tpu.dma_semaphore, #tpu.memory_space<semaphore_mem>>)
      %add3A_241 = arith.constant 1 : i32
      %add3A_242 = arith.addi %mul3A_218, %add3A_241 : i32
      %dma_wait3A_243 = arith.constant 0 : i32
      %dma_wait3A_244 = tpu.memref_slice %arg8[%add3A_242, %dma_wait3A_243] : memref<16x128xi32, #tpu.memory_space<vmem>> -> memref<1x128xi32, #tpu.memory_space<vmem>>
      %dma_wait3A_245 = tpu.memref_squeeze %dma_wait3A_244 : memref<1x128xi32, #tpu.memory_space<vmem>> -> memref<128xi32, #tpu.memory_space<vmem>>
      %dma_wait3A_246 = arith.constant 0 : i32
      %dma_wait3A_247 = arith.constant 0 : i32
      %dma_wait3A_248 = tpu.memref_slice %arg2[%dma_wait3A_246, %dma_wait3A_247] : memref<10000x128xf32, #tpu.memory_space<hbm>> -> memref<10000x128xf32, #tpu.memory_space<hbm>>
      tpu.wait_indirect_dma semaphore(%arg14 : memref<!tpu.dma_semaphore, #tpu.memory_space<semaphore_mem>>) src(%dma_wait3A_248 : memref<10000x128xf32, #tpu.memory_space<hbm>>) dst(%arg11 : memref<128x128xf32, #tpu.memory_space<vmem>>)
      %add3A_249 = arith.constant 1 : i32
      %add3A_250 = arith.addi %mul3A_218, %add3A_249 : i32
      "tpu.region"() ({
        %run_scoped3A_251 = tpu.sem_alloc : memref<!tpu.dma_semaphore, #tpu.memory_space<semaphore_mem>>
        %dma_start3A_252 = arith.constant 0 : i32
        %dma_start3A_253 = tpu.memref_slice %arg9[%add3A_250, %dma_start3A_252] : memref<16x128xi32, #tpu.memory_space<vmem>> -> memref<1x128xi32, #tpu.memory_space<vmem>>
        %dma_start3A_254 = tpu.memref_squeeze %dma_start3A_253 : memref<1x128xi32, #tpu.memory_space<vmem>> -> memref<128xi32, #tpu.memory_space<vmem>>
        %dma_start3A_255 = arith.constant 0 : i32
        %dma_start3A_256 = arith.constant 0 : i32
        %dma_start3A_257 = tpu.memref_slice %arg12[%dma_start3A_255, %dma_start3A_256] : memref<10240x128xf32, #tpu.memory_space<vmem_shared>> -> memref<10240x128xf32, #tpu.memory_space<vmem_shared>>
        tpu.enqueue_indirect_dma source(%arg11 : memref<128x128xf32, #tpu.memory_space<vmem>>) target(%dma_start3A_257 : memref<10240x128xf32, #tpu.memory_space<vmem_shared>>) offsets(%dma_start3A_254 : memref<128xi32, #tpu.memory_space<vmem>>) semaphore(%run_scoped3A_251 : memref<!tpu.dma_semaphore, #tpu.memory_space<semaphore_mem>>) {add = true}
        %dma_wait3A_258 = arith.constant 0 : i32
        %dma_wait3A_259 = tpu.memref_slice %arg9[%add3A_250, %dma_wait3A_258] : memref<16x128xi32, #tpu.memory_space<vmem>> -> memref<1x128xi32, #tpu.memory_space<vmem>>
        %dma_wait3A_260 = tpu.memref_squeeze %dma_wait3A_259 : memref<1x128xi32, #tpu.memory_space<vmem>> -> memref<128xi32, #tpu.memory_space<vmem>>
        %dma_wait3A_261 = arith.constant 0 : i32
        %dma_wait3A_262 = arith.constant 0 : i32
        %dma_wait3A_263 = tpu.memref_slice %arg12[%dma_wait3A_261, %dma_wait3A_262] : memref<10240x128xf32, #tpu.memory_space<vmem_shared>> -> memref<10240x128xf32, #tpu.memory_space<vmem_shared>>
        tpu.wait_indirect_dma semaphore(%run_scoped3A_251 : memref<!tpu.dma_semaphore, #tpu.memory_space<semaphore_mem>>) src(%arg11 : memref<128x128xf32, #tpu.memory_space<vmem>>) dst(%dma_wait3A_263 : memref<10240x128xf32, #tpu.memory_space<vmem_shared>>)
        tpu.yield
      }) : () -> ()
    }
    %scan3A_135 = arith.constant 7 : i32
    %dma_start3A_136 = arith.constant 15 : i32
    %dma_start3A_137 = arith.constant 0 : i32
    %dma_start3A_138 = tpu.memref_slice %arg8[%dma_start3A_136, %dma_start3A_137] : memref<16x128xi32, #tpu.memory_space<vmem>> -> memref<1x128xi32, #tpu.memory_space<vmem>>
    %dma_start3A_139 = tpu.memref_squeeze %dma_start3A_138 : memref<1x128xi32, #tpu.memory_space<vmem>> -> memref<128xi32, #tpu.memory_space<vmem>>
    %dma_start3A_140 = arith.constant 0 : i32
    %dma_start3A_141 = arith.constant 0 : i32
    %dma_start3A_142 = tpu.memref_slice %arg2[%dma_start3A_140, %dma_start3A_141] : memref<10000x128xf32, #tpu.memory_space<hbm>> -> memref<10000x128xf32, #tpu.memory_space<hbm>>
    tpu.enqueue_indirect_dma source(%dma_start3A_142 : memref<10000x128xf32, #tpu.memory_space<hbm>>) target(%arg11 : memref<128x128xf32, #tpu.memory_space<vmem>>) offsets(%dma_start3A_139 : memref<128xi32, #tpu.memory_space<vmem>>) semaphore(%arg14 : memref<!tpu.dma_semaphore, #tpu.memory_space<semaphore_mem>>)
    %dma_wait3A_143 = arith.constant 14 : i32
    %dma_wait3A_144 = arith.constant 0 : i32
    %dma_wait3A_145 = tpu.memref_slice %arg8[%dma_wait3A_143, %dma_wait3A_144] : memref<16x128xi32, #tpu.memory_space<vmem>> -> memref<1x128xi32, #tpu.memory_space<vmem>>
    %dma_wait3A_146 = tpu.memref_squeeze %dma_wait3A_145 : memref<1x128xi32, #tpu.memory_space<vmem>> -> memref<128xi32, #tpu.memory_space<vmem>>
    %dma_wait3A_147 = arith.constant 0 : i32
    %dma_wait3A_148 = arith.constant 0 : i32
    %dma_wait3A_149 = tpu.memref_slice %arg2[%dma_wait3A_147, %dma_wait3A_148] : memref<10000x128xf32, #tpu.memory_space<hbm>> -> memref<10000x128xf32, #tpu.memory_space<hbm>>
    tpu.wait_indirect_dma semaphore(%arg13 : memref<!tpu.dma_semaphore, #tpu.memory_space<semaphore_mem>>) src(%dma_wait3A_149 : memref<10000x128xf32, #tpu.memory_space<hbm>>) dst(%arg10 : memref<128x128xf32, #tpu.memory_space<vmem>>)
    %run_scoped3A_150 = arith.constant 14 : i32
    "tpu.region"() ({
      %run_scoped3A_216 = tpu.sem_alloc : memref<!tpu.dma_semaphore, #tpu.memory_space<semaphore_mem>>
      %dma_start3A_217 = arith.constant 0 : i32
      %dma_start3A_218 = tpu.memref_slice %arg9[%run_scoped3A_150, %dma_start3A_217] : memref<16x128xi32, #tpu.memory_space<vmem>> -> memref<1x128xi32, #tpu.memory_space<vmem>>
      %dma_start3A_219 = tpu.memref_squeeze %dma_start3A_218 : memref<1x128xi32, #tpu.memory_space<vmem>> -> memref<128xi32, #tpu.memory_space<vmem>>
      %dma_start3A_220 = arith.constant 0 : i32
      %dma_start3A_221 = arith.constant 0 : i32
      %dma_start3A_222 = tpu.memref_slice %arg12[%dma_start3A_220, %dma_start3A_221] : memref<10240x128xf32, #tpu.memory_space<vmem_shared>> -> memref<10240x128xf32, #tpu.memory_space<vmem_shared>>
      tpu.enqueue_indirect_dma source(%arg10 : memref<128x128xf32, #tpu.memory_space<vmem>>) target(%dma_start3A_222 : memref<10240x128xf32, #tpu.memory_space<vmem_shared>>) offsets(%dma_start3A_219 : memref<128xi32, #tpu.memory_space<vmem>>) semaphore(%run_scoped3A_216 : memref<!tpu.dma_semaphore, #tpu.memory_space<semaphore_mem>>) {add = true}
      %dma_wait3A_223 = arith.constant 0 : i32
      %dma_wait3A_224 = tpu.memref_slice %arg9[%run_scoped3A_150, %dma_wait3A_223] : memref<16x128xi32, #tpu.memory_space<vmem>> -> memref<1x128xi32, #tpu.memory_space<vmem>>
      %dma_wait3A_225 = tpu.memref_squeeze %dma_wait3A_224 : memref<1x128xi32, #tpu.memory_space<vmem>> -> memref<128xi32, #tpu.memory_space<vmem>>
      %dma_wait3A_226 = arith.constant 0 : i32
      %dma_wait3A_227 = arith.constant 0 : i32
      %dma_wait3A_228 = tpu.memref_slice %arg12[%dma_wait3A_226, %dma_wait3A_227] : memref<10240x128xf32, #tpu.memory_space<vmem_shared>> -> memref<10240x128xf32, #tpu.memory_space<vmem_shared>>
      tpu.wait_indirect_dma semaphore(%run_scoped3A_216 : memref<!tpu.dma_semaphore, #tpu.memory_space<semaphore_mem>>) src(%arg10 : memref<128x128xf32, #tpu.memory_space<vmem>>) dst(%dma_wait3A_228 : memref<10240x128xf32, #tpu.memory_space<vmem_shared>>)
      tpu.yield
    }) : () -> ()
    %dma_start3A_151 = arith.constant 0 : i32
    %dma_start3A_152 = arith.constant 0 : i32
    %dma_start3A_153 = tpu.memref_slice %arg6[%dma_start3A_151, %dma_start3A_152] : memref<16x128xi32, #tpu.memory_space<vmem>> -> memref<1x128xi32, #tpu.memory_space<vmem>>
    %dma_start3A_154 = tpu.memref_squeeze %dma_start3A_153 : memref<1x128xi32, #tpu.memory_space<vmem>> -> memref<128xi32, #tpu.memory_space<vmem>>
    %dma_start3A_155 = arith.constant 0 : i32
    %dma_start3A_156 = arith.constant 0 : i32
    %dma_start3A_157 = tpu.memref_slice %arg2[%dma_start3A_155, %dma_start3A_156] : memref<10000x128xf32, #tpu.memory_space<hbm>> -> memref<10000x128xf32, #tpu.memory_space<hbm>>
    tpu.enqueue_indirect_dma source(%dma_start3A_157 : memref<10000x128xf32, #tpu.memory_space<hbm>>) target(%arg10 : memref<128x128xf32, #tpu.memory_space<vmem>>) offsets(%dma_start3A_154 : memref<128xi32, #tpu.memory_space<vmem>>) semaphore(%arg13 : memref<!tpu.dma_semaphore, #tpu.memory_space<semaphore_mem>>)
    %dma_wait3A_158 = arith.constant 15 : i32
    %dma_wait3A_159 = arith.constant 0 : i32
    %dma_wait3A_160 = tpu.memref_slice %arg8[%dma_wait3A_158, %dma_wait3A_159] : memref<16x128xi32, #tpu.memory_space<vmem>> -> memref<1x128xi32, #tpu.memory_space<vmem>>
    %dma_wait3A_161 = tpu.memref_squeeze %dma_wait3A_160 : memref<1x128xi32, #tpu.memory_space<vmem>> -> memref<128xi32, #tpu.memory_space<vmem>>
    %dma_wait3A_162 = arith.constant 0 : i32
    %dma_wait3A_163 = arith.constant 0 : i32
    %dma_wait3A_164 = tpu.memref_slice %arg2[%dma_wait3A_162, %dma_wait3A_163] : memref<10000x128xf32, #tpu.memory_space<hbm>> -> memref<10000x128xf32, #tpu.memory_space<hbm>>
    tpu.wait_indirect_dma semaphore(%arg14 : memref<!tpu.dma_semaphore, #tpu.memory_space<semaphore_mem>>) src(%dma_wait3A_164 : memref<10000x128xf32, #tpu.memory_space<hbm>>) dst(%arg11 : memref<128x128xf32, #tpu.memory_space<vmem>>)
    %run_scoped3A_165 = arith.constant 15 : i32
    "tpu.region"() ({
      %run_scoped3A_216 = tpu.sem_alloc : memref<!tpu.dma_semaphore, #tpu.memory_space<semaphore_mem>>
      %dma_start3A_217 = arith.constant 0 : i32
      %dma_start3A_218 = tpu.memref_slice %arg9[%run_scoped3A_165, %dma_start3A_217] : memref<16x128xi32, #tpu.memory_space<vmem>> -> memref<1x128xi32, #tpu.memory_space<vmem>>
      %dma_start3A_219 = tpu.memref_squeeze %dma_start3A_218 : memref<1x128xi32, #tpu.memory_space<vmem>> -> memref<128xi32, #tpu.memory_space<vmem>>
      %dma_start3A_220 = arith.constant 0 : i32
      %dma_start3A_221 = arith.constant 0 : i32
      %dma_start3A_222 = tpu.memref_slice %arg12[%dma_start3A_220, %dma_start3A_221] : memref<10240x128xf32, #tpu.memory_space<vmem_shared>> -> memref<10240x128xf32, #tpu.memory_space<vmem_shared>>
      tpu.enqueue_indirect_dma source(%arg11 : memref<128x128xf32, #tpu.memory_space<vmem>>) target(%dma_start3A_222 : memref<10240x128xf32, #tpu.memory_space<vmem_shared>>) offsets(%dma_start3A_219 : memref<128xi32, #tpu.memory_space<vmem>>) semaphore(%run_scoped3A_216 : memref<!tpu.dma_semaphore, #tpu.memory_space<semaphore_mem>>) {add = true}
      %dma_wait3A_223 = arith.constant 0 : i32
      %dma_wait3A_224 = tpu.memref_slice %arg9[%run_scoped3A_165, %dma_wait3A_223] : memref<16x128xi32, #tpu.memory_space<vmem>> -> memref<1x128xi32, #tpu.memory_space<vmem>>
      %dma_wait3A_225 = tpu.memref_squeeze %dma_wait3A_224 : memref<1x128xi32, #tpu.memory_space<vmem>> -> memref<128xi32, #tpu.memory_space<vmem>>
      %dma_wait3A_226 = arith.constant 0 : i32
      %dma_wait3A_227 = arith.constant 0 : i32
      %dma_wait3A_228 = tpu.memref_slice %arg12[%dma_wait3A_226, %dma_wait3A_227] : memref<10240x128xf32, #tpu.memory_space<vmem_shared>> -> memref<10240x128xf32, #tpu.memory_space<vmem_shared>>
      tpu.wait_indirect_dma semaphore(%run_scoped3A_216 : memref<!tpu.dma_semaphore, #tpu.memory_space<semaphore_mem>>) src(%arg11 : memref<128x128xf32, #tpu.memory_space<vmem>>) dst(%dma_wait3A_228 : memref<10240x128xf32, #tpu.memory_space<vmem_shared>>)
      tpu.yield
    }) : () -> ()
    %scan3A_166 = arith.constant 0 : i32
    %scan3A_167 = arith.constant 0 : i32
    %scan3A_168 = arith.constant 7 : i32
    %scan3A_169 = arith.addi %scan3A_167, %scan3A_168 : i32
    %scan3A_170 = arith.constant 1 : i32
    scf.for %scan3A_216 = %scan3A_167 to %scan3A_169 step %scan3A_170  : i32 {
      %mul3A_217 = arith.constant 2 : i32
      %mul3A_218 = arith.muli %mul3A_217, %scan3A_216 : i32
      %add3A_219 = arith.constant 1 : i32
      %add3A_220 = arith.addi %mul3A_218, %add3A_219 : i32
      %dma_start3A_221 = arith.constant 0 : i32
      %dma_start3A_222 = tpu.memref_slice %arg6[%add3A_220, %dma_start3A_221] : memref<16x128xi32, #tpu.memory_space<vmem>> -> memref<1x128xi32, #tpu.memory_space<vmem>>
      %dma_start3A_223 = tpu.memref_squeeze %dma_start3A_222 : memref<1x128xi32, #tpu.memory_space<vmem>> -> memref<128xi32, #tpu.memory_space<vmem>>
      %dma_start3A_224 = arith.constant 0 : i32
      %dma_start3A_225 = arith.constant 0 : i32
      %dma_start3A_226 = tpu.memref_slice %arg2[%dma_start3A_224, %dma_start3A_225] : memref<10000x128xf32, #tpu.memory_space<hbm>> -> memref<10000x128xf32, #tpu.memory_space<hbm>>
      tpu.enqueue_indirect_dma source(%dma_start3A_226 : memref<10000x128xf32, #tpu.memory_space<hbm>>) target(%arg11 : memref<128x128xf32, #tpu.memory_space<vmem>>) offsets(%dma_start3A_223 : memref<128xi32, #tpu.memory_space<vmem>>) semaphore(%arg14 : memref<!tpu.dma_semaphore, #tpu.memory_space<semaphore_mem>>)
      %dma_wait3A_227 = arith.constant 0 : i32
      %dma_wait3A_228 = tpu.memref_slice %arg6[%mul3A_218, %dma_wait3A_227] : memref<16x128xi32, #tpu.memory_space<vmem>> -> memref<1x128xi32, #tpu.memory_space<vmem>>
      %dma_wait3A_229 = tpu.memref_squeeze %dma_wait3A_228 : memref<1x128xi32, #tpu.memory_space<vmem>> -> memref<128xi32, #tpu.memory_space<vmem>>
      %dma_wait3A_230 = arith.constant 0 : i32
      %dma_wait3A_231 = arith.constant 0 : i32
      %dma_wait3A_232 = tpu.memref_slice %arg2[%dma_wait3A_230, %dma_wait3A_231] : memref<10000x128xf32, #tpu.memory_space<hbm>> -> memref<10000x128xf32, #tpu.memory_space<hbm>>
      tpu.wait_indirect_dma semaphore(%arg13 : memref<!tpu.dma_semaphore, #tpu.memory_space<semaphore_mem>>) src(%dma_wait3A_232 : memref<10000x128xf32, #tpu.memory_space<hbm>>) dst(%arg10 : memref<128x128xf32, #tpu.memory_space<vmem>>)
      "tpu.region"() ({
        %run_scoped3A_251 = tpu.sem_alloc : memref<!tpu.dma_semaphore, #tpu.memory_space<semaphore_mem>>
        %dma_start3A_252 = arith.constant 0 : i32
        %dma_start3A_253 = tpu.memref_slice %arg7[%mul3A_218, %dma_start3A_252] : memref<16x128xi32, #tpu.memory_space<vmem>> -> memref<1x128xi32, #tpu.memory_space<vmem>>
        %dma_start3A_254 = tpu.memref_squeeze %dma_start3A_253 : memref<1x128xi32, #tpu.memory_space<vmem>> -> memref<128xi32, #tpu.memory_space<vmem>>
        %dma_start3A_255 = arith.constant 0 : i32
        %dma_start3A_256 = arith.constant 0 : i32
        %dma_start3A_257 = tpu.memref_slice %arg12[%dma_start3A_255, %dma_start3A_256] : memref<10240x128xf32, #tpu.memory_space<vmem_shared>> -> memref<10240x128xf32, #tpu.memory_space<vmem_shared>>
        tpu.enqueue_indirect_dma source(%arg10 : memref<128x128xf32, #tpu.memory_space<vmem>>) target(%dma_start3A_257 : memref<10240x128xf32, #tpu.memory_space<vmem_shared>>) offsets(%dma_start3A_254 : memref<128xi32, #tpu.memory_space<vmem>>) semaphore(%run_scoped3A_251 : memref<!tpu.dma_semaphore, #tpu.memory_space<semaphore_mem>>) {add = true}
        %dma_wait3A_258 = arith.constant 0 : i32
        %dma_wait3A_259 = tpu.memref_slice %arg7[%mul3A_218, %dma_wait3A_258] : memref<16x128xi32, #tpu.memory_space<vmem>> -> memref<1x128xi32, #tpu.memory_space<vmem>>
        %dma_wait3A_260 = tpu.memref_squeeze %dma_wait3A_259 : memref<1x128xi32, #tpu.memory_space<vmem>> -> memref<128xi32, #tpu.memory_space<vmem>>
        %dma_wait3A_261 = arith.constant 0 : i32
        %dma_wait3A_262 = arith.constant 0 : i32
        %dma_wait3A_263 = tpu.memref_slice %arg12[%dma_wait3A_261, %dma_wait3A_262] : memref<10240x128xf32, #tpu.memory_space<vmem_shared>> -> memref<10240x128xf32, #tpu.memory_space<vmem_shared>>
        tpu.wait_indirect_dma semaphore(%run_scoped3A_251 : memref<!tpu.dma_semaphore, #tpu.memory_space<semaphore_mem>>) src(%arg10 : memref<128x128xf32, #tpu.memory_space<vmem>>) dst(%dma_wait3A_263 : memref<10240x128xf32, #tpu.memory_space<vmem_shared>>)
        tpu.yield
      }) : () -> ()
      %add3A_233 = arith.constant 2 : i32
      %add3A_234 = arith.addi %mul3A_218, %add3A_233 : i32
      %dma_start3A_235 = arith.constant 0 : i32
      %dma_start3A_236 = tpu.memref_slice %arg6[%add3A_234, %dma_start3A_235] : memref<16x128xi32, #tpu.memory_space<vmem>> -> memref<1x128xi32, #tpu.memory_space<vmem>>
      %dma_start3A_237 = tpu.memref_squeeze %dma_start3A_236 : memref<1x128xi32, #tpu.memory_space<vmem>> -> memref<128xi32, #tpu.memory_space<vmem>>
      %dma_start3A_238 = arith.constant 0 : i32
      %dma_start3A_239 = arith.constant 0 : i32
      %dma_start3A_240 = tpu.memref_slice %arg2[%dma_start3A_238, %dma_start3A_239] : memref<10000x128xf32, #tpu.memory_space<hbm>> -> memref<10000x128xf32, #tpu.memory_space<hbm>>
      tpu.enqueue_indirect_dma source(%dma_start3A_240 : memref<10000x128xf32, #tpu.memory_space<hbm>>) target(%arg10 : memref<128x128xf32, #tpu.memory_space<vmem>>) offsets(%dma_start3A_237 : memref<128xi32, #tpu.memory_space<vmem>>) semaphore(%arg13 : memref<!tpu.dma_semaphore, #tpu.memory_space<semaphore_mem>>)
      %add3A_241 = arith.constant 1 : i32
      %add3A_242 = arith.addi %mul3A_218, %add3A_241 : i32
      %dma_wait3A_243 = arith.constant 0 : i32
      %dma_wait3A_244 = tpu.memref_slice %arg6[%add3A_242, %dma_wait3A_243] : memref<16x128xi32, #tpu.memory_space<vmem>> -> memref<1x128xi32, #tpu.memory_space<vmem>>
      %dma_wait3A_245 = tpu.memref_squeeze %dma_wait3A_244 : memref<1x128xi32, #tpu.memory_space<vmem>> -> memref<128xi32, #tpu.memory_space<vmem>>
      %dma_wait3A_246 = arith.constant 0 : i32
      %dma_wait3A_247 = arith.constant 0 : i32
      %dma_wait3A_248 = tpu.memref_slice %arg2[%dma_wait3A_246, %dma_wait3A_247] : memref<10000x128xf32, #tpu.memory_space<hbm>> -> memref<10000x128xf32, #tpu.memory_space<hbm>>
      tpu.wait_indirect_dma semaphore(%arg14 : memref<!tpu.dma_semaphore, #tpu.memory_space<semaphore_mem>>) src(%dma_wait3A_248 : memref<10000x128xf32, #tpu.memory_space<hbm>>) dst(%arg11 : memref<128x128xf32, #tpu.memory_space<vmem>>)
      %add3A_249 = arith.constant 1 : i32
      %add3A_250 = arith.addi %mul3A_218, %add3A_249 : i32
      "tpu.region"() ({
        %run_scoped3A_251 = tpu.sem_alloc : memref<!tpu.dma_semaphore, #tpu.memory_space<semaphore_mem>>
        %dma_start3A_252 = arith.constant 0 : i32
        %dma_start3A_253 = tpu.memref_slice %arg7[%add3A_250, %dma_start3A_252] : memref<16x128xi32, #tpu.memory_space<vmem>> -> memref<1x128xi32, #tpu.memory_space<vmem>>
        %dma_start3A_254 = tpu.memref_squeeze %dma_start3A_253 : memref<1x128xi32, #tpu.memory_space<vmem>> -> memref<128xi32, #tpu.memory_space<vmem>>
        %dma_start3A_255 = arith.constant 0 : i32
        %dma_start3A_256 = arith.constant 0 : i32
        %dma_start3A_257 = tpu.memref_slice %arg12[%dma_start3A_255, %dma_start3A_256] : memref<10240x128xf32, #tpu.memory_space<vmem_shared>> -> memref<10240x128xf32, #tpu.memory_space<vmem_shared>>
        tpu.enqueue_indirect_dma source(%arg11 : memref<128x128xf32, #tpu.memory_space<vmem>>) target(%dma_start3A_257 : memref<10240x128xf32, #tpu.memory_space<vmem_shared>>) offsets(%dma_start3A_254 : memref<128xi32, #tpu.memory_space<vmem>>) semaphore(%run_scoped3A_251 : memref<!tpu.dma_semaphore, #tpu.memory_space<semaphore_mem>>) {add = true}
        %dma_wait3A_258 = arith.constant 0 : i32
        %dma_wait3A_259 = tpu.memref_slice %arg7[%add3A_250, %dma_wait3A_258] : memref<16x128xi32, #tpu.memory_space<vmem>> -> memref<1x128xi32, #tpu.memory_space<vmem>>
        %dma_wait3A_260 = tpu.memref_squeeze %dma_wait3A_259 : memref<1x128xi32, #tpu.memory_space<vmem>> -> memref<128xi32, #tpu.memory_space<vmem>>
        %dma_wait3A_261 = arith.constant 0 : i32
        %dma_wait3A_262 = arith.constant 0 : i32
        %dma_wait3A_263 = tpu.memref_slice %arg12[%dma_wait3A_261, %dma_wait3A_262] : memref<10240x128xf32, #tpu.memory_space<vmem_shared>> -> memref<10240x128xf32, #tpu.memory_space<vmem_shared>>
        tpu.wait_indirect_dma semaphore(%run_scoped3A_251 : memref<!tpu.dma_semaphore, #tpu.memory_space<semaphore_mem>>) src(%arg11 : memref<128x128xf32, #tpu.memory_space<vmem>>) dst(%dma_wait3A_263 : memref<10240x128xf32, #tpu.memory_space<vmem_shared>>)
        tpu.yield
      }) : () -> ()
    }
    %scan3A_171 = arith.constant 7 : i32
    %dma_start3A_172 = arith.constant 15 : i32
    %dma_start3A_173 = arith.constant 0 : i32
    %dma_start3A_174 = tpu.memref_slice %arg6[%dma_start3A_172, %dma_start3A_173] : memref<16x128xi32, #tpu.memory_space<vmem>> -> memref<1x128xi32, #tpu.memory_space<vmem>>
    %dma_start3A_175 = tpu.memref_squeeze %dma_start3A_174 : memref<1x128xi32, #tpu.memory_space<vmem>> -> memref<128xi32, #tpu.memory_space<vmem>>
    %dma_start3A_176 = arith.constant 0 : i32
    %dma_start3A_177 = arith.constant 0 : i32
    %dma_start3A_178 = tpu.memref_slice %arg2[%dma_start3A_176, %dma_start3A_177] : memref<10000x128xf32, #tpu.memory_space<hbm>> -> memref<10000x128xf32, #tpu.memory_space<hbm>>
    tpu.enqueue_indirect_dma source(%dma_start3A_178 : memref<10000x128xf32, #tpu.memory_space<hbm>>) target(%arg11 : memref<128x128xf32, #tpu.memory_space<vmem>>) offsets(%dma_start3A_175 : memref<128xi32, #tpu.memory_space<vmem>>) semaphore(%arg14 : memref<!tpu.dma_semaphore, #tpu.memory_space<semaphore_mem>>)
    %dma_wait3A_179 = arith.constant 14 : i32
    %dma_wait3A_180 = arith.constant 0 : i32
    %dma_wait3A_181 = tpu.memref_slice %arg6[%dma_wait3A_179, %dma_wait3A_180] : memref<16x128xi32, #tpu.memory_space<vmem>> -> memref<1x128xi32, #tpu.memory_space<vmem>>
    %dma_wait3A_182 = tpu.memref_squeeze %dma_wait3A_181 : memref<1x128xi32, #tpu.memory_space<vmem>> -> memref<128xi32, #tpu.memory_space<vmem>>
    %dma_wait3A_183 = arith.constant 0 : i32
    %dma_wait3A_184 = arith.constant 0 : i32
    %dma_wait3A_185 = tpu.memref_slice %arg2[%dma_wait3A_183, %dma_wait3A_184] : memref<10000x128xf32, #tpu.memory_space<hbm>> -> memref<10000x128xf32, #tpu.memory_space<hbm>>
    tpu.wait_indirect_dma semaphore(%arg13 : memref<!tpu.dma_semaphore, #tpu.memory_space<semaphore_mem>>) src(%dma_wait3A_185 : memref<10000x128xf32, #tpu.memory_space<hbm>>) dst(%arg10 : memref<128x128xf32, #tpu.memory_space<vmem>>)
    %run_scoped3A_186 = arith.constant 14 : i32
    "tpu.region"() ({
      %run_scoped3A_216 = tpu.sem_alloc : memref<!tpu.dma_semaphore, #tpu.memory_space<semaphore_mem>>
      %dma_start3A_217 = arith.constant 0 : i32
      %dma_start3A_218 = tpu.memref_slice %arg7[%run_scoped3A_186, %dma_start3A_217] : memref<16x128xi32, #tpu.memory_space<vmem>> -> memref<1x128xi32, #tpu.memory_space<vmem>>
      %dma_start3A_219 = tpu.memref_squeeze %dma_start3A_218 : memref<1x128xi32, #tpu.memory_space<vmem>> -> memref<128xi32, #tpu.memory_space<vmem>>
      %dma_start3A_220 = arith.constant 0 : i32
      %dma_start3A_221 = arith.constant 0 : i32
      %dma_start3A_222 = tpu.memref_slice %arg12[%dma_start3A_220, %dma_start3A_221] : memref<10240x128xf32, #tpu.memory_space<vmem_shared>> -> memref<10240x128xf32, #tpu.memory_space<vmem_shared>>
      tpu.enqueue_indirect_dma source(%arg10 : memref<128x128xf32, #tpu.memory_space<vmem>>) target(%dma_start3A_222 : memref<10240x128xf32, #tpu.memory_space<vmem_shared>>) offsets(%dma_start3A_219 : memref<128xi32, #tpu.memory_space<vmem>>) semaphore(%run_scoped3A_216 : memref<!tpu.dma_semaphore, #tpu.memory_space<semaphore_mem>>) {add = true}
      %dma_wait3A_223 = arith.constant 0 : i32
      %dma_wait3A_224 = tpu.memref_slice %arg7[%run_scoped3A_186, %dma_wait3A_223] : memref<16x128xi32, #tpu.memory_space<vmem>> -> memref<1x128xi32, #tpu.memory_space<vmem>>
      %dma_wait3A_225 = tpu.memref_squeeze %dma_wait3A_224 : memref<1x128xi32, #tpu.memory_space<vmem>> -> memref<128xi32, #tpu.memory_space<vmem>>
      %dma_wait3A_226 = arith.constant 0 : i32
      %dma_wait3A_227 = arith.constant 0 : i32
      %dma_wait3A_228 = tpu.memref_slice %arg12[%dma_wait3A_226, %dma_wait3A_227] : memref<10240x128xf32, #tpu.memory_space<vmem_shared>> -> memref<10240x128xf32, #tpu.memory_space<vmem_shared>>
      tpu.wait_indirect_dma semaphore(%run_scoped3A_216 : memref<!tpu.dma_semaphore, #tpu.memory_space<semaphore_mem>>) src(%arg10 : memref<128x128xf32, #tpu.memory_space<vmem>>) dst(%dma_wait3A_228 : memref<10240x128xf32, #tpu.memory_space<vmem_shared>>)
      tpu.yield
    }) : () -> ()
    %dma_wait3A_187 = arith.constant 15 : i32
    %dma_wait3A_188 = arith.constant 0 : i32
    %dma_wait3A_189 = tpu.memref_slice %arg6[%dma_wait3A_187, %dma_wait3A_188] : memref<16x128xi32, #tpu.memory_space<vmem>> -> memref<1x128xi32, #tpu.memory_space<vmem>>
    %dma_wait3A_190 = tpu.memref_squeeze %dma_wait3A_189 : memref<1x128xi32, #tpu.memory_space<vmem>> -> memref<128xi32, #tpu.memory_space<vmem>>
    %dma_wait3A_191 = arith.constant 0 : i32
    %dma_wait3A_192 = arith.constant 0 : i32
    %dma_wait3A_193 = tpu.memref_slice %arg2[%dma_wait3A_191, %dma_wait3A_192] : memref<10000x128xf32, #tpu.memory_space<hbm>> -> memref<10000x128xf32, #tpu.memory_space<hbm>>
    tpu.wait_indirect_dma semaphore(%arg14 : memref<!tpu.dma_semaphore, #tpu.memory_space<semaphore_mem>>) src(%dma_wait3A_193 : memref<10000x128xf32, #tpu.memory_space<hbm>>) dst(%arg11 : memref<128x128xf32, #tpu.memory_space<vmem>>)
    %run_scoped3A_194 = arith.constant 15 : i32
    "tpu.region"() ({
      %run_scoped3A_216 = tpu.sem_alloc : memref<!tpu.dma_semaphore, #tpu.memory_space<semaphore_mem>>
      %dma_start3A_217 = arith.constant 0 : i32
      %dma_start3A_218 = tpu.memref_slice %arg7[%run_scoped3A_194, %dma_start3A_217] : memref<16x128xi32, #tpu.memory_space<vmem>> -> memref<1x128xi32, #tpu.memory_space<vmem>>
      %dma_start3A_219 = tpu.memref_squeeze %dma_start3A_218 : memref<1x128xi32, #tpu.memory_space<vmem>> -> memref<128xi32, #tpu.memory_space<vmem>>
      %dma_start3A_220 = arith.constant 0 : i32
      %dma_start3A_221 = arith.constant 0 : i32
      %dma_start3A_222 = tpu.memref_slice %arg12[%dma_start3A_220, %dma_start3A_221] : memref<10240x128xf32, #tpu.memory_space<vmem_shared>> -> memref<10240x128xf32, #tpu.memory_space<vmem_shared>>
      tpu.enqueue_indirect_dma source(%arg11 : memref<128x128xf32, #tpu.memory_space<vmem>>) target(%dma_start3A_222 : memref<10240x128xf32, #tpu.memory_space<vmem_shared>>) offsets(%dma_start3A_219 : memref<128xi32, #tpu.memory_space<vmem>>) semaphore(%run_scoped3A_216 : memref<!tpu.dma_semaphore, #tpu.memory_space<semaphore_mem>>) {add = true}
      %dma_wait3A_223 = arith.constant 0 : i32
      %dma_wait3A_224 = tpu.memref_slice %arg7[%run_scoped3A_194, %dma_wait3A_223] : memref<16x128xi32, #tpu.memory_space<vmem>> -> memref<1x128xi32, #tpu.memory_space<vmem>>
      %dma_wait3A_225 = tpu.memref_squeeze %dma_wait3A_224 : memref<1x128xi32, #tpu.memory_space<vmem>> -> memref<128xi32, #tpu.memory_space<vmem>>
      %dma_wait3A_226 = arith.constant 0 : i32
      %dma_wait3A_227 = arith.constant 0 : i32
      %dma_wait3A_228 = tpu.memref_slice %arg12[%dma_wait3A_226, %dma_wait3A_227] : memref<10240x128xf32, #tpu.memory_space<vmem_shared>> -> memref<10240x128xf32, #tpu.memory_space<vmem_shared>>
      tpu.wait_indirect_dma semaphore(%run_scoped3A_216 : memref<!tpu.dma_semaphore, #tpu.memory_space<semaphore_mem>>) src(%arg11 : memref<128x128xf32, #tpu.memory_space<vmem>>) dst(%dma_wait3A_228 : memref<10240x128xf32, #tpu.memory_space<vmem_shared>>)
      tpu.yield
    }) : () -> ()
    %barrier3A_195 = arith.constant 0 : index
    tpu.barrier barrier_id(%barrier3A_195)
    %add3A_196 = arith.constant 0 : i32
    %add3A_197 = arith.addi %mul3A_7, %add3A_196 : i32
    %add3A_198 = arith.constant 0 : i32
    %add3A_199 = arith.addi %mul3A_7, %add3A_198 : i32
    "tpu.region"() ({
      %run_scoped3A_216 = tpu.sem_alloc : memref<!tpu.dma_semaphore, #tpu.memory_space<semaphore_mem>>
      %dma_start3A_217 = arith.constant 0 : i32
      %dma_start3A_218 = tpu.memref_slice %arg5[%arg0, %add3A_199, %dma_start3A_217] : memref<2x10240x128xf32, #tpu.memory_space<hbm>> -> memref<1x128x128xf32, #tpu.memory_space<hbm>>
      %dma_start3A_219 = tpu.memref_squeeze %dma_start3A_218 : memref<1x128x128xf32, #tpu.memory_space<hbm>> -> memref<128x128xf32, #tpu.memory_space<hbm>>
      %dma_start3A_220 = arith.constant 0 : i32
      %dma_start3A_221 = tpu.memref_slice %arg12[%add3A_197, %dma_start3A_220] : memref<10240x128xf32, #tpu.memory_space<vmem_shared>> -> memref<128x128xf32, #tpu.memory_space<vmem_shared>>
      tpu.enqueue_dma source(%dma_start3A_221 : memref<128x128xf32, #tpu.memory_space<vmem_shared>>) target(%dma_start3A_219 : memref<128x128xf32, #tpu.memory_space<hbm>>) target_semaphore(%run_scoped3A_216 : memref<!tpu.dma_semaphore, #tpu.memory_space<semaphore_mem>>)
      %dma_wait3A_222 = arith.constant 0 : i32
      %dma_wait3A_223 = tpu.memref_slice %arg5[%arg0, %add3A_199, %dma_wait3A_222] : memref<2x10240x128xf32, #tpu.memory_space<hbm>> -> memref<1x128x128xf32, #tpu.memory_space<hbm>>
      %dma_wait3A_224 = tpu.memref_squeeze %dma_wait3A_223 : memref<1x128x128xf32, #tpu.memory_space<hbm>> -> memref<128x128xf32, #tpu.memory_space<hbm>>
      %dma_wait3A_225 = arith.constant 0 : i32
      %dma_wait3A_226 = tpu.memref_slice %arg12[%add3A_197, %dma_wait3A_225] : memref<10240x128xf32, #tpu.memory_space<vmem_shared>> -> memref<128x128xf32, #tpu.memory_space<vmem_shared>>
      tpu.wait_dma2 semaphore(%run_scoped3A_216 : memref<!tpu.dma_semaphore, #tpu.memory_space<semaphore_mem>>) src(%dma_wait3A_226 : memref<128x128xf32, #tpu.memory_space<vmem_shared>>) dst(%dma_wait3A_224 : memref<128x128xf32, #tpu.memory_space<hbm>>)
      tpu.yield
    }) : () -> ()
    %add3A_200 = arith.constant 128 : i32
    %add3A_201 = arith.addi %mul3A_7, %add3A_200 : i32
    %add3A_202 = arith.constant 128 : i32
    %add3A_203 = arith.addi %mul3A_7, %add3A_202 : i32
    "tpu.region"() ({
      %run_scoped3A_216 = tpu.sem_alloc : memref<!tpu.dma_semaphore, #tpu.memory_space<semaphore_mem>>
      %dma_start3A_217 = arith.constant 0 : i32
      %dma_start3A_218 = tpu.memref_slice %arg5[%arg0, %add3A_203, %dma_start3A_217] : memref<2x10240x128xf32, #tpu.memory_space<hbm>> -> memref<1x128x128xf32, #tpu.memory_space<hbm>>
      %dma_start3A_219 = tpu.memref_squeeze %dma_start3A_218 : memref<1x128x128xf32, #tpu.memory_space<hbm>> -> memref<128x128xf32, #tpu.memory_space<hbm>>
      %dma_start3A_220 = arith.constant 0 : i32
      %dma_start3A_221 = tpu.memref_slice %arg12[%add3A_201, %dma_start3A_220] : memref<10240x128xf32, #tpu.memory_space<vmem_shared>> -> memref<128x128xf32, #tpu.memory_space<vmem_shared>>
      tpu.enqueue_dma source(%dma_start3A_221 : memref<128x128xf32, #tpu.memory_space<vmem_shared>>) target(%dma_start3A_219 : memref<128x128xf32, #tpu.memory_space<hbm>>) target_semaphore(%run_scoped3A_216 : memref<!tpu.dma_semaphore, #tpu.memory_space<semaphore_mem>>)
      %dma_wait3A_222 = arith.constant 0 : i32
      %dma_wait3A_223 = tpu.memref_slice %arg5[%arg0, %add3A_203, %dma_wait3A_222] : memref<2x10240x128xf32, #tpu.memory_space<hbm>> -> memref<1x128x128xf32, #tpu.memory_space<hbm>>
      %dma_wait3A_224 = tpu.memref_squeeze %dma_wait3A_223 : memref<1x128x128xf32, #tpu.memory_space<hbm>> -> memref<128x128xf32, #tpu.memory_space<hbm>>
      %dma_wait3A_225 = arith.constant 0 : i32
      %dma_wait3A_226 = tpu.memref_slice %arg12[%add3A_201, %dma_wait3A_225] : memref<10240x128xf32, #tpu.memory_space<vmem_shared>> -> memref<128x128xf32, #tpu.memory_space<vmem_shared>>
      tpu.wait_dma2 semaphore(%run_scoped3A_216 : memref<!tpu.dma_semaphore, #tpu.memory_space<semaphore_mem>>) src(%dma_wait3A_226 : memref<128x128xf32, #tpu.memory_space<vmem_shared>>) dst(%dma_wait3A_224 : memref<128x128xf32, #tpu.memory_space<hbm>>)
      tpu.yield
    }) : () -> ()
    %add3A_204 = arith.constant 256 : i32
    %add3A_205 = arith.addi %mul3A_7, %add3A_204 : i32
    %add3A_206 = arith.constant 256 : i32
    %add3A_207 = arith.addi %mul3A_7, %add3A_206 : i32
    "tpu.region"() ({
      %run_scoped3A_216 = tpu.sem_alloc : memref<!tpu.dma_semaphore, #tpu.memory_space<semaphore_mem>>
      %dma_start3A_217 = arith.constant 0 : i32
      %dma_start3A_218 = tpu.memref_slice %arg5[%arg0, %add3A_207, %dma_start3A_217] : memref<2x10240x128xf32, #tpu.memory_space<hbm>> -> memref<1x128x128xf32, #tpu.memory_space<hbm>>
      %dma_start3A_219 = tpu.memref_squeeze %dma_start3A_218 : memref<1x128x128xf32, #tpu.memory_space<hbm>> -> memref<128x128xf32, #tpu.memory_space<hbm>>
      %dma_start3A_220 = arith.constant 0 : i32
      %dma_start3A_221 = tpu.memref_slice %arg12[%add3A_205, %dma_start3A_220] : memref<10240x128xf32, #tpu.memory_space<vmem_shared>> -> memref<128x128xf32, #tpu.memory_space<vmem_shared>>
      tpu.enqueue_dma source(%dma_start3A_221 : memref<128x128xf32, #tpu.memory_space<vmem_shared>>) target(%dma_start3A_219 : memref<128x128xf32, #tpu.memory_space<hbm>>) target_semaphore(%run_scoped3A_216 : memref<!tpu.dma_semaphore, #tpu.memory_space<semaphore_mem>>)
      %dma_wait3A_222 = arith.constant 0 : i32
      %dma_wait3A_223 = tpu.memref_slice %arg5[%arg0, %add3A_207, %dma_wait3A_222] : memref<2x10240x128xf32, #tpu.memory_space<hbm>> -> memref<1x128x128xf32, #tpu.memory_space<hbm>>
      %dma_wait3A_224 = tpu.memref_squeeze %dma_wait3A_223 : memref<1x128x128xf32, #tpu.memory_space<hbm>> -> memref<128x128xf32, #tpu.memory_space<hbm>>
      %dma_wait3A_225 = arith.constant 0 : i32
      %dma_wait3A_226 = tpu.memref_slice %arg12[%add3A_205, %dma_wait3A_225] : memref<10240x128xf32, #tpu.memory_space<vmem_shared>> -> memref<128x128xf32, #tpu.memory_space<vmem_shared>>
      tpu.wait_dma2 semaphore(%run_scoped3A_216 : memref<!tpu.dma_semaphore, #tpu.memory_space<semaphore_mem>>) src(%dma_wait3A_226 : memref<128x128xf32, #tpu.memory_space<vmem_shared>>) dst(%dma_wait3A_224 : memref<128x128xf32, #tpu.memory_space<hbm>>)
      tpu.yield
    }) : () -> ()
    %add3A_208 = arith.constant 384 : i32
    %add3A_209 = arith.addi %mul3A_7, %add3A_208 : i32
    %add3A_210 = arith.constant 384 : i32
    %add3A_211 = arith.addi %mul3A_7, %add3A_210 : i32
    "tpu.region"() ({
      %run_scoped3A_216 = tpu.sem_alloc : memref<!tpu.dma_semaphore, #tpu.memory_space<semaphore_mem>>
      %dma_start3A_217 = arith.constant 0 : i32
      %dma_start3A_218 = tpu.memref_slice %arg5[%arg0, %add3A_211, %dma_start3A_217] : memref<2x10240x128xf32, #tpu.memory_space<hbm>> -> memref<1x128x128xf32, #tpu.memory_space<hbm>>
      %dma_start3A_219 = tpu.memref_squeeze %dma_start3A_218 : memref<1x128x128xf32, #tpu.memory_space<hbm>> -> memref<128x128xf32, #tpu.memory_space<hbm>>
      %dma_start3A_220 = arith.constant 0 : i32
      %dma_start3A_221 = tpu.memref_slice %arg12[%add3A_209, %dma_start3A_220] : memref<10240x128xf32, #tpu.memory_space<vmem_shared>> -> memref<128x128xf32, #tpu.memory_space<vmem_shared>>
      tpu.enqueue_dma source(%dma_start3A_221 : memref<128x128xf32, #tpu.memory_space<vmem_shared>>) target(%dma_start3A_219 : memref<128x128xf32, #tpu.memory_space<hbm>>) target_semaphore(%run_scoped3A_216 : memref<!tpu.dma_semaphore, #tpu.memory_space<semaphore_mem>>)
      %dma_wait3A_222 = arith.constant 0 : i32
      %dma_wait3A_223 = tpu.memref_slice %arg5[%arg0, %add3A_211, %dma_wait3A_222] : memref<2x10240x128xf32, #tpu.memory_space<hbm>> -> memref<1x128x128xf32, #tpu.memory_space<hbm>>
      %dma_wait3A_224 = tpu.memref_squeeze %dma_wait3A_223 : memref<1x128x128xf32, #tpu.memory_space<hbm>> -> memref<128x128xf32, #tpu.memory_space<hbm>>
      %dma_wait3A_225 = arith.constant 0 : i32
      %dma_wait3A_226 = tpu.memref_slice %arg12[%add3A_209, %dma_wait3A_225] : memref<10240x128xf32, #tpu.memory_space<vmem_shared>> -> memref<128x128xf32, #tpu.memory_space<vmem_shared>>
      tpu.wait_dma2 semaphore(%run_scoped3A_216 : memref<!tpu.dma_semaphore, #tpu.memory_space<semaphore_mem>>) src(%dma_wait3A_226 : memref<128x128xf32, #tpu.memory_space<vmem_shared>>) dst(%dma_wait3A_224 : memref<128x128xf32, #tpu.memory_space<hbm>>)
      tpu.yield
    }) : () -> ()
    %add3A_212 = arith.constant 512 : i32
    %add3A_213 = arith.addi %mul3A_7, %add3A_212 : i32
    %add3A_214 = arith.constant 512 : i32
    %add3A_215 = arith.addi %mul3A_7, %add3A_214 : i32
    "tpu.region"() ({
      %run_scoped3A_216 = tpu.sem_alloc : memref<!tpu.dma_semaphore, #tpu.memory_space<semaphore_mem>>
      %dma_start3A_217 = arith.constant 0 : i32
      %dma_start3A_218 = tpu.memref_slice %arg5[%arg0, %add3A_215, %dma_start3A_217] : memref<2x10240x128xf32, #tpu.memory_space<hbm>> -> memref<1x128x128xf32, #tpu.memory_space<hbm>>
      %dma_start3A_219 = tpu.memref_squeeze %dma_start3A_218 : memref<1x128x128xf32, #tpu.memory_space<hbm>> -> memref<128x128xf32, #tpu.memory_space<hbm>>
      %dma_start3A_220 = arith.constant 0 : i32
      %dma_start3A_221 = tpu.memref_slice %arg12[%add3A_213, %dma_start3A_220] : memref<10240x128xf32, #tpu.memory_space<vmem_shared>> -> memref<128x128xf32, #tpu.memory_space<vmem_shared>>
      tpu.enqueue_dma source(%dma_start3A_221 : memref<128x128xf32, #tpu.memory_space<vmem_shared>>) target(%dma_start3A_219 : memref<128x128xf32, #tpu.memory_space<hbm>>) target_semaphore(%run_scoped3A_216 : memref<!tpu.dma_semaphore, #tpu.memory_space<semaphore_mem>>)
      %dma_wait3A_222 = arith.constant 0 : i32
      %dma_wait3A_223 = tpu.memref_slice %arg5[%arg0, %add3A_215, %dma_wait3A_222] : memref<2x10240x128xf32, #tpu.memory_space<hbm>> -> memref<1x128x128xf32, #tpu.memory_space<hbm>>
      %dma_wait3A_224 = tpu.memref_squeeze %dma_wait3A_223 : memref<1x128x128xf32, #tpu.memory_space<hbm>> -> memref<128x128xf32, #tpu.memory_space<hbm>>
      %dma_wait3A_225 = arith.constant 0 : i32
      %dma_wait3A_226 = tpu.memref_slice %arg12[%add3A_213, %dma_wait3A_225] : memref<10240x128xf32, #tpu.memory_space<vmem_shared>> -> memref<128x128xf32, #tpu.memory_space<vmem_shared>>
      tpu.wait_dma2 semaphore(%run_scoped3A_216 : memref<!tpu.dma_semaphore, #tpu.memory_space<semaphore_mem>>) src(%dma_wait3A_226 : memref<128x128xf32, #tpu.memory_space<vmem_shared>>) dst(%dma_wait3A_224 : memref<128x128xf32, #tpu.memory_space<hbm>>)
      tpu.yield
    }) : () -> ()
    return
  }
}

#map = affine_map<(d0, d1) -> (0, 0, 0)>
#map1 = affine_map<(d0, d1) -> (0)>
module attributes {stable_mosaic.version = 14 : i64} {
  func.func @_deg_sc(%arg0: i32, %arg1: i32, %arg2: memref<32x80x128xi32, #tpu.memory_space<hbm>>, %arg3: memref<20480xf32, #tpu.memory_space<hbm>>, %arg4: memref<80x128xi32, #tpu.memory_space<vmem>>, %arg5: memref<640xf32, #tpu.memory_space<vmem>>, %arg6: memref<10240xf32, #tpu.memory_space<vmem_shared>>) attributes {dimension_semantics = [#tpu.dimension_semantics<core_parallel>, #tpu.dimension_semantics<subcore_parallel>], iteration_bounds = array<i64: 2, 16>, scalar_prefetch = 0 : i64, scratch_operands = 3 : i64, tpu.core_type = #tpu.core_type<sc_vector_subcore>, window_params = [{transform_indices = #map}, {transform_indices = #map1}]} {
    %mul3A = arith.constant 16 : i32
    %mul3A_0 = arith.muli %arg0, %mul3A : i32
    %add3A = arith.addi %mul3A_0, %arg1 : i32
    %scan3A = arith.constant 0 : i32
    %scan3A_1 = arith.constant 0 : i32
    %scan3A_2 = arith.constant 40 : i32
    %scan3A_3 = arith.addi %scan3A_1, %scan3A_2 : i32
    %scan3A_4 = arith.constant 1 : i32
    scf.for %scan3A_28 = %scan3A_1 to %scan3A_3 step %scan3A_4  : i32 {
      %broadcast_in_dim3A = arith.constant 0.000000e+00 : f32
      %broadcast_in_dim3A_29 = vector.broadcast %broadcast_in_dim3A : f32 to vector<16xf32>
      %mul3A_30 = arith.constant 16 : i32
      %mul3A_31 = arith.muli %scan3A_28, %mul3A_30 : i32
      %swap3A = arith.index_cast %mul3A_31 : i32 to index
      %swap3A_32 = tpu.vector_load %arg5[%swap3A] {strides = array<i32>} : memref<640xf32, #tpu.memory_space<vmem>>, vector<16xf32>,
      %swap3A_33 = vector.shape_cast %swap3A_32 : vector<16xf32> to vector<16xf32>
      %swap3A_34 = vector.shape_cast %broadcast_in_dim3A_29 : vector<16xf32> to vector<16xf32>
      tpu.vector_store %arg5[%swap3A], %swap3A_34 {strides = array<i32>} : memref<640xf32, #tpu.memory_space<vmem>>, vector<16xf32>,
    }
    %scan3A_5 = arith.constant 40 : i32
    %mul3A_6 = arith.constant 640 : i32
    %mul3A_7 = arith.muli %arg1, %mul3A_6 : i32
    "tpu.region"() ({
      %run_scoped3A = tpu.sem_alloc : memref<!tpu.dma_semaphore, #tpu.memory_space<semaphore_mem>>
      %dma_start3A = tpu.memref_slice %arg6[%mul3A_7] : memref<10240xf32, #tpu.memory_space<vmem_shared>> -> memref<640xf32, #tpu.memory_space<vmem_shared>>
      %dma_start3A_28 = tpu.memref_slice %arg6[%mul3A_7] : memref<10240xf32, #tpu.memory_space<vmem_shared>> -> memref<640xf32, #tpu.memory_space<vmem_shared>>
      tpu.enqueue_dma source(%arg5 : memref<640xf32, #tpu.memory_space<vmem>>) target(%dma_start3A_28 : memref<640xf32, #tpu.memory_space<vmem_shared>>) target_semaphore(%run_scoped3A : memref<!tpu.dma_semaphore, #tpu.memory_space<semaphore_mem>>)
      %dma_wait3A = tpu.memref_slice %arg6[%mul3A_7] : memref<10240xf32, #tpu.memory_space<vmem_shared>> -> memref<640xf32, #tpu.memory_space<vmem_shared>>
      %dma_wait3A_29 = tpu.memref_slice %arg6[%mul3A_7] : memref<10240xf32, #tpu.memory_space<vmem_shared>> -> memref<640xf32, #tpu.memory_space<vmem_shared>>
      tpu.wait_dma2 semaphore(%run_scoped3A : memref<!tpu.dma_semaphore, #tpu.memory_space<semaphore_mem>>) src(%arg5 : memref<640xf32, #tpu.memory_space<vmem>>) dst(%dma_wait3A_29 : memref<640xf32, #tpu.memory_space<vmem_shared>>)
      tpu.yield
    }) : () -> ()
    %scan3A_8 = arith.constant 0 : i32
    %scan3A_9 = arith.constant 0 : i32
    %scan3A_10 = arith.constant 8 : i32
    %scan3A_11 = arith.addi %scan3A_9, %scan3A_10 : i32
    %scan3A_12 = arith.constant 1 : i32
    scf.for %scan3A_28 = %scan3A_9 to %scan3A_11 step %scan3A_12  : i32 {
      %broadcast_in_dim3A = arith.constant 1.000000e+00 : f32
      %broadcast_in_dim3A_29 = vector.broadcast %broadcast_in_dim3A : f32 to vector<16xf32>
      %mul3A_30 = arith.constant 16 : i32
      %mul3A_31 = arith.muli %scan3A_28, %mul3A_30 : i32
      %swap3A = arith.index_cast %mul3A_31 : i32 to index
      %swap3A_32 = tpu.vector_load %arg5[%swap3A] {strides = array<i32>} : memref<640xf32, #tpu.memory_space<vmem>>, vector<16xf32>,
      %swap3A_33 = vector.shape_cast %swap3A_32 : vector<16xf32> to vector<16xf32>
      %swap3A_34 = vector.shape_cast %broadcast_in_dim3A_29 : vector<16xf32> to vector<16xf32>
      tpu.vector_store %arg5[%swap3A], %swap3A_34 {strides = array<i32>} : memref<640xf32, #tpu.memory_space<vmem>>, vector<16xf32>,
    }
    %scan3A_13 = arith.constant 8 : i32
    "tpu.region"() ({
      %run_scoped3A = tpu.sem_alloc : memref<!tpu.dma_semaphore, #tpu.memory_space<semaphore_mem>>
      %dma_start3A = arith.constant 0 : i32
      %dma_start3A_28 = arith.constant 0 : i32
      %dma_start3A_29 = tpu.memref_slice %arg2[%add3A, %dma_start3A, %dma_start3A_28] : memref<32x80x128xi32, #tpu.memory_space<hbm>> -> memref<1x80x128xi32, #tpu.memory_space<hbm>>
      %dma_start3A_30 = tpu.memref_squeeze %dma_start3A_29 : memref<1x80x128xi32, #tpu.memory_space<hbm>> -> memref<80x128xi32, #tpu.memory_space<hbm>>
      %dma_start3A_31 = arith.constant 0 : i32
      %dma_start3A_32 = arith.constant 0 : i32
      %dma_start3A_33 = tpu.memref_slice %arg2[%add3A, %dma_start3A_31, %dma_start3A_32] : memref<32x80x128xi32, #tpu.memory_space<hbm>> -> memref<1x80x128xi32, #tpu.memory_space<hbm>>
      %dma_start3A_34 = tpu.memref_squeeze %dma_start3A_33 : memref<1x80x128xi32, #tpu.memory_space<hbm>> -> memref<80x128xi32, #tpu.memory_space<hbm>>
      tpu.enqueue_dma source(%dma_start3A_34 : memref<80x128xi32, #tpu.memory_space<hbm>>) target(%arg4 : memref<80x128xi32, #tpu.memory_space<vmem>>) target_semaphore(%run_scoped3A : memref<!tpu.dma_semaphore, #tpu.memory_space<semaphore_mem>>)
      %dma_wait3A = arith.constant 0 : i32
      %dma_wait3A_35 = arith.constant 0 : i32
      %dma_wait3A_36 = tpu.memref_slice %arg2[%add3A, %dma_wait3A, %dma_wait3A_35] : memref<32x80x128xi32, #tpu.memory_space<hbm>> -> memref<1x80x128xi32, #tpu.memory_space<hbm>>
      %dma_wait3A_37 = tpu.memref_squeeze %dma_wait3A_36 : memref<1x80x128xi32, #tpu.memory_space<hbm>> -> memref<80x128xi32, #tpu.memory_space<hbm>>
      %dma_wait3A_38 = arith.constant 0 : i32
      %dma_wait3A_39 = arith.constant 0 : i32
      %dma_wait3A_40 = tpu.memref_slice %arg2[%add3A, %dma_wait3A_38, %dma_wait3A_39] : memref<32x80x128xi32, #tpu.memory_space<hbm>> -> memref<1x80x128xi32, #tpu.memory_space<hbm>>
      %dma_wait3A_41 = tpu.memref_squeeze %dma_wait3A_40 : memref<1x80x128xi32, #tpu.memory_space<hbm>> -> memref<80x128xi32, #tpu.memory_space<hbm>>
      tpu.wait_dma2 semaphore(%run_scoped3A : memref<!tpu.dma_semaphore, #tpu.memory_space<semaphore_mem>>) src(%dma_wait3A_41 : memref<80x128xi32, #tpu.memory_space<hbm>>) dst(%arg4 : memref<80x128xi32, #tpu.memory_space<vmem>>)
      tpu.yield
    }) : () -> ()
    %barrier3A = arith.constant 0 : index
    tpu.barrier barrier_id(%barrier3A)
    %scan3A_14 = arith.constant 0 : i32
    %scan3A_15 = arith.constant 0 : i32
    %scan3A_16 = arith.constant 80 : i32
    %scan3A_17 = arith.addi %scan3A_15, %scan3A_16 : i32
    %scan3A_18 = arith.constant 1 : i32
    scf.for %scan3A_28 = %scan3A_15 to %scan3A_17 step %scan3A_18  : i32 {
      "tpu.region"() ({
        %run_scoped3A = tpu.sem_alloc : memref<!tpu.dma_semaphore, #tpu.memory_space<semaphore_mem>>
        %dma_start3A = arith.constant 0 : i32
        %dma_start3A_29 = tpu.memref_slice %arg5[%dma_start3A] : memref<640xf32, #tpu.memory_space<vmem>> -> memref<128xf32, #tpu.memory_space<vmem>>
        %dma_start3A_30 = arith.constant 0 : i32
        %dma_start3A_31 = tpu.memref_slice %arg4[%scan3A_28, %dma_start3A_30] : memref<80x128xi32, #tpu.memory_space<vmem>> -> memref<1x128xi32, #tpu.memory_space<vmem>>
        %dma_start3A_32 = tpu.memref_squeeze %dma_start3A_31 : memref<1x128xi32, #tpu.memory_space<vmem>> -> memref<128xi32, #tpu.memory_space<vmem>>
        %dma_start3A_33 = arith.constant 0 : i32
        %dma_start3A_34 = tpu.memref_slice %arg6[%dma_start3A_33] : memref<10240xf32, #tpu.memory_space<vmem_shared>> -> memref<10240xf32, #tpu.memory_space<vmem_shared>>
        tpu.enqueue_indirect_dma source(%dma_start3A_29 : memref<128xf32, #tpu.memory_space<vmem>>) target(%dma_start3A_34 : memref<10240xf32, #tpu.memory_space<vmem_shared>>) offsets(%dma_start3A_32 : memref<128xi32, #tpu.memory_space<vmem>>) semaphore(%run_scoped3A : memref<!tpu.dma_semaphore, #tpu.memory_space<semaphore_mem>>) {add = true}
        %dma_wait3A = arith.constant 0 : i32
        %dma_wait3A_35 = tpu.memref_slice %arg5[%dma_wait3A] : memref<640xf32, #tpu.memory_space<vmem>> -> memref<128xf32, #tpu.memory_space<vmem>>
        %dma_wait3A_36 = arith.constant 0 : i32
        %dma_wait3A_37 = tpu.memref_slice %arg4[%scan3A_28, %dma_wait3A_36] : memref<80x128xi32, #tpu.memory_space<vmem>> -> memref<1x128xi32, #tpu.memory_space<vmem>>
        %dma_wait3A_38 = tpu.memref_squeeze %dma_wait3A_37 : memref<1x128xi32, #tpu.memory_space<vmem>> -> memref<128xi32, #tpu.memory_space<vmem>>
        %dma_wait3A_39 = arith.constant 0 : i32
        %dma_wait3A_40 = tpu.memref_slice %arg6[%dma_wait3A_39] : memref<10240xf32, #tpu.memory_space<vmem_shared>> -> memref<10240xf32, #tpu.memory_space<vmem_shared>>
        tpu.wait_indirect_dma semaphore(%run_scoped3A : memref<!tpu.dma_semaphore, #tpu.memory_space<semaphore_mem>>) src(%dma_wait3A_35 : memref<128xf32, #tpu.memory_space<vmem>>) dst(%dma_wait3A_40 : memref<10240xf32, #tpu.memory_space<vmem_shared>>)
        tpu.yield
      }) : () -> ()
    }
    %scan3A_19 = arith.constant 80 : i32
    %barrier3A_20 = arith.constant 0 : index
    tpu.barrier barrier_id(%barrier3A_20)
    %mul3A_21 = arith.constant 640 : i32
    %mul3A_22 = arith.muli %arg1, %mul3A_21 : i32
    "tpu.region"() ({
      %run_scoped3A = tpu.sem_alloc : memref<!tpu.dma_semaphore, #tpu.memory_space<semaphore_mem>>
      %dma_start3A = tpu.memref_slice %arg6[%mul3A_22] : memref<10240xf32, #tpu.memory_space<vmem_shared>> -> memref<640xf32, #tpu.memory_space<vmem_shared>>
      %dma_start3A_28 = tpu.memref_slice %arg6[%mul3A_22] : memref<10240xf32, #tpu.memory_space<vmem_shared>> -> memref<640xf32, #tpu.memory_space<vmem_shared>>
      tpu.enqueue_dma source(%dma_start3A_28 : memref<640xf32, #tpu.memory_space<vmem_shared>>) target(%arg5 : memref<640xf32, #tpu.memory_space<vmem>>) target_semaphore(%run_scoped3A : memref<!tpu.dma_semaphore, #tpu.memory_space<semaphore_mem>>)
      %dma_wait3A = tpu.memref_slice %arg6[%mul3A_22] : memref<10240xf32, #tpu.memory_space<vmem_shared>> -> memref<640xf32, #tpu.memory_space<vmem_shared>>
      %dma_wait3A_29 = tpu.memref_slice %arg6[%mul3A_22] : memref<10240xf32, #tpu.memory_space<vmem_shared>> -> memref<640xf32, #tpu.memory_space<vmem_shared>>
      tpu.wait_dma2 semaphore(%run_scoped3A : memref<!tpu.dma_semaphore, #tpu.memory_space<semaphore_mem>>) src(%dma_wait3A_29 : memref<640xf32, #tpu.memory_space<vmem_shared>>) dst(%arg5 : memref<640xf32, #tpu.memory_space<vmem>>)
      tpu.yield
    }) : () -> ()
    %mul3A_23 = arith.constant 10240 : i32
    %mul3A_24 = arith.muli %arg0, %mul3A_23 : i32
    %mul3A_25 = arith.constant 640 : i32
    %mul3A_26 = arith.muli %arg1, %mul3A_25 : i32
    %add3A_27 = arith.addi %mul3A_24, %mul3A_26 : i32
    "tpu.region"() ({
      %run_scoped3A = tpu.sem_alloc : memref<!tpu.dma_semaphore, #tpu.memory_space<semaphore_mem>>
      %dma_start3A = tpu.memref_slice %arg3[%add3A_27] : memref<20480xf32, #tpu.memory_space<hbm>> -> memref<640xf32, #tpu.memory_space<hbm>>
      %dma_start3A_28 = tpu.memref_slice %arg3[%add3A_27] : memref<20480xf32, #tpu.memory_space<hbm>> -> memref<640xf32, #tpu.memory_space<hbm>>
      tpu.enqueue_dma source(%arg5 : memref<640xf32, #tpu.memory_space<vmem>>) target(%dma_start3A_28 : memref<640xf32, #tpu.memory_space<hbm>>) target_semaphore(%run_scoped3A : memref<!tpu.dma_semaphore, #tpu.memory_space<semaphore_mem>>)
      %dma_wait3A = tpu.memref_slice %arg3[%add3A_27] : memref<20480xf32, #tpu.memory_space<hbm>> -> memref<640xf32, #tpu.memory_space<hbm>>
      %dma_wait3A_29 = tpu.memref_slice %arg3[%add3A_27] : memref<20480xf32, #tpu.memory_space<hbm>> -> memref<640xf32, #tpu.memory_space<hbm>>
      tpu.wait_dma2 semaphore(%run_scoped3A : memref<!tpu.dma_semaphore, #tpu.memory_space<semaphore_mem>>) src(%arg5 : memref<640xf32, #tpu.memory_space<vmem>>) dst(%dma_wait3A_29 : memref<640xf32, #tpu.memory_space<hbm>>)
      tpu.yield
    }) : () -> ()
    return
  }
}

#map = affine_map<(d0, d1) -> (0, 0)>
#map1 = affine_map<(d0, d1) -> (0, 0, 0)>
module attributes {stable_mosaic.version = 14 : i64} {
  func.func @_agg(%arg0: i32, %arg1: i32, %arg2: memref<10000x128xf32, #tpu.memory_space<hbm>>, %arg3: memref<32x80x128xi32, #tpu.memory_space<hbm>>, %arg4: memref<32x80x128xi32, #tpu.memory_space<hbm>>, %arg5: memref<2x10240x128xf32, #tpu.memory_space<hbm>>, %arg6: memref<16x128xi32, #tpu.memory_space<vmem>>, %arg7: memref<16x128xi32, #tpu.memory_space<vmem>>, %arg8: memref<16x128xi32, #tpu.memory_space<vmem>>, %arg9: memref<16x128xi32, #tpu.memory_space<vmem>>, %arg10: memref<128x128xf32, #tpu.memory_space<vmem>>, %arg11: memref<128x128xf32, #tpu.memory_space<vmem>>, %arg12: memref<10240x128xf32, #tpu.memory_space<vmem_shared>>, %arg13: memref<!tpu.dma_semaphore, #tpu.memory_space<semaphore_mem>>, %arg14: memref<!tpu.dma_semaphore, #tpu.memory_space<semaphore_mem>>) attributes {dimension_semantics = [#tpu.dimension_semantics<core_parallel>, #tpu.dimension_semantics<subcore_parallel>], iteration_bounds = array<i64: 2, 16>, scalar_prefetch = 0 : i64, scratch_operands = 9 : i64, tpu.core_type = #tpu.core_type<sc_vector_subcore>, window_params = [{transform_indices = #map}, {transform_indices = #map1}, {transform_indices = #map1}, {transform_indices = #map1}]} {
    %mul3A = arith.constant 16 : i32
    %mul3A_0 = arith.muli %arg0, %mul3A : i32
    %add3A = arith.addi %mul3A_0, %arg1 : i32
    %scan3A = arith.constant 0 : i32
    %scan3A_1 = arith.constant 0 : i32
    %scan3A_2 = arith.constant 1024 : i32
    %scan3A_3 = arith.addi %scan3A_1, %scan3A_2 : i32
    %scan3A_4 = arith.constant 1 : i32
    scf.for %scan3A_216 = %scan3A_1 to %scan3A_3 step %scan3A_4  : i32 {
      %jit3A = arith.constant 8 : i32
      %div3A = arith.divsi %scan3A_216, %jit3A : i32
      %sign3A = arith.constant 0 : i32
      %sign3A_217 = arith.cmpi sgt, %scan3A_216, %sign3A : i32
      %sign3A_218 = arith.extui %sign3A_217 : i1 to i32
      %sign3A_219 = arith.constant 0 : i32
      %sign3A_220 = arith.cmpi slt, %scan3A_216, %sign3A_219 : i32
      %sign3A_221 = arith.extui %sign3A_220 : i1 to i32
      %sign3A_222 = arith.subi %sign3A_218, %sign3A_221 : i32
      %sign3A_223 = arith.constant 0 : i32
      %sign3A_224 = arith.cmpi sgt, %jit3A, %sign3A_223 : i32
      %sign3A_225 = arith.extui %sign3A_224 : i1 to i32
      %sign3A_226 = arith.constant 0 : i32
      %sign3A_227 = arith.cmpi slt, %jit3A, %sign3A_226 : i32
      %sign3A_228 = arith.extui %sign3A_227 : i1 to i32
      %sign3A_229 = arith.subi %sign3A_225, %sign3A_228 : i32
      %ne3A = arith.cmpi ne, %sign3A_222, %sign3A_229 : i32
      %rem3A = arith.remsi %scan3A_216, %jit3A : i32
      %ne3A_230 = arith.constant 0 : i32
      %ne3A_231 = arith.cmpi ne, %rem3A, %ne3A_230 : i32
      %and3A = arith.andi %ne3A, %ne3A_231 : i1
      %sub3A = arith.constant 1 : i32
      %sub3A_232 = arith.subi %div3A, %sub3A : i32
      %select_n3A = arith.select %and3A, %sub3A_232, %div3A : i32
      %jit3A_233 = arith.constant 8 : i32
      %eq3A = arith.constant 0 : i32
      %eq3A_234 = arith.cmpi eq, %jit3A_233, %eq3A : i32
      %jit3A_235 = arith.constant 1 : i32
      %select_n3A_236 = arith.select %eq3A_234, %jit3A_235, %jit3A_233 : i32
      %rem3A_237 = arith.remsi %scan3A_216, %select_n3A_236 : i32
      %ne3A_238 = arith.constant 0 : i32
      %ne3A_239 = arith.cmpi ne, %rem3A_237, %ne3A_238 : i32
      %lt3A = arith.constant 0 : i32
      %lt3A_240 = arith.cmpi slt, %rem3A_237, %lt3A : i32
      %lt3A_241 = arith.constant 0 : i32
      %lt3A_242 = arith.cmpi slt, %select_n3A_236, %lt3A_241 : i32
      %ne3A_243 = arith.xori %lt3A_240, %lt3A_242 : i1
      %and3A_244 = arith.andi %ne3A_243, %ne3A_239 : i1
      %add3A_245 = arith.addi %rem3A_237, %select_n3A_236 : i32
      %select_n3A_246 = arith.select %and3A_244, %add3A_245, %rem3A_237 : i32
      %mul3A_247 = arith.constant 16 : i32
      %mul3A_248 = arith.muli %select_n3A_246, %mul3A_247 : i32
      %broadcast_in_dim3A = arith.constant 0.000000e+00 : f32
      %broadcast_in_dim3A_249 = vector.broadcast %broadcast_in_dim3A : f32 to vector<16xf32>
      %swap3A = arith.index_cast %select_n3A : i32 to index
      %swap3A_250 = arith.index_cast %mul3A_248 : i32 to index
      %swap3A_251 = tpu.vector_load %arg10[%swap3A, %swap3A_250] {strides = array<i32>} : memref<128x128xf32, #tpu.memory_space<vmem>>, vector<1x16xf32>,
      %swap3A_252 = vector.shape_cast %swap3A_251 : vector<1x16xf32> to vector<16xf32>
      %swap3A_253 = vector.shape_cast %broadcast_in_dim3A_249 : vector<16xf32> to vector<1x16xf32>
      tpu.vector_store %arg10[%swap3A, %swap3A_250], %swap3A_253 {strides = array<i32>} : memref<128x128xf32, #tpu.memory_space<vmem>>, vector<1x16xf32>,
    }
    %scan3A_5 = arith.constant 1024 : i32
    %mul3A_6 = arith.constant 640 : i32
    %mul3A_7 = arith.muli %arg1, %mul3A_6 : i32
    %add3A_8 = arith.constant 0 : i32
    %add3A_9 = arith.addi %mul3A_7, %add3A_8 : i32
    "tpu.region"() ({
      %run_scoped3A_216 = tpu.sem_alloc : memref<!tpu.dma_semaphore, #tpu.memory_space<semaphore_mem>>
      %dma_start3A_217 = arith.constant 0 : i32
      %dma_start3A_218 = tpu.memref_slice %arg12[%add3A_9, %dma_start3A_217] : memref<10240x128xf32, #tpu.memory_space<vmem_shared>> -> memref<128x128xf32, #tpu.memory_space<vmem_shared>>
      %dma_start3A_219 = arith.constant 0 : i32
      %dma_start3A_220 = tpu.memref_slice %arg12[%add3A_9, %dma_start3A_219] : memref<10240x128xf32, #tpu.memory_space<vmem_shared>> -> memref<128x128xf32, #tpu.memory_space<vmem_shared>>
      tpu.enqueue_dma source(%arg10 : memref<128x128xf32, #tpu.memory_space<vmem>>) target(%dma_start3A_220 : memref<128x128xf32, #tpu.memory_space<vmem_shared>>) target_semaphore(%run_scoped3A_216 : memref<!tpu.dma_semaphore, #tpu.memory_space<semaphore_mem>>)
      %dma_wait3A_221 = arith.constant 0 : i32
      %dma_wait3A_222 = tpu.memref_slice %arg12[%add3A_9, %dma_wait3A_221] : memref<10240x128xf32, #tpu.memory_space<vmem_shared>> -> memref<128x128xf32, #tpu.memory_space<vmem_shared>>
      %dma_wait3A_223 = arith.constant 0 : i32
      %dma_wait3A_224 = tpu.memref_slice %arg12[%add3A_9, %dma_wait3A_223] : memref<10240x128xf32, #tpu.memory_space<vmem_shared>> -> memref<128x128xf32, #tpu.memory_space<vmem_shared>>
      tpu.wait_dma2 semaphore(%run_scoped3A_216 : memref<!tpu.dma_semaphore, #tpu.memory_space<semaphore_mem>>) src(%arg10 : memref<128x128xf32, #tpu.memory_space<vmem>>) dst(%dma_wait3A_224 : memref<128x128xf32, #tpu.memory_space<vmem_shared>>)
      tpu.yield
    }) : () -> ()
    %add3A_10 = arith.constant 128 : i32
    %add3A_11 = arith.addi %mul3A_7, %add3A_10 : i32
    "tpu.region"() ({
      %run_scoped3A_216 = tpu.sem_alloc : memref<!tpu.dma_semaphore, #tpu.memory_space<semaphore_mem>>
      %dma_start3A_217 = arith.constant 0 : i32
      %dma_start3A_218 = tpu.memref_slice %arg12[%add3A_11, %dma_start3A_217] : memref<10240x128xf32, #tpu.memory_space<vmem_shared>> -> memref<128x128xf32, #tpu.memory_space<vmem_shared>>
      %dma_start3A_219 = arith.constant 0 : i32
      %dma_start3A_220 = tpu.memref_slice %arg12[%add3A_11, %dma_start3A_219] : memref<10240x128xf32, #tpu.memory_space<vmem_shared>> -> memref<128x128xf32, #tpu.memory_space<vmem_shared>>
      tpu.enqueue_dma source(%arg10 : memref<128x128xf32, #tpu.memory_space<vmem>>) target(%dma_start3A_220 : memref<128x128xf32, #tpu.memory_space<vmem_shared>>) target_semaphore(%run_scoped3A_216 : memref<!tpu.dma_semaphore, #tpu.memory_space<semaphore_mem>>)
      %dma_wait3A_221 = arith.constant 0 : i32
      %dma_wait3A_222 = tpu.memref_slice %arg12[%add3A_11, %dma_wait3A_221] : memref<10240x128xf32, #tpu.memory_space<vmem_shared>> -> memref<128x128xf32, #tpu.memory_space<vmem_shared>>
      %dma_wait3A_223 = arith.constant 0 : i32
      %dma_wait3A_224 = tpu.memref_slice %arg12[%add3A_11, %dma_wait3A_223] : memref<10240x128xf32, #tpu.memory_space<vmem_shared>> -> memref<128x128xf32, #tpu.memory_space<vmem_shared>>
      tpu.wait_dma2 semaphore(%run_scoped3A_216 : memref<!tpu.dma_semaphore, #tpu.memory_space<semaphore_mem>>) src(%arg10 : memref<128x128xf32, #tpu.memory_space<vmem>>) dst(%dma_wait3A_224 : memref<128x128xf32, #tpu.memory_space<vmem_shared>>)
      tpu.yield
    }) : () -> ()
    %add3A_12 = arith.constant 256 : i32
    %add3A_13 = arith.addi %mul3A_7, %add3A_12 : i32
    "tpu.region"() ({
      %run_scoped3A_216 = tpu.sem_alloc : memref<!tpu.dma_semaphore, #tpu.memory_space<semaphore_mem>>
      %dma_start3A_217 = arith.constant 0 : i32
      %dma_start3A_218 = tpu.memref_slice %arg12[%add3A_13, %dma_start3A_217] : memref<10240x128xf32, #tpu.memory_space<vmem_shared>> -> memref<128x128xf32, #tpu.memory_space<vmem_shared>>
      %dma_start3A_219 = arith.constant 0 : i32
      %dma_start3A_220 = tpu.memref_slice %arg12[%add3A_13, %dma_start3A_219] : memref<10240x128xf32, #tpu.memory_space<vmem_shared>> -> memref<128x128xf32, #tpu.memory_space<vmem_shared>>
      tpu.enqueue_dma source(%arg10 : memref<128x128xf32, #tpu.memory_space<vmem>>) target(%dma_start3A_220 : memref<128x128xf32, #tpu.memory_space<vmem_shared>>) target_semaphore(%run_scoped3A_216 : memref<!tpu.dma_semaphore, #tpu.memory_space<semaphore_mem>>)
      %dma_wait3A_221 = arith.constant 0 : i32
      %dma_wait3A_222 = tpu.memref_slice %arg12[%add3A_13, %dma_wait3A_221] : memref<10240x128xf32, #tpu.memory_space<vmem_shared>> -> memref<128x128xf32, #tpu.memory_space<vmem_shared>>
      %dma_wait3A_223 = arith.constant 0 : i32
      %dma_wait3A_224 = tpu.memref_slice %arg12[%add3A_13, %dma_wait3A_223] : memref<10240x128xf32, #tpu.memory_space<vmem_shared>> -> memref<128x128xf32, #tpu.memory_space<vmem_shared>>
      tpu.wait_dma2 semaphore(%run_scoped3A_216 : memref<!tpu.dma_semaphore, #tpu.memory_space<semaphore_mem>>) src(%arg10 : memref<128x128xf32, #tpu.memory_space<vmem>>) dst(%dma_wait3A_224 : memref<128x128xf32, #tpu.memory_space<vmem_shared>>)
      tpu.yield
    }) : () -> ()
    %add3A_14 = arith.constant 384 : i32
    %add3A_15 = arith.addi %mul3A_7, %add3A_14 : i32
    "tpu.region"() ({
      %run_scoped3A_216 = tpu.sem_alloc : memref<!tpu.dma_semaphore, #tpu.memory_space<semaphore_mem>>
      %dma_start3A_217 = arith.constant 0 : i32
      %dma_start3A_218 = tpu.memref_slice %arg12[%add3A_15, %dma_start3A_217] : memref<10240x128xf32, #tpu.memory_space<vmem_shared>> -> memref<128x128xf32, #tpu.memory_space<vmem_shared>>
      %dma_start3A_219 = arith.constant 0 : i32
      %dma_start3A_220 = tpu.memref_slice %arg12[%add3A_15, %dma_start3A_219] : memref<10240x128xf32, #tpu.memory_space<vmem_shared>> -> memref<128x128xf32, #tpu.memory_space<vmem_shared>>
      tpu.enqueue_dma source(%arg10 : memref<128x128xf32, #tpu.memory_space<vmem>>) target(%dma_start3A_220 : memref<128x128xf32, #tpu.memory_space<vmem_shared>>) target_semaphore(%run_scoped3A_216 : memref<!tpu.dma_semaphore, #tpu.memory_space<semaphore_mem>>)
      %dma_wait3A_221 = arith.constant 0 : i32
      %dma_wait3A_222 = tpu.memref_slice %arg12[%add3A_15, %dma_wait3A_221] : memref<10240x128xf32, #tpu.memory_space<vmem_shared>> -> memref<128x128xf32, #tpu.memory_space<vmem_shared>>
      %dma_wait3A_223 = arith.constant 0 : i32
      %dma_wait3A_224 = tpu.memref_slice %arg12[%add3A_15, %dma_wait3A_223] : memref<10240x128xf32, #tpu.memory_space<vmem_shared>> -> memref<128x128xf32, #tpu.memory_space<vmem_shared>>
      tpu.wait_dma2 semaphore(%run_scoped3A_216 : memref<!tpu.dma_semaphore, #tpu.memory_space<semaphore_mem>>) src(%arg10 : memref<128x128xf32, #tpu.memory_space<vmem>>) dst(%dma_wait3A_224 : memref<128x128xf32, #tpu.memory_space<vmem_shared>>)
      tpu.yield
    }) : () -> ()
    %add3A_16 = arith.constant 512 : i32
    %add3A_17 = arith.addi %mul3A_7, %add3A_16 : i32
    "tpu.region"() ({
      %run_scoped3A_216 = tpu.sem_alloc : memref<!tpu.dma_semaphore, #tpu.memory_space<semaphore_mem>>
      %dma_start3A_217 = arith.constant 0 : i32
      %dma_start3A_218 = tpu.memref_slice %arg12[%add3A_17, %dma_start3A_217] : memref<10240x128xf32, #tpu.memory_space<vmem_shared>> -> memref<128x128xf32, #tpu.memory_space<vmem_shared>>
      %dma_start3A_219 = arith.constant 0 : i32
      %dma_start3A_220 = tpu.memref_slice %arg12[%add3A_17, %dma_start3A_219] : memref<10240x128xf32, #tpu.memory_space<vmem_shared>> -> memref<128x128xf32, #tpu.memory_space<vmem_shared>>
      tpu.enqueue_dma source(%arg10 : memref<128x128xf32, #tpu.memory_space<vmem>>) target(%dma_start3A_220 : memref<128x128xf32, #tpu.memory_space<vmem_shared>>) target_semaphore(%run_scoped3A_216 : memref<!tpu.dma_semaphore, #tpu.memory_space<semaphore_mem>>)
      %dma_wait3A_221 = arith.constant 0 : i32
      %dma_wait3A_222 = tpu.memref_slice %arg12[%add3A_17, %dma_wait3A_221] : memref<10240x128xf32, #tpu.memory_space<vmem_shared>> -> memref<128x128xf32, #tpu.memory_space<vmem_shared>>
      %dma_wait3A_223 = arith.constant 0 : i32
      %dma_wait3A_224 = tpu.memref_slice %arg12[%add3A_17, %dma_wait3A_223] : memref<10240x128xf32, #tpu.memory_space<vmem_shared>> -> memref<128x128xf32, #tpu.memory_space<vmem_shared>>
      tpu.wait_dma2 semaphore(%run_scoped3A_216 : memref<!tpu.dma_semaphore, #tpu.memory_space<semaphore_mem>>) src(%arg10 : memref<128x128xf32, #tpu.memory_space<vmem>>) dst(%dma_wait3A_224 : memref<128x128xf32, #tpu.memory_space<vmem_shared>>)
      tpu.yield
    }) : () -> ()
    %barrier3A = arith.constant 0 : index
    tpu.barrier barrier_id(%barrier3A)
    "tpu.region"() ({
      %run_scoped3A_216 = tpu.sem_alloc : memref<!tpu.dma_semaphore, #tpu.memory_space<semaphore_mem>>
      %dma_start3A_217 = arith.constant 0 : i32
      %dma_start3A_218 = arith.constant 0 : i32
      %dma_start3A_219 = tpu.memref_slice %arg3[%add3A, %dma_start3A_217, %dma_start3A_218] : memref<32x80x128xi32, #tpu.memory_space<hbm>> -> memref<1x16x128xi32, #tpu.memory_space<hbm>>
      %dma_start3A_220 = tpu.memref_squeeze %dma_start3A_219 : memref<1x16x128xi32, #tpu.memory_space<hbm>> -> memref<16x128xi32, #tpu.memory_space<hbm>>
      %dma_start3A_221 = arith.constant 0 : i32
      %dma_start3A_222 = arith.constant 0 : i32
      %dma_start3A_223 = tpu.memref_slice %arg3[%add3A, %dma_start3A_221, %dma_start3A_222] : memref<32x80x128xi32, #tpu.memory_space<hbm>> -> memref<1x16x128xi32, #tpu.memory_space<hbm>>
      %dma_start3A_224 = tpu.memref_squeeze %dma_start3A_223 : memref<1x16x128xi32, #tpu.memory_space<hbm>> -> memref<16x128xi32, #tpu.memory_space<hbm>>
      tpu.enqueue_dma source(%dma_start3A_224 : memref<16x128xi32, #tpu.memory_space<hbm>>) target(%arg6 : memref<16x128xi32, #tpu.memory_space<vmem>>) target_semaphore(%run_scoped3A_216 : memref<!tpu.dma_semaphore, #tpu.memory_space<semaphore_mem>>)
      %dma_wait3A_225 = arith.constant 0 : i32
      %dma_wait3A_226 = arith.constant 0 : i32
      %dma_wait3A_227 = tpu.memref_slice %arg3[%add3A, %dma_wait3A_225, %dma_wait3A_226] : memref<32x80x128xi32, #tpu.memory_space<hbm>> -> memref<1x16x128xi32, #tpu.memory_space<hbm>>
      %dma_wait3A_228 = tpu.memref_squeeze %dma_wait3A_227 : memref<1x16x128xi32, #tpu.memory_space<hbm>> -> memref<16x128xi32, #tpu.memory_space<hbm>>
      %dma_wait3A_229 = arith.constant 0 : i32
      %dma_wait3A_230 = arith.constant 0 : i32
      %dma_wait3A_231 = tpu.memref_slice %arg3[%add3A, %dma_wait3A_229, %dma_wait3A_230] : memref<32x80x128xi32, #tpu.memory_space<hbm>> -> memref<1x16x128xi32, #tpu.memory_space<hbm>>
      %dma_wait3A_232 = tpu.memref_squeeze %dma_wait3A_231 : memref<1x16x128xi32, #tpu.memory_space<hbm>> -> memref<16x128xi32, #tpu.memory_space<hbm>>
      tpu.wait_dma2 semaphore(%run_scoped3A_216 : memref<!tpu.dma_semaphore, #tpu.memory_space<semaphore_mem>>) src(%dma_wait3A_232 : memref<16x128xi32, #tpu.memory_space<hbm>>) dst(%arg6 : memref<16x128xi32, #tpu.memory_space<vmem>>)
      tpu.yield
    }) : () -> ()
    "tpu.region"() ({
      %run_scoped3A_216 = tpu.sem_alloc : memref<!tpu.dma_semaphore, #tpu.memory_space<semaphore_mem>>
      %dma_start3A_217 = arith.constant 0 : i32
      %dma_start3A_218 = arith.constant 0 : i32
      %dma_start3A_219 = tpu.memref_slice %arg4[%add3A, %dma_start3A_217, %dma_start3A_218] : memref<32x80x128xi32, #tpu.memory_space<hbm>> -> memref<1x16x128xi32, #tpu.memory_space<hbm>>
      %dma_start3A_220 = tpu.memref_squeeze %dma_start3A_219 : memref<1x16x128xi32, #tpu.memory_space<hbm>> -> memref<16x128xi32, #tpu.memory_space<hbm>>
      %dma_start3A_221 = arith.constant 0 : i32
      %dma_start3A_222 = arith.constant 0 : i32
      %dma_start3A_223 = tpu.memref_slice %arg4[%add3A, %dma_start3A_221, %dma_start3A_222] : memref<32x80x128xi32, #tpu.memory_space<hbm>> -> memref<1x16x128xi32, #tpu.memory_space<hbm>>
      %dma_start3A_224 = tpu.memref_squeeze %dma_start3A_223 : memref<1x16x128xi32, #tpu.memory_space<hbm>> -> memref<16x128xi32, #tpu.memory_space<hbm>>
      tpu.enqueue_dma source(%dma_start3A_224 : memref<16x128xi32, #tpu.memory_space<hbm>>) target(%arg7 : memref<16x128xi32, #tpu.memory_space<vmem>>) target_semaphore(%run_scoped3A_216 : memref<!tpu.dma_semaphore, #tpu.memory_space<semaphore_mem>>)
      %dma_wait3A_225 = arith.constant 0 : i32
      %dma_wait3A_226 = arith.constant 0 : i32
      %dma_wait3A_227 = tpu.memref_slice %arg4[%add3A, %dma_wait3A_225, %dma_wait3A_226] : memref<32x80x128xi32, #tpu.memory_space<hbm>> -> memref<1x16x128xi32, #tpu.memory_space<hbm>>
      %dma_wait3A_228 = tpu.memref_squeeze %dma_wait3A_227 : memref<1x16x128xi32, #tpu.memory_space<hbm>> -> memref<16x128xi32, #tpu.memory_space<hbm>>
      %dma_wait3A_229 = arith.constant 0 : i32
      %dma_wait3A_230 = arith.constant 0 : i32
      %dma_wait3A_231 = tpu.memref_slice %arg4[%add3A, %dma_wait3A_229, %dma_wait3A_230] : memref<32x80x128xi32, #tpu.memory_space<hbm>> -> memref<1x16x128xi32, #tpu.memory_space<hbm>>
      %dma_wait3A_232 = tpu.memref_squeeze %dma_wait3A_231 : memref<1x16x128xi32, #tpu.memory_space<hbm>> -> memref<16x128xi32, #tpu.memory_space<hbm>>
      tpu.wait_dma2 semaphore(%run_scoped3A_216 : memref<!tpu.dma_semaphore, #tpu.memory_space<semaphore_mem>>) src(%dma_wait3A_232 : memref<16x128xi32, #tpu.memory_space<hbm>>) dst(%arg7 : memref<16x128xi32, #tpu.memory_space<vmem>>)
      tpu.yield
    }) : () -> ()
    %dma_start3A = arith.constant 0 : i32
    %dma_start3A_18 = arith.constant 0 : i32
    %dma_start3A_19 = tpu.memref_slice %arg6[%dma_start3A, %dma_start3A_18] : memref<16x128xi32, #tpu.memory_space<vmem>> -> memref<1x128xi32, #tpu.memory_space<vmem>>
    %dma_start3A_20 = tpu.memref_squeeze %dma_start3A_19 : memref<1x128xi32, #tpu.memory_space<vmem>> -> memref<128xi32, #tpu.memory_space<vmem>>
    %dma_start3A_21 = arith.constant 0 : i32
    %dma_start3A_22 = arith.constant 0 : i32
    %dma_start3A_23 = tpu.memref_slice %arg2[%dma_start3A_21, %dma_start3A_22] : memref<10000x128xf32, #tpu.memory_space<hbm>> -> memref<10000x128xf32, #tpu.memory_space<hbm>>
    tpu.enqueue_indirect_dma source(%dma_start3A_23 : memref<10000x128xf32, #tpu.memory_space<hbm>>) target(%arg10 : memref<128x128xf32, #tpu.memory_space<vmem>>) offsets(%dma_start3A_20 : memref<128xi32, #tpu.memory_space<vmem>>) semaphore(%arg13 : memref<!tpu.dma_semaphore, #tpu.memory_space<semaphore_mem>>)
    "tpu.region"() ({
      %run_scoped3A_216 = tpu.sem_alloc : memref<!tpu.dma_semaphore, #tpu.memory_space<semaphore_mem>>
      %dma_start3A_217 = arith.constant 16 : i32
      %dma_start3A_218 = arith.constant 0 : i32
      %dma_start3A_219 = tpu.memref_slice %arg3[%add3A, %dma_start3A_217, %dma_start3A_218] : memref<32x80x128xi32, #tpu.memory_space<hbm>> -> memref<1x16x128xi32, #tpu.memory_space<hbm>>
      %dma_start3A_220 = tpu.memref_squeeze %dma_start3A_219 : memref<1x16x128xi32, #tpu.memory_space<hbm>> -> memref<16x128xi32, #tpu.memory_space<hbm>>
      %dma_start3A_221 = arith.constant 16 : i32
      %dma_start3A_222 = arith.constant 0 : i32
      %dma_start3A_223 = tpu.memref_slice %arg3[%add3A, %dma_start3A_221, %dma_start3A_222] : memref<32x80x128xi32, #tpu.memory_space<hbm>> -> memref<1x16x128xi32, #tpu.memory_space<hbm>>
      %dma_start3A_224 = tpu.memref_squeeze %dma_start3A_223 : memref<1x16x128xi32, #tpu.memory_space<hbm>> -> memref<16x128xi32, #tpu.memory_space<hbm>>
      tpu.enqueue_dma source(%dma_start3A_224 : memref<16x128xi32, #tpu.memory_space<hbm>>) target(%arg8 : memref<16x128xi32, #tpu.memory_space<vmem>>) target_semaphore(%run_scoped3A_216 : memref<!tpu.dma_semaphore, #tpu.memory_space<semaphore_mem>>)
      %dma_wait3A_225 = arith.constant 16 : i32
      %dma_wait3A_226 = arith.constant 0 : i32
      %dma_wait3A_227 = tpu.memref_slice %arg3[%add3A, %dma_wait3A_225, %dma_wait3A_226] : memref<32x80x128xi32, #tpu.memory_space<hbm>> -> memref<1x16x128xi32, #tpu.memory_space<hbm>>
      %dma_wait3A_228 = tpu.memref_squeeze %dma_wait3A_227 : memref<1x16x128xi32, #tpu.memory_space<hbm>> -> memref<16x128xi32, #tpu.memory_space<hbm>>
      %dma_wait3A_229 = arith.constant 16 : i32
      %dma_wait3A_230 = arith.constant 0 : i32
      %dma_wait3A_231 = tpu.memref_slice %arg3[%add3A, %dma_wait3A_229, %dma_wait3A_230] : memref<32x80x128xi32, #tpu.memory_space<hbm>> -> memref<1x16x128xi32, #tpu.memory_space<hbm>>
      %dma_wait3A_232 = tpu.memref_squeeze %dma_wait3A_231 : memref<1x16x128xi32, #tpu.memory_space<hbm>> -> memref<16x128xi32, #tpu.memory_space<hbm>>
      tpu.wait_dma2 semaphore(%run_scoped3A_216 : memref<!tpu.dma_semaphore, #tpu.memory_space<semaphore_mem>>) src(%dma_wait3A_232 : memref<16x128xi32, #tpu.memory_space<hbm>>) dst(%arg8 : memref<16x128xi32, #tpu.memory_space<vmem>>)
      tpu.yield
    }) : () -> ()
    "tpu.region"() ({
      %run_scoped3A_216 = tpu.sem_alloc : memref<!tpu.dma_semaphore, #tpu.memory_space<semaphore_mem>>
      %dma_start3A_217 = arith.constant 16 : i32
      %dma_start3A_218 = arith.constant 0 : i32
      %dma_start3A_219 = tpu.memref_slice %arg4[%add3A, %dma_start3A_217, %dma_start3A_218] : memref<32x80x128xi32, #tpu.memory_space<hbm>> -> memref<1x16x128xi32, #tpu.memory_space<hbm>>
      %dma_start3A_220 = tpu.memref_squeeze %dma_start3A_219 : memref<1x16x128xi32, #tpu.memory_space<hbm>> -> memref<16x128xi32, #tpu.memory_space<hbm>>
      %dma_start3A_221 = arith.constant 16 : i32
      %dma_start3A_222 = arith.constant 0 : i32
      %dma_start3A_223 = tpu.memref_slice %arg4[%add3A, %dma_start3A_221, %dma_start3A_222] : memref<32x80x128xi32, #tpu.memory_space<hbm>> -> memref<1x16x128xi32, #tpu.memory_space<hbm>>
      %dma_start3A_224 = tpu.memref_squeeze %dma_start3A_223 : memref<1x16x128xi32, #tpu.memory_space<hbm>> -> memref<16x128xi32, #tpu.memory_space<hbm>>
      tpu.enqueue_dma source(%dma_start3A_224 : memref<16x128xi32, #tpu.memory_space<hbm>>) target(%arg9 : memref<16x128xi32, #tpu.memory_space<vmem>>) target_semaphore(%run_scoped3A_216 : memref<!tpu.dma_semaphore, #tpu.memory_space<semaphore_mem>>)
      %dma_wait3A_225 = arith.constant 16 : i32
      %dma_wait3A_226 = arith.constant 0 : i32
      %dma_wait3A_227 = tpu.memref_slice %arg4[%add3A, %dma_wait3A_225, %dma_wait3A_226] : memref<32x80x128xi32, #tpu.memory_space<hbm>> -> memref<1x16x128xi32, #tpu.memory_space<hbm>>
      %dma_wait3A_228 = tpu.memref_squeeze %dma_wait3A_227 : memref<1x16x128xi32, #tpu.memory_space<hbm>> -> memref<16x128xi32, #tpu.memory_space<hbm>>
      %dma_wait3A_229 = arith.constant 16 : i32
      %dma_wait3A_230 = arith.constant 0 : i32
      %dma_wait3A_231 = tpu.memref_slice %arg4[%add3A, %dma_wait3A_229, %dma_wait3A_230] : memref<32x80x128xi32, #tpu.memory_space<hbm>> -> memref<1x16x128xi32, #tpu.memory_space<hbm>>
      %dma_wait3A_232 = tpu.memref_squeeze %dma_wait3A_231 : memref<1x16x128xi32, #tpu.memory_space<hbm>> -> memref<16x128xi32, #tpu.memory_space<hbm>>
      tpu.wait_dma2 semaphore(%run_scoped3A_216 : memref<!tpu.dma_semaphore, #tpu.memory_space<semaphore_mem>>) src(%dma_wait3A_232 : memref<16x128xi32, #tpu.memory_space<hbm>>) dst(%arg9 : memref<16x128xi32, #tpu.memory_space<vmem>>)
      tpu.yield
    }) : () -> ()
    %scan3A_24 = arith.constant 0 : i32
    %scan3A_25 = arith.constant 0 : i32
    %scan3A_26 = arith.constant 7 : i32
    %scan3A_27 = arith.addi %scan3A_25, %scan3A_26 : i32
    %scan3A_28 = arith.constant 1 : i32
    scf.for %scan3A_216 = %scan3A_25 to %scan3A_27 step %scan3A_28  : i32 {
      %mul3A_217 = arith.constant 2 : i32
      %mul3A_218 = arith.muli %mul3A_217, %scan3A_216 : i32
      %add3A_219 = arith.constant 1 : i32
      %add3A_220 = arith.addi %mul3A_218, %add3A_219 : i32
      %dma_start3A_221 = arith.constant 0 : i32
      %dma_start3A_222 = tpu.memref_slice %arg6[%add3A_220, %dma_start3A_221] : memref<16x128xi32, #tpu.memory_space<vmem>> -> memref<1x128xi32, #tpu.memory_space<vmem>>
      %dma_start3A_223 = tpu.memref_squeeze %dma_start3A_222 : memref<1x128xi32, #tpu.memory_space<vmem>> -> memref<128xi32, #tpu.memory_space<vmem>>
      %dma_start3A_224 = arith.constant 0 : i32
      %dma_start3A_225 = arith.constant 0 : i32
      %dma_start3A_226 = tpu.memref_slice %arg2[%dma_start3A_224, %dma_start3A_225] : memref<10000x128xf32, #tpu.memory_space<hbm>> -> memref<10000x128xf32, #tpu.memory_space<hbm>>
      tpu.enqueue_indirect_dma source(%dma_start3A_226 : memref<10000x128xf32, #tpu.memory_space<hbm>>) target(%arg11 : memref<128x128xf32, #tpu.memory_space<vmem>>) offsets(%dma_start3A_223 : memref<128xi32, #tpu.memory_space<vmem>>) semaphore(%arg14 : memref<!tpu.dma_semaphore, #tpu.memory_space<semaphore_mem>>)
      %dma_wait3A_227 = arith.constant 0 : i32
      %dma_wait3A_228 = tpu.memref_slice %arg6[%mul3A_218, %dma_wait3A_227] : memref<16x128xi32, #tpu.memory_space<vmem>> -> memref<1x128xi32, #tpu.memory_space<vmem>>
      %dma_wait3A_229 = tpu.memref_squeeze %dma_wait3A_228 : memref<1x128xi32, #tpu.memory_space<vmem>> -> memref<128xi32, #tpu.memory_space<vmem>>
      %dma_wait3A_230 = arith.constant 0 : i32
      %dma_wait3A_231 = arith.constant 0 : i32
      %dma_wait3A_232 = tpu.memref_slice %arg2[%dma_wait3A_230, %dma_wait3A_231] : memref<10000x128xf32, #tpu.memory_space<hbm>> -> memref<10000x128xf32, #tpu.memory_space<hbm>>
      tpu.wait_indirect_dma semaphore(%arg13 : memref<!tpu.dma_semaphore, #tpu.memory_space<semaphore_mem>>) src(%dma_wait3A_232 : memref<10000x128xf32, #tpu.memory_space<hbm>>) dst(%arg10 : memref<128x128xf32, #tpu.memory_space<vmem>>)
      "tpu.region"() ({
        %run_scoped3A_251 = tpu.sem_alloc : memref<!tpu.dma_semaphore, #tpu.memory_space<semaphore_mem>>
        %dma_start3A_252 = arith.constant 0 : i32
        %dma_start3A_253 = tpu.memref_slice %arg7[%mul3A_218, %dma_start3A_252] : memref<16x128xi32, #tpu.memory_space<vmem>> -> memref<1x128xi32, #tpu.memory_space<vmem>>
        %dma_start3A_254 = tpu.memref_squeeze %dma_start3A_253 : memref<1x128xi32, #tpu.memory_space<vmem>> -> memref<128xi32, #tpu.memory_space<vmem>>
        %dma_start3A_255 = arith.constant 0 : i32
        %dma_start3A_256 = arith.constant 0 : i32
        %dma_start3A_257 = tpu.memref_slice %arg12[%dma_start3A_255, %dma_start3A_256] : memref<10240x128xf32, #tpu.memory_space<vmem_shared>> -> memref<10240x128xf32, #tpu.memory_space<vmem_shared>>
        tpu.enqueue_indirect_dma source(%arg10 : memref<128x128xf32, #tpu.memory_space<vmem>>) target(%dma_start3A_257 : memref<10240x128xf32, #tpu.memory_space<vmem_shared>>) offsets(%dma_start3A_254 : memref<128xi32, #tpu.memory_space<vmem>>) semaphore(%run_scoped3A_251 : memref<!tpu.dma_semaphore, #tpu.memory_space<semaphore_mem>>) {add = true}
        %dma_wait3A_258 = arith.constant 0 : i32
        %dma_wait3A_259 = tpu.memref_slice %arg7[%mul3A_218, %dma_wait3A_258] : memref<16x128xi32, #tpu.memory_space<vmem>> -> memref<1x128xi32, #tpu.memory_space<vmem>>
        %dma_wait3A_260 = tpu.memref_squeeze %dma_wait3A_259 : memref<1x128xi32, #tpu.memory_space<vmem>> -> memref<128xi32, #tpu.memory_space<vmem>>
        %dma_wait3A_261 = arith.constant 0 : i32
        %dma_wait3A_262 = arith.constant 0 : i32
        %dma_wait3A_263 = tpu.memref_slice %arg12[%dma_wait3A_261, %dma_wait3A_262] : memref<10240x128xf32, #tpu.memory_space<vmem_shared>> -> memref<10240x128xf32, #tpu.memory_space<vmem_shared>>
        tpu.wait_indirect_dma semaphore(%run_scoped3A_251 : memref<!tpu.dma_semaphore, #tpu.memory_space<semaphore_mem>>) src(%arg10 : memref<128x128xf32, #tpu.memory_space<vmem>>) dst(%dma_wait3A_263 : memref<10240x128xf32, #tpu.memory_space<vmem_shared>>)
        tpu.yield
      }) : () -> ()
      %add3A_233 = arith.constant 2 : i32
      %add3A_234 = arith.addi %mul3A_218, %add3A_233 : i32
      %dma_start3A_235 = arith.constant 0 : i32
      %dma_start3A_236 = tpu.memref_slice %arg6[%add3A_234, %dma_start3A_235] : memref<16x128xi32, #tpu.memory_space<vmem>> -> memref<1x128xi32, #tpu.memory_space<vmem>>
      %dma_start3A_237 = tpu.memref_squeeze %dma_start3A_236 : memref<1x128xi32, #tpu.memory_space<vmem>> -> memref<128xi32, #tpu.memory_space<vmem>>
      %dma_start3A_238 = arith.constant 0 : i32
      %dma_start3A_239 = arith.constant 0 : i32
      %dma_start3A_240 = tpu.memref_slice %arg2[%dma_start3A_238, %dma_start3A_239] : memref<10000x128xf32, #tpu.memory_space<hbm>> -> memref<10000x128xf32, #tpu.memory_space<hbm>>
      tpu.enqueue_indirect_dma source(%dma_start3A_240 : memref<10000x128xf32, #tpu.memory_space<hbm>>) target(%arg10 : memref<128x128xf32, #tpu.memory_space<vmem>>) offsets(%dma_start3A_237 : memref<128xi32, #tpu.memory_space<vmem>>) semaphore(%arg13 : memref<!tpu.dma_semaphore, #tpu.memory_space<semaphore_mem>>)
      %add3A_241 = arith.constant 1 : i32
      %add3A_242 = arith.addi %mul3A_218, %add3A_241 : i32
      %dma_wait3A_243 = arith.constant 0 : i32
      %dma_wait3A_244 = tpu.memref_slice %arg6[%add3A_242, %dma_wait3A_243] : memref<16x128xi32, #tpu.memory_space<vmem>> -> memref<1x128xi32, #tpu.memory_space<vmem>>
      %dma_wait3A_245 = tpu.memref_squeeze %dma_wait3A_244 : memref<1x128xi32, #tpu.memory_space<vmem>> -> memref<128xi32, #tpu.memory_space<vmem>>
      %dma_wait3A_246 = arith.constant 0 : i32
      %dma_wait3A_247 = arith.constant 0 : i32
      %dma_wait3A_248 = tpu.memref_slice %arg2[%dma_wait3A_246, %dma_wait3A_247] : memref<10000x128xf32, #tpu.memory_space<hbm>> -> memref<10000x128xf32, #tpu.memory_space<hbm>>
      tpu.wait_indirect_dma semaphore(%arg14 : memref<!tpu.dma_semaphore, #tpu.memory_space<semaphore_mem>>) src(%dma_wait3A_248 : memref<10000x128xf32, #tpu.memory_space<hbm>>) dst(%arg11 : memref<128x128xf32, #tpu.memory_space<vmem>>)
      %add3A_249 = arith.constant 1 : i32
      %add3A_250 = arith.addi %mul3A_218, %add3A_249 : i32
      "tpu.region"() ({
        %run_scoped3A_251 = tpu.sem_alloc : memref<!tpu.dma_semaphore, #tpu.memory_space<semaphore_mem>>
        %dma_start3A_252 = arith.constant 0 : i32
        %dma_start3A_253 = tpu.memref_slice %arg7[%add3A_250, %dma_start3A_252] : memref<16x128xi32, #tpu.memory_space<vmem>> -> memref<1x128xi32, #tpu.memory_space<vmem>>
        %dma_start3A_254 = tpu.memref_squeeze %dma_start3A_253 : memref<1x128xi32, #tpu.memory_space<vmem>> -> memref<128xi32, #tpu.memory_space<vmem>>
        %dma_start3A_255 = arith.constant 0 : i32
        %dma_start3A_256 = arith.constant 0 : i32
        %dma_start3A_257 = tpu.memref_slice %arg12[%dma_start3A_255, %dma_start3A_256] : memref<10240x128xf32, #tpu.memory_space<vmem_shared>> -> memref<10240x128xf32, #tpu.memory_space<vmem_shared>>
        tpu.enqueue_indirect_dma source(%arg11 : memref<128x128xf32, #tpu.memory_space<vmem>>) target(%dma_start3A_257 : memref<10240x128xf32, #tpu.memory_space<vmem_shared>>) offsets(%dma_start3A_254 : memref<128xi32, #tpu.memory_space<vmem>>) semaphore(%run_scoped3A_251 : memref<!tpu.dma_semaphore, #tpu.memory_space<semaphore_mem>>) {add = true}
        %dma_wait3A_258 = arith.constant 0 : i32
        %dma_wait3A_259 = tpu.memref_slice %arg7[%add3A_250, %dma_wait3A_258] : memref<16x128xi32, #tpu.memory_space<vmem>> -> memref<1x128xi32, #tpu.memory_space<vmem>>
        %dma_wait3A_260 = tpu.memref_squeeze %dma_wait3A_259 : memref<1x128xi32, #tpu.memory_space<vmem>> -> memref<128xi32, #tpu.memory_space<vmem>>
        %dma_wait3A_261 = arith.constant 0 : i32
        %dma_wait3A_262 = arith.constant 0 : i32
        %dma_wait3A_263 = tpu.memref_slice %arg12[%dma_wait3A_261, %dma_wait3A_262] : memref<10240x128xf32, #tpu.memory_space<vmem_shared>> -> memref<10240x128xf32, #tpu.memory_space<vmem_shared>>
        tpu.wait_indirect_dma semaphore(%run_scoped3A_251 : memref<!tpu.dma_semaphore, #tpu.memory_space<semaphore_mem>>) src(%arg11 : memref<128x128xf32, #tpu.memory_space<vmem>>) dst(%dma_wait3A_263 : memref<10240x128xf32, #tpu.memory_space<vmem_shared>>)
        tpu.yield
      }) : () -> ()
    }
    %scan3A_29 = arith.constant 7 : i32
    %dma_start3A_30 = arith.constant 15 : i32
    %dma_start3A_31 = arith.constant 0 : i32
    %dma_start3A_32 = tpu.memref_slice %arg6[%dma_start3A_30, %dma_start3A_31] : memref<16x128xi32, #tpu.memory_space<vmem>> -> memref<1x128xi32, #tpu.memory_space<vmem>>
    %dma_start3A_33 = tpu.memref_squeeze %dma_start3A_32 : memref<1x128xi32, #tpu.memory_space<vmem>> -> memref<128xi32, #tpu.memory_space<vmem>>
    %dma_start3A_34 = arith.constant 0 : i32
    %dma_start3A_35 = arith.constant 0 : i32
    %dma_start3A_36 = tpu.memref_slice %arg2[%dma_start3A_34, %dma_start3A_35] : memref<10000x128xf32, #tpu.memory_space<hbm>> -> memref<10000x128xf32, #tpu.memory_space<hbm>>
    tpu.enqueue_indirect_dma source(%dma_start3A_36 : memref<10000x128xf32, #tpu.memory_space<hbm>>) target(%arg11 : memref<128x128xf32, #tpu.memory_space<vmem>>) offsets(%dma_start3A_33 : memref<128xi32, #tpu.memory_space<vmem>>) semaphore(%arg14 : memref<!tpu.dma_semaphore, #tpu.memory_space<semaphore_mem>>)
    %dma_wait3A = arith.constant 14 : i32
    %dma_wait3A_37 = arith.constant 0 : i32
    %dma_wait3A_38 = tpu.memref_slice %arg6[%dma_wait3A, %dma_wait3A_37] : memref<16x128xi32, #tpu.memory_space<vmem>> -> memref<1x128xi32, #tpu.memory_space<vmem>>
    %dma_wait3A_39 = tpu.memref_squeeze %dma_wait3A_38 : memref<1x128xi32, #tpu.memory_space<vmem>> -> memref<128xi32, #tpu.memory_space<vmem>>
    %dma_wait3A_40 = arith.constant 0 : i32
    %dma_wait3A_41 = arith.constant 0 : i32
    %dma_wait3A_42 = tpu.memref_slice %arg2[%dma_wait3A_40, %dma_wait3A_41] : memref<10000x128xf32, #tpu.memory_space<hbm>> -> memref<10000x128xf32, #tpu.memory_space<hbm>>
    tpu.wait_indirect_dma semaphore(%arg13 : memref<!tpu.dma_semaphore, #tpu.memory_space<semaphore_mem>>) src(%dma_wait3A_42 : memref<10000x128xf32, #tpu.memory_space<hbm>>) dst(%arg10 : memref<128x128xf32, #tpu.memory_space<vmem>>)
    %run_scoped3A = arith.constant 14 : i32
    "tpu.region"() ({
      %run_scoped3A_216 = tpu.sem_alloc : memref<!tpu.dma_semaphore, #tpu.memory_space<semaphore_mem>>
      %dma_start3A_217 = arith.constant 0 : i32
      %dma_start3A_218 = tpu.memref_slice %arg7[%run_scoped3A, %dma_start3A_217] : memref<16x128xi32, #tpu.memory_space<vmem>> -> memref<1x128xi32, #tpu.memory_space<vmem>>
      %dma_start3A_219 = tpu.memref_squeeze %dma_start3A_218 : memref<1x128xi32, #tpu.memory_space<vmem>> -> memref<128xi32, #tpu.memory_space<vmem>>
      %dma_start3A_220 = arith.constant 0 : i32
      %dma_start3A_221 = arith.constant 0 : i32
      %dma_start3A_222 = tpu.memref_slice %arg12[%dma_start3A_220, %dma_start3A_221] : memref<10240x128xf32, #tpu.memory_space<vmem_shared>> -> memref<10240x128xf32, #tpu.memory_space<vmem_shared>>
      tpu.enqueue_indirect_dma source(%arg10 : memref<128x128xf32, #tpu.memory_space<vmem>>) target(%dma_start3A_222 : memref<10240x128xf32, #tpu.memory_space<vmem_shared>>) offsets(%dma_start3A_219 : memref<128xi32, #tpu.memory_space<vmem>>) semaphore(%run_scoped3A_216 : memref<!tpu.dma_semaphore, #tpu.memory_space<semaphore_mem>>) {add = true}
      %dma_wait3A_223 = arith.constant 0 : i32
      %dma_wait3A_224 = tpu.memref_slice %arg7[%run_scoped3A, %dma_wait3A_223] : memref<16x128xi32, #tpu.memory_space<vmem>> -> memref<1x128xi32, #tpu.memory_space<vmem>>
      %dma_wait3A_225 = tpu.memref_squeeze %dma_wait3A_224 : memref<1x128xi32, #tpu.memory_space<vmem>> -> memref<128xi32, #tpu.memory_space<vmem>>
      %dma_wait3A_226 = arith.constant 0 : i32
      %dma_wait3A_227 = arith.constant 0 : i32
      %dma_wait3A_228 = tpu.memref_slice %arg12[%dma_wait3A_226, %dma_wait3A_227] : memref<10240x128xf32, #tpu.memory_space<vmem_shared>> -> memref<10240x128xf32, #tpu.memory_space<vmem_shared>>
      tpu.wait_indirect_dma semaphore(%run_scoped3A_216 : memref<!tpu.dma_semaphore, #tpu.memory_space<semaphore_mem>>) src(%arg10 : memref<128x128xf32, #tpu.memory_space<vmem>>) dst(%dma_wait3A_228 : memref<10240x128xf32, #tpu.memory_space<vmem_shared>>)
      tpu.yield
    }) : () -> ()
    %dma_start3A_43 = arith.constant 0 : i32
    %dma_start3A_44 = arith.constant 0 : i32
    %dma_start3A_45 = tpu.memref_slice %arg8[%dma_start3A_43, %dma_start3A_44] : memref<16x128xi32, #tpu.memory_space<vmem>> -> memref<1x128xi32, #tpu.memory_space<vmem>>
    %dma_start3A_46 = tpu.memref_squeeze %dma_start3A_45 : memref<1x128xi32, #tpu.memory_space<vmem>> -> memref<128xi32, #tpu.memory_space<vmem>>
    %dma_start3A_47 = arith.constant 0 : i32
    %dma_start3A_48 = arith.constant 0 : i32
    %dma_start3A_49 = tpu.memref_slice %arg2[%dma_start3A_47, %dma_start3A_48] : memref<10000x128xf32, #tpu.memory_space<hbm>> -> memref<10000x128xf32, #tpu.memory_space<hbm>>
    tpu.enqueue_indirect_dma source(%dma_start3A_49 : memref<10000x128xf32, #tpu.memory_space<hbm>>) target(%arg10 : memref<128x128xf32, #tpu.memory_space<vmem>>) offsets(%dma_start3A_46 : memref<128xi32, #tpu.memory_space<vmem>>) semaphore(%arg13 : memref<!tpu.dma_semaphore, #tpu.memory_space<semaphore_mem>>)
    %dma_wait3A_50 = arith.constant 15 : i32
    %dma_wait3A_51 = arith.constant 0 : i32
    %dma_wait3A_52 = tpu.memref_slice %arg6[%dma_wait3A_50, %dma_wait3A_51] : memref<16x128xi32, #tpu.memory_space<vmem>> -> memref<1x128xi32, #tpu.memory_space<vmem>>
    %dma_wait3A_53 = tpu.memref_squeeze %dma_wait3A_52 : memref<1x128xi32, #tpu.memory_space<vmem>> -> memref<128xi32, #tpu.memory_space<vmem>>
    %dma_wait3A_54 = arith.constant 0 : i32
    %dma_wait3A_55 = arith.constant 0 : i32
    %dma_wait3A_56 = tpu.memref_slice %arg2[%dma_wait3A_54, %dma_wait3A_55] : memref<10000x128xf32, #tpu.memory_space<hbm>> -> memref<10000x128xf32, #tpu.memory_space<hbm>>
    tpu.wait_indirect_dma semaphore(%arg14 : memref<!tpu.dma_semaphore, #tpu.memory_space<semaphore_mem>>) src(%dma_wait3A_56 : memref<10000x128xf32, #tpu.memory_space<hbm>>) dst(%arg11 : memref<128x128xf32, #tpu.memory_space<vmem>>)
    %run_scoped3A_57 = arith.constant 15 : i32
    "tpu.region"() ({
      %run_scoped3A_216 = tpu.sem_alloc : memref<!tpu.dma_semaphore, #tpu.memory_space<semaphore_mem>>
      %dma_start3A_217 = arith.constant 0 : i32
      %dma_start3A_218 = tpu.memref_slice %arg7[%run_scoped3A_57, %dma_start3A_217] : memref<16x128xi32, #tpu.memory_space<vmem>> -> memref<1x128xi32, #tpu.memory_space<vmem>>
      %dma_start3A_219 = tpu.memref_squeeze %dma_start3A_218 : memref<1x128xi32, #tpu.memory_space<vmem>> -> memref<128xi32, #tpu.memory_space<vmem>>
      %dma_start3A_220 = arith.constant 0 : i32
      %dma_start3A_221 = arith.constant 0 : i32
      %dma_start3A_222 = tpu.memref_slice %arg12[%dma_start3A_220, %dma_start3A_221] : memref<10240x128xf32, #tpu.memory_space<vmem_shared>> -> memref<10240x128xf32, #tpu.memory_space<vmem_shared>>
      tpu.enqueue_indirect_dma source(%arg11 : memref<128x128xf32, #tpu.memory_space<vmem>>) target(%dma_start3A_222 : memref<10240x128xf32, #tpu.memory_space<vmem_shared>>) offsets(%dma_start3A_219 : memref<128xi32, #tpu.memory_space<vmem>>) semaphore(%run_scoped3A_216 : memref<!tpu.dma_semaphore, #tpu.memory_space<semaphore_mem>>) {add = true}
      %dma_wait3A_223 = arith.constant 0 : i32
      %dma_wait3A_224 = tpu.memref_slice %arg7[%run_scoped3A_57, %dma_wait3A_223] : memref<16x128xi32, #tpu.memory_space<vmem>> -> memref<1x128xi32, #tpu.memory_space<vmem>>
      %dma_wait3A_225 = tpu.memref_squeeze %dma_wait3A_224 : memref<1x128xi32, #tpu.memory_space<vmem>> -> memref<128xi32, #tpu.memory_space<vmem>>
      %dma_wait3A_226 = arith.constant 0 : i32
      %dma_wait3A_227 = arith.constant 0 : i32
      %dma_wait3A_228 = tpu.memref_slice %arg12[%dma_wait3A_226, %dma_wait3A_227] : memref<10240x128xf32, #tpu.memory_space<vmem_shared>> -> memref<10240x128xf32, #tpu.memory_space<vmem_shared>>
      tpu.wait_indirect_dma semaphore(%run_scoped3A_216 : memref<!tpu.dma_semaphore, #tpu.memory_space<semaphore_mem>>) src(%arg11 : memref<128x128xf32, #tpu.memory_space<vmem>>) dst(%dma_wait3A_228 : memref<10240x128xf32, #tpu.memory_space<vmem_shared>>)
      tpu.yield
    }) : () -> ()
    "tpu.region"() ({
      %run_scoped3A_216 = tpu.sem_alloc : memref<!tpu.dma_semaphore, #tpu.memory_space<semaphore_mem>>
      %dma_start3A_217 = arith.constant 32 : i32
      %dma_start3A_218 = arith.constant 0 : i32
      %dma_start3A_219 = tpu.memref_slice %arg3[%add3A, %dma_start3A_217, %dma_start3A_218] : memref<32x80x128xi32, #tpu.memory_space<hbm>> -> memref<1x16x128xi32, #tpu.memory_space<hbm>>
      %dma_start3A_220 = tpu.memref_squeeze %dma_start3A_219 : memref<1x16x128xi32, #tpu.memory_space<hbm>> -> memref<16x128xi32, #tpu.memory_space<hbm>>
      %dma_start3A_221 = arith.constant 32 : i32
      %dma_start3A_222 = arith.constant 0 : i32
      %dma_start3A_223 = tpu.memref_slice %arg3[%add3A, %dma_start3A_221, %dma_start3A_222] : memref<32x80x128xi32, #tpu.memory_space<hbm>> -> memref<1x16x128xi32, #tpu.memory_space<hbm>>
      %dma_start3A_224 = tpu.memref_squeeze %dma_start3A_223 : memref<1x16x128xi32, #tpu.memory_space<hbm>> -> memref<16x128xi32, #tpu.memory_space<hbm>>
      tpu.enqueue_dma source(%dma_start3A_224 : memref<16x128xi32, #tpu.memory_space<hbm>>) target(%arg6 : memref<16x128xi32, #tpu.memory_space<vmem>>) target_semaphore(%run_scoped3A_216 : memref<!tpu.dma_semaphore, #tpu.memory_space<semaphore_mem>>)
      %dma_wait3A_225 = arith.constant 32 : i32
      %dma_wait3A_226 = arith.constant 0 : i32
      %dma_wait3A_227 = tpu.memref_slice %arg3[%add3A, %dma_wait3A_225, %dma_wait3A_226] : memref<32x80x128xi32, #tpu.memory_space<hbm>> -> memref<1x16x128xi32, #tpu.memory_space<hbm>>
      %dma_wait3A_228 = tpu.memref_squeeze %dma_wait3A_227 : memref<1x16x128xi32, #tpu.memory_space<hbm>> -> memref<16x128xi32, #tpu.memory_space<hbm>>
      %dma_wait3A_229 = arith.constant 32 : i32
      %dma_wait3A_230 = arith.constant 0 : i32
      %dma_wait3A_231 = tpu.memref_slice %arg3[%add3A, %dma_wait3A_229, %dma_wait3A_230] : memref<32x80x128xi32, #tpu.memory_space<hbm>> -> memref<1x16x128xi32, #tpu.memory_space<hbm>>
      %dma_wait3A_232 = tpu.memref_squeeze %dma_wait3A_231 : memref<1x16x128xi32, #tpu.memory_space<hbm>> -> memref<16x128xi32, #tpu.memory_space<hbm>>
      tpu.wait_dma2 semaphore(%run_scoped3A_216 : memref<!tpu.dma_semaphore, #tpu.memory_space<semaphore_mem>>) src(%dma_wait3A_232 : memref<16x128xi32, #tpu.memory_space<hbm>>) dst(%arg6 : memref<16x128xi32, #tpu.memory_space<vmem>>)
      tpu.yield
    }) : () -> ()
    "tpu.region"() ({
      %run_scoped3A_216 = tpu.sem_alloc : memref<!tpu.dma_semaphore, #tpu.memory_space<semaphore_mem>>
      %dma_start3A_217 = arith.constant 32 : i32
      %dma_start3A_218 = arith.constant 0 : i32
      %dma_start3A_219 = tpu.memref_slice %arg4[%add3A, %dma_start3A_217, %dma_start3A_218] : memref<32x80x128xi32, #tpu.memory_space<hbm>> -> memref<1x16x128xi32, #tpu.memory_space<hbm>>
      %dma_start3A_220 = tpu.memref_squeeze %dma_start3A_219 : memref<1x16x128xi32, #tpu.memory_space<hbm>> -> memref<16x128xi32, #tpu.memory_space<hbm>>
      %dma_start3A_221 = arith.constant 32 : i32
      %dma_start3A_222 = arith.constant 0 : i32
      %dma_start3A_223 = tpu.memref_slice %arg4[%add3A, %dma_start3A_221, %dma_start3A_222] : memref<32x80x128xi32, #tpu.memory_space<hbm>> -> memref<1x16x128xi32, #tpu.memory_space<hbm>>
      %dma_start3A_224 = tpu.memref_squeeze %dma_start3A_223 : memref<1x16x128xi32, #tpu.memory_space<hbm>> -> memref<16x128xi32, #tpu.memory_space<hbm>>
      tpu.enqueue_dma source(%dma_start3A_224 : memref<16x128xi32, #tpu.memory_space<hbm>>) target(%arg7 : memref<16x128xi32, #tpu.memory_space<vmem>>) target_semaphore(%run_scoped3A_216 : memref<!tpu.dma_semaphore, #tpu.memory_space<semaphore_mem>>)
      %dma_wait3A_225 = arith.constant 32 : i32
      %dma_wait3A_226 = arith.constant 0 : i32
      %dma_wait3A_227 = tpu.memref_slice %arg4[%add3A, %dma_wait3A_225, %dma_wait3A_226] : memref<32x80x128xi32, #tpu.memory_space<hbm>> -> memref<1x16x128xi32, #tpu.memory_space<hbm>>
      %dma_wait3A_228 = tpu.memref_squeeze %dma_wait3A_227 : memref<1x16x128xi32, #tpu.memory_space<hbm>> -> memref<16x128xi32, #tpu.memory_space<hbm>>
      %dma_wait3A_229 = arith.constant 32 : i32
      %dma_wait3A_230 = arith.constant 0 : i32
      %dma_wait3A_231 = tpu.memref_slice %arg4[%add3A, %dma_wait3A_229, %dma_wait3A_230] : memref<32x80x128xi32, #tpu.memory_space<hbm>> -> memref<1x16x128xi32, #tpu.memory_space<hbm>>
      %dma_wait3A_232 = tpu.memref_squeeze %dma_wait3A_231 : memref<1x16x128xi32, #tpu.memory_space<hbm>> -> memref<16x128xi32, #tpu.memory_space<hbm>>
      tpu.wait_dma2 semaphore(%run_scoped3A_216 : memref<!tpu.dma_semaphore, #tpu.memory_space<semaphore_mem>>) src(%dma_wait3A_232 : memref<16x128xi32, #tpu.memory_space<hbm>>) dst(%arg7 : memref<16x128xi32, #tpu.memory_space<vmem>>)
      tpu.yield
    }) : () -> ()
    %scan3A_58 = arith.constant 0 : i32
    %scan3A_59 = arith.constant 0 : i32
    %scan3A_60 = arith.constant 7 : i32
    %scan3A_61 = arith.addi %scan3A_59, %scan3A_60 : i32
    %scan3A_62 = arith.constant 1 : i32
    scf.for %scan3A_216 = %scan3A_59 to %scan3A_61 step %scan3A_62  : i32 {
      %mul3A_217 = arith.constant 2 : i32
      %mul3A_218 = arith.muli %mul3A_217, %scan3A_216 : i32
      %add3A_219 = arith.constant 1 : i32
      %add3A_220 = arith.addi %mul3A_218, %add3A_219 : i32
      %dma_start3A_221 = arith.constant 0 : i32
      %dma_start3A_222 = tpu.memref_slice %arg8[%add3A_220, %dma_start3A_221] : memref<16x128xi32, #tpu.memory_space<vmem>> -> memref<1x128xi32, #tpu.memory_space<vmem>>
      %dma_start3A_223 = tpu.memref_squeeze %dma_start3A_222 : memref<1x128xi32, #tpu.memory_space<vmem>> -> memref<128xi32, #tpu.memory_space<vmem>>
      %dma_start3A_224 = arith.constant 0 : i32
      %dma_start3A_225 = arith.constant 0 : i32
      %dma_start3A_226 = tpu.memref_slice %arg2[%dma_start3A_224, %dma_start3A_225] : memref<10000x128xf32, #tpu.memory_space<hbm>> -> memref<10000x128xf32, #tpu.memory_space<hbm>>
      tpu.enqueue_indirect_dma source(%dma_start3A_226 : memref<10000x128xf32, #tpu.memory_space<hbm>>) target(%arg11 : memref<128x128xf32, #tpu.memory_space<vmem>>) offsets(%dma_start3A_223 : memref<128xi32, #tpu.memory_space<vmem>>) semaphore(%arg14 : memref<!tpu.dma_semaphore, #tpu.memory_space<semaphore_mem>>)
      %dma_wait3A_227 = arith.constant 0 : i32
      %dma_wait3A_228 = tpu.memref_slice %arg8[%mul3A_218, %dma_wait3A_227] : memref<16x128xi32, #tpu.memory_space<vmem>> -> memref<1x128xi32, #tpu.memory_space<vmem>>
      %dma_wait3A_229 = tpu.memref_squeeze %dma_wait3A_228 : memref<1x128xi32, #tpu.memory_space<vmem>> -> memref<128xi32, #tpu.memory_space<vmem>>
      %dma_wait3A_230 = arith.constant 0 : i32
      %dma_wait3A_231 = arith.constant 0 : i32
      %dma_wait3A_232 = tpu.memref_slice %arg2[%dma_wait3A_230, %dma_wait3A_231] : memref<10000x128xf32, #tpu.memory_space<hbm>> -> memref<10000x128xf32, #tpu.memory_space<hbm>>
      tpu.wait_indirect_dma semaphore(%arg13 : memref<!tpu.dma_semaphore, #tpu.memory_space<semaphore_mem>>) src(%dma_wait3A_232 : memref<10000x128xf32, #tpu.memory_space<hbm>>) dst(%arg10 : memref<128x128xf32, #tpu.memory_space<vmem>>)
      "tpu.region"() ({
        %run_scoped3A_251 = tpu.sem_alloc : memref<!tpu.dma_semaphore, #tpu.memory_space<semaphore_mem>>
        %dma_start3A_252 = arith.constant 0 : i32
        %dma_start3A_253 = tpu.memref_slice %arg9[%mul3A_218, %dma_start3A_252] : memref<16x128xi32, #tpu.memory_space<vmem>> -> memref<1x128xi32, #tpu.memory_space<vmem>>
        %dma_start3A_254 = tpu.memref_squeeze %dma_start3A_253 : memref<1x128xi32, #tpu.memory_space<vmem>> -> memref<128xi32, #tpu.memory_space<vmem>>
        %dma_start3A_255 = arith.constant 0 : i32
        %dma_start3A_256 = arith.constant 0 : i32
        %dma_start3A_257 = tpu.memref_slice %arg12[%dma_start3A_255, %dma_start3A_256] : memref<10240x128xf32, #tpu.memory_space<vmem_shared>> -> memref<10240x128xf32, #tpu.memory_space<vmem_shared>>
        tpu.enqueue_indirect_dma source(%arg10 : memref<128x128xf32, #tpu.memory_space<vmem>>) target(%dma_start3A_257 : memref<10240x128xf32, #tpu.memory_space<vmem_shared>>) offsets(%dma_start3A_254 : memref<128xi32, #tpu.memory_space<vmem>>) semaphore(%run_scoped3A_251 : memref<!tpu.dma_semaphore, #tpu.memory_space<semaphore_mem>>) {add = true}
        %dma_wait3A_258 = arith.constant 0 : i32
        %dma_wait3A_259 = tpu.memref_slice %arg9[%mul3A_218, %dma_wait3A_258] : memref<16x128xi32, #tpu.memory_space<vmem>> -> memref<1x128xi32, #tpu.memory_space<vmem>>
        %dma_wait3A_260 = tpu.memref_squeeze %dma_wait3A_259 : memref<1x128xi32, #tpu.memory_space<vmem>> -> memref<128xi32, #tpu.memory_space<vmem>>
        %dma_wait3A_261 = arith.constant 0 : i32
        %dma_wait3A_262 = arith.constant 0 : i32
        %dma_wait3A_263 = tpu.memref_slice %arg12[%dma_wait3A_261, %dma_wait3A_262] : memref<10240x128xf32, #tpu.memory_space<vmem_shared>> -> memref<10240x128xf32, #tpu.memory_space<vmem_shared>>
        tpu.wait_indirect_dma semaphore(%run_scoped3A_251 : memref<!tpu.dma_semaphore, #tpu.memory_space<semaphore_mem>>) src(%arg10 : memref<128x128xf32, #tpu.memory_space<vmem>>) dst(%dma_wait3A_263 : memref<10240x128xf32, #tpu.memory_space<vmem_shared>>)
        tpu.yield
      }) : () -> ()
      %add3A_233 = arith.constant 2 : i32
      %add3A_234 = arith.addi %mul3A_218, %add3A_233 : i32
      %dma_start3A_235 = arith.constant 0 : i32
      %dma_start3A_236 = tpu.memref_slice %arg8[%add3A_234, %dma_start3A_235] : memref<16x128xi32, #tpu.memory_space<vmem>> -> memref<1x128xi32, #tpu.memory_space<vmem>>
      %dma_start3A_237 = tpu.memref_squeeze %dma_start3A_236 : memref<1x128xi32, #tpu.memory_space<vmem>> -> memref<128xi32, #tpu.memory_space<vmem>>
      %dma_start3A_238 = arith.constant 0 : i32
      %dma_start3A_239 = arith.constant 0 : i32
      %dma_start3A_240 = tpu.memref_slice %arg2[%dma_start3A_238, %dma_start3A_239] : memref<10000x128xf32, #tpu.memory_space<hbm>> -> memref<10000x128xf32, #tpu.memory_space<hbm>>
      tpu.enqueue_indirect_dma source(%dma_start3A_240 : memref<10000x128xf32, #tpu.memory_space<hbm>>) target(%arg10 : memref<128x128xf32, #tpu.memory_space<vmem>>) offsets(%dma_start3A_237 : memref<128xi32, #tpu.memory_space<vmem>>) semaphore(%arg13 : memref<!tpu.dma_semaphore, #tpu.memory_space<semaphore_mem>>)
      %add3A_241 = arith.constant 1 : i32
      %add3A_242 = arith.addi %mul3A_218, %add3A_241 : i32
      %dma_wait3A_243 = arith.constant 0 : i32
      %dma_wait3A_244 = tpu.memref_slice %arg8[%add3A_242, %dma_wait3A_243] : memref<16x128xi32, #tpu.memory_space<vmem>> -> memref<1x128xi32, #tpu.memory_space<vmem>>
      %dma_wait3A_245 = tpu.memref_squeeze %dma_wait3A_244 : memref<1x128xi32, #tpu.memory_space<vmem>> -> memref<128xi32, #tpu.memory_space<vmem>>
      %dma_wait3A_246 = arith.constant 0 : i32
      %dma_wait3A_247 = arith.constant 0 : i32
      %dma_wait3A_248 = tpu.memref_slice %arg2[%dma_wait3A_246, %dma_wait3A_247] : memref<10000x128xf32, #tpu.memory_space<hbm>> -> memref<10000x128xf32, #tpu.memory_space<hbm>>
      tpu.wait_indirect_dma semaphore(%arg14 : memref<!tpu.dma_semaphore, #tpu.memory_space<semaphore_mem>>) src(%dma_wait3A_248 : memref<10000x128xf32, #tpu.memory_space<hbm>>) dst(%arg11 : memref<128x128xf32, #tpu.memory_space<vmem>>)
      %add3A_249 = arith.constant 1 : i32
      %add3A_250 = arith.addi %mul3A_218, %add3A_249 : i32
      "tpu.region"() ({
        %run_scoped3A_251 = tpu.sem_alloc : memref<!tpu.dma_semaphore, #tpu.memory_space<semaphore_mem>>
        %dma_start3A_252 = arith.constant 0 : i32
        %dma_start3A_253 = tpu.memref_slice %arg9[%add3A_250, %dma_start3A_252] : memref<16x128xi32, #tpu.memory_space<vmem>> -> memref<1x128xi32, #tpu.memory_space<vmem>>
        %dma_start3A_254 = tpu.memref_squeeze %dma_start3A_253 : memref<1x128xi32, #tpu.memory_space<vmem>> -> memref<128xi32, #tpu.memory_space<vmem>>
        %dma_start3A_255 = arith.constant 0 : i32
        %dma_start3A_256 = arith.constant 0 : i32
        %dma_start3A_257 = tpu.memref_slice %arg12[%dma_start3A_255, %dma_start3A_256] : memref<10240x128xf32, #tpu.memory_space<vmem_shared>> -> memref<10240x128xf32, #tpu.memory_space<vmem_shared>>
        tpu.enqueue_indirect_dma source(%arg11 : memref<128x128xf32, #tpu.memory_space<vmem>>) target(%dma_start3A_257 : memref<10240x128xf32, #tpu.memory_space<vmem_shared>>) offsets(%dma_start3A_254 : memref<128xi32, #tpu.memory_space<vmem>>) semaphore(%run_scoped3A_251 : memref<!tpu.dma_semaphore, #tpu.memory_space<semaphore_mem>>) {add = true}
        %dma_wait3A_258 = arith.constant 0 : i32
        %dma_wait3A_259 = tpu.memref_slice %arg9[%add3A_250, %dma_wait3A_258] : memref<16x128xi32, #tpu.memory_space<vmem>> -> memref<1x128xi32, #tpu.memory_space<vmem>>
        %dma_wait3A_260 = tpu.memref_squeeze %dma_wait3A_259 : memref<1x128xi32, #tpu.memory_space<vmem>> -> memref<128xi32, #tpu.memory_space<vmem>>
        %dma_wait3A_261 = arith.constant 0 : i32
        %dma_wait3A_262 = arith.constant 0 : i32
        %dma_wait3A_263 = tpu.memref_slice %arg12[%dma_wait3A_261, %dma_wait3A_262] : memref<10240x128xf32, #tpu.memory_space<vmem_shared>> -> memref<10240x128xf32, #tpu.memory_space<vmem_shared>>
        tpu.wait_indirect_dma semaphore(%run_scoped3A_251 : memref<!tpu.dma_semaphore, #tpu.memory_space<semaphore_mem>>) src(%arg11 : memref<128x128xf32, #tpu.memory_space<vmem>>) dst(%dma_wait3A_263 : memref<10240x128xf32, #tpu.memory_space<vmem_shared>>)
        tpu.yield
      }) : () -> ()
    }
    %scan3A_63 = arith.constant 7 : i32
    %dma_start3A_64 = arith.constant 15 : i32
    %dma_start3A_65 = arith.constant 0 : i32
    %dma_start3A_66 = tpu.memref_slice %arg8[%dma_start3A_64, %dma_start3A_65] : memref<16x128xi32, #tpu.memory_space<vmem>> -> memref<1x128xi32, #tpu.memory_space<vmem>>
    %dma_start3A_67 = tpu.memref_squeeze %dma_start3A_66 : memref<1x128xi32, #tpu.memory_space<vmem>> -> memref<128xi32, #tpu.memory_space<vmem>>
    %dma_start3A_68 = arith.constant 0 : i32
    %dma_start3A_69 = arith.constant 0 : i32
    %dma_start3A_70 = tpu.memref_slice %arg2[%dma_start3A_68, %dma_start3A_69] : memref<10000x128xf32, #tpu.memory_space<hbm>> -> memref<10000x128xf32, #tpu.memory_space<hbm>>
    tpu.enqueue_indirect_dma source(%dma_start3A_70 : memref<10000x128xf32, #tpu.memory_space<hbm>>) target(%arg11 : memref<128x128xf32, #tpu.memory_space<vmem>>) offsets(%dma_start3A_67 : memref<128xi32, #tpu.memory_space<vmem>>) semaphore(%arg14 : memref<!tpu.dma_semaphore, #tpu.memory_space<semaphore_mem>>)
    %dma_wait3A_71 = arith.constant 14 : i32
    %dma_wait3A_72 = arith.constant 0 : i32
    %dma_wait3A_73 = tpu.memref_slice %arg8[%dma_wait3A_71, %dma_wait3A_72] : memref<16x128xi32, #tpu.memory_space<vmem>> -> memref<1x128xi32, #tpu.memory_space<vmem>>
    %dma_wait3A_74 = tpu.memref_squeeze %dma_wait3A_73 : memref<1x128xi32, #tpu.memory_space<vmem>> -> memref<128xi32, #tpu.memory_space<vmem>>
    %dma_wait3A_75 = arith.constant 0 : i32
    %dma_wait3A_76 = arith.constant 0 : i32
    %dma_wait3A_77 = tpu.memref_slice %arg2[%dma_wait3A_75, %dma_wait3A_76] : memref<10000x128xf32, #tpu.memory_space<hbm>> -> memref<10000x128xf32, #tpu.memory_space<hbm>>
    tpu.wait_indirect_dma semaphore(%arg13 : memref<!tpu.dma_semaphore, #tpu.memory_space<semaphore_mem>>) src(%dma_wait3A_77 : memref<10000x128xf32, #tpu.memory_space<hbm>>) dst(%arg10 : memref<128x128xf32, #tpu.memory_space<vmem>>)
    %run_scoped3A_78 = arith.constant 14 : i32
    "tpu.region"() ({
      %run_scoped3A_216 = tpu.sem_alloc : memref<!tpu.dma_semaphore, #tpu.memory_space<semaphore_mem>>
      %dma_start3A_217 = arith.constant 0 : i32
      %dma_start3A_218 = tpu.memref_slice %arg9[%run_scoped3A_78, %dma_start3A_217] : memref<16x128xi32, #tpu.memory_space<vmem>> -> memref<1x128xi32, #tpu.memory_space<vmem>>
      %dma_start3A_219 = tpu.memref_squeeze %dma_start3A_218 : memref<1x128xi32, #tpu.memory_space<vmem>> -> memref<128xi32, #tpu.memory_space<vmem>>
      %dma_start3A_220 = arith.constant 0 : i32
      %dma_start3A_221 = arith.constant 0 : i32
      %dma_start3A_222 = tpu.memref_slice %arg12[%dma_start3A_220, %dma_start3A_221] : memref<10240x128xf32, #tpu.memory_space<vmem_shared>> -> memref<10240x128xf32, #tpu.memory_space<vmem_shared>>
      tpu.enqueue_indirect_dma source(%arg10 : memref<128x128xf32, #tpu.memory_space<vmem>>) target(%dma_start3A_222 : memref<10240x128xf32, #tpu.memory_space<vmem_shared>>) offsets(%dma_start3A_219 : memref<128xi32, #tpu.memory_space<vmem>>) semaphore(%run_scoped3A_216 : memref<!tpu.dma_semaphore, #tpu.memory_space<semaphore_mem>>) {add = true}
      %dma_wait3A_223 = arith.constant 0 : i32
      %dma_wait3A_224 = tpu.memref_slice %arg9[%run_scoped3A_78, %dma_wait3A_223] : memref<16x128xi32, #tpu.memory_space<vmem>> -> memref<1x128xi32, #tpu.memory_space<vmem>>
      %dma_wait3A_225 = tpu.memref_squeeze %dma_wait3A_224 : memref<1x128xi32, #tpu.memory_space<vmem>> -> memref<128xi32, #tpu.memory_space<vmem>>
      %dma_wait3A_226 = arith.constant 0 : i32
      %dma_wait3A_227 = arith.constant 0 : i32
      %dma_wait3A_228 = tpu.memref_slice %arg12[%dma_wait3A_226, %dma_wait3A_227] : memref<10240x128xf32, #tpu.memory_space<vmem_shared>> -> memref<10240x128xf32, #tpu.memory_space<vmem_shared>>
      tpu.wait_indirect_dma semaphore(%run_scoped3A_216 : memref<!tpu.dma_semaphore, #tpu.memory_space<semaphore_mem>>) src(%arg10 : memref<128x128xf32, #tpu.memory_space<vmem>>) dst(%dma_wait3A_228 : memref<10240x128xf32, #tpu.memory_space<vmem_shared>>)
      tpu.yield
    }) : () -> ()
    %dma_start3A_79 = arith.constant 0 : i32
    %dma_start3A_80 = arith.constant 0 : i32
    %dma_start3A_81 = tpu.memref_slice %arg6[%dma_start3A_79, %dma_start3A_80] : memref<16x128xi32, #tpu.memory_space<vmem>> -> memref<1x128xi32, #tpu.memory_space<vmem>>
    %dma_start3A_82 = tpu.memref_squeeze %dma_start3A_81 : memref<1x128xi32, #tpu.memory_space<vmem>> -> memref<128xi32, #tpu.memory_space<vmem>>
    %dma_start3A_83 = arith.constant 0 : i32
    %dma_start3A_84 = arith.constant 0 : i32
    %dma_start3A_85 = tpu.memref_slice %arg2[%dma_start3A_83, %dma_start3A_84] : memref<10000x128xf32, #tpu.memory_space<hbm>> -> memref<10000x128xf32, #tpu.memory_space<hbm>>
    tpu.enqueue_indirect_dma source(%dma_start3A_85 : memref<10000x128xf32, #tpu.memory_space<hbm>>) target(%arg10 : memref<128x128xf32, #tpu.memory_space<vmem>>) offsets(%dma_start3A_82 : memref<128xi32, #tpu.memory_space<vmem>>) semaphore(%arg13 : memref<!tpu.dma_semaphore, #tpu.memory_space<semaphore_mem>>)
    %dma_wait3A_86 = arith.constant 15 : i32
    %dma_wait3A_87 = arith.constant 0 : i32
    %dma_wait3A_88 = tpu.memref_slice %arg8[%dma_wait3A_86, %dma_wait3A_87] : memref<16x128xi32, #tpu.memory_space<vmem>> -> memref<1x128xi32, #tpu.memory_space<vmem>>
    %dma_wait3A_89 = tpu.memref_squeeze %dma_wait3A_88 : memref<1x128xi32, #tpu.memory_space<vmem>> -> memref<128xi32, #tpu.memory_space<vmem>>
    %dma_wait3A_90 = arith.constant 0 : i32
    %dma_wait3A_91 = arith.constant 0 : i32
    %dma_wait3A_92 = tpu.memref_slice %arg2[%dma_wait3A_90, %dma_wait3A_91] : memref<10000x128xf32, #tpu.memory_space<hbm>> -> memref<10000x128xf32, #tpu.memory_space<hbm>>
    tpu.wait_indirect_dma semaphore(%arg14 : memref<!tpu.dma_semaphore, #tpu.memory_space<semaphore_mem>>) src(%dma_wait3A_92 : memref<10000x128xf32, #tpu.memory_space<hbm>>) dst(%arg11 : memref<128x128xf32, #tpu.memory_space<vmem>>)
    %run_scoped3A_93 = arith.constant 15 : i32
    "tpu.region"() ({
      %run_scoped3A_216 = tpu.sem_alloc : memref<!tpu.dma_semaphore, #tpu.memory_space<semaphore_mem>>
      %dma_start3A_217 = arith.constant 0 : i32
      %dma_start3A_218 = tpu.memref_slice %arg9[%run_scoped3A_93, %dma_start3A_217] : memref<16x128xi32, #tpu.memory_space<vmem>> -> memref<1x128xi32, #tpu.memory_space<vmem>>
      %dma_start3A_219 = tpu.memref_squeeze %dma_start3A_218 : memref<1x128xi32, #tpu.memory_space<vmem>> -> memref<128xi32, #tpu.memory_space<vmem>>
      %dma_start3A_220 = arith.constant 0 : i32
      %dma_start3A_221 = arith.constant 0 : i32
      %dma_start3A_222 = tpu.memref_slice %arg12[%dma_start3A_220, %dma_start3A_221] : memref<10240x128xf32, #tpu.memory_space<vmem_shared>> -> memref<10240x128xf32, #tpu.memory_space<vmem_shared>>
      tpu.enqueue_indirect_dma source(%arg11 : memref<128x128xf32, #tpu.memory_space<vmem>>) target(%dma_start3A_222 : memref<10240x128xf32, #tpu.memory_space<vmem_shared>>) offsets(%dma_start3A_219 : memref<128xi32, #tpu.memory_space<vmem>>) semaphore(%run_scoped3A_216 : memref<!tpu.dma_semaphore, #tpu.memory_space<semaphore_mem>>) {add = true}
      %dma_wait3A_223 = arith.constant 0 : i32
      %dma_wait3A_224 = tpu.memref_slice %arg9[%run_scoped3A_93, %dma_wait3A_223] : memref<16x128xi32, #tpu.memory_space<vmem>> -> memref<1x128xi32, #tpu.memory_space<vmem>>
      %dma_wait3A_225 = tpu.memref_squeeze %dma_wait3A_224 : memref<1x128xi32, #tpu.memory_space<vmem>> -> memref<128xi32, #tpu.memory_space<vmem>>
      %dma_wait3A_226 = arith.constant 0 : i32
      %dma_wait3A_227 = arith.constant 0 : i32
      %dma_wait3A_228 = tpu.memref_slice %arg12[%dma_wait3A_226, %dma_wait3A_227] : memref<10240x128xf32, #tpu.memory_space<vmem_shared>> -> memref<10240x128xf32, #tpu.memory_space<vmem_shared>>
      tpu.wait_indirect_dma semaphore(%run_scoped3A_216 : memref<!tpu.dma_semaphore, #tpu.memory_space<semaphore_mem>>) src(%arg11 : memref<128x128xf32, #tpu.memory_space<vmem>>) dst(%dma_wait3A_228 : memref<10240x128xf32, #tpu.memory_space<vmem_shared>>)
      tpu.yield
    }) : () -> ()
    "tpu.region"() ({
      %run_scoped3A_216 = tpu.sem_alloc : memref<!tpu.dma_semaphore, #tpu.memory_space<semaphore_mem>>
      %dma_start3A_217 = arith.constant 48 : i32
      %dma_start3A_218 = arith.constant 0 : i32
      %dma_start3A_219 = tpu.memref_slice %arg3[%add3A, %dma_start3A_217, %dma_start3A_218] : memref<32x80x128xi32, #tpu.memory_space<hbm>> -> memref<1x16x128xi32, #tpu.memory_space<hbm>>
      %dma_start3A_220 = tpu.memref_squeeze %dma_start3A_219 : memref<1x16x128xi32, #tpu.memory_space<hbm>> -> memref<16x128xi32, #tpu.memory_space<hbm>>
      %dma_start3A_221 = arith.constant 48 : i32
      %dma_start3A_222 = arith.constant 0 : i32
      %dma_start3A_223 = tpu.memref_slice %arg3[%add3A, %dma_start3A_221, %dma_start3A_222] : memref<32x80x128xi32, #tpu.memory_space<hbm>> -> memref<1x16x128xi32, #tpu.memory_space<hbm>>
      %dma_start3A_224 = tpu.memref_squeeze %dma_start3A_223 : memref<1x16x128xi32, #tpu.memory_space<hbm>> -> memref<16x128xi32, #tpu.memory_space<hbm>>
      tpu.enqueue_dma source(%dma_start3A_224 : memref<16x128xi32, #tpu.memory_space<hbm>>) target(%arg8 : memref<16x128xi32, #tpu.memory_space<vmem>>) target_semaphore(%run_scoped3A_216 : memref<!tpu.dma_semaphore, #tpu.memory_space<semaphore_mem>>)
      %dma_wait3A_225 = arith.constant 48 : i32
      %dma_wait3A_226 = arith.constant 0 : i32
      %dma_wait3A_227 = tpu.memref_slice %arg3[%add3A, %dma_wait3A_225, %dma_wait3A_226] : memref<32x80x128xi32, #tpu.memory_space<hbm>> -> memref<1x16x128xi32, #tpu.memory_space<hbm>>
      %dma_wait3A_228 = tpu.memref_squeeze %dma_wait3A_227 : memref<1x16x128xi32, #tpu.memory_space<hbm>> -> memref<16x128xi32, #tpu.memory_space<hbm>>
      %dma_wait3A_229 = arith.constant 48 : i32
      %dma_wait3A_230 = arith.constant 0 : i32
      %dma_wait3A_231 = tpu.memref_slice %arg3[%add3A, %dma_wait3A_229, %dma_wait3A_230] : memref<32x80x128xi32, #tpu.memory_space<hbm>> -> memref<1x16x128xi32, #tpu.memory_space<hbm>>
      %dma_wait3A_232 = tpu.memref_squeeze %dma_wait3A_231 : memref<1x16x128xi32, #tpu.memory_space<hbm>> -> memref<16x128xi32, #tpu.memory_space<hbm>>
      tpu.wait_dma2 semaphore(%run_scoped3A_216 : memref<!tpu.dma_semaphore, #tpu.memory_space<semaphore_mem>>) src(%dma_wait3A_232 : memref<16x128xi32, #tpu.memory_space<hbm>>) dst(%arg8 : memref<16x128xi32, #tpu.memory_space<vmem>>)
      tpu.yield
    }) : () -> ()
    "tpu.region"() ({
      %run_scoped3A_216 = tpu.sem_alloc : memref<!tpu.dma_semaphore, #tpu.memory_space<semaphore_mem>>
      %dma_start3A_217 = arith.constant 48 : i32
      %dma_start3A_218 = arith.constant 0 : i32
      %dma_start3A_219 = tpu.memref_slice %arg4[%add3A, %dma_start3A_217, %dma_start3A_218] : memref<32x80x128xi32, #tpu.memory_space<hbm>> -> memref<1x16x128xi32, #tpu.memory_space<hbm>>
      %dma_start3A_220 = tpu.memref_squeeze %dma_start3A_219 : memref<1x16x128xi32, #tpu.memory_space<hbm>> -> memref<16x128xi32, #tpu.memory_space<hbm>>
      %dma_start3A_221 = arith.constant 48 : i32
      %dma_start3A_222 = arith.constant 0 : i32
      %dma_start3A_223 = tpu.memref_slice %arg4[%add3A, %dma_start3A_221, %dma_start3A_222] : memref<32x80x128xi32, #tpu.memory_space<hbm>> -> memref<1x16x128xi32, #tpu.memory_space<hbm>>
      %dma_start3A_224 = tpu.memref_squeeze %dma_start3A_223 : memref<1x16x128xi32, #tpu.memory_space<hbm>> -> memref<16x128xi32, #tpu.memory_space<hbm>>
      tpu.enqueue_dma source(%dma_start3A_224 : memref<16x128xi32, #tpu.memory_space<hbm>>) target(%arg9 : memref<16x128xi32, #tpu.memory_space<vmem>>) target_semaphore(%run_scoped3A_216 : memref<!tpu.dma_semaphore, #tpu.memory_space<semaphore_mem>>)
      %dma_wait3A_225 = arith.constant 48 : i32
      %dma_wait3A_226 = arith.constant 0 : i32
      %dma_wait3A_227 = tpu.memref_slice %arg4[%add3A, %dma_wait3A_225, %dma_wait3A_226] : memref<32x80x128xi32, #tpu.memory_space<hbm>> -> memref<1x16x128xi32, #tpu.memory_space<hbm>>
      %dma_wait3A_228 = tpu.memref_squeeze %dma_wait3A_227 : memref<1x16x128xi32, #tpu.memory_space<hbm>> -> memref<16x128xi32, #tpu.memory_space<hbm>>
      %dma_wait3A_229 = arith.constant 48 : i32
      %dma_wait3A_230 = arith.constant 0 : i32
      %dma_wait3A_231 = tpu.memref_slice %arg4[%add3A, %dma_wait3A_229, %dma_wait3A_230] : memref<32x80x128xi32, #tpu.memory_space<hbm>> -> memref<1x16x128xi32, #tpu.memory_space<hbm>>
      %dma_wait3A_232 = tpu.memref_squeeze %dma_wait3A_231 : memref<1x16x128xi32, #tpu.memory_space<hbm>> -> memref<16x128xi32, #tpu.memory_space<hbm>>
      tpu.wait_dma2 semaphore(%run_scoped3A_216 : memref<!tpu.dma_semaphore, #tpu.memory_space<semaphore_mem>>) src(%dma_wait3A_232 : memref<16x128xi32, #tpu.memory_space<hbm>>) dst(%arg9 : memref<16x128xi32, #tpu.memory_space<vmem>>)
      tpu.yield
    }) : () -> ()
    %scan3A_94 = arith.constant 0 : i32
    %scan3A_95 = arith.constant 0 : i32
    %scan3A_96 = arith.constant 7 : i32
    %scan3A_97 = arith.addi %scan3A_95, %scan3A_96 : i32
    %scan3A_98 = arith.constant 1 : i32
    scf.for %scan3A_216 = %scan3A_95 to %scan3A_97 step %scan3A_98  : i32 {
      %mul3A_217 = arith.constant 2 : i32
      %mul3A_218 = arith.muli %mul3A_217, %scan3A_216 : i32
      %add3A_219 = arith.constant 1 : i32
      %add3A_220 = arith.addi %mul3A_218, %add3A_219 : i32
      %dma_start3A_221 = arith.constant 0 : i32
      %dma_start3A_222 = tpu.memref_slice %arg6[%add3A_220, %dma_start3A_221] : memref<16x128xi32, #tpu.memory_space<vmem>> -> memref<1x128xi32, #tpu.memory_space<vmem>>
      %dma_start3A_223 = tpu.memref_squeeze %dma_start3A_222 : memref<1x128xi32, #tpu.memory_space<vmem>> -> memref<128xi32, #tpu.memory_space<vmem>>
      %dma_start3A_224 = arith.constant 0 : i32
      %dma_start3A_225 = arith.constant 0 : i32
      %dma_start3A_226 = tpu.memref_slice %arg2[%dma_start3A_224, %dma_start3A_225] : memref<10000x128xf32, #tpu.memory_space<hbm>> -> memref<10000x128xf32, #tpu.memory_space<hbm>>
      tpu.enqueue_indirect_dma source(%dma_start3A_226 : memref<10000x128xf32, #tpu.memory_space<hbm>>) target(%arg11 : memref<128x128xf32, #tpu.memory_space<vmem>>) offsets(%dma_start3A_223 : memref<128xi32, #tpu.memory_space<vmem>>) semaphore(%arg14 : memref<!tpu.dma_semaphore, #tpu.memory_space<semaphore_mem>>)
      %dma_wait3A_227 = arith.constant 0 : i32
      %dma_wait3A_228 = tpu.memref_slice %arg6[%mul3A_218, %dma_wait3A_227] : memref<16x128xi32, #tpu.memory_space<vmem>> -> memref<1x128xi32, #tpu.memory_space<vmem>>
      %dma_wait3A_229 = tpu.memref_squeeze %dma_wait3A_228 : memref<1x128xi32, #tpu.memory_space<vmem>> -> memref<128xi32, #tpu.memory_space<vmem>>
      %dma_wait3A_230 = arith.constant 0 : i32
      %dma_wait3A_231 = arith.constant 0 : i32
      %dma_wait3A_232 = tpu.memref_slice %arg2[%dma_wait3A_230, %dma_wait3A_231] : memref<10000x128xf32, #tpu.memory_space<hbm>> -> memref<10000x128xf32, #tpu.memory_space<hbm>>
      tpu.wait_indirect_dma semaphore(%arg13 : memref<!tpu.dma_semaphore, #tpu.memory_space<semaphore_mem>>) src(%dma_wait3A_232 : memref<10000x128xf32, #tpu.memory_space<hbm>>) dst(%arg10 : memref<128x128xf32, #tpu.memory_space<vmem>>)
      "tpu.region"() ({
        %run_scoped3A_251 = tpu.sem_alloc : memref<!tpu.dma_semaphore, #tpu.memory_space<semaphore_mem>>
        %dma_start3A_252 = arith.constant 0 : i32
        %dma_start3A_253 = tpu.memref_slice %arg7[%mul3A_218, %dma_start3A_252] : memref<16x128xi32, #tpu.memory_space<vmem>> -> memref<1x128xi32, #tpu.memory_space<vmem>>
        %dma_start3A_254 = tpu.memref_squeeze %dma_start3A_253 : memref<1x128xi32, #tpu.memory_space<vmem>> -> memref<128xi32, #tpu.memory_space<vmem>>
        %dma_start3A_255 = arith.constant 0 : i32
        %dma_start3A_256 = arith.constant 0 : i32
        %dma_start3A_257 = tpu.memref_slice %arg12[%dma_start3A_255, %dma_start3A_256] : memref<10240x128xf32, #tpu.memory_space<vmem_shared>> -> memref<10240x128xf32, #tpu.memory_space<vmem_shared>>
        tpu.enqueue_indirect_dma source(%arg10 : memref<128x128xf32, #tpu.memory_space<vmem>>) target(%dma_start3A_257 : memref<10240x128xf32, #tpu.memory_space<vmem_shared>>) offsets(%dma_start3A_254 : memref<128xi32, #tpu.memory_space<vmem>>) semaphore(%run_scoped3A_251 : memref<!tpu.dma_semaphore, #tpu.memory_space<semaphore_mem>>) {add = true}
        %dma_wait3A_258 = arith.constant 0 : i32
        %dma_wait3A_259 = tpu.memref_slice %arg7[%mul3A_218, %dma_wait3A_258] : memref<16x128xi32, #tpu.memory_space<vmem>> -> memref<1x128xi32, #tpu.memory_space<vmem>>
        %dma_wait3A_260 = tpu.memref_squeeze %dma_wait3A_259 : memref<1x128xi32, #tpu.memory_space<vmem>> -> memref<128xi32, #tpu.memory_space<vmem>>
        %dma_wait3A_261 = arith.constant 0 : i32
        %dma_wait3A_262 = arith.constant 0 : i32
        %dma_wait3A_263 = tpu.memref_slice %arg12[%dma_wait3A_261, %dma_wait3A_262] : memref<10240x128xf32, #tpu.memory_space<vmem_shared>> -> memref<10240x128xf32, #tpu.memory_space<vmem_shared>>
        tpu.wait_indirect_dma semaphore(%run_scoped3A_251 : memref<!tpu.dma_semaphore, #tpu.memory_space<semaphore_mem>>) src(%arg10 : memref<128x128xf32, #tpu.memory_space<vmem>>) dst(%dma_wait3A_263 : memref<10240x128xf32, #tpu.memory_space<vmem_shared>>)
        tpu.yield
      }) : () -> ()
      %add3A_233 = arith.constant 2 : i32
      %add3A_234 = arith.addi %mul3A_218, %add3A_233 : i32
      %dma_start3A_235 = arith.constant 0 : i32
      %dma_start3A_236 = tpu.memref_slice %arg6[%add3A_234, %dma_start3A_235] : memref<16x128xi32, #tpu.memory_space<vmem>> -> memref<1x128xi32, #tpu.memory_space<vmem>>
      %dma_start3A_237 = tpu.memref_squeeze %dma_start3A_236 : memref<1x128xi32, #tpu.memory_space<vmem>> -> memref<128xi32, #tpu.memory_space<vmem>>
      %dma_start3A_238 = arith.constant 0 : i32
      %dma_start3A_239 = arith.constant 0 : i32
      %dma_start3A_240 = tpu.memref_slice %arg2[%dma_start3A_238, %dma_start3A_239] : memref<10000x128xf32, #tpu.memory_space<hbm>> -> memref<10000x128xf32, #tpu.memory_space<hbm>>
      tpu.enqueue_indirect_dma source(%dma_start3A_240 : memref<10000x128xf32, #tpu.memory_space<hbm>>) target(%arg10 : memref<128x128xf32, #tpu.memory_space<vmem>>) offsets(%dma_start3A_237 : memref<128xi32, #tpu.memory_space<vmem>>) semaphore(%arg13 : memref<!tpu.dma_semaphore, #tpu.memory_space<semaphore_mem>>)
      %add3A_241 = arith.constant 1 : i32
      %add3A_242 = arith.addi %mul3A_218, %add3A_241 : i32
      %dma_wait3A_243 = arith.constant 0 : i32
      %dma_wait3A_244 = tpu.memref_slice %arg6[%add3A_242, %dma_wait3A_243] : memref<16x128xi32, #tpu.memory_space<vmem>> -> memref<1x128xi32, #tpu.memory_space<vmem>>
      %dma_wait3A_245 = tpu.memref_squeeze %dma_wait3A_244 : memref<1x128xi32, #tpu.memory_space<vmem>> -> memref<128xi32, #tpu.memory_space<vmem>>
      %dma_wait3A_246 = arith.constant 0 : i32
      %dma_wait3A_247 = arith.constant 0 : i32
      %dma_wait3A_248 = tpu.memref_slice %arg2[%dma_wait3A_246, %dma_wait3A_247] : memref<10000x128xf32, #tpu.memory_space<hbm>> -> memref<10000x128xf32, #tpu.memory_space<hbm>>
      tpu.wait_indirect_dma semaphore(%arg14 : memref<!tpu.dma_semaphore, #tpu.memory_space<semaphore_mem>>) src(%dma_wait3A_248 : memref<10000x128xf32, #tpu.memory_space<hbm>>) dst(%arg11 : memref<128x128xf32, #tpu.memory_space<vmem>>)
      %add3A_249 = arith.constant 1 : i32
      %add3A_250 = arith.addi %mul3A_218, %add3A_249 : i32
      "tpu.region"() ({
        %run_scoped3A_251 = tpu.sem_alloc : memref<!tpu.dma_semaphore, #tpu.memory_space<semaphore_mem>>
        %dma_start3A_252 = arith.constant 0 : i32
        %dma_start3A_253 = tpu.memref_slice %arg7[%add3A_250, %dma_start3A_252] : memref<16x128xi32, #tpu.memory_space<vmem>> -> memref<1x128xi32, #tpu.memory_space<vmem>>
        %dma_start3A_254 = tpu.memref_squeeze %dma_start3A_253 : memref<1x128xi32, #tpu.memory_space<vmem>> -> memref<128xi32, #tpu.memory_space<vmem>>
        %dma_start3A_255 = arith.constant 0 : i32
        %dma_start3A_256 = arith.constant 0 : i32
        %dma_start3A_257 = tpu.memref_slice %arg12[%dma_start3A_255, %dma_start3A_256] : memref<10240x128xf32, #tpu.memory_space<vmem_shared>> -> memref<10240x128xf32, #tpu.memory_space<vmem_shared>>
        tpu.enqueue_indirect_dma source(%arg11 : memref<128x128xf32, #tpu.memory_space<vmem>>) target(%dma_start3A_257 : memref<10240x128xf32, #tpu.memory_space<vmem_shared>>) offsets(%dma_start3A_254 : memref<128xi32, #tpu.memory_space<vmem>>) semaphore(%run_scoped3A_251 : memref<!tpu.dma_semaphore, #tpu.memory_space<semaphore_mem>>) {add = true}
        %dma_wait3A_258 = arith.constant 0 : i32
        %dma_wait3A_259 = tpu.memref_slice %arg7[%add3A_250, %dma_wait3A_258] : memref<16x128xi32, #tpu.memory_space<vmem>> -> memref<1x128xi32, #tpu.memory_space<vmem>>
        %dma_wait3A_260 = tpu.memref_squeeze %dma_wait3A_259 : memref<1x128xi32, #tpu.memory_space<vmem>> -> memref<128xi32, #tpu.memory_space<vmem>>
        %dma_wait3A_261 = arith.constant 0 : i32
        %dma_wait3A_262 = arith.constant 0 : i32
        %dma_wait3A_263 = tpu.memref_slice %arg12[%dma_wait3A_261, %dma_wait3A_262] : memref<10240x128xf32, #tpu.memory_space<vmem_shared>> -> memref<10240x128xf32, #tpu.memory_space<vmem_shared>>
        tpu.wait_indirect_dma semaphore(%run_scoped3A_251 : memref<!tpu.dma_semaphore, #tpu.memory_space<semaphore_mem>>) src(%arg11 : memref<128x128xf32, #tpu.memory_space<vmem>>) dst(%dma_wait3A_263 : memref<10240x128xf32, #tpu.memory_space<vmem_shared>>)
        tpu.yield
      }) : () -> ()
    }
    %scan3A_99 = arith.constant 7 : i32
    %dma_start3A_100 = arith.constant 15 : i32
    %dma_start3A_101 = arith.constant 0 : i32
    %dma_start3A_102 = tpu.memref_slice %arg6[%dma_start3A_100, %dma_start3A_101] : memref<16x128xi32, #tpu.memory_space<vmem>> -> memref<1x128xi32, #tpu.memory_space<vmem>>
    %dma_start3A_103 = tpu.memref_squeeze %dma_start3A_102 : memref<1x128xi32, #tpu.memory_space<vmem>> -> memref<128xi32, #tpu.memory_space<vmem>>
    %dma_start3A_104 = arith.constant 0 : i32
    %dma_start3A_105 = arith.constant 0 : i32
    %dma_start3A_106 = tpu.memref_slice %arg2[%dma_start3A_104, %dma_start3A_105] : memref<10000x128xf32, #tpu.memory_space<hbm>> -> memref<10000x128xf32, #tpu.memory_space<hbm>>
    tpu.enqueue_indirect_dma source(%dma_start3A_106 : memref<10000x128xf32, #tpu.memory_space<hbm>>) target(%arg11 : memref<128x128xf32, #tpu.memory_space<vmem>>) offsets(%dma_start3A_103 : memref<128xi32, #tpu.memory_space<vmem>>) semaphore(%arg14 : memref<!tpu.dma_semaphore, #tpu.memory_space<semaphore_mem>>)
    %dma_wait3A_107 = arith.constant 14 : i32
    %dma_wait3A_108 = arith.constant 0 : i32
    %dma_wait3A_109 = tpu.memref_slice %arg6[%dma_wait3A_107, %dma_wait3A_108] : memref<16x128xi32, #tpu.memory_space<vmem>> -> memref<1x128xi32, #tpu.memory_space<vmem>>
    %dma_wait3A_110 = tpu.memref_squeeze %dma_wait3A_109 : memref<1x128xi32, #tpu.memory_space<vmem>> -> memref<128xi32, #tpu.memory_space<vmem>>
    %dma_wait3A_111 = arith.constant 0 : i32
    %dma_wait3A_112 = arith.constant 0 : i32
    %dma_wait3A_113 = tpu.memref_slice %arg2[%dma_wait3A_111, %dma_wait3A_112] : memref<10000x128xf32, #tpu.memory_space<hbm>> -> memref<10000x128xf32, #tpu.memory_space<hbm>>
    tpu.wait_indirect_dma semaphore(%arg13 : memref<!tpu.dma_semaphore, #tpu.memory_space<semaphore_mem>>) src(%dma_wait3A_113 : memref<10000x128xf32, #tpu.memory_space<hbm>>) dst(%arg10 : memref<128x128xf32, #tpu.memory_space<vmem>>)
    %run_scoped3A_114 = arith.constant 14 : i32
    "tpu.region"() ({
      %run_scoped3A_216 = tpu.sem_alloc : memref<!tpu.dma_semaphore, #tpu.memory_space<semaphore_mem>>
      %dma_start3A_217 = arith.constant 0 : i32
      %dma_start3A_218 = tpu.memref_slice %arg7[%run_scoped3A_114, %dma_start3A_217] : memref<16x128xi32, #tpu.memory_space<vmem>> -> memref<1x128xi32, #tpu.memory_space<vmem>>
      %dma_start3A_219 = tpu.memref_squeeze %dma_start3A_218 : memref<1x128xi32, #tpu.memory_space<vmem>> -> memref<128xi32, #tpu.memory_space<vmem>>
      %dma_start3A_220 = arith.constant 0 : i32
      %dma_start3A_221 = arith.constant 0 : i32
      %dma_start3A_222 = tpu.memref_slice %arg12[%dma_start3A_220, %dma_start3A_221] : memref<10240x128xf32, #tpu.memory_space<vmem_shared>> -> memref<10240x128xf32, #tpu.memory_space<vmem_shared>>
      tpu.enqueue_indirect_dma source(%arg10 : memref<128x128xf32, #tpu.memory_space<vmem>>) target(%dma_start3A_222 : memref<10240x128xf32, #tpu.memory_space<vmem_shared>>) offsets(%dma_start3A_219 : memref<128xi32, #tpu.memory_space<vmem>>) semaphore(%run_scoped3A_216 : memref<!tpu.dma_semaphore, #tpu.memory_space<semaphore_mem>>) {add = true}
      %dma_wait3A_223 = arith.constant 0 : i32
      %dma_wait3A_224 = tpu.memref_slice %arg7[%run_scoped3A_114, %dma_wait3A_223] : memref<16x128xi32, #tpu.memory_space<vmem>> -> memref<1x128xi32, #tpu.memory_space<vmem>>
      %dma_wait3A_225 = tpu.memref_squeeze %dma_wait3A_224 : memref<1x128xi32, #tpu.memory_space<vmem>> -> memref<128xi32, #tpu.memory_space<vmem>>
      %dma_wait3A_226 = arith.constant 0 : i32
      %dma_wait3A_227 = arith.constant 0 : i32
      %dma_wait3A_228 = tpu.memref_slice %arg12[%dma_wait3A_226, %dma_wait3A_227] : memref<10240x128xf32, #tpu.memory_space<vmem_shared>> -> memref<10240x128xf32, #tpu.memory_space<vmem_shared>>
      tpu.wait_indirect_dma semaphore(%run_scoped3A_216 : memref<!tpu.dma_semaphore, #tpu.memory_space<semaphore_mem>>) src(%arg10 : memref<128x128xf32, #tpu.memory_space<vmem>>) dst(%dma_wait3A_228 : memref<10240x128xf32, #tpu.memory_space<vmem_shared>>)
      tpu.yield
    }) : () -> ()
    %dma_start3A_115 = arith.constant 0 : i32
    %dma_start3A_116 = arith.constant 0 : i32
    %dma_start3A_117 = tpu.memref_slice %arg8[%dma_start3A_115, %dma_start3A_116] : memref<16x128xi32, #tpu.memory_space<vmem>> -> memref<1x128xi32, #tpu.memory_space<vmem>>
    %dma_start3A_118 = tpu.memref_squeeze %dma_start3A_117 : memref<1x128xi32, #tpu.memory_space<vmem>> -> memref<128xi32, #tpu.memory_space<vmem>>
    %dma_start3A_119 = arith.constant 0 : i32
    %dma_start3A_120 = arith.constant 0 : i32
    %dma_start3A_121 = tpu.memref_slice %arg2[%dma_start3A_119, %dma_start3A_120] : memref<10000x128xf32, #tpu.memory_space<hbm>> -> memref<10000x128xf32, #tpu.memory_space<hbm>>
    tpu.enqueue_indirect_dma source(%dma_start3A_121 : memref<10000x128xf32, #tpu.memory_space<hbm>>) target(%arg10 : memref<128x128xf32, #tpu.memory_space<vmem>>) offsets(%dma_start3A_118 : memref<128xi32, #tpu.memory_space<vmem>>) semaphore(%arg13 : memref<!tpu.dma_semaphore, #tpu.memory_space<semaphore_mem>>)
    %dma_wait3A_122 = arith.constant 15 : i32
    %dma_wait3A_123 = arith.constant 0 : i32
    %dma_wait3A_124 = tpu.memref_slice %arg6[%dma_wait3A_122, %dma_wait3A_123] : memref<16x128xi32, #tpu.memory_space<vmem>> -> memref<1x128xi32, #tpu.memory_space<vmem>>
    %dma_wait3A_125 = tpu.memref_squeeze %dma_wait3A_124 : memref<1x128xi32, #tpu.memory_space<vmem>> -> memref<128xi32, #tpu.memory_space<vmem>>
    %dma_wait3A_126 = arith.constant 0 : i32
    %dma_wait3A_127 = arith.constant 0 : i32
    %dma_wait3A_128 = tpu.memref_slice %arg2[%dma_wait3A_126, %dma_wait3A_127] : memref<10000x128xf32, #tpu.memory_space<hbm>> -> memref<10000x128xf32, #tpu.memory_space<hbm>>
    tpu.wait_indirect_dma semaphore(%arg14 : memref<!tpu.dma_semaphore, #tpu.memory_space<semaphore_mem>>) src(%dma_wait3A_128 : memref<10000x128xf32, #tpu.memory_space<hbm>>) dst(%arg11 : memref<128x128xf32, #tpu.memory_space<vmem>>)
    %run_scoped3A_129 = arith.constant 15 : i32
    "tpu.region"() ({
      %run_scoped3A_216 = tpu.sem_alloc : memref<!tpu.dma_semaphore, #tpu.memory_space<semaphore_mem>>
      %dma_start3A_217 = arith.constant 0 : i32
      %dma_start3A_218 = tpu.memref_slice %arg7[%run_scoped3A_129, %dma_start3A_217] : memref<16x128xi32, #tpu.memory_space<vmem>> -> memref<1x128xi32, #tpu.memory_space<vmem>>
      %dma_start3A_219 = tpu.memref_squeeze %dma_start3A_218 : memref<1x128xi32, #tpu.memory_space<vmem>> -> memref<128xi32, #tpu.memory_space<vmem>>
      %dma_start3A_220 = arith.constant 0 : i32
      %dma_start3A_221 = arith.constant 0 : i32
      %dma_start3A_222 = tpu.memref_slice %arg12[%dma_start3A_220, %dma_start3A_221] : memref<10240x128xf32, #tpu.memory_space<vmem_shared>> -> memref<10240x128xf32, #tpu.memory_space<vmem_shared>>
      tpu.enqueue_indirect_dma source(%arg11 : memref<128x128xf32, #tpu.memory_space<vmem>>) target(%dma_start3A_222 : memref<10240x128xf32, #tpu.memory_space<vmem_shared>>) offsets(%dma_start3A_219 : memref<128xi32, #tpu.memory_space<vmem>>) semaphore(%run_scoped3A_216 : memref<!tpu.dma_semaphore, #tpu.memory_space<semaphore_mem>>) {add = true}
      %dma_wait3A_223 = arith.constant 0 : i32
      %dma_wait3A_224 = tpu.memref_slice %arg7[%run_scoped3A_129, %dma_wait3A_223] : memref<16x128xi32, #tpu.memory_space<vmem>> -> memref<1x128xi32, #tpu.memory_space<vmem>>
      %dma_wait3A_225 = tpu.memref_squeeze %dma_wait3A_224 : memref<1x128xi32, #tpu.memory_space<vmem>> -> memref<128xi32, #tpu.memory_space<vmem>>
      %dma_wait3A_226 = arith.constant 0 : i32
      %dma_wait3A_227 = arith.constant 0 : i32
      %dma_wait3A_228 = tpu.memref_slice %arg12[%dma_wait3A_226, %dma_wait3A_227] : memref<10240x128xf32, #tpu.memory_space<vmem_shared>> -> memref<10240x128xf32, #tpu.memory_space<vmem_shared>>
      tpu.wait_indirect_dma semaphore(%run_scoped3A_216 : memref<!tpu.dma_semaphore, #tpu.memory_space<semaphore_mem>>) src(%arg11 : memref<128x128xf32, #tpu.memory_space<vmem>>) dst(%dma_wait3A_228 : memref<10240x128xf32, #tpu.memory_space<vmem_shared>>)
      tpu.yield
    }) : () -> ()
    "tpu.region"() ({
      %run_scoped3A_216 = tpu.sem_alloc : memref<!tpu.dma_semaphore, #tpu.memory_space<semaphore_mem>>
      %dma_start3A_217 = arith.constant 64 : i32
      %dma_start3A_218 = arith.constant 0 : i32
      %dma_start3A_219 = tpu.memref_slice %arg3[%add3A, %dma_start3A_217, %dma_start3A_218] : memref<32x80x128xi32, #tpu.memory_space<hbm>> -> memref<1x16x128xi32, #tpu.memory_space<hbm>>
      %dma_start3A_220 = tpu.memref_squeeze %dma_start3A_219 : memref<1x16x128xi32, #tpu.memory_space<hbm>> -> memref<16x128xi32, #tpu.memory_space<hbm>>
      %dma_start3A_221 = arith.constant 64 : i32
      %dma_start3A_222 = arith.constant 0 : i32
      %dma_start3A_223 = tpu.memref_slice %arg3[%add3A, %dma_start3A_221, %dma_start3A_222] : memref<32x80x128xi32, #tpu.memory_space<hbm>> -> memref<1x16x128xi32, #tpu.memory_space<hbm>>
      %dma_start3A_224 = tpu.memref_squeeze %dma_start3A_223 : memref<1x16x128xi32, #tpu.memory_space<hbm>> -> memref<16x128xi32, #tpu.memory_space<hbm>>
      tpu.enqueue_dma source(%dma_start3A_224 : memref<16x128xi32, #tpu.memory_space<hbm>>) target(%arg6 : memref<16x128xi32, #tpu.memory_space<vmem>>) target_semaphore(%run_scoped3A_216 : memref<!tpu.dma_semaphore, #tpu.memory_space<semaphore_mem>>)
      %dma_wait3A_225 = arith.constant 64 : i32
      %dma_wait3A_226 = arith.constant 0 : i32
      %dma_wait3A_227 = tpu.memref_slice %arg3[%add3A, %dma_wait3A_225, %dma_wait3A_226] : memref<32x80x128xi32, #tpu.memory_space<hbm>> -> memref<1x16x128xi32, #tpu.memory_space<hbm>>
      %dma_wait3A_228 = tpu.memref_squeeze %dma_wait3A_227 : memref<1x16x128xi32, #tpu.memory_space<hbm>> -> memref<16x128xi32, #tpu.memory_space<hbm>>
      %dma_wait3A_229 = arith.constant 64 : i32
      %dma_wait3A_230 = arith.constant 0 : i32
      %dma_wait3A_231 = tpu.memref_slice %arg3[%add3A, %dma_wait3A_229, %dma_wait3A_230] : memref<32x80x128xi32, #tpu.memory_space<hbm>> -> memref<1x16x128xi32, #tpu.memory_space<hbm>>
      %dma_wait3A_232 = tpu.memref_squeeze %dma_wait3A_231 : memref<1x16x128xi32, #tpu.memory_space<hbm>> -> memref<16x128xi32, #tpu.memory_space<hbm>>
      tpu.wait_dma2 semaphore(%run_scoped3A_216 : memref<!tpu.dma_semaphore, #tpu.memory_space<semaphore_mem>>) src(%dma_wait3A_232 : memref<16x128xi32, #tpu.memory_space<hbm>>) dst(%arg6 : memref<16x128xi32, #tpu.memory_space<vmem>>)
      tpu.yield
    }) : () -> ()
    "tpu.region"() ({
      %run_scoped3A_216 = tpu.sem_alloc : memref<!tpu.dma_semaphore, #tpu.memory_space<semaphore_mem>>
      %dma_start3A_217 = arith.constant 64 : i32
      %dma_start3A_218 = arith.constant 0 : i32
      %dma_start3A_219 = tpu.memref_slice %arg4[%add3A, %dma_start3A_217, %dma_start3A_218] : memref<32x80x128xi32, #tpu.memory_space<hbm>> -> memref<1x16x128xi32, #tpu.memory_space<hbm>>
      %dma_start3A_220 = tpu.memref_squeeze %dma_start3A_219 : memref<1x16x128xi32, #tpu.memory_space<hbm>> -> memref<16x128xi32, #tpu.memory_space<hbm>>
      %dma_start3A_221 = arith.constant 64 : i32
      %dma_start3A_222 = arith.constant 0 : i32
      %dma_start3A_223 = tpu.memref_slice %arg4[%add3A, %dma_start3A_221, %dma_start3A_222] : memref<32x80x128xi32, #tpu.memory_space<hbm>> -> memref<1x16x128xi32, #tpu.memory_space<hbm>>
      %dma_start3A_224 = tpu.memref_squeeze %dma_start3A_223 : memref<1x16x128xi32, #tpu.memory_space<hbm>> -> memref<16x128xi32, #tpu.memory_space<hbm>>
      tpu.enqueue_dma source(%dma_start3A_224 : memref<16x128xi32, #tpu.memory_space<hbm>>) target(%arg7 : memref<16x128xi32, #tpu.memory_space<vmem>>) target_semaphore(%run_scoped3A_216 : memref<!tpu.dma_semaphore, #tpu.memory_space<semaphore_mem>>)
      %dma_wait3A_225 = arith.constant 64 : i32
      %dma_wait3A_226 = arith.constant 0 : i32
      %dma_wait3A_227 = tpu.memref_slice %arg4[%add3A, %dma_wait3A_225, %dma_wait3A_226] : memref<32x80x128xi32, #tpu.memory_space<hbm>> -> memref<1x16x128xi32, #tpu.memory_space<hbm>>
      %dma_wait3A_228 = tpu.memref_squeeze %dma_wait3A_227 : memref<1x16x128xi32, #tpu.memory_space<hbm>> -> memref<16x128xi32, #tpu.memory_space<hbm>>
      %dma_wait3A_229 = arith.constant 64 : i32
      %dma_wait3A_230 = arith.constant 0 : i32
      %dma_wait3A_231 = tpu.memref_slice %arg4[%add3A, %dma_wait3A_229, %dma_wait3A_230] : memref<32x80x128xi32, #tpu.memory_space<hbm>> -> memref<1x16x128xi32, #tpu.memory_space<hbm>>
      %dma_wait3A_232 = tpu.memref_squeeze %dma_wait3A_231 : memref<1x16x128xi32, #tpu.memory_space<hbm>> -> memref<16x128xi32, #tpu.memory_space<hbm>>
      tpu.wait_dma2 semaphore(%run_scoped3A_216 : memref<!tpu.dma_semaphore, #tpu.memory_space<semaphore_mem>>) src(%dma_wait3A_232 : memref<16x128xi32, #tpu.memory_space<hbm>>) dst(%arg7 : memref<16x128xi32, #tpu.memory_space<vmem>>)
      tpu.yield
    }) : () -> ()
    %scan3A_130 = arith.constant 0 : i32
    %scan3A_131 = arith.constant 0 : i32
    %scan3A_132 = arith.constant 7 : i32
    %scan3A_133 = arith.addi %scan3A_131, %scan3A_132 : i32
    %scan3A_134 = arith.constant 1 : i32
    scf.for %scan3A_216 = %scan3A_131 to %scan3A_133 step %scan3A_134  : i32 {
      %mul3A_217 = arith.constant 2 : i32
      %mul3A_218 = arith.muli %mul3A_217, %scan3A_216 : i32
      %add3A_219 = arith.constant 1 : i32
      %add3A_220 = arith.addi %mul3A_218, %add3A_219 : i32
      %dma_start3A_221 = arith.constant 0 : i32
      %dma_start3A_222 = tpu.memref_slice %arg8[%add3A_220, %dma_start3A_221] : memref<16x128xi32, #tpu.memory_space<vmem>> -> memref<1x128xi32, #tpu.memory_space<vmem>>
      %dma_start3A_223 = tpu.memref_squeeze %dma_start3A_222 : memref<1x128xi32, #tpu.memory_space<vmem>> -> memref<128xi32, #tpu.memory_space<vmem>>
      %dma_start3A_224 = arith.constant 0 : i32
      %dma_start3A_225 = arith.constant 0 : i32
      %dma_start3A_226 = tpu.memref_slice %arg2[%dma_start3A_224, %dma_start3A_225] : memref<10000x128xf32, #tpu.memory_space<hbm>> -> memref<10000x128xf32, #tpu.memory_space<hbm>>
      tpu.enqueue_indirect_dma source(%dma_start3A_226 : memref<10000x128xf32, #tpu.memory_space<hbm>>) target(%arg11 : memref<128x128xf32, #tpu.memory_space<vmem>>) offsets(%dma_start3A_223 : memref<128xi32, #tpu.memory_space<vmem>>) semaphore(%arg14 : memref<!tpu.dma_semaphore, #tpu.memory_space<semaphore_mem>>)
      %dma_wait3A_227 = arith.constant 0 : i32
      %dma_wait3A_228 = tpu.memref_slice %arg8[%mul3A_218, %dma_wait3A_227] : memref<16x128xi32, #tpu.memory_space<vmem>> -> memref<1x128xi32, #tpu.memory_space<vmem>>
      %dma_wait3A_229 = tpu.memref_squeeze %dma_wait3A_228 : memref<1x128xi32, #tpu.memory_space<vmem>> -> memref<128xi32, #tpu.memory_space<vmem>>
      %dma_wait3A_230 = arith.constant 0 : i32
      %dma_wait3A_231 = arith.constant 0 : i32
      %dma_wait3A_232 = tpu.memref_slice %arg2[%dma_wait3A_230, %dma_wait3A_231] : memref<10000x128xf32, #tpu.memory_space<hbm>> -> memref<10000x128xf32, #tpu.memory_space<hbm>>
      tpu.wait_indirect_dma semaphore(%arg13 : memref<!tpu.dma_semaphore, #tpu.memory_space<semaphore_mem>>) src(%dma_wait3A_232 : memref<10000x128xf32, #tpu.memory_space<hbm>>) dst(%arg10 : memref<128x128xf32, #tpu.memory_space<vmem>>)
      "tpu.region"() ({
        %run_scoped3A_251 = tpu.sem_alloc : memref<!tpu.dma_semaphore, #tpu.memory_space<semaphore_mem>>
        %dma_start3A_252 = arith.constant 0 : i32
        %dma_start3A_253 = tpu.memref_slice %arg9[%mul3A_218, %dma_start3A_252] : memref<16x128xi32, #tpu.memory_space<vmem>> -> memref<1x128xi32, #tpu.memory_space<vmem>>
        %dma_start3A_254 = tpu.memref_squeeze %dma_start3A_253 : memref<1x128xi32, #tpu.memory_space<vmem>> -> memref<128xi32, #tpu.memory_space<vmem>>
        %dma_start3A_255 = arith.constant 0 : i32
        %dma_start3A_256 = arith.constant 0 : i32
        %dma_start3A_257 = tpu.memref_slice %arg12[%dma_start3A_255, %dma_start3A_256] : memref<10240x128xf32, #tpu.memory_space<vmem_shared>> -> memref<10240x128xf32, #tpu.memory_space<vmem_shared>>
        tpu.enqueue_indirect_dma source(%arg10 : memref<128x128xf32, #tpu.memory_space<vmem>>) target(%dma_start3A_257 : memref<10240x128xf32, #tpu.memory_space<vmem_shared>>) offsets(%dma_start3A_254 : memref<128xi32, #tpu.memory_space<vmem>>) semaphore(%run_scoped3A_251 : memref<!tpu.dma_semaphore, #tpu.memory_space<semaphore_mem>>) {add = true}
        %dma_wait3A_258 = arith.constant 0 : i32
        %dma_wait3A_259 = tpu.memref_slice %arg9[%mul3A_218, %dma_wait3A_258] : memref<16x128xi32, #tpu.memory_space<vmem>> -> memref<1x128xi32, #tpu.memory_space<vmem>>
        %dma_wait3A_260 = tpu.memref_squeeze %dma_wait3A_259 : memref<1x128xi32, #tpu.memory_space<vmem>> -> memref<128xi32, #tpu.memory_space<vmem>>
        %dma_wait3A_261 = arith.constant 0 : i32
        %dma_wait3A_262 = arith.constant 0 : i32
        %dma_wait3A_263 = tpu.memref_slice %arg12[%dma_wait3A_261, %dma_wait3A_262] : memref<10240x128xf32, #tpu.memory_space<vmem_shared>> -> memref<10240x128xf32, #tpu.memory_space<vmem_shared>>
        tpu.wait_indirect_dma semaphore(%run_scoped3A_251 : memref<!tpu.dma_semaphore, #tpu.memory_space<semaphore_mem>>) src(%arg10 : memref<128x128xf32, #tpu.memory_space<vmem>>) dst(%dma_wait3A_263 : memref<10240x128xf32, #tpu.memory_space<vmem_shared>>)
        tpu.yield
      }) : () -> ()
      %add3A_233 = arith.constant 2 : i32
      %add3A_234 = arith.addi %mul3A_218, %add3A_233 : i32
      %dma_start3A_235 = arith.constant 0 : i32
      %dma_start3A_236 = tpu.memref_slice %arg8[%add3A_234, %dma_start3A_235] : memref<16x128xi32, #tpu.memory_space<vmem>> -> memref<1x128xi32, #tpu.memory_space<vmem>>
      %dma_start3A_237 = tpu.memref_squeeze %dma_start3A_236 : memref<1x128xi32, #tpu.memory_space<vmem>> -> memref<128xi32, #tpu.memory_space<vmem>>
      %dma_start3A_238 = arith.constant 0 : i32
      %dma_start3A_239 = arith.constant 0 : i32
      %dma_start3A_240 = tpu.memref_slice %arg2[%dma_start3A_238, %dma_start3A_239] : memref<10000x128xf32, #tpu.memory_space<hbm>> -> memref<10000x128xf32, #tpu.memory_space<hbm>>
      tpu.enqueue_indirect_dma source(%dma_start3A_240 : memref<10000x128xf32, #tpu.memory_space<hbm>>) target(%arg10 : memref<128x128xf32, #tpu.memory_space<vmem>>) offsets(%dma_start3A_237 : memref<128xi32, #tpu.memory_space<vmem>>) semaphore(%arg13 : memref<!tpu.dma_semaphore, #tpu.memory_space<semaphore_mem>>)
      %add3A_241 = arith.constant 1 : i32
      %add3A_242 = arith.addi %mul3A_218, %add3A_241 : i32
      %dma_wait3A_243 = arith.constant 0 : i32
      %dma_wait3A_244 = tpu.memref_slice %arg8[%add3A_242, %dma_wait3A_243] : memref<16x128xi32, #tpu.memory_space<vmem>> -> memref<1x128xi32, #tpu.memory_space<vmem>>
      %dma_wait3A_245 = tpu.memref_squeeze %dma_wait3A_244 : memref<1x128xi32, #tpu.memory_space<vmem>> -> memref<128xi32, #tpu.memory_space<vmem>>
      %dma_wait3A_246 = arith.constant 0 : i32
      %dma_wait3A_247 = arith.constant 0 : i32
      %dma_wait3A_248 = tpu.memref_slice %arg2[%dma_wait3A_246, %dma_wait3A_247] : memref<10000x128xf32, #tpu.memory_space<hbm>> -> memref<10000x128xf32, #tpu.memory_space<hbm>>
      tpu.wait_indirect_dma semaphore(%arg14 : memref<!tpu.dma_semaphore, #tpu.memory_space<semaphore_mem>>) src(%dma_wait3A_248 : memref<10000x128xf32, #tpu.memory_space<hbm>>) dst(%arg11 : memref<128x128xf32, #tpu.memory_space<vmem>>)
      %add3A_249 = arith.constant 1 : i32
      %add3A_250 = arith.addi %mul3A_218, %add3A_249 : i32
      "tpu.region"() ({
        %run_scoped3A_251 = tpu.sem_alloc : memref<!tpu.dma_semaphore, #tpu.memory_space<semaphore_mem>>
        %dma_start3A_252 = arith.constant 0 : i32
        %dma_start3A_253 = tpu.memref_slice %arg9[%add3A_250, %dma_start3A_252] : memref<16x128xi32, #tpu.memory_space<vmem>> -> memref<1x128xi32, #tpu.memory_space<vmem>>
        %dma_start3A_254 = tpu.memref_squeeze %dma_start3A_253 : memref<1x128xi32, #tpu.memory_space<vmem>> -> memref<128xi32, #tpu.memory_space<vmem>>
        %dma_start3A_255 = arith.constant 0 : i32
        %dma_start3A_256 = arith.constant 0 : i32
        %dma_start3A_257 = tpu.memref_slice %arg12[%dma_start3A_255, %dma_start3A_256] : memref<10240x128xf32, #tpu.memory_space<vmem_shared>> -> memref<10240x128xf32, #tpu.memory_space<vmem_shared>>
        tpu.enqueue_indirect_dma source(%arg11 : memref<128x128xf32, #tpu.memory_space<vmem>>) target(%dma_start3A_257 : memref<10240x128xf32, #tpu.memory_space<vmem_shared>>) offsets(%dma_start3A_254 : memref<128xi32, #tpu.memory_space<vmem>>) semaphore(%run_scoped3A_251 : memref<!tpu.dma_semaphore, #tpu.memory_space<semaphore_mem>>) {add = true}
        %dma_wait3A_258 = arith.constant 0 : i32
        %dma_wait3A_259 = tpu.memref_slice %arg9[%add3A_250, %dma_wait3A_258] : memref<16x128xi32, #tpu.memory_space<vmem>> -> memref<1x128xi32, #tpu.memory_space<vmem>>
        %dma_wait3A_260 = tpu.memref_squeeze %dma_wait3A_259 : memref<1x128xi32, #tpu.memory_space<vmem>> -> memref<128xi32, #tpu.memory_space<vmem>>
        %dma_wait3A_261 = arith.constant 0 : i32
        %dma_wait3A_262 = arith.constant 0 : i32
        %dma_wait3A_263 = tpu.memref_slice %arg12[%dma_wait3A_261, %dma_wait3A_262] : memref<10240x128xf32, #tpu.memory_space<vmem_shared>> -> memref<10240x128xf32, #tpu.memory_space<vmem_shared>>
        tpu.wait_indirect_dma semaphore(%run_scoped3A_251 : memref<!tpu.dma_semaphore, #tpu.memory_space<semaphore_mem>>) src(%arg11 : memref<128x128xf32, #tpu.memory_space<vmem>>) dst(%dma_wait3A_263 : memref<10240x128xf32, #tpu.memory_space<vmem_shared>>)
        tpu.yield
      }) : () -> ()
    }
    %scan3A_135 = arith.constant 7 : i32
    %dma_start3A_136 = arith.constant 15 : i32
    %dma_start3A_137 = arith.constant 0 : i32
    %dma_start3A_138 = tpu.memref_slice %arg8[%dma_start3A_136, %dma_start3A_137] : memref<16x128xi32, #tpu.memory_space<vmem>> -> memref<1x128xi32, #tpu.memory_space<vmem>>
    %dma_start3A_139 = tpu.memref_squeeze %dma_start3A_138 : memref<1x128xi32, #tpu.memory_space<vmem>> -> memref<128xi32, #tpu.memory_space<vmem>>
    %dma_start3A_140 = arith.constant 0 : i32
    %dma_start3A_141 = arith.constant 0 : i32
    %dma_start3A_142 = tpu.memref_slice %arg2[%dma_start3A_140, %dma_start3A_141] : memref<10000x128xf32, #tpu.memory_space<hbm>> -> memref<10000x128xf32, #tpu.memory_space<hbm>>
    tpu.enqueue_indirect_dma source(%dma_start3A_142 : memref<10000x128xf32, #tpu.memory_space<hbm>>) target(%arg11 : memref<128x128xf32, #tpu.memory_space<vmem>>) offsets(%dma_start3A_139 : memref<128xi32, #tpu.memory_space<vmem>>) semaphore(%arg14 : memref<!tpu.dma_semaphore, #tpu.memory_space<semaphore_mem>>)
    %dma_wait3A_143 = arith.constant 14 : i32
    %dma_wait3A_144 = arith.constant 0 : i32
    %dma_wait3A_145 = tpu.memref_slice %arg8[%dma_wait3A_143, %dma_wait3A_144] : memref<16x128xi32, #tpu.memory_space<vmem>> -> memref<1x128xi32, #tpu.memory_space<vmem>>
    %dma_wait3A_146 = tpu.memref_squeeze %dma_wait3A_145 : memref<1x128xi32, #tpu.memory_space<vmem>> -> memref<128xi32, #tpu.memory_space<vmem>>
    %dma_wait3A_147 = arith.constant 0 : i32
    %dma_wait3A_148 = arith.constant 0 : i32
    %dma_wait3A_149 = tpu.memref_slice %arg2[%dma_wait3A_147, %dma_wait3A_148] : memref<10000x128xf32, #tpu.memory_space<hbm>> -> memref<10000x128xf32, #tpu.memory_space<hbm>>
    tpu.wait_indirect_dma semaphore(%arg13 : memref<!tpu.dma_semaphore, #tpu.memory_space<semaphore_mem>>) src(%dma_wait3A_149 : memref<10000x128xf32, #tpu.memory_space<hbm>>) dst(%arg10 : memref<128x128xf32, #tpu.memory_space<vmem>>)
    %run_scoped3A_150 = arith.constant 14 : i32
    "tpu.region"() ({
      %run_scoped3A_216 = tpu.sem_alloc : memref<!tpu.dma_semaphore, #tpu.memory_space<semaphore_mem>>
      %dma_start3A_217 = arith.constant 0 : i32
      %dma_start3A_218 = tpu.memref_slice %arg9[%run_scoped3A_150, %dma_start3A_217] : memref<16x128xi32, #tpu.memory_space<vmem>> -> memref<1x128xi32, #tpu.memory_space<vmem>>
      %dma_start3A_219 = tpu.memref_squeeze %dma_start3A_218 : memref<1x128xi32, #tpu.memory_space<vmem>> -> memref<128xi32, #tpu.memory_space<vmem>>
      %dma_start3A_220 = arith.constant 0 : i32
      %dma_start3A_221 = arith.constant 0 : i32
      %dma_start3A_222 = tpu.memref_slice %arg12[%dma_start3A_220, %dma_start3A_221] : memref<10240x128xf32, #tpu.memory_space<vmem_shared>> -> memref<10240x128xf32, #tpu.memory_space<vmem_shared>>
      tpu.enqueue_indirect_dma source(%arg10 : memref<128x128xf32, #tpu.memory_space<vmem>>) target(%dma_start3A_222 : memref<10240x128xf32, #tpu.memory_space<vmem_shared>>) offsets(%dma_start3A_219 : memref<128xi32, #tpu.memory_space<vmem>>) semaphore(%run_scoped3A_216 : memref<!tpu.dma_semaphore, #tpu.memory_space<semaphore_mem>>) {add = true}
      %dma_wait3A_223 = arith.constant 0 : i32
      %dma_wait3A_224 = tpu.memref_slice %arg9[%run_scoped3A_150, %dma_wait3A_223] : memref<16x128xi32, #tpu.memory_space<vmem>> -> memref<1x128xi32, #tpu.memory_space<vmem>>
      %dma_wait3A_225 = tpu.memref_squeeze %dma_wait3A_224 : memref<1x128xi32, #tpu.memory_space<vmem>> -> memref<128xi32, #tpu.memory_space<vmem>>
      %dma_wait3A_226 = arith.constant 0 : i32
      %dma_wait3A_227 = arith.constant 0 : i32
      %dma_wait3A_228 = tpu.memref_slice %arg12[%dma_wait3A_226, %dma_wait3A_227] : memref<10240x128xf32, #tpu.memory_space<vmem_shared>> -> memref<10240x128xf32, #tpu.memory_space<vmem_shared>>
      tpu.wait_indirect_dma semaphore(%run_scoped3A_216 : memref<!tpu.dma_semaphore, #tpu.memory_space<semaphore_mem>>) src(%arg10 : memref<128x128xf32, #tpu.memory_space<vmem>>) dst(%dma_wait3A_228 : memref<10240x128xf32, #tpu.memory_space<vmem_shared>>)
      tpu.yield
    }) : () -> ()
    %dma_start3A_151 = arith.constant 0 : i32
    %dma_start3A_152 = arith.constant 0 : i32
    %dma_start3A_153 = tpu.memref_slice %arg6[%dma_start3A_151, %dma_start3A_152] : memref<16x128xi32, #tpu.memory_space<vmem>> -> memref<1x128xi32, #tpu.memory_space<vmem>>
    %dma_start3A_154 = tpu.memref_squeeze %dma_start3A_153 : memref<1x128xi32, #tpu.memory_space<vmem>> -> memref<128xi32, #tpu.memory_space<vmem>>
    %dma_start3A_155 = arith.constant 0 : i32
    %dma_start3A_156 = arith.constant 0 : i32
    %dma_start3A_157 = tpu.memref_slice %arg2[%dma_start3A_155, %dma_start3A_156] : memref<10000x128xf32, #tpu.memory_space<hbm>> -> memref<10000x128xf32, #tpu.memory_space<hbm>>
    tpu.enqueue_indirect_dma source(%dma_start3A_157 : memref<10000x128xf32, #tpu.memory_space<hbm>>) target(%arg10 : memref<128x128xf32, #tpu.memory_space<vmem>>) offsets(%dma_start3A_154 : memref<128xi32, #tpu.memory_space<vmem>>) semaphore(%arg13 : memref<!tpu.dma_semaphore, #tpu.memory_space<semaphore_mem>>)
    %dma_wait3A_158 = arith.constant 15 : i32
    %dma_wait3A_159 = arith.constant 0 : i32
    %dma_wait3A_160 = tpu.memref_slice %arg8[%dma_wait3A_158, %dma_wait3A_159] : memref<16x128xi32, #tpu.memory_space<vmem>> -> memref<1x128xi32, #tpu.memory_space<vmem>>
    %dma_wait3A_161 = tpu.memref_squeeze %dma_wait3A_160 : memref<1x128xi32, #tpu.memory_space<vmem>> -> memref<128xi32, #tpu.memory_space<vmem>>
    %dma_wait3A_162 = arith.constant 0 : i32
    %dma_wait3A_163 = arith.constant 0 : i32
    %dma_wait3A_164 = tpu.memref_slice %arg2[%dma_wait3A_162, %dma_wait3A_163] : memref<10000x128xf32, #tpu.memory_space<hbm>> -> memref<10000x128xf32, #tpu.memory_space<hbm>>
    tpu.wait_indirect_dma semaphore(%arg14 : memref<!tpu.dma_semaphore, #tpu.memory_space<semaphore_mem>>) src(%dma_wait3A_164 : memref<10000x128xf32, #tpu.memory_space<hbm>>) dst(%arg11 : memref<128x128xf32, #tpu.memory_space<vmem>>)
    %run_scoped3A_165 = arith.constant 15 : i32
    "tpu.region"() ({
      %run_scoped3A_216 = tpu.sem_alloc : memref<!tpu.dma_semaphore, #tpu.memory_space<semaphore_mem>>
      %dma_start3A_217 = arith.constant 0 : i32
      %dma_start3A_218 = tpu.memref_slice %arg9[%run_scoped3A_165, %dma_start3A_217] : memref<16x128xi32, #tpu.memory_space<vmem>> -> memref<1x128xi32, #tpu.memory_space<vmem>>
      %dma_start3A_219 = tpu.memref_squeeze %dma_start3A_218 : memref<1x128xi32, #tpu.memory_space<vmem>> -> memref<128xi32, #tpu.memory_space<vmem>>
      %dma_start3A_220 = arith.constant 0 : i32
      %dma_start3A_221 = arith.constant 0 : i32
      %dma_start3A_222 = tpu.memref_slice %arg12[%dma_start3A_220, %dma_start3A_221] : memref<10240x128xf32, #tpu.memory_space<vmem_shared>> -> memref<10240x128xf32, #tpu.memory_space<vmem_shared>>
      tpu.enqueue_indirect_dma source(%arg11 : memref<128x128xf32, #tpu.memory_space<vmem>>) target(%dma_start3A_222 : memref<10240x128xf32, #tpu.memory_space<vmem_shared>>) offsets(%dma_start3A_219 : memref<128xi32, #tpu.memory_space<vmem>>) semaphore(%run_scoped3A_216 : memref<!tpu.dma_semaphore, #tpu.memory_space<semaphore_mem>>) {add = true}
      %dma_wait3A_223 = arith.constant 0 : i32
      %dma_wait3A_224 = tpu.memref_slice %arg9[%run_scoped3A_165, %dma_wait3A_223] : memref<16x128xi32, #tpu.memory_space<vmem>> -> memref<1x128xi32, #tpu.memory_space<vmem>>
      %dma_wait3A_225 = tpu.memref_squeeze %dma_wait3A_224 : memref<1x128xi32, #tpu.memory_space<vmem>> -> memref<128xi32, #tpu.memory_space<vmem>>
      %dma_wait3A_226 = arith.constant 0 : i32
      %dma_wait3A_227 = arith.constant 0 : i32
      %dma_wait3A_228 = tpu.memref_slice %arg12[%dma_wait3A_226, %dma_wait3A_227] : memref<10240x128xf32, #tpu.memory_space<vmem_shared>> -> memref<10240x128xf32, #tpu.memory_space<vmem_shared>>
      tpu.wait_indirect_dma semaphore(%run_scoped3A_216 : memref<!tpu.dma_semaphore, #tpu.memory_space<semaphore_mem>>) src(%arg11 : memref<128x128xf32, #tpu.memory_space<vmem>>) dst(%dma_wait3A_228 : memref<10240x128xf32, #tpu.memory_space<vmem_shared>>)
      tpu.yield
    }) : () -> ()
    %scan3A_166 = arith.constant 0 : i32
    %scan3A_167 = arith.constant 0 : i32
    %scan3A_168 = arith.constant 7 : i32
    %scan3A_169 = arith.addi %scan3A_167, %scan3A_168 : i32
    %scan3A_170 = arith.constant 1 : i32
    scf.for %scan3A_216 = %scan3A_167 to %scan3A_169 step %scan3A_170  : i32 {
      %mul3A_217 = arith.constant 2 : i32
      %mul3A_218 = arith.muli %mul3A_217, %scan3A_216 : i32
      %add3A_219 = arith.constant 1 : i32
      %add3A_220 = arith.addi %mul3A_218, %add3A_219 : i32
      %dma_start3A_221 = arith.constant 0 : i32
      %dma_start3A_222 = tpu.memref_slice %arg6[%add3A_220, %dma_start3A_221] : memref<16x128xi32, #tpu.memory_space<vmem>> -> memref<1x128xi32, #tpu.memory_space<vmem>>
      %dma_start3A_223 = tpu.memref_squeeze %dma_start3A_222 : memref<1x128xi32, #tpu.memory_space<vmem>> -> memref<128xi32, #tpu.memory_space<vmem>>
      %dma_start3A_224 = arith.constant 0 : i32
      %dma_start3A_225 = arith.constant 0 : i32
      %dma_start3A_226 = tpu.memref_slice %arg2[%dma_start3A_224, %dma_start3A_225] : memref<10000x128xf32, #tpu.memory_space<hbm>> -> memref<10000x128xf32, #tpu.memory_space<hbm>>
      tpu.enqueue_indirect_dma source(%dma_start3A_226 : memref<10000x128xf32, #tpu.memory_space<hbm>>) target(%arg11 : memref<128x128xf32, #tpu.memory_space<vmem>>) offsets(%dma_start3A_223 : memref<128xi32, #tpu.memory_space<vmem>>) semaphore(%arg14 : memref<!tpu.dma_semaphore, #tpu.memory_space<semaphore_mem>>)
      %dma_wait3A_227 = arith.constant 0 : i32
      %dma_wait3A_228 = tpu.memref_slice %arg6[%mul3A_218, %dma_wait3A_227] : memref<16x128xi32, #tpu.memory_space<vmem>> -> memref<1x128xi32, #tpu.memory_space<vmem>>
      %dma_wait3A_229 = tpu.memref_squeeze %dma_wait3A_228 : memref<1x128xi32, #tpu.memory_space<vmem>> -> memref<128xi32, #tpu.memory_space<vmem>>
      %dma_wait3A_230 = arith.constant 0 : i32
      %dma_wait3A_231 = arith.constant 0 : i32
      %dma_wait3A_232 = tpu.memref_slice %arg2[%dma_wait3A_230, %dma_wait3A_231] : memref<10000x128xf32, #tpu.memory_space<hbm>> -> memref<10000x128xf32, #tpu.memory_space<hbm>>
      tpu.wait_indirect_dma semaphore(%arg13 : memref<!tpu.dma_semaphore, #tpu.memory_space<semaphore_mem>>) src(%dma_wait3A_232 : memref<10000x128xf32, #tpu.memory_space<hbm>>) dst(%arg10 : memref<128x128xf32, #tpu.memory_space<vmem>>)
      "tpu.region"() ({
        %run_scoped3A_251 = tpu.sem_alloc : memref<!tpu.dma_semaphore, #tpu.memory_space<semaphore_mem>>
        %dma_start3A_252 = arith.constant 0 : i32
        %dma_start3A_253 = tpu.memref_slice %arg7[%mul3A_218, %dma_start3A_252] : memref<16x128xi32, #tpu.memory_space<vmem>> -> memref<1x128xi32, #tpu.memory_space<vmem>>
        %dma_start3A_254 = tpu.memref_squeeze %dma_start3A_253 : memref<1x128xi32, #tpu.memory_space<vmem>> -> memref<128xi32, #tpu.memory_space<vmem>>
        %dma_start3A_255 = arith.constant 0 : i32
        %dma_start3A_256 = arith.constant 0 : i32
        %dma_start3A_257 = tpu.memref_slice %arg12[%dma_start3A_255, %dma_start3A_256] : memref<10240x128xf32, #tpu.memory_space<vmem_shared>> -> memref<10240x128xf32, #tpu.memory_space<vmem_shared>>
        tpu.enqueue_indirect_dma source(%arg10 : memref<128x128xf32, #tpu.memory_space<vmem>>) target(%dma_start3A_257 : memref<10240x128xf32, #tpu.memory_space<vmem_shared>>) offsets(%dma_start3A_254 : memref<128xi32, #tpu.memory_space<vmem>>) semaphore(%run_scoped3A_251 : memref<!tpu.dma_semaphore, #tpu.memory_space<semaphore_mem>>) {add = true}
        %dma_wait3A_258 = arith.constant 0 : i32
        %dma_wait3A_259 = tpu.memref_slice %arg7[%mul3A_218, %dma_wait3A_258] : memref<16x128xi32, #tpu.memory_space<vmem>> -> memref<1x128xi32, #tpu.memory_space<vmem>>
        %dma_wait3A_260 = tpu.memref_squeeze %dma_wait3A_259 : memref<1x128xi32, #tpu.memory_space<vmem>> -> memref<128xi32, #tpu.memory_space<vmem>>
        %dma_wait3A_261 = arith.constant 0 : i32
        %dma_wait3A_262 = arith.constant 0 : i32
        %dma_wait3A_263 = tpu.memref_slice %arg12[%dma_wait3A_261, %dma_wait3A_262] : memref<10240x128xf32, #tpu.memory_space<vmem_shared>> -> memref<10240x128xf32, #tpu.memory_space<vmem_shared>>
        tpu.wait_indirect_dma semaphore(%run_scoped3A_251 : memref<!tpu.dma_semaphore, #tpu.memory_space<semaphore_mem>>) src(%arg10 : memref<128x128xf32, #tpu.memory_space<vmem>>) dst(%dma_wait3A_263 : memref<10240x128xf32, #tpu.memory_space<vmem_shared>>)
        tpu.yield
      }) : () -> ()
      %add3A_233 = arith.constant 2 : i32
      %add3A_234 = arith.addi %mul3A_218, %add3A_233 : i32
      %dma_start3A_235 = arith.constant 0 : i32
      %dma_start3A_236 = tpu.memref_slice %arg6[%add3A_234, %dma_start3A_235] : memref<16x128xi32, #tpu.memory_space<vmem>> -> memref<1x128xi32, #tpu.memory_space<vmem>>
      %dma_start3A_237 = tpu.memref_squeeze %dma_start3A_236 : memref<1x128xi32, #tpu.memory_space<vmem>> -> memref<128xi32, #tpu.memory_space<vmem>>
      %dma_start3A_238 = arith.constant 0 : i32
      %dma_start3A_239 = arith.constant 0 : i32
      %dma_start3A_240 = tpu.memref_slice %arg2[%dma_start3A_238, %dma_start3A_239] : memref<10000x128xf32, #tpu.memory_space<hbm>> -> memref<10000x128xf32, #tpu.memory_space<hbm>>
      tpu.enqueue_indirect_dma source(%dma_start3A_240 : memref<10000x128xf32, #tpu.memory_space<hbm>>) target(%arg10 : memref<128x128xf32, #tpu.memory_space<vmem>>) offsets(%dma_start3A_237 : memref<128xi32, #tpu.memory_space<vmem>>) semaphore(%arg13 : memref<!tpu.dma_semaphore, #tpu.memory_space<semaphore_mem>>)
      %add3A_241 = arith.constant 1 : i32
      %add3A_242 = arith.addi %mul3A_218, %add3A_241 : i32
      %dma_wait3A_243 = arith.constant 0 : i32
      %dma_wait3A_244 = tpu.memref_slice %arg6[%add3A_242, %dma_wait3A_243] : memref<16x128xi32, #tpu.memory_space<vmem>> -> memref<1x128xi32, #tpu.memory_space<vmem>>
      %dma_wait3A_245 = tpu.memref_squeeze %dma_wait3A_244 : memref<1x128xi32, #tpu.memory_space<vmem>> -> memref<128xi32, #tpu.memory_space<vmem>>
      %dma_wait3A_246 = arith.constant 0 : i32
      %dma_wait3A_247 = arith.constant 0 : i32
      %dma_wait3A_248 = tpu.memref_slice %arg2[%dma_wait3A_246, %dma_wait3A_247] : memref<10000x128xf32, #tpu.memory_space<hbm>> -> memref<10000x128xf32, #tpu.memory_space<hbm>>
      tpu.wait_indirect_dma semaphore(%arg14 : memref<!tpu.dma_semaphore, #tpu.memory_space<semaphore_mem>>) src(%dma_wait3A_248 : memref<10000x128xf32, #tpu.memory_space<hbm>>) dst(%arg11 : memref<128x128xf32, #tpu.memory_space<vmem>>)
      %add3A_249 = arith.constant 1 : i32
      %add3A_250 = arith.addi %mul3A_218, %add3A_249 : i32
      "tpu.region"() ({
        %run_scoped3A_251 = tpu.sem_alloc : memref<!tpu.dma_semaphore, #tpu.memory_space<semaphore_mem>>
        %dma_start3A_252 = arith.constant 0 : i32
        %dma_start3A_253 = tpu.memref_slice %arg7[%add3A_250, %dma_start3A_252] : memref<16x128xi32, #tpu.memory_space<vmem>> -> memref<1x128xi32, #tpu.memory_space<vmem>>
        %dma_start3A_254 = tpu.memref_squeeze %dma_start3A_253 : memref<1x128xi32, #tpu.memory_space<vmem>> -> memref<128xi32, #tpu.memory_space<vmem>>
        %dma_start3A_255 = arith.constant 0 : i32
        %dma_start3A_256 = arith.constant 0 : i32
        %dma_start3A_257 = tpu.memref_slice %arg12[%dma_start3A_255, %dma_start3A_256] : memref<10240x128xf32, #tpu.memory_space<vmem_shared>> -> memref<10240x128xf32, #tpu.memory_space<vmem_shared>>
        tpu.enqueue_indirect_dma source(%arg11 : memref<128x128xf32, #tpu.memory_space<vmem>>) target(%dma_start3A_257 : memref<10240x128xf32, #tpu.memory_space<vmem_shared>>) offsets(%dma_start3A_254 : memref<128xi32, #tpu.memory_space<vmem>>) semaphore(%run_scoped3A_251 : memref<!tpu.dma_semaphore, #tpu.memory_space<semaphore_mem>>) {add = true}
        %dma_wait3A_258 = arith.constant 0 : i32
        %dma_wait3A_259 = tpu.memref_slice %arg7[%add3A_250, %dma_wait3A_258] : memref<16x128xi32, #tpu.memory_space<vmem>> -> memref<1x128xi32, #tpu.memory_space<vmem>>
        %dma_wait3A_260 = tpu.memref_squeeze %dma_wait3A_259 : memref<1x128xi32, #tpu.memory_space<vmem>> -> memref<128xi32, #tpu.memory_space<vmem>>
        %dma_wait3A_261 = arith.constant 0 : i32
        %dma_wait3A_262 = arith.constant 0 : i32
        %dma_wait3A_263 = tpu.memref_slice %arg12[%dma_wait3A_261, %dma_wait3A_262] : memref<10240x128xf32, #tpu.memory_space<vmem_shared>> -> memref<10240x128xf32, #tpu.memory_space<vmem_shared>>
        tpu.wait_indirect_dma semaphore(%run_scoped3A_251 : memref<!tpu.dma_semaphore, #tpu.memory_space<semaphore_mem>>) src(%arg11 : memref<128x128xf32, #tpu.memory_space<vmem>>) dst(%dma_wait3A_263 : memref<10240x128xf32, #tpu.memory_space<vmem_shared>>)
        tpu.yield
      }) : () -> ()
    }
    %scan3A_171 = arith.constant 7 : i32
    %dma_start3A_172 = arith.constant 15 : i32
    %dma_start3A_173 = arith.constant 0 : i32
    %dma_start3A_174 = tpu.memref_slice %arg6[%dma_start3A_172, %dma_start3A_173] : memref<16x128xi32, #tpu.memory_space<vmem>> -> memref<1x128xi32, #tpu.memory_space<vmem>>
    %dma_start3A_175 = tpu.memref_squeeze %dma_start3A_174 : memref<1x128xi32, #tpu.memory_space<vmem>> -> memref<128xi32, #tpu.memory_space<vmem>>
    %dma_start3A_176 = arith.constant 0 : i32
    %dma_start3A_177 = arith.constant 0 : i32
    %dma_start3A_178 = tpu.memref_slice %arg2[%dma_start3A_176, %dma_start3A_177] : memref<10000x128xf32, #tpu.memory_space<hbm>> -> memref<10000x128xf32, #tpu.memory_space<hbm>>
    tpu.enqueue_indirect_dma source(%dma_start3A_178 : memref<10000x128xf32, #tpu.memory_space<hbm>>) target(%arg11 : memref<128x128xf32, #tpu.memory_space<vmem>>) offsets(%dma_start3A_175 : memref<128xi32, #tpu.memory_space<vmem>>) semaphore(%arg14 : memref<!tpu.dma_semaphore, #tpu.memory_space<semaphore_mem>>)
    %dma_wait3A_179 = arith.constant 14 : i32
    %dma_wait3A_180 = arith.constant 0 : i32
    %dma_wait3A_181 = tpu.memref_slice %arg6[%dma_wait3A_179, %dma_wait3A_180] : memref<16x128xi32, #tpu.memory_space<vmem>> -> memref<1x128xi32, #tpu.memory_space<vmem>>
    %dma_wait3A_182 = tpu.memref_squeeze %dma_wait3A_181 : memref<1x128xi32, #tpu.memory_space<vmem>> -> memref<128xi32, #tpu.memory_space<vmem>>
    %dma_wait3A_183 = arith.constant 0 : i32
    %dma_wait3A_184 = arith.constant 0 : i32
    %dma_wait3A_185 = tpu.memref_slice %arg2[%dma_wait3A_183, %dma_wait3A_184] : memref<10000x128xf32, #tpu.memory_space<hbm>> -> memref<10000x128xf32, #tpu.memory_space<hbm>>
    tpu.wait_indirect_dma semaphore(%arg13 : memref<!tpu.dma_semaphore, #tpu.memory_space<semaphore_mem>>) src(%dma_wait3A_185 : memref<10000x128xf32, #tpu.memory_space<hbm>>) dst(%arg10 : memref<128x128xf32, #tpu.memory_space<vmem>>)
    %run_scoped3A_186 = arith.constant 14 : i32
    "tpu.region"() ({
      %run_scoped3A_216 = tpu.sem_alloc : memref<!tpu.dma_semaphore, #tpu.memory_space<semaphore_mem>>
      %dma_start3A_217 = arith.constant 0 : i32
      %dma_start3A_218 = tpu.memref_slice %arg7[%run_scoped3A_186, %dma_start3A_217] : memref<16x128xi32, #tpu.memory_space<vmem>> -> memref<1x128xi32, #tpu.memory_space<vmem>>
      %dma_start3A_219 = tpu.memref_squeeze %dma_start3A_218 : memref<1x128xi32, #tpu.memory_space<vmem>> -> memref<128xi32, #tpu.memory_space<vmem>>
      %dma_start3A_220 = arith.constant 0 : i32
      %dma_start3A_221 = arith.constant 0 : i32
      %dma_start3A_222 = tpu.memref_slice %arg12[%dma_start3A_220, %dma_start3A_221] : memref<10240x128xf32, #tpu.memory_space<vmem_shared>> -> memref<10240x128xf32, #tpu.memory_space<vmem_shared>>
      tpu.enqueue_indirect_dma source(%arg10 : memref<128x128xf32, #tpu.memory_space<vmem>>) target(%dma_start3A_222 : memref<10240x128xf32, #tpu.memory_space<vmem_shared>>) offsets(%dma_start3A_219 : memref<128xi32, #tpu.memory_space<vmem>>) semaphore(%run_scoped3A_216 : memref<!tpu.dma_semaphore, #tpu.memory_space<semaphore_mem>>) {add = true}
      %dma_wait3A_223 = arith.constant 0 : i32
      %dma_wait3A_224 = tpu.memref_slice %arg7[%run_scoped3A_186, %dma_wait3A_223] : memref<16x128xi32, #tpu.memory_space<vmem>> -> memref<1x128xi32, #tpu.memory_space<vmem>>
      %dma_wait3A_225 = tpu.memref_squeeze %dma_wait3A_224 : memref<1x128xi32, #tpu.memory_space<vmem>> -> memref<128xi32, #tpu.memory_space<vmem>>
      %dma_wait3A_226 = arith.constant 0 : i32
      %dma_wait3A_227 = arith.constant 0 : i32
      %dma_wait3A_228 = tpu.memref_slice %arg12[%dma_wait3A_226, %dma_wait3A_227] : memref<10240x128xf32, #tpu.memory_space<vmem_shared>> -> memref<10240x128xf32, #tpu.memory_space<vmem_shared>>
      tpu.wait_indirect_dma semaphore(%run_scoped3A_216 : memref<!tpu.dma_semaphore, #tpu.memory_space<semaphore_mem>>) src(%arg10 : memref<128x128xf32, #tpu.memory_space<vmem>>) dst(%dma_wait3A_228 : memref<10240x128xf32, #tpu.memory_space<vmem_shared>>)
      tpu.yield
    }) : () -> ()
    %dma_wait3A_187 = arith.constant 15 : i32
    %dma_wait3A_188 = arith.constant 0 : i32
    %dma_wait3A_189 = tpu.memref_slice %arg6[%dma_wait3A_187, %dma_wait3A_188] : memref<16x128xi32, #tpu.memory_space<vmem>> -> memref<1x128xi32, #tpu.memory_space<vmem>>
    %dma_wait3A_190 = tpu.memref_squeeze %dma_wait3A_189 : memref<1x128xi32, #tpu.memory_space<vmem>> -> memref<128xi32, #tpu.memory_space<vmem>>
    %dma_wait3A_191 = arith.constant 0 : i32
    %dma_wait3A_192 = arith.constant 0 : i32
    %dma_wait3A_193 = tpu.memref_slice %arg2[%dma_wait3A_191, %dma_wait3A_192] : memref<10000x128xf32, #tpu.memory_space<hbm>> -> memref<10000x128xf32, #tpu.memory_space<hbm>>
    tpu.wait_indirect_dma semaphore(%arg14 : memref<!tpu.dma_semaphore, #tpu.memory_space<semaphore_mem>>) src(%dma_wait3A_193 : memref<10000x128xf32, #tpu.memory_space<hbm>>) dst(%arg11 : memref<128x128xf32, #tpu.memory_space<vmem>>)
    %run_scoped3A_194 = arith.constant 15 : i32
    "tpu.region"() ({
      %run_scoped3A_216 = tpu.sem_alloc : memref<!tpu.dma_semaphore, #tpu.memory_space<semaphore_mem>>
      %dma_start3A_217 = arith.constant 0 : i32
      %dma_start3A_218 = tpu.memref_slice %arg7[%run_scoped3A_194, %dma_start3A_217] : memref<16x128xi32, #tpu.memory_space<vmem>> -> memref<1x128xi32, #tpu.memory_space<vmem>>
      %dma_start3A_219 = tpu.memref_squeeze %dma_start3A_218 : memref<1x128xi32, #tpu.memory_space<vmem>> -> memref<128xi32, #tpu.memory_space<vmem>>
      %dma_start3A_220 = arith.constant 0 : i32
      %dma_start3A_221 = arith.constant 0 : i32
      %dma_start3A_222 = tpu.memref_slice %arg12[%dma_start3A_220, %dma_start3A_221] : memref<10240x128xf32, #tpu.memory_space<vmem_shared>> -> memref<10240x128xf32, #tpu.memory_space<vmem_shared>>
      tpu.enqueue_indirect_dma source(%arg11 : memref<128x128xf32, #tpu.memory_space<vmem>>) target(%dma_start3A_222 : memref<10240x128xf32, #tpu.memory_space<vmem_shared>>) offsets(%dma_start3A_219 : memref<128xi32, #tpu.memory_space<vmem>>) semaphore(%run_scoped3A_216 : memref<!tpu.dma_semaphore, #tpu.memory_space<semaphore_mem>>) {add = true}
      %dma_wait3A_223 = arith.constant 0 : i32
      %dma_wait3A_224 = tpu.memref_slice %arg7[%run_scoped3A_194, %dma_wait3A_223] : memref<16x128xi32, #tpu.memory_space<vmem>> -> memref<1x128xi32, #tpu.memory_space<vmem>>
      %dma_wait3A_225 = tpu.memref_squeeze %dma_wait3A_224 : memref<1x128xi32, #tpu.memory_space<vmem>> -> memref<128xi32, #tpu.memory_space<vmem>>
      %dma_wait3A_226 = arith.constant 0 : i32
      %dma_wait3A_227 = arith.constant 0 : i32
      %dma_wait3A_228 = tpu.memref_slice %arg12[%dma_wait3A_226, %dma_wait3A_227] : memref<10240x128xf32, #tpu.memory_space<vmem_shared>> -> memref<10240x128xf32, #tpu.memory_space<vmem_shared>>
      tpu.wait_indirect_dma semaphore(%run_scoped3A_216 : memref<!tpu.dma_semaphore, #tpu.memory_space<semaphore_mem>>) src(%arg11 : memref<128x128xf32, #tpu.memory_space<vmem>>) dst(%dma_wait3A_228 : memref<10240x128xf32, #tpu.memory_space<vmem_shared>>)
      tpu.yield
    }) : () -> ()
    %barrier3A_195 = arith.constant 0 : index
    tpu.barrier barrier_id(%barrier3A_195)
    %add3A_196 = arith.constant 0 : i32
    %add3A_197 = arith.addi %mul3A_7, %add3A_196 : i32
    %add3A_198 = arith.constant 0 : i32
    %add3A_199 = arith.addi %mul3A_7, %add3A_198 : i32
    "tpu.region"() ({
      %run_scoped3A_216 = tpu.sem_alloc : memref<!tpu.dma_semaphore, #tpu.memory_space<semaphore_mem>>
      %dma_start3A_217 = arith.constant 0 : i32
      %dma_start3A_218 = tpu.memref_slice %arg5[%arg0, %add3A_199, %dma_start3A_217] : memref<2x10240x128xf32, #tpu.memory_space<hbm>> -> memref<1x128x128xf32, #tpu.memory_space<hbm>>
      %dma_start3A_219 = tpu.memref_squeeze %dma_start3A_218 : memref<1x128x128xf32, #tpu.memory_space<hbm>> -> memref<128x128xf32, #tpu.memory_space<hbm>>
      %dma_start3A_220 = arith.constant 0 : i32
      %dma_start3A_221 = tpu.memref_slice %arg12[%add3A_197, %dma_start3A_220] : memref<10240x128xf32, #tpu.memory_space<vmem_shared>> -> memref<128x128xf32, #tpu.memory_space<vmem_shared>>
      tpu.enqueue_dma source(%dma_start3A_221 : memref<128x128xf32, #tpu.memory_space<vmem_shared>>) target(%dma_start3A_219 : memref<128x128xf32, #tpu.memory_space<hbm>>) target_semaphore(%run_scoped3A_216 : memref<!tpu.dma_semaphore, #tpu.memory_space<semaphore_mem>>)
      %dma_wait3A_222 = arith.constant 0 : i32
      %dma_wait3A_223 = tpu.memref_slice %arg5[%arg0, %add3A_199, %dma_wait3A_222] : memref<2x10240x128xf32, #tpu.memory_space<hbm>> -> memref<1x128x128xf32, #tpu.memory_space<hbm>>
      %dma_wait3A_224 = tpu.memref_squeeze %dma_wait3A_223 : memref<1x128x128xf32, #tpu.memory_space<hbm>> -> memref<128x128xf32, #tpu.memory_space<hbm>>
      %dma_wait3A_225 = arith.constant 0 : i32
      %dma_wait3A_226 = tpu.memref_slice %arg12[%add3A_197, %dma_wait3A_225] : memref<10240x128xf32, #tpu.memory_space<vmem_shared>> -> memref<128x128xf32, #tpu.memory_space<vmem_shared>>
      tpu.wait_dma2 semaphore(%run_scoped3A_216 : memref<!tpu.dma_semaphore, #tpu.memory_space<semaphore_mem>>) src(%dma_wait3A_226 : memref<128x128xf32, #tpu.memory_space<vmem_shared>>) dst(%dma_wait3A_224 : memref<128x128xf32, #tpu.memory_space<hbm>>)
      tpu.yield
    }) : () -> ()
    %add3A_200 = arith.constant 128 : i32
    %add3A_201 = arith.addi %mul3A_7, %add3A_200 : i32
    %add3A_202 = arith.constant 128 : i32
    %add3A_203 = arith.addi %mul3A_7, %add3A_202 : i32
    "tpu.region"() ({
      %run_scoped3A_216 = tpu.sem_alloc : memref<!tpu.dma_semaphore, #tpu.memory_space<semaphore_mem>>
      %dma_start3A_217 = arith.constant 0 : i32
      %dma_start3A_218 = tpu.memref_slice %arg5[%arg0, %add3A_203, %dma_start3A_217] : memref<2x10240x128xf32, #tpu.memory_space<hbm>> -> memref<1x128x128xf32, #tpu.memory_space<hbm>>
      %dma_start3A_219 = tpu.memref_squeeze %dma_start3A_218 : memref<1x128x128xf32, #tpu.memory_space<hbm>> -> memref<128x128xf32, #tpu.memory_space<hbm>>
      %dma_start3A_220 = arith.constant 0 : i32
      %dma_start3A_221 = tpu.memref_slice %arg12[%add3A_201, %dma_start3A_220] : memref<10240x128xf32, #tpu.memory_space<vmem_shared>> -> memref<128x128xf32, #tpu.memory_space<vmem_shared>>
      tpu.enqueue_dma source(%dma_start3A_221 : memref<128x128xf32, #tpu.memory_space<vmem_shared>>) target(%dma_start3A_219 : memref<128x128xf32, #tpu.memory_space<hbm>>) target_semaphore(%run_scoped3A_216 : memref<!tpu.dma_semaphore, #tpu.memory_space<semaphore_mem>>)
      %dma_wait3A_222 = arith.constant 0 : i32
      %dma_wait3A_223 = tpu.memref_slice %arg5[%arg0, %add3A_203, %dma_wait3A_222] : memref<2x10240x128xf32, #tpu.memory_space<hbm>> -> memref<1x128x128xf32, #tpu.memory_space<hbm>>
      %dma_wait3A_224 = tpu.memref_squeeze %dma_wait3A_223 : memref<1x128x128xf32, #tpu.memory_space<hbm>> -> memref<128x128xf32, #tpu.memory_space<hbm>>
      %dma_wait3A_225 = arith.constant 0 : i32
      %dma_wait3A_226 = tpu.memref_slice %arg12[%add3A_201, %dma_wait3A_225] : memref<10240x128xf32, #tpu.memory_space<vmem_shared>> -> memref<128x128xf32, #tpu.memory_space<vmem_shared>>
      tpu.wait_dma2 semaphore(%run_scoped3A_216 : memref<!tpu.dma_semaphore, #tpu.memory_space<semaphore_mem>>) src(%dma_wait3A_226 : memref<128x128xf32, #tpu.memory_space<vmem_shared>>) dst(%dma_wait3A_224 : memref<128x128xf32, #tpu.memory_space<hbm>>)
      tpu.yield
    }) : () -> ()
    %add3A_204 = arith.constant 256 : i32
    %add3A_205 = arith.addi %mul3A_7, %add3A_204 : i32
    %add3A_206 = arith.constant 256 : i32
    %add3A_207 = arith.addi %mul3A_7, %add3A_206 : i32
    "tpu.region"() ({
      %run_scoped3A_216 = tpu.sem_alloc : memref<!tpu.dma_semaphore, #tpu.memory_space<semaphore_mem>>
      %dma_start3A_217 = arith.constant 0 : i32
      %dma_start3A_218 = tpu.memref_slice %arg5[%arg0, %add3A_207, %dma_start3A_217] : memref<2x10240x128xf32, #tpu.memory_space<hbm>> -> memref<1x128x128xf32, #tpu.memory_space<hbm>>
      %dma_start3A_219 = tpu.memref_squeeze %dma_start3A_218 : memref<1x128x128xf32, #tpu.memory_space<hbm>> -> memref<128x128xf32, #tpu.memory_space<hbm>>
      %dma_start3A_220 = arith.constant 0 : i32
      %dma_start3A_221 = tpu.memref_slice %arg12[%add3A_205, %dma_start3A_220] : memref<10240x128xf32, #tpu.memory_space<vmem_shared>> -> memref<128x128xf32, #tpu.memory_space<vmem_shared>>
      tpu.enqueue_dma source(%dma_start3A_221 : memref<128x128xf32, #tpu.memory_space<vmem_shared>>) target(%dma_start3A_219 : memref<128x128xf32, #tpu.memory_space<hbm>>) target_semaphore(%run_scoped3A_216 : memref<!tpu.dma_semaphore, #tpu.memory_space<semaphore_mem>>)
      %dma_wait3A_222 = arith.constant 0 : i32
      %dma_wait3A_223 = tpu.memref_slice %arg5[%arg0, %add3A_207, %dma_wait3A_222] : memref<2x10240x128xf32, #tpu.memory_space<hbm>> -> memref<1x128x128xf32, #tpu.memory_space<hbm>>
      %dma_wait3A_224 = tpu.memref_squeeze %dma_wait3A_223 : memref<1x128x128xf32, #tpu.memory_space<hbm>> -> memref<128x128xf32, #tpu.memory_space<hbm>>
      %dma_wait3A_225 = arith.constant 0 : i32
      %dma_wait3A_226 = tpu.memref_slice %arg12[%add3A_205, %dma_wait3A_225] : memref<10240x128xf32, #tpu.memory_space<vmem_shared>> -> memref<128x128xf32, #tpu.memory_space<vmem_shared>>
      tpu.wait_dma2 semaphore(%run_scoped3A_216 : memref<!tpu.dma_semaphore, #tpu.memory_space<semaphore_mem>>) src(%dma_wait3A_226 : memref<128x128xf32, #tpu.memory_space<vmem_shared>>) dst(%dma_wait3A_224 : memref<128x128xf32, #tpu.memory_space<hbm>>)
      tpu.yield
    }) : () -> ()
    %add3A_208 = arith.constant 384 : i32
    %add3A_209 = arith.addi %mul3A_7, %add3A_208 : i32
    %add3A_210 = arith.constant 384 : i32
    %add3A_211 = arith.addi %mul3A_7, %add3A_210 : i32
    "tpu.region"() ({
      %run_scoped3A_216 = tpu.sem_alloc : memref<!tpu.dma_semaphore, #tpu.memory_space<semaphore_mem>>
      %dma_start3A_217 = arith.constant 0 : i32
      %dma_start3A_218 = tpu.memref_slice %arg5[%arg0, %add3A_211, %dma_start3A_217] : memref<2x10240x128xf32, #tpu.memory_space<hbm>> -> memref<1x128x128xf32, #tpu.memory_space<hbm>>
      %dma_start3A_219 = tpu.memref_squeeze %dma_start3A_218 : memref<1x128x128xf32, #tpu.memory_space<hbm>> -> memref<128x128xf32, #tpu.memory_space<hbm>>
      %dma_start3A_220 = arith.constant 0 : i32
      %dma_start3A_221 = tpu.memref_slice %arg12[%add3A_209, %dma_start3A_220] : memref<10240x128xf32, #tpu.memory_space<vmem_shared>> -> memref<128x128xf32, #tpu.memory_space<vmem_shared>>
      tpu.enqueue_dma source(%dma_start3A_221 : memref<128x128xf32, #tpu.memory_space<vmem_shared>>) target(%dma_start3A_219 : memref<128x128xf32, #tpu.memory_space<hbm>>) target_semaphore(%run_scoped3A_216 : memref<!tpu.dma_semaphore, #tpu.memory_space<semaphore_mem>>)
      %dma_wait3A_222 = arith.constant 0 : i32
      %dma_wait3A_223 = tpu.memref_slice %arg5[%arg0, %add3A_211, %dma_wait3A_222] : memref<2x10240x128xf32, #tpu.memory_space<hbm>> -> memref<1x128x128xf32, #tpu.memory_space<hbm>>
      %dma_wait3A_224 = tpu.memref_squeeze %dma_wait3A_223 : memref<1x128x128xf32, #tpu.memory_space<hbm>> -> memref<128x128xf32, #tpu.memory_space<hbm>>
      %dma_wait3A_225 = arith.constant 0 : i32
      %dma_wait3A_226 = tpu.memref_slice %arg12[%add3A_209, %dma_wait3A_225] : memref<10240x128xf32, #tpu.memory_space<vmem_shared>> -> memref<128x128xf32, #tpu.memory_space<vmem_shared>>
      tpu.wait_dma2 semaphore(%run_scoped3A_216 : memref<!tpu.dma_semaphore, #tpu.memory_space<semaphore_mem>>) src(%dma_wait3A_226 : memref<128x128xf32, #tpu.memory_space<vmem_shared>>) dst(%dma_wait3A_224 : memref<128x128xf32, #tpu.memory_space<hbm>>)
      tpu.yield
    }) : () -> ()
    %add3A_212 = arith.constant 512 : i32
    %add3A_213 = arith.addi %mul3A_7, %add3A_212 : i32
    %add3A_214 = arith.constant 512 : i32
    %add3A_215 = arith.addi %mul3A_7, %add3A_214 : i32
    "tpu.region"() ({
      %run_scoped3A_216 = tpu.sem_alloc : memref<!tpu.dma_semaphore, #tpu.memory_space<semaphore_mem>>
      %dma_start3A_217 = arith.constant 0 : i32
      %dma_start3A_218 = tpu.memref_slice %arg5[%arg0, %add3A_215, %dma_start3A_217] : memref<2x10240x128xf32, #tpu.memory_space<hbm>> -> memref<1x128x128xf32, #tpu.memory_space<hbm>>
      %dma_start3A_219 = tpu.memref_squeeze %dma_start3A_218 : memref<1x128x128xf32, #tpu.memory_space<hbm>> -> memref<128x128xf32, #tpu.memory_space<hbm>>
      %dma_start3A_220 = arith.constant 0 : i32
      %dma_start3A_221 = tpu.memref_slice %arg12[%add3A_213, %dma_start3A_220] : memref<10240x128xf32, #tpu.memory_space<vmem_shared>> -> memref<128x128xf32, #tpu.memory_space<vmem_shared>>
      tpu.enqueue_dma source(%dma_start3A_221 : memref<128x128xf32, #tpu.memory_space<vmem_shared>>) target(%dma_start3A_219 : memref<128x128xf32, #tpu.memory_space<hbm>>) target_semaphore(%run_scoped3A_216 : memref<!tpu.dma_semaphore, #tpu.memory_space<semaphore_mem>>)
      %dma_wait3A_222 = arith.constant 0 : i32
      %dma_wait3A_223 = tpu.memref_slice %arg5[%arg0, %add3A_215, %dma_wait3A_222] : memref<2x10240x128xf32, #tpu.memory_space<hbm>> -> memref<1x128x128xf32, #tpu.memory_space<hbm>>
      %dma_wait3A_224 = tpu.memref_squeeze %dma_wait3A_223 : memref<1x128x128xf32, #tpu.memory_space<hbm>> -> memref<128x128xf32, #tpu.memory_space<hbm>>
      %dma_wait3A_225 = arith.constant 0 : i32
      %dma_wait3A_226 = tpu.memref_slice %arg12[%add3A_213, %dma_wait3A_225] : memref<10240x128xf32, #tpu.memory_space<vmem_shared>> -> memref<128x128xf32, #tpu.memory_space<vmem_shared>>
      tpu.wait_dma2 semaphore(%run_scoped3A_216 : memref<!tpu.dma_semaphore, #tpu.memory_space<semaphore_mem>>) src(%dma_wait3A_226 : memref<128x128xf32, #tpu.memory_space<vmem_shared>>) dst(%dma_wait3A_224 : memref<128x128xf32, #tpu.memory_space<hbm>>)
      tpu.yield
    }) : () -> ()
    return
  }
}

module attributes {stable_mosaic.version = 14 : i64} {
  func.func @_mm1_body(%arg0: i32, %arg1: memref<2000x1xf32, #tpu.memory_space<vmem>>, %arg2: memref<2000x1xf32, #tpu.memory_space<vmem>>, %arg3: memref<2000x128xf32, #tpu.memory_space<vmem>>, %arg4: memref<128x128xf32, #tpu.memory_space<vmem>>, %arg5: memref<2000x128xf32, #tpu.memory_space<vmem>>, %arg6: memref<2000x1xf32, #tpu.memory_space<vmem>>) attributes {dimension_semantics = [#tpu.dimension_semantics<arbitrary>], iteration_bounds = array<i64: 5>, scalar_prefetch = 0 : i64, scratch_operands = 0 : i64, tpu.core_type = #tpu.core_type<tc>, window_params = [{transform_indices = @transform_0, window_bounds = array<i64: 2000, 1>}, {transform_indices = @transform_1, window_bounds = array<i64: 2000, 1>}, {transform_indices = @transform_2, window_bounds = array<i64: 2000, 128>}, {pipeline_mode = #tpu.pipeline_mode<synchronous>, transform_indices = @transform_3, window_bounds = array<i64: 128, 128>}, {transform_indices = @transform_4, window_bounds = array<i64: 2000, 128>}, {transform_indices = @transform_5, window_bounds = array<i64: 2000, 1>}]} {
    %get3A = arith.constant 0 : index
    %get3A_0 = arith.constant 0 : index
    %get3A_1 = vector.load %arg1[%get3A, %get3A_0] : memref<2000x1xf32, #tpu.memory_space<vmem>>, vector<2000x1xf32>
    %get3A_2 = arith.constant 0 : index
    %get3A_3 = arith.constant 0 : index
    %get3A_4 = vector.load %arg2[%get3A_2, %get3A_3] : memref<2000x1xf32, #tpu.memory_space<vmem>>, vector<2000x1xf32>
    %add3A = arith.addf %get3A_1, %get3A_4 : vector<2000x1xf32>
    %add3A_5 = arith.constant 1.000000e+00 : f32
    %add3A_6 = vector.broadcast %add3A_5 : f32 to vector<2000x1xf32>
    %add3A_7 = arith.addf %add3A, %add3A_6 : vector<2000x1xf32>
    %max3A = arith.constant 1.000000e+00 : f32
    %max3A_8 = vector.broadcast %max3A : f32 to vector<2000x1xf32>
    %max3A_9 = arith.maximumf %add3A_7, %max3A_8 : vector<2000x1xf32>
    %rsqrt3A = math.rsqrt %max3A_9 : vector<2000x1xf32>
    %swap3A = arith.constant 0 : index
    %swap3A_10 = arith.constant 0 : index
    %swap3A_11 = vector.load %arg6[%swap3A, %swap3A_10] : memref<2000x1xf32, #tpu.memory_space<vmem>>, vector<2000x1xf32>
    tpu.vector_store %arg6[%swap3A, %swap3A_10], %rsqrt3A {strides = array<i32>} : memref<2000x1xf32, #tpu.memory_space<vmem>>, vector<2000x1xf32>,
    %get3A_12 = arith.constant 0 : index
    %get3A_13 = arith.constant 0 : index
    %get3A_14 = vector.load %arg3[%get3A_12, %get3A_13] : memref<2000x128xf32, #tpu.memory_space<vmem>>, vector<2000x128xf32>
    %get3A_15 = arith.constant 0 : index
    %get3A_16 = arith.constant 0 : index
    %get3A_17 = vector.load %arg4[%get3A_15, %get3A_16] : memref<128x128xf32, #tpu.memory_space<vmem>>, vector<128x128xf32>
    %dot_general3A = arith.constant dense<0.000000e+00> : vector<2000x128xf32>
    %dot_general3A_18 = tpu.matmul %get3A_14, %get3A_17, %dot_general3A {dimension_numbers = #tpu.dot_dimension_numbers<[1], [0], [0], [1], [0, 0, 1, 1], [], []>, transpose_lhs_hint = false} : vector<2000x128xf32>, vector<128x128xf32>, vector<2000x128xf32> -> vector<2000x128xf32>
    %mul3A = vector.broadcast %rsqrt3A : vector<2000x1xf32> to vector<2000x128xf32>
    %mul3A_19 = arith.mulf %dot_general3A_18, %mul3A : vector<2000x128xf32>
    %swap3A_20 = arith.constant 0 : index
    %swap3A_21 = arith.constant 0 : index
    %swap3A_22 = vector.load %arg5[%swap3A_20, %swap3A_21] : memref<2000x128xf32, #tpu.memory_space<vmem>>, vector<2000x128xf32>
    tpu.vector_store %arg5[%swap3A_20, %swap3A_21], %mul3A_19 {strides = array<i32>} : memref<2000x128xf32, #tpu.memory_space<vmem>>, vector<2000x128xf32>,
    return
  }
  func.func @transform_0(%arg0: i32) -> (i32, i32) {
    %c0_i32 = arith.constant 0 : i32
    %c0_i32_0 = arith.constant 0 : i32
    return %arg0, %c0_i32 : i32, i32
  }
  func.func @transform_1(%arg0: i32) -> (i32, i32) {
    %c0_i32 = arith.constant 0 : i32
    %c0_i32_0 = arith.constant 0 : i32
    return %arg0, %c0_i32 : i32, i32
  }
  func.func @transform_2(%arg0: i32) -> (i32, i32) {
    %c0_i32 = arith.constant 0 : i32
    %c0_i32_0 = arith.constant 0 : i32
    return %arg0, %c0_i32 : i32, i32
  }
  func.func @transform_3(%arg0: i32) -> (i32, i32) {
    %c0_i32 = arith.constant 0 : i32
    %c0_i32_0 = arith.constant 0 : i32
    %c0_i32_1 = arith.constant 0 : i32
    return %c0_i32, %c0_i32_0 : i32, i32
  }
  func.func @transform_4(%arg0: i32) -> (i32, i32) {
    %c0_i32 = arith.constant 0 : i32
    %c0_i32_0 = arith.constant 0 : i32
    return %arg0, %c0_i32 : i32, i32
  }
  func.func @transform_5(%arg0: i32) -> (i32, i32) {
    %c0_i32 = arith.constant 0 : i32
    %c0_i32_0 = arith.constant 0 : i32
    return %arg0, %c0_i32 : i32, i32
  }
}

module attributes {stable_mosaic.version = 14 : i64} {
  func.func @_mm2_body(%arg0: i32, %arg1: memref<2x2000x128xf32, #tpu.memory_space<vmem>>, %arg2: memref<2000x128xf32, #tpu.memory_space<vmem>>, %arg3: memref<2000x1xf32, #tpu.memory_space<vmem>>, %arg4: memref<1x128xf32, #tpu.memory_space<vmem>>, %arg5: memref<128x128xf32, #tpu.memory_space<vmem>>, %arg6: memref<2000x128xf32, #tpu.memory_space<vmem>>) attributes {dimension_semantics = [#tpu.dimension_semantics<arbitrary>], iteration_bounds = array<i64: 5>, scalar_prefetch = 0 : i64, scratch_operands = 0 : i64, tpu.core_type = #tpu.core_type<tc>, window_params = [{transform_indices = @transform_0, window_bounds = array<i64: 2, 2000, 128>}, {transform_indices = @transform_1, window_bounds = array<i64: 2000, 128>}, {transform_indices = @transform_2, window_bounds = array<i64: 2000, 1>}, {pipeline_mode = #tpu.pipeline_mode<synchronous>, transform_indices = @transform_3, window_bounds = array<i64: 1, 128>}, {pipeline_mode = #tpu.pipeline_mode<synchronous>, transform_indices = @transform_4, window_bounds = array<i64: 128, 128>}, {transform_indices = @transform_5, window_bounds = array<i64: 2000, 128>}]} {
    %get3A = arith.constant 0 : index
    %get3A_0 = arith.constant 0 : index
    %get3A_1 = vector.load %arg3[%get3A, %get3A_0] : memref<2000x1xf32, #tpu.memory_space<vmem>>, vector<2000x1xf32>
    %get3A_2 = arith.constant 0 : index
    %get3A_3 = arith.constant 0 : index
    %get3A_4 = arith.constant 0 : index
    %get3A_5 = vector.load %arg1[%get3A_2, %get3A_3, %get3A_4] : memref<2x2000x128xf32, #tpu.memory_space<vmem>>, vector<1x2000x128xf32>
    %get3A_6 = vector.shape_cast %get3A_5 : vector<1x2000x128xf32> to vector<2000x128xf32>
    %get3A_7 = arith.constant 1 : index
    %get3A_8 = arith.constant 0 : index
    %get3A_9 = arith.constant 0 : index
    %get3A_10 = vector.load %arg1[%get3A_7, %get3A_8, %get3A_9] : memref<2x2000x128xf32, #tpu.memory_space<vmem>>, vector<1x2000x128xf32>
    %get3A_11 = vector.shape_cast %get3A_10 : vector<1x2000x128xf32> to vector<2000x128xf32>
    %add3A = arith.addf %get3A_6, %get3A_11 : vector<2000x128xf32>
    %get3A_12 = arith.constant 0 : index
    %get3A_13 = arith.constant 0 : index
    %get3A_14 = vector.load %arg2[%get3A_12, %get3A_13] : memref<2000x128xf32, #tpu.memory_space<vmem>>, vector<2000x128xf32>
    %add3A_15 = arith.addf %add3A, %get3A_14 : vector<2000x128xf32>
    %mul3A = vector.broadcast %get3A_1 : vector<2000x1xf32> to vector<2000x128xf32>
    %mul3A_16 = arith.mulf %add3A_15, %mul3A : vector<2000x128xf32>
    %get3A_17 = arith.constant 0 : index
    %get3A_18 = arith.constant 0 : index
    %get3A_19 = vector.load %arg4[%get3A_17, %get3A_18] : memref<1x128xf32, #tpu.memory_space<vmem>>, vector<1x128xf32>
    %add3A_20 = vector.broadcast %get3A_19 : vector<1x128xf32> to vector<2000x128xf32>
    %add3A_21 = arith.addf %mul3A_16, %add3A_20 : vector<2000x128xf32>
    %max3A = arith.constant 0.000000e+00 : f32
    %max3A_22 = vector.broadcast %max3A : f32 to vector<2000x128xf32>
    %max3A_23 = arith.maximumf %add3A_21, %max3A_22 : vector<2000x128xf32>
    %get3A_24 = arith.constant 0 : index
    %get3A_25 = arith.constant 0 : index
    %get3A_26 = vector.load %arg5[%get3A_24, %get3A_25] : memref<128x128xf32, #tpu.memory_space<vmem>>, vector<128x128xf32>
    %dot_general3A = arith.constant dense<0.000000e+00> : vector<2000x128xf32>
    %dot_general3A_27 = tpu.matmul %max3A_23, %get3A_26, %dot_general3A {dimension_numbers = #tpu.dot_dimension_numbers<[1], [0], [0], [1], [0, 0, 1, 1], [], []>, transpose_lhs_hint = false} : vector<2000x128xf32>, vector<128x128xf32>, vector<2000x128xf32> -> vector<2000x128xf32>
    %mul3A_28 = vector.broadcast %get3A_1 : vector<2000x1xf32> to vector<2000x128xf32>
    %mul3A_29 = arith.mulf %dot_general3A_27, %mul3A_28 : vector<2000x128xf32>
    %swap3A = arith.constant 0 : index
    %swap3A_30 = arith.constant 0 : index
    %swap3A_31 = vector.load %arg6[%swap3A, %swap3A_30] : memref<2000x128xf32, #tpu.memory_space<vmem>>, vector<2000x128xf32>
    tpu.vector_store %arg6[%swap3A, %swap3A_30], %mul3A_29 {strides = array<i32>} : memref<2000x128xf32, #tpu.memory_space<vmem>>, vector<2000x128xf32>,
    return
  }
  func.func @transform_0(%arg0: i32) -> (i32, i32, i32) {
    %c0_i32 = arith.constant 0 : i32
    %c0_i32_0 = arith.constant 0 : i32
    %c0_i32_1 = arith.constant 0 : i32
    return %c0_i32, %arg0, %c0_i32_0 : i32, i32, i32
  }
  func.func @transform_1(%arg0: i32) -> (i32, i32) {
    %c0_i32 = arith.constant 0 : i32
    %c0_i32_0 = arith.constant 0 : i32
    return %arg0, %c0_i32 : i32, i32
  }
  func.func @transform_2(%arg0: i32) -> (i32, i32) {
    %c0_i32 = arith.constant 0 : i32
    %c0_i32_0 = arith.constant 0 : i32
    return %arg0, %c0_i32 : i32, i32
  }
  func.func @transform_3(%arg0: i32) -> (i32, i32) {
    %c0_i32 = arith.constant 0 : i32
    %c0_i32_0 = arith.constant 0 : i32
    %c0_i32_1 = arith.constant 0 : i32
    return %c0_i32, %c0_i32_0 : i32, i32
  }
  func.func @transform_4(%arg0: i32) -> (i32, i32) {
    %c0_i32 = arith.constant 0 : i32
    %c0_i32_0 = arith.constant 0 : i32
    %c0_i32_1 = arith.constant 0 : i32
    return %c0_i32, %c0_i32_0 : i32, i32
  }
  func.func @transform_5(%arg0: i32) -> (i32, i32) {
    %c0_i32 = arith.constant 0 : i32
    %c0_i32_0 = arith.constant 0 : i32
    return %arg0, %c0_i32 : i32, i32
  }
}

module attributes {stable_mosaic.version = 14 : i64} {
  func.func @_fin_body(%arg0: i32, %arg1: memref<2x2000x128xf32, #tpu.memory_space<vmem>>, %arg2: memref<2000x128xf32, #tpu.memory_space<vmem>>, %arg3: memref<2000x1xf32, #tpu.memory_space<vmem>>, %arg4: memref<1x64xf32, #tpu.memory_space<vmem>>, %arg5: memref<2000x64xf32, #tpu.memory_space<vmem>>) attributes {dimension_semantics = [#tpu.dimension_semantics<arbitrary>], iteration_bounds = array<i64: 5>, scalar_prefetch = 0 : i64, scratch_operands = 0 : i64, tpu.core_type = #tpu.core_type<tc>, window_params = [{transform_indices = @transform_0, window_bounds = array<i64: 2, 2000, 128>}, {transform_indices = @transform_1, window_bounds = array<i64: 2000, 128>}, {transform_indices = @transform_2, window_bounds = array<i64: 2000, 1>}, {pipeline_mode = #tpu.pipeline_mode<synchronous>, transform_indices = @transform_3, window_bounds = array<i64: 1, 64>}, {transform_indices = @transform_4, window_bounds = array<i64: 2000, 64>}]} {
    %get3A = arith.constant 0 : index
    %get3A_0 = arith.constant 0 : index
    %get3A_1 = arith.constant 0 : index
    %get3A_2 = vector.load %arg1[%get3A, %get3A_0, %get3A_1] : memref<2x2000x128xf32, #tpu.memory_space<vmem>>, vector<1x2000x64xf32>
    %get3A_3 = vector.shape_cast %get3A_2 : vector<1x2000x64xf32> to vector<2000x64xf32>
    %get3A_4 = arith.constant 1 : index
    %get3A_5 = arith.constant 0 : index
    %get3A_6 = arith.constant 0 : index
    %get3A_7 = vector.load %arg1[%get3A_4, %get3A_5, %get3A_6] : memref<2x2000x128xf32, #tpu.memory_space<vmem>>, vector<1x2000x64xf32>
    %get3A_8 = vector.shape_cast %get3A_7 : vector<1x2000x64xf32> to vector<2000x64xf32>
    %add3A = arith.addf %get3A_3, %get3A_8 : vector<2000x64xf32>
    %get3A_9 = arith.constant 0 : index
    %get3A_10 = arith.constant 0 : index
    %get3A_11 = vector.load %arg2[%get3A_9, %get3A_10] : memref<2000x128xf32, #tpu.memory_space<vmem>>, vector<2000x64xf32>
    %add3A_12 = arith.addf %add3A, %get3A_11 : vector<2000x64xf32>
    %get3A_13 = arith.constant 0 : index
    %get3A_14 = arith.constant 0 : index
    %get3A_15 = vector.load %arg3[%get3A_13, %get3A_14] : memref<2000x1xf32, #tpu.memory_space<vmem>>, vector<2000x1xf32>
    %mul3A = vector.broadcast %get3A_15 : vector<2000x1xf32> to vector<2000x64xf32>
    %mul3A_16 = arith.mulf %add3A_12, %mul3A : vector<2000x64xf32>
    %get3A_17 = arith.constant 0 : index
    %get3A_18 = arith.constant 0 : index
    %get3A_19 = vector.load %arg4[%get3A_17, %get3A_18] : memref<1x64xf32, #tpu.memory_space<vmem>>, vector<1x64xf32>
    %add3A_20 = vector.broadcast %get3A_19 : vector<1x64xf32> to vector<2000x64xf32>
    %add3A_21 = arith.addf %mul3A_16, %add3A_20 : vector<2000x64xf32>
    %reduce_max3A = arith.constant dense<0xFF800000> : vector<2000xf32>
    %reduce_max3A_22 = vector.multi_reduction <maximumf>, %add3A_21, %reduce_max3A [1] : vector<2000x64xf32> to vector<2000xf32>
    %broadcast_in_dim3A = vector.shape_cast %reduce_max3A_22 : vector<2000xf32> to vector<2000x1xf32>
    %sub3A = vector.broadcast %broadcast_in_dim3A : vector<2000x1xf32> to vector<2000x64xf32>
    %sub3A_23 = arith.subf %add3A_21, %sub3A : vector<2000x64xf32>
    %exp3A = math.exp %sub3A_23 : vector<2000x64xf32>
    %reduce_sum3A = arith.constant dense<0.000000e+00> : vector<2000xf32>
    %reduce_sum3A_24 = vector.multi_reduction <add>, %exp3A, %reduce_sum3A [1] : vector<2000x64xf32> to vector<2000xf32>
    %broadcast_in_dim3A_25 = vector.shape_cast %reduce_sum3A_24 : vector<2000xf32> to vector<2000x1xf32>
    %log3A = math.log %broadcast_in_dim3A_25 : vector<2000x1xf32>
    %add3A_26 = arith.addf %log3A, %broadcast_in_dim3A : vector<2000x1xf32>
    %sub3A_27 = vector.broadcast %add3A_26 : vector<2000x1xf32> to vector<2000x64xf32>
    %sub3A_28 = arith.subf %add3A_21, %sub3A_27 : vector<2000x64xf32>
    %swap3A = arith.constant 0 : index
    %swap3A_29 = arith.constant 0 : index
    %swap3A_30 = vector.load %arg5[%swap3A, %swap3A_29] : memref<2000x64xf32, #tpu.memory_space<vmem>>, vector<2000x64xf32>
    tpu.vector_store %arg5[%swap3A, %swap3A_29], %sub3A_28 {strides = array<i32>} : memref<2000x64xf32, #tpu.memory_space<vmem>>, vector<2000x64xf32>,
    return
  }
  func.func @transform_0(%arg0: i32) -> (i32, i32, i32) {
    %c0_i32 = arith.constant 0 : i32
    %c0_i32_0 = arith.constant 0 : i32
    %c0_i32_1 = arith.constant 0 : i32
    return %c0_i32, %arg0, %c0_i32_0 : i32, i32, i32
  }
  func.func @transform_1(%arg0: i32) -> (i32, i32) {
    %c0_i32 = arith.constant 0 : i32
    %c0_i32_0 = arith.constant 0 : i32
    return %arg0, %c0_i32 : i32, i32
  }
  func.func @transform_2(%arg0: i32) -> (i32, i32) {
    %c0_i32 = arith.constant 0 : i32
    %c0_i32_0 = arith.constant 0 : i32
    return %arg0, %c0_i32 : i32, i32
  }
  func.func @transform_3(%arg0: i32) -> (i32, i32) {
    %c0_i32 = arith.constant 0 : i32
    %c0_i32_0 = arith.constant 0 : i32
    %c0_i32_1 = arith.constant 0 : i32
    return %c0_i32, %c0_i32_0 : i32, i32
  }
  func.func @transform_4(%arg0: i32) -> (i32, i32) {
    %c0_i32 = arith.constant 0 : i32
    %c0_i32_0 = arith.constant 0 : i32
    return %arg0, %c0_i32 : i32, i32
  }
}

</mosaic_0001>

<sc_bundles>
// kernel: kernel.11.cloned.1.call-start
scs
__scs_entry_jumppad:
0x0: {  	(pc) =	sbr.rel $0x88, $3  }
0x1: {  	(tag) =	ssettag $0x0;
	lr =	simm.s32 $0x1  }
0x2: {  	[smem:$0x3F9B] =	sst lr;
	_ =	strace $0xD0000000  }
0x3: {  	_ = 	snop  }
0x4: {  	_ = 	snop  }
0x5: {  	_ = 	snop  }
0x6: {  	_ = 	snop  }
0x7: {  	_ = 	snop  }
__scs_overlays_trampoline_lowered:
0x8: {  	[smem:$0x3FAA] =	sst s0  }
0x9: {  	[smem:$0x3FAB] =	sst s1  }
0xa: {  	[smem:$0x3FAC] =	sst s2  }
0xb: {  	[smem:$0x3FAD] =	sst s3  }
0xc: {  	[smem:$0x3FAE] =	sst s4  }
0xd: {  	[smem:$0x3FAF] =	sst s5  }
0xe: {  	[smem:$0x3FB0] =	sst s6  }
0xf: {  	[smem:$0x3FB1] =	sst s7  }
0x10: {  	[smem:$0x3FB2] =	sst s8  }
0x11: {  	[smem:$0x3FB3] =	sst s9;
	s0 =	simm.s32 @!p0 $0x0  }
0x12: {  	s1 =	sld [smem:$0x3F99];
	s0 =	simm.s32 @p0 $0x1  }
0x13: {  	[smem:$0x3FB4] =	sst s0;
	s0 =	simm.s32 @!p1 $0x0  }
0x14: {  	s2 =	sld [smem:$0x3F98];
	s0 =	simm.s32 @p1 $0x1  }
0x15: {  	[smem:$0x3FB5] =	sst s0;
	s0 =	simm.s32 @!p2 $0x0  }
0x16: {  	s3 =	sld [smem:$0x3FDB];
	s0 =	simm.s32 @p2 $0x1  }
0x17: {  	s4 =	simm.s32 $0x1BF5;
	[smem:$0x3FB7] =	sst s0  }
0x18: {  	s0 =	sld [smem:$0x3F9A];
	_ =	swait.ge [sflag:s4], $0x0  }
0x19: {  	s7 =	sld [smem:$0x3F9B]  }
0x1a: {  	s8 =	sadd.s32 $0xFFFFE003, lr  }
0x1b: {  	s9 =	sadd.s32 $0xFFFFFEF7, lr;
	s5 =	simm.s32 $0xFFFFFFFF;
	p2 =	slt.u32 s8, $0xFFFFF086  }
0x1c: {  	p1 =	slt.u32 s9, $0xF7A;
	s5 =	simm.s32 @!p2 $0x0  }
0x1d: {  	s5 =	simm.s32 @p1 $0x1;
	p0 =	seq.s32 s7, s2  }
0x1e: {  	s7 =	smul.u32 @!p0 $0xF7A, s2;
	p2 =	seq.s32 @!p0 s5, $0x0  }
0x1f: {  	s9 =	smul.u32 $0xF7A, s1;
	s8 =	simm.s32 @!p0 $0x1BF5;
	p2 =	por !p2, p0  }
0x20: {  	[sflag:s8] =	ssyncset.s32 @!p0 $0xFFFFF086;
	s6 =	sadd.s32 @!p0 s3, s7;
	s7 =	simm.s32 @!p0 $0x108  }
0x21: {  	s3 =	sadd.s32 s3, s9;
	s6 =	sadd.s32 @!p0 $0x88, s6;
	s7 =	simm.s32 @p2 $0x1082  }
0x22: {  	[simem:s7], [sflag:s8] =	dma.local @!p0 [hbm:s6], $0xF7A  }
0x23: {  	s9 =	sor.u32 $0xD0000000, s2;
	s6 =	simm.s32 $0x108;
	_ =	swait.ge @!p0 [sflag:s8], $0x0  }
0x24: {  	s3 =	sadd.s32 $0x88, s3;
	s6 =	simm.s32 @!p1 $0x1082;
	[sflag:s4] =	ssyncset.s32 $0xFFFFF086  }
0x25: {  	[simem:s6], [sflag:s4] =	dma.local [hbm:s3], $0xF7A  }
0x26: {  	[smem:$0x3F9B] =	sst s1;
	(tag) =	ssettag s2;
	_ =	strace s9  }
0x27: {  	s1 =	sld [smem:$0x3FAB]  }
0x28: {  	s2 =	sld [smem:$0x3FAC]  }
0x29: {  	s4 =	sld [smem:$0x3FAE]  }
0x2a: {  	p0 =	seq.s32 s5, $0x0;
	s5 =	sld [smem:$0x3FAF]  }
0x2b: {  	s6 =	sld [smem:$0x3FB0]  }
0x2c: {  	s7 =	sld [smem:$0x3FB1]  }
0x2d: {  	s3 =	simm.s32 $0x108;
	s8 =	sld [smem:$0x3FB2]  }
0x2e: {  	s3 =	simm.s32 @!p0 $0x1082;
	s9 =	sld [smem:$0x3FB3]  }
0x2f: {  	lr =	sadd.s32 s0, s3;
	s0 =	sld [smem:$0x3FAA]  }
0x30: {  	s3 =	sld [smem:$0x3FAD]  }
0x31: {  	[smem:$0x3FB6] =	sst s10  }
0x32: {  	s10 =	sld [smem:$0x3FB4];
	_ =	sdelay $0x3  }
0x33: {  	p0 =	seq.s32 s10, $0x1;
	s10 =	sld [smem:$0x3FB6];
	_ =	sdelay $0x3  }
0x34: {  	[smem:$0x3FB6] =	sst s10  }
0x35: {  	s10 =	sld [smem:$0x3FB5];
	_ =	sdelay $0x3  }
0x36: {  	p1 =	seq.s32 s10, $0x1;
	s10 =	sld [smem:$0x3FB6];
	_ =	sdelay $0x3  }
0x37: {  	[smem:$0x3FB6] =	sst s10  }
0x38: {  	s10 =	sld [smem:$0x3FB7]  }
0x39: {  	_ = 	snop;
	(pc) =	sbr.ind lr, $3  }
0x3a: {  	_ = 	snop  }
0x3b: {  	_ = 	snop  }
0x3c: {  	p2 =	seq.s32 s10, $0x1;
	s10 =	sld [smem:$0x3FB6]  }
0x3d: {  	_ =	shalt  }
0x3e: {  	_ =	shalt  }
0x3f: {  	_ =	shalt  }
0x40: {  	_ =	shalt  }
0x41: {  	_ =	shalt  }
0x42: {  	_ =	shalt  }
0x43: {  	_ =	shalt  }
0x44: {  	_ =	shalt  }
0x45: {  	_ =	shalt  }
0x46: {  	_ =	shalt  }
0x47: {  	_ =	shalt  }
0x48: {  	_ =	shalt  }
0x49: {  	_ =	shalt  }
0x4a: {  	_ =	shalt  }
0x4b: {  	_ =	shalt  }
0x4c: {  	_ =	shalt  }
0x4d: {  	_ =	shalt  }
0x4e: {  	_ =	shalt  }
0x4f: {  	_ =	shalt  }
0x50: {  	_ =	shalt  }
0x51: {  	_ =	shalt  }
0x52: {  	_ =	shalt  }
0x53: {  	_ =	shalt  }
0x54: {  	_ =	shalt  }
0x55: {  	_ =	shalt  }
0x56: {  	_ =	shalt  }
0x57: {  	_ =	shalt  }
0x58: {  	_ =	shalt  }
0x59: {  	_ =	shalt  }
0x5a: {  	_ =	shalt  }
0x5b: {  	_ =	shalt  }
0x5c: {  	_ =	shalt  }
0x5d: {  	_ =	shalt  }
0x5e: {  	_ =	shalt  }
0x5f: {  	_ =	shalt  }
0x60: {  	_ =	shalt  }
0x61: {  	_ =	shalt  }
0x62: {  	_ =	shalt  }
0x63: {  	_ =	shalt  }
0x64: {  	_ =	shalt  }
0x65: {  	_ =	shalt  }
0x66: {  	_ =	shalt  }
0x67: {  	_ =	shalt  }
0x68: {  	_ =	shalt  }
0x69: {  	_ =	shalt  }
0x6a: {  	_ =	shalt  }
0x6b: {  	_ =	shalt  }
0x6c: {  	_ =	shalt  }
0x6d: {  	_ =	shalt  }
0x6e: {  	_ =	shalt  }
0x6f: {  	_ =	shalt  }
0x70: {  	_ =	shalt  }
0x71: {  	_ =	shalt  }
0x72: {  	_ =	shalt  }
0x73: {  	_ =	shalt  }
0x74: {  	_ =	shalt  }
0x75: {  	_ =	shalt  }
0x76: {  	_ =	shalt  }
0x77: {  	_ =	shalt  }
0x78: {  	_ =	shalt  }
0x79: {  	_ =	shalt  }
0x7a: {  	_ =	shalt  }
0x7b: {  	_ =	shalt  }
0x7c: {  	_ =	shalt  }
0x7d: {  	_ =	shalt  }
0x7e: {  	_ =	shalt  }
0x7f: {  	_ =	shalt  }
0x80: {  	_ =	shalt  }
0x81: {  	_ =	shalt  }
0x82: {  	_ =	shalt  }
0x83: {  	_ =	shalt  }
0x84: {  	_ =	shalt  }
0x85: {  	_ =	shalt  }
0x86: {  	_ =	shalt  }
0x87: {  	_ =	shalt  }
.Lfunc_end0:
.L_simem_size_0:
called_computation.1_lowered:
.L_overlay_start_0:
0x88: {  	s2 =	sld [smem:$0x3FD9]  }
0x89: {  	s3 =	sld [smem:$0x3FFE];
	_ =	sdelay $0x1  }
0x8a: {  	s1 =	srdreg.scid  }
0x8b: {  	s0 =	sand.u32 $0x1, s1  }
0x8c: {  	s17 =	sshll.u32 s0, $0xA;
	s2 =	sadd.s32 s3, s2  }
0x8d: {  	s2 =	sadd.s32 s2, s17  }
0x8e: {  	[smem:$0x3FC2] =	sst s2  }
0x8f: {  	_ = 	snop  }
0x90: {  	s2 =	sld [smem:$0x3FD0];
	(tm) =	ssettm $0x1  }
0x91: {  	s18 =	sld [smem:$0x3FFB];
	_ =	sdelay $0x3  }
0x92: {  	_ =	strace s18  }
0x93: {  	s3 =	sld [smem:$0x3FFC];
	_ =	sdelay $0x3  }
0x94: {  	_ =	strace s3  }
0x95: {  	s3 =	sld [smem:$0x3FFD];
	_ =	sdelay $0x3  }
0x96: {  	_ =	strace s3  }
0x97: {  	_ =	strace $0x8FFFFFFF  }
0x98: {  	s19 =	sld [smem:$0x3FDB];
	_ =	sdelay $0x1  }
0x99: {  	s4 =	simm.s32 $_scs_section_size  }
0x9a: {  	s5 =	simm.s32 $_size__tile_overlayer_lowered;
	s6 =	simm.s32 $_tile_overlayer_lowered  }
0x9b: {  	s22 =	simm.s32 $0x1BFF;
	s21 =	sshll.u32 s6, $0x1;
	s3 =	sadd.s32 s4, s19  }
0x9c: {  	s7 =	simm.s32 $0x0;
	s20 =	sshll.u32 s5, $0x1;
	s5 =	sadd.s32 s21, s3  }
0x9d: {  	[timem:s7], [sflag:s22] =	dma.local [hbm:s5], s20  }
0x9e: {  	_ =	swait.ge [sflag:s22], s20  }
0x9f: {  	s4 =	ssub.s32 $0x0, s20;
	[sflag:s22] =	ssyncset.done $0x0  }
0xa0: {  	[sflag:s22] =	ssyncadd.s32 s4;
	_ =	sdelay $0x1  }
0xa1: {  	s23 =	simm.s32 $0x1B8B  }
0xa2: {  	_ =	swait.ge [sflag:s23], $0x1  }
0xa3: {  	[sflag:s23] =	ssyncset.done $0x0  }
0xa4: {  	s25 =	simm.s32 $0x1B8E;
	s24 =	sld [smem:$0x3FFE];
	[sflag:s23] =	ssyncadd.s32 $0xFFFFFFFF  }
0xa5: {  	s26 =	simm.s32 $execute0_lowered;
	[smem:$0x3FD2] =	sst s25  }
0xa6: {  	s5 =	sshll.u32 s26, $0x1;
	_ =	strace $0x80000049;
	[dreg:$0x1] =	wrdreg $0xFFFFFFFF  }
0xa7: {  	s28 =	simm.s32 $_size_execute0_lowered;
	s3 =	sadd.s32 s3, s5;
	[dreg:$0x0] =	wrdreg $0x0  }
0xa8: {  	s5 =	sshll.u32 s28, $0x1;
	[dreg:$0x2] =	wrdreg s3  }
0xa9: {  	[dreg:$0x3] =	wrdreg s5  }
0xaa: {  	[dreg:$0x4] =	wrdreg $0xC0  }
0xab: {  	_ =	task [dreg:s7], $0x5FFFF  }
0xac: {  	[dreg:$0x1] =	wrdreg $0xFFFFFFFF  }
0xad: {  	[dreg:$0x0] =	wrdreg $0x60  }
0xae: {  	[dreg:$0x2] =	wrdreg s24  }
0xaf: {  	[dreg:$0x3] =	wrdreg s2  }
0xb0: {  	[dreg:$0x4] =	wrdreg $0xA0000  }
0xb1: {  	[dreg:$0x5] =	wrdreg $0x9  }
0xb2: {  	_ =	task.clear_ibuf [dreg:s7], $0x6FFFF;
	_ =	strace $0x90000049  }
0xb3: {  	s29 =	simm.s32 $0x9;
	_ =	strace $0x8000004B  }
0xb4: {  	_ =	swait.ge [sflag:s29], $0x1  }
0xb5: {  	[sflag:s29] =	ssyncadd.s32 $0xFFFFFFFF  }
0xb6: {  	_ =	strace $0x9000004B  }
0xb7: {  	_ =	sfence  }
0xb8: {  	s30 =	sld [smem:$0x0];
	_ =	sdelay $0x2  }
0xb9: {  	s31 =	sshll.u32 s1, $0xD;
	s1 =	sshrl.u32 s1, $0x2  }
0xba: {  	s3 =	sand.u32 $0x4000, s31;
	s1 =	sadd.s32 s1, s30  }
0xbb: {  	s0 =	sor.u32 s3, s0;
	s1 =	sshll.u32 s1, $0x11  }
0xbc: {  	s0 =	sor.u32 s1, s0  }
0xbd: {  	s0 =	sadd.s32 $0x8F2B, s0  }
0xbe: {  	[sflag:s0] =	ssyncadd.remote.s32 $0x1  }
0xbf: {  	_ =	sfence.sel $0xFFFF  }
0xc0: {  	[dreg:$0x0] =	wrdreg $0xFFFFFFFF;
	(pc) =	sbr.abs _section_cstart, $3  }
0xc1: {  	[dreg:$0x1] =	wrdreg $0xFFFFFFFF  }
0xc2: {  	_ =	task.clear_ibuf [dreg:s7], $0x2FFFF;
	_ =	strace $0x9FFFFFFF  }
0xc3: {  	(tm) =	ssettm $0x7FFFFFFF  }
tec
execute0_lowered:
.L_overlay_start_1:
0x0: {  	(tag) =	ssettag $0x1  }
0x1: {  	s0 =	rddreg [dreg:$0x0]  }
0x2: {  	s2 =	rddreg [dreg:$0x1]  }
0x3: {  	s1 =	rddreg [dreg:$0x2]  }
0x4: {  	s3 =	srdreg.scid;
	s16 =	stileid.u32  }
0x5: {  	s28 =	simm.s32 $0x3;
	s30 =	simm.s32 $0x80;
	s29 =	simm.s32 $0x1800  }
0x6: {  	s31 =	simm.s32 $0x500;
	s4 =	sand.u32 $0x1, s3;
	s3 =	simm.s32 $0x0  }
0x7: {  	s7 =	smul.u32 $0x14000, s16;
	s8 =	sadd.s32 $0x2000, s0;
	s5 =	sshll.u32 s4, $0x4  }
0x8: {  	s10 =	sadd.s32 $0x33200, s0;
	s18 =	smul.u32 $0x50000, s16;
	s5 =	sor.u32 s16, s5  }
0x9: {  	s19 =	sadd.s32 $0xC000, s0;
	s6 =	ssub.s32 $0x2, s4;
	s5 =	smul.u32 $0x2800, s5  }
0xa: {  	s4 =	smul.u32 $0x140000, s4;
	[smem:$0x7FF] =	sst s3;
	s9 =	sshrl.u32 s6, $0x1  }
0xb: {  	s11 =	sadd.s32 $0x8000, s7;
	s12 =	sadd.s32 $0xC000, s7;
	s5 =	sshrl.u32 s5, $0x3  }
0xc: {  	s13 =	sadd.s32 $0x10000, s7;
	s16 =	simm.s32 $0x300;
	s14 =	sadd.s32 s8, s5  }
0xd: {  	s20 =	sadd.s32 $0x100, s5;
	s15 =	sadd.s32 s2, s5;
	[dreg:$0x4] =	wrdreg s14  }
0xe: {  	s6 =	ssub.s32 s6, s9;
	[dreg:$0x5] =	wrdreg s15;
	s21 =	sadd.s32 s8, s20  }
0xf: {  	s22 =	sadd.s32 $0x200, s5;
	s14 =	sadd.s32 s2, s20;
	[dreg:$0x6] =	wrdreg s21  }
0x10: {  	s9 =	sadd.s32 $0x4000, s7;
	s23 =	sadd.s32 s8, s22;
	[dreg:$0x7] =	wrdreg s14  }
0x11: {  	s25 =	sadd.s32 $0x300, s5;
	s24 =	sadd.s32 s2, s22;
	[dreg:$0x8] =	wrdreg s23  }
0x12: {  	s5 =	sadd.s32 $0x400, s5;
	s26 =	sadd.s32 s8, s25;
	[dreg:$0x9] =	wrdreg s24  }
0x13: {  	s17 =	sadd.s32 s4, s12;
	s8 =	sadd.s32 s8, s5;
	[dreg:$0xa] =	wrdreg s26  }
0x14: {  	s22 =	sadd.s32 s9, s1;
	s14 =	sadd.s32 s2, s25;
	[dreg:$0xc] =	wrdreg s8  }
0x15: {  	s2 =	sadd.s32 s2, s5;
	s5 =	sadd.s32 s7, s4;
	s7 =	sadd.s32 s4, s9  }
0x16: {  	s8 =	sadd.s32 s4, s11;
	s4 =	sadd.s32 s4, s13;
	s21 =	sshrl.u32 s18, $0x2  }
0x17: {  	s23 =	sadd.s32 s11, s1;
	s24 =	sadd.s32 s12, s1;
	s25 =	sadd.s32 s13, s1  }
0x18: {  	s26 =	smax.u32 s6, $0x1;
	[dreg:$0xd] =	wrdreg s2;
	s2 =	sshrl.u32 s5, $0x3  }
0x19: {  	[dreg:$0xb] =	wrdreg s14;
	s5 =	sshrl.u32 s7, $0x3;
	s2 =	sadd.s32 s10, s2  }
0x1a: {  	s15 =	sshrl.u32 s8, $0x3;
	s14 =	sadd.s32 s10, s5;
	[dreg:$0xe] =	wrdreg s2  }
0x1b: {  	s4 =	sshrl.u32 s4, $0x3;
	[dreg:$0xf] =	wrdreg s14;
	s2 =	sadd.s32 s10, s15  }
0x1c: {  	s20 =	sadd.s32 s10, s4;
	[dreg:$0x10] =	wrdreg s2;
	s2 =	sshrl.u32 s17, $0x3  }
0x1d: {  	s6 =	simm.s32 $0x2;
	[dreg:$0x12] =	wrdreg s20;
	s2 =	sadd.s32 s10, s2  }
0x1e: {  	s12 =	simm.s32 $0x200;
	s0 =	sadd.s32 s21, s1;
	[dreg:$0x11] =	wrdreg s2  }
0x1f: {  	s13 =	simm.s32 $0x980;
	_ =	strace $0x8000004A;
	[dreg:$0x14] =	wrdreg s0  }
0x20: {  	s18 =	simm.s32 $0x380;
	s7 =	simm.s32 $0x0;
	[dreg:$0x15] =	wrdreg s22  }
0x21: {  	s21 =	simm.s32 $0x400;
	s4 =	simm.s32 $0x1;
	[dreg:$0x16] =	wrdreg s23  }
0x22: {  	s14 =	simm.s32 $0x280;
	s15 =	simm.s32 $0xA00;
	[dreg:$0x17] =	wrdreg s24  }
0x23: {  	s20 =	simm.s32 $0xB00;
	s17 =	simm.s32 $0xA80;
	[dreg:$0x18] =	wrdreg s25  }
0x24: {  	s2 =	simm.s32 $0x6000;
	[dreg:$0x13] =	wrdreg s26;
	s26 =	simm.s32 $0x2000  }
0x25: {  	v0 =	vimm.f32 $0.0e+00;
	s22 =	simm.s32 $0xB80;
	s23 =	simm.s32 $0x480;
	s25 =	simm.s32 $0xC00  }
.LBB2_1:
0x26: {  	s8 =	sand.u32 $0xFE00, s3  }
0x27: {  	s9 =	sand.u32 $0x70, s3;
	s10 =	sshrl.u32 s8, $0x2  }
0x28: {  	s8 =	simm.s32 $0x40;
	s10 =	sor.u32 s9, s10;
	s9 =	simm.s32 $0x0  }
.LBB2_2:
0x29: {  	p0 =	sne.s32 s8, $0xFFC0  }
0x2a: {  	[tilespmem:s10+$0x2000] =	vst v0;
	s9 =	sadd.s32 $0x10, s9;
	s10 =	smov.u32 s8;
	s8 =	sadd.s32 $0x40, s8  }
.Ltmp0:
0x2b: {  	(pc) =	sbr.rel @p0 .LBB2_2-.Ltmp0, $4  }
0x2c: {  	_ = 	snop  }
0x2d: {  	s10 =	sand.u32 $0xFE00, s10  }
0x2e: {  	s11 =	sand.u32 $0x70, s9;
	s10 =	sshrl.u32 s10, $0x2  }
0x2f: {  	s10 =	sor.u32 s11, s10  }
0x30: {  	[tilespmem:s10+$0x2000] =	vst v0;
	s0 =	rddreg [dreg:$0x14]  }
0x31: {  	[spmem:s0] =	stream.linear.scatter [tilespmem:s26], [sflag:$0x3], $0x4000, $0x38;
	[tilespmem:$0x1E000] =	vst v63  }
0x32: {  	_ =	swait.ge [sflag:s28], $0x4000  }
0x33: {  	[sflag:s28] =	ssyncset.done $0x0  }
0x34: {  	s9 =	rddreg [dreg:$0x15];
	[sflag:s28] =	ssyncadd.s32 $0xFFFFC000  }
0x35: {  	[spmem:s9] =	stream.linear.scatter [tilespmem:s26], [sflag:$0x3], $0x4000, $0x38;
	[tilespmem:$0x1E000] =	vst v63  }
0x36: {  	_ =	swait.ge [sflag:s28], $0x4000  }
0x37: {  	[sflag:s28] =	ssyncset.done $0x0  }
0x38: {  	s10 =	rddreg [dreg:$0x16];
	[sflag:s28] =	ssyncadd.s32 $0xFFFFC000  }
0x39: {  	[spmem:s10] =	stream.linear.scatter [tilespmem:s26], [sflag:$0x3], $0x4000, $0x38;
	[tilespmem:$0x1E000] =	vst v63  }
0x3a: {  	_ =	swait.ge [sflag:s28], $0x4000  }
0x3b: {  	[sflag:s28] =	ssyncset.done $0x0  }
0x3c: {  	s11 =	rddreg [dreg:$0x17];
	[sflag:s28] =	ssyncadd.s32 $0xFFFFC000  }
0x3d: {  	[spmem:s11] =	stream.linear.scatter [tilespmem:s26], [sflag:$0x3], $0x4000, $0x38;
	[tilespmem:$0x1E000] =	vst v63  }
0x3e: {  	_ =	swait.ge [sflag:s28], $0x4000  }
0x3f: {  	[sflag:s28] =	ssyncset.done $0x0  }
0x40: {  	s24 =	rddreg [dreg:$0x18];
	[sflag:s28] =	ssyncadd.s32 $0xFFFFC000  }
0x41: {  	[spmem:s24] =	stream.linear.scatter [tilespmem:s26], [sflag:$0x3], $0x4000, $0x38;
	[tilespmem:$0x1E000] =	vst v63  }
0x42: {  	_ =	swait.ge [sflag:s28], $0x4000  }
0x43: {  	[sflag:s28] =	ssyncset.done $0x0  }
0x44: {  	[sflag:s28] =	ssyncadd.s32 $0xFFFFC000  }
0x45: {  	[bflag:$0x0] =	sbarrier.arrive $0xFFFF  }
0x46: {  	s8 =	rddreg [dreg:$0x4]  }
0x47: {  	[tilespmem:s3], [sflag:$0x3] =	stream.linear.gather [hbm4b:s8+s3], $0x800, $0x38;
	[tilespmem:$0x1E000] =	vst v63  }
0x48: {  	_ =	swait.ge [sflag:s28], $0x800  }
0x49: {  	[sflag:s28] =	ssyncset.done $0x0  }
0x4a: {  	s0 =	simm.s32 $0x800;
	s5 =	rddreg [dreg:$0x5];
	[sflag:s28] =	ssyncadd.s32 $0xFFFFF800  }
0x4b: {  	[tilespmem:s0], [sflag:$0x3] =	stream.linear.gather [hbm4b:s5+s3], $0x800, $0x38;
	[tilespmem:$0x1E000] =	vst v63  }
0x4c: {  	_ =	swait.ge [sflag:s28], $0x800  }
0x4d: {  	[sflag:s28] =	ssyncset.done $0x0  }
0x4e: {  	[sflag:s28] =	ssyncadd.s32 $0xFFFFF800  }
0x4f: {  	[tilespmem:s26], [sflag:$0x1] =	stream.indirect.gather [hbm4b:s19+s30], $0x80, s3, s30, $0xb8;
	[tilespmem:$0x1E000] =	vst v63  }
0x50: {  	s24 =	simm.s32 $0x1000;
	s9 =	rddreg [dreg:$0x6]  }
0x51: {  	[tilespmem:s24], [sflag:$0x3] =	stream.linear.gather [hbm4b:s9+s3], $0x800, $0x38;
	[tilespmem:$0x1E000] =	vst v63  }
0x52: {  	_ =	swait.ge [sflag:s28], $0x800  }
0x53: {  	[sflag:s28] =	ssyncset.done $0x0  }
0x54: {  	s10 =	rddreg [dreg:$0x7];
	[sflag:s28] =	ssyncadd.s32 $0xFFFFF800  }
0x55: {  	[tilespmem:s29], [sflag:$0x3] =	stream.linear.gather [hbm4b:s10+s3], $0x800, $0x38;
	[tilespmem:$0x1E000] =	vst v63  }
0x56: {  	_ =	swait.ge [sflag:s28], $0x800  }
0x57: {  	[sflag:s28] =	ssyncset.done $0x0  }
0x58: {  	[sflag:s28] =	ssyncadd.s32 $0xFFFFF800  }
0x59: {  	[tilespmem:s2], [sflag:$0x2] =	stream.indirect.gather [hbm4b:s19+s30], $0x80, s30, s30, $0xb8;
	[tilespmem:$0x1E000] =	vst v63  }
0x5a: {  	_ =	swait.ge [sflag:s4], $0x4000  }
0x5b: {  	[sflag:s4] =	ssyncset.done $0x0  }
0x5c: {  	[sflag:s4] =	ssyncadd.s32 $0xFFFFC000  }
0x5d: {  	[spmem:s1] =	stream.indirect.scatter.add.f32 [tilespmem:s26], [sflag:$0x3], $0x80, s0, s30, $0xb8;
	[tilespmem:$0x1E000] =	vst v63  }
0x5e: {  	_ =	swait.ge [sflag:s28], $0x4000  }
0x5f: {  	[sflag:s28] =	ssyncset.done $0x0  }
0x60: {  	s5 =	simm.s32 $0x100;
	[sflag:s28] =	ssyncadd.s32 $0xFFFFC000  }
0x61: {  	[tilespmem:s26], [sflag:$0x1] =	stream.indirect.gather [hbm4b:s19+s30], $0x80, s5, s30, $0xb8;
	[tilespmem:$0x1E000] =	vst v63  }
0x62: {  	_ =	swait.ge [sflag:s6], $0x4000  }
0x63: {  	[sflag:s6] =	ssyncset.done $0x0  }
0x64: {  	s11 =	simm.s32 $0x880;
	[sflag:s6] =	ssyncadd.s32 $0xFFFFC000  }
0x65: {  	[spmem:s1] =	stream.indirect.scatter.add.f32 [tilespmem:s2], [sflag:$0x3], $0x80, s11, s30, $0xb8;
	[tilespmem:$0x1E000] =	vst v63  }
0x66: {  	_ =	swait.ge [sflag:s28], $0x4000  }
0x67: {  	[sflag:s28] =	ssyncset.done $0x0  }
0x68: {  	s8 =	simm.s32 $0x180;
	[sflag:s28] =	ssyncadd.s32 $0xFFFFC000  }
0x69: {  	[tilespmem:s2], [sflag:$0x2] =	stream.indirect.gather [hbm4b:s19+s30], $0x80, s8, s30, $0xb8;
	[tilespmem:$0x1E000] =	vst v63  }
0x6a: {  	_ =	swait.ge [sflag:s4], $0x4000  }
0x6b: {  	[sflag:s4] =	ssyncset.done $0x0  }
0x6c: {  	s9 =	simm.s32 $0x900;
	[sflag:s4] =	ssyncadd.s32 $0xFFFFC000  }
0x6d: {  	[spmem:s1] =	stream.indirect.scatter.add.f32 [tilespmem:s26], [sflag:$0x3], $0x80, s9, s30, $0xb8;
	[tilespmem:$0x1E000] =	vst v63  }
0x6e: {  	_ =	swait.ge [sflag:s28], $0x4000  }
0x6f: {  	[sflag:s28] =	ssyncset.done $0x0  }
0x70: {  	s10 =	simm.s32 $0x200;
	[sflag:s28] =	ssyncadd.s32 $0xFFFFC000  }
0x71: {  	[tilespmem:s26], [sflag:$0x1] =	stream.indirect.gather [hbm4b:s19+s30], $0x80, s10, s30, $0xb8;
	[tilespmem:$0x1E000] =	vst v63  }
0x72: {  	_ =	swait.ge [sflag:s6], $0x4000  }
0x73: {  	[sflag:s6] =	ssyncset.done $0x0  }
0x74: {  	s11 =	simm.s32 $0x980;
	[sflag:s6] =	ssyncadd.s32 $0xFFFFC000  }
0x75: {  	[spmem:s1] =	stream.indirect.scatter.add.f32 [tilespmem:s2], [sflag:$0x3], $0x80, s11, s30, $0xb8;
	[tilespmem:$0x1E000] =	vst v63  }
0x76: {  	_ =	swait.ge [sflag:s28], $0x4000  }
0x77: {  	[sflag:s28] =	ssyncset.done $0x0  }
0x78: {  	s8 =	simm.s32 $0x280;
	[sflag:s28] =	ssyncadd.s32 $0xFFFFC000  }
0x79: {  	[tilespmem:s2], [sflag:$0x2] =	stream.indirect.gather [hbm4b:s19+s30], $0x80, s8, s30, $0xb8;
	[tilespmem:$0x1E000] =	vst v63  }
0x7a: {  	_ =	swait.ge [sflag:s4], $0x4000  }
0x7b: {  	[sflag:s4] =	ssyncset.done $0x0  }
0x7c: {  	s9 =	simm.s32 $0xA00;
	[sflag:s4] =	ssyncadd.s32 $0xFFFFC000  }
0x7d: {  	[spmem:s1] =	stream.indirect.scatter.add.f32 [tilespmem:s26], [sflag:$0x3], $0x80, s9, s30, $0xb8;
	[tilespmem:$0x1E000] =	vst v63  }
0x7e: {  	_ =	swait.ge [sflag:s28], $0x4000  }
0x7f: {  	[sflag:s28] =	ssyncset.done $0x0  }
0x80: {  	s10 =	simm.s32 $0x300;
	[sflag:s28] =	ssyncadd.s32 $0xFFFFC000  }
0x81: {  	[tilespmem:s26], [sflag:$0x1] =	stream.indirect.gather [hbm4b:s19+s30], $0x80, s10, s30, $0xb8;
	[tilespmem:$0x1E000] =	vst v63  }
0x82: {  	_ =	swait.ge [sflag:s6], $0x4000  }
0x83: {  	[sflag:s6] =	ssyncset.done $0x0  }
0x84: {  	s11 =	simm.s32 $0xA80;
	[sflag:s6] =	ssyncadd.s32 $0xFFFFC000  }
0x85: {  	[spmem:s1] =	stream.indirect.scatter.add.f32 [tilespmem:s2], [sflag:$0x3], $0x80, s11, s30, $0xb8;
	[tilespmem:$0x1E000] =	vst v63  }
0x86: {  	_ =	swait.ge [sflag:s28], $0x4000  }
0x87: {  	[sflag:s28] =	ssyncset.done $0x0  }
0x88: {  	s8 =	simm.s32 $0x380;
	[sflag:s28] =	ssyncadd.s32 $0xFFFFC000  }
0x89: {  	[tilespmem:s2], [sflag:$0x2] =	stream.indirect.gather [hbm4b:s19+s30], $0x80, s8, s30, $0xb8;
	[tilespmem:$0x1E000] =	vst v63  }
0x8a: {  	_ =	swait.ge [sflag:s4], $0x4000  }
0x8b: {  	[sflag:s4] =	ssyncset.done $0x0  }
0x8c: {  	s9 =	simm.s32 $0xB00;
	[sflag:s4] =	ssyncadd.s32 $0xFFFFC000  }
0x8d: {  	[spmem:s1] =	stream.indirect.scatter.add.f32 [tilespmem:s26], [sflag:$0x3], $0x80, s9, s30, $0xb8;
	[tilespmem:$0x1E000] =	vst v63  }
0x8e: {  	_ =	swait.ge [sflag:s28], $0x4000  }
0x8f: {  	[sflag:s28] =	ssyncset.done $0x0  }
0x90: {  	s10 =	simm.s32 $0x400;
	[sflag:s28] =	ssyncadd.s32 $0xFFFFC000  }
0x91: {  	[tilespmem:s26], [sflag:$0x1] =	stream.indirect.gather [hbm4b:s19+s30], $0x80, s10, s30, $0xb8;
	[tilespmem:$0x1E000] =	vst v63  }
0x92: {  	_ =	swait.ge [sflag:s6], $0x4000  }
0x93: {  	[sflag:s6] =	ssyncset.done $0x0  }
0x94: {  	s11 =	simm.s32 $0xB80;
	[sflag:s6] =	ssyncadd.s32 $0xFFFFC000  }
0x95: {  	[spmem:s1] =	stream.indirect.scatter.add.f32 [tilespmem:s2], [sflag:$0x3], $0x80, s11, s30, $0xb8;
	[tilespmem:$0x1E000] =	vst v63  }
0x96: {  	_ =	swait.ge [sflag:s28], $0x4000  }
0x97: {  	[sflag:s28] =	ssyncset.done $0x0  }
0x98: {  	s8 =	simm.s32 $0x480;
	[sflag:s28] =	ssyncadd.s32 $0xFFFFC000  }
0x99: {  	[tilespmem:s2], [sflag:$0x2] =	stream.indirect.gather [hbm4b:s19+s30], $0x80, s8, s30, $0xb8;
	[tilespmem:$0x1E000] =	vst v63  }
0x9a: {  	_ =	swait.ge [sflag:s4], $0x4000  }
0x9b: {  	[sflag:s4] =	ssyncset.done $0x0  }
0x9c: {  	s9 =	simm.s32 $0xC00;
	[sflag:s4] =	ssyncadd.s32 $0xFFFFC000  }
0x9d: {  	[spmem:s1] =	stream.indirect.scatter.add.f32 [tilespmem:s26], [sflag:$0x3], $0x80, s9, s30, $0xb8;
	[tilespmem:$0x1E000] =	vst v63  }
0x9e: {  	_ =	swait.ge [sflag:s28], $0x4000  }
0x9f: {  	[sflag:s28] =	ssyncset.done $0x0  }
0xa0: {  	s10 =	simm.s32 $0x500;
	[sflag:s28] =	ssyncadd.s32 $0xFFFFC000  }
0xa1: {  	[tilespmem:s26], [sflag:$0x1] =	stream.indirect.gather [hbm4b:s19+s30], $0x80, s10, s30, $0xb8;
	[tilespmem:$0x1E000] =	vst v63  }
0xa2: {  	_ =	swait.ge [sflag:s6], $0x4000  }
0xa3: {  	[sflag:s6] =	ssyncset.done $0x0  }
0xa4: {  	s11 =	simm.s32 $0xC80;
	[sflag:s6] =	ssyncadd.s32 $0xFFFFC000  }
0xa5: {  	[spmem:s1] =	stream.indirect.scatter.add.f32 [tilespmem:s2], [sflag:$0x3], $0x80, s11, s30, $0xb8;
	[tilespmem:$0x1E000] =	vst v63  }
0xa6: {  	_ =	swait.ge [sflag:s28], $0x4000  }
0xa7: {  	[sflag:s28] =	ssyncset.done $0x0  }
0xa8: {  	s8 =	simm.s32 $0x580;
	[sflag:s28] =	ssyncadd.s32 $0xFFFFC000  }
0xa9: {  	[tilespmem:s2], [sflag:$0x2] =	stream.indirect.gather [hbm4b:s19+s30], $0x80, s8, s30, $0xb8;
	[tilespmem:$0x1E000] =	vst v63  }
0xaa: {  	_ =	swait.ge [sflag:s4], $0x4000  }
0xab: {  	[sflag:s4] =	ssyncset.done $0x0  }
0xac: {  	s9 =	simm.s32 $0xD00;
	[sflag:s4] =	ssyncadd.s32 $0xFFFFC000  }
0xad: {  	[spmem:s1] =	stream.indirect.scatter.add.f32 [tilespmem:s26], [sflag:$0x3], $0x80, s9, s30, $0xb8;
	[tilespmem:$0x1E000] =	vst v63  }
0xae: {  	_ =	swait.ge [sflag:s28], $0x4000  }
0xaf: {  	[sflag:s28] =	ssyncset.done $0x0  }
0xb0: {  	s10 =	simm.s32 $0x600;
	[sflag:s28] =	ssyncadd.s32 $0xFFFFC000  }
0xb1: {  	[tilespmem:s26], [sflag:$0x1] =	stream.indirect.gather [hbm4b:s19+s30], $0x80, s10, s30, $0xb8;
	[tilespmem:$0x1E000] =	vst v63  }
0xb2: {  	_ =	swait.ge [sflag:s6], $0x4000  }
0xb3: {  	[sflag:s6] =	ssyncset.done $0x0  }
0xb4: {  	s11 =	simm.s32 $0xD80;
	[sflag:s6] =	ssyncadd.s32 $0xFFFFC000  }
0xb5: {  	[spmem:s1] =	stream.indirect.scatter.add.f32 [tilespmem:s2], [sflag:$0x3], $0x80, s11, s30, $0xb8;
	[tilespmem:$0x1E000] =	vst v63  }
0xb6: {  	_ =	swait.ge [sflag:s28], $0x4000  }
0xb7: {  	[sflag:s28] =	ssyncset.done $0x0  }
0xb8: {  	s8 =	simm.s32 $0x680;
	[sflag:s28] =	ssyncadd.s32 $0xFFFFC000  }
0xb9: {  	[tilespmem:s2], [sflag:$0x2] =	stream.indirect.gather [hbm4b:s19+s30], $0x80, s8, s30, $0xb8;
	[tilespmem:$0x1E000] =	vst v63  }
0xba: {  	_ =	swait.ge [sflag:s4], $0x4000  }
0xbb: {  	[sflag:s4] =	ssyncset.done $0x0  }
0xbc: {  	s9 =	simm.s32 $0xE00;
	[sflag:s4] =	ssyncadd.s32 $0xFFFFC000  }
0xbd: {  	[spmem:s1] =	stream.indirect.scatter.add.f32 [tilespmem:s26], [sflag:$0x3], $0x80, s9, s30, $0xb8;
	[tilespmem:$0x1E000] =	vst v63  }
0xbe: {  	_ =	swait.ge [sflag:s28], $0x4000  }
0xbf: {  	[sflag:s28] =	ssyncset.done $0x0  }
0xc0: {  	s10 =	simm.s32 $0x700;
	[sflag:s28] =	ssyncadd.s32 $0xFFFFC000  }
0xc1: {  	[tilespmem:s26], [sflag:$0x1] =	stream.indirect.gather [hbm4b:s19+s30], $0x80, s10, s30, $0xb8;
	[tilespmem:$0x1E000] =	vst v63  }
0xc2: {  	_ =	swait.ge [sflag:s6], $0x4000  }
0xc3: {  	[sflag:s6] =	ssyncset.done $0x0  }
0xc4: {  	s11 =	simm.s32 $0xE80;
	[sflag:s6] =	ssyncadd.s32 $0xFFFFC000  }
0xc5: {  	[spmem:s1] =	stream.indirect.scatter.add.f32 [tilespmem:s2], [sflag:$0x3], $0x80, s11, s30, $0xb8;
	[tilespmem:$0x1E000] =	vst v63  }
0xc6: {  	_ =	swait.ge [sflag:s28], $0x4000  }
0xc7: {  	[sflag:s28] =	ssyncset.done $0x0  }
0xc8: {  	s8 =	simm.s32 $0x780;
	[sflag:s28] =	ssyncadd.s32 $0xFFFFC000  }
0xc9: {  	[tilespmem:s2], [sflag:$0x2] =	stream.indirect.gather [hbm4b:s19+s30], $0x80, s8, s30, $0xb8;
	[tilespmem:$0x1E000] =	vst v63  }
0xca: {  	_ =	swait.ge [sflag:s4], $0x4000  }
0xcb: {  	[sflag:s4] =	ssyncset.done $0x0  }
0xcc: {  	s9 =	simm.s32 $0xF00;
	[sflag:s4] =	ssyncadd.s32 $0xFFFFC000  }
0xcd: {  	[spmem:s1] =	stream.indirect.scatter.add.f32 [tilespmem:s26], [sflag:$0x3], $0x80, s9, s30, $0xb8;
	[tilespmem:$0x1E000] =	vst v63  }
0xce: {  	_ =	swait.ge [sflag:s28], $0x4000  }
0xcf: {  	[sflag:s28] =	ssyncset.done $0x0  }
0xd0: {  	[sflag:s28] =	ssyncadd.s32 $0xFFFFC000  }
0xd1: {  	[tilespmem:s26], [sflag:$0x1] =	stream.indirect.gather [hbm4b:s19+s30], $0x80, s24, s30, $0xb8;
	[tilespmem:$0x1E000] =	vst v63  }
0xd2: {  	_ =	swait.ge [sflag:s6], $0x4000  }
0xd3: {  	[sflag:s6] =	ssyncset.done $0x0  }
0xd4: {  	s10 =	simm.s32 $0xF80;
	[sflag:s6] =	ssyncadd.s32 $0xFFFFC000  }
0xd5: {  	[spmem:s1] =	stream.indirect.scatter.add.f32 [tilespmem:s2], [sflag:$0x3], $0x80, s10, s30, $0xb8;
	[tilespmem:$0x1E000] =	vst v63  }
0xd6: {  	_ =	swait.ge [sflag:s28], $0x4000  }
0xd7: {  	[sflag:s28] =	ssyncset.done $0x0  }
0xd8: {  	s11 =	rddreg [dreg:$0x8];
	[sflag:s28] =	ssyncadd.s32 $0xFFFFC000  }
0xd9: {  	[tilespmem:s3], [sflag:$0x3] =	stream.linear.gather [hbm4b:s11+s3], $0x800, $0x38;
	[tilespmem:$0x1E000] =	vst v63  }
0xda: {  	_ =	swait.ge [sflag:s28], $0x800  }
0xdb: {  	[sflag:s28] =	ssyncset.done $0x0  }
0xdc: {  	s5 =	rddreg [dreg:$0x9];
	[sflag:s28] =	ssyncadd.s32 $0xFFFFF800  }
0xdd: {  	[tilespmem:s0], [sflag:$0x3] =	stream.linear.gather [hbm4b:s5+s3], $0x800, $0x38;
	[tilespmem:$0x1E000] =	vst v63  }
0xde: {  	_ =	swait.ge [sflag:s28], $0x800  }
0xdf: {  	[sflag:s28] =	ssyncset.done $0x0  }
0xe0: {  	s8 =	simm.s32 $0x1080;
	[sflag:s28] =	ssyncadd.s32 $0xFFFFF800  }
0xe1: {  	[tilespmem:s2], [sflag:$0x2] =	stream.indirect.gather [hbm4b:s19+s30], $0x80, s8, s30, $0xb8;
	[tilespmem:$0x1E000] =	vst v63  }
0xe2: {  	_ =	swait.ge [sflag:s4], $0x4000  }
0xe3: {  	[sflag:s4] =	ssyncset.done $0x0  }
0xe4: {  	[sflag:s4] =	ssyncadd.s32 $0xFFFFC000  }
0xe5: {  	[spmem:s1] =	stream.indirect.scatter.add.f32 [tilespmem:s26], [sflag:$0x3], $0x80, s29, s30, $0xb8;
	[tilespmem:$0x1E000] =	vst v63  }
0xe6: {  	_ =	swait.ge [sflag:s28], $0x4000  }
0xe7: {  	[sflag:s28] =	ssyncset.done $0x0  }
0xe8: {  	s9 =	simm.s32 $0x1100;
	[sflag:s28] =	ssyncadd.s32 $0xFFFFC000  }
0xe9: {  	[tilespmem:s26], [sflag:$0x1] =	stream.indirect.gather [hbm4b:s19+s30], $0x80, s9, s30, $0xb8;
	[tilespmem:$0x1E000] =	vst v63  }
0xea: {  	_ =	swait.ge [sflag:s6], $0x4000  }
0xeb: {  	[sflag:s6] =	ssyncset.done $0x0  }
0xec: {  	s10 =	simm.s32 $0x1880;
	[sflag:s6] =	ssyncadd.s32 $0xFFFFC000  }
0xed: {  	[spmem:s1] =	stream.indirect.scatter.add.f32 [tilespmem:s2], [sflag:$0x3], $0x80, s10, s30, $0xb8;
	[tilespmem:$0x1E000] =	vst v63  }
0xee: {  	_ =	swait.ge [sflag:s28], $0x4000  }
0xef: {  	[sflag:s28] =	ssyncset.done $0x0  }
0xf0: {  	s11 =	simm.s32 $0x1180;
	[sflag:s28] =	ssyncadd.s32 $0xFFFFC000  }
0xf1: {  	[tilespmem:s2], [sflag:$0x2] =	stream.indirect.gather [hbm4b:s19+s30], $0x80, s11, s30, $0xb8;
	[tilespmem:$0x1E000] =	vst v63  }
0xf2: {  	_ =	swait.ge [sflag:s4], $0x4000  }
0xf3: {  	[sflag:s4] =	ssyncset.done $0x0  }
0xf4: {  	s8 =	simm.s32 $0x1900;
	[sflag:s4] =	ssyncadd.s32 $0xFFFFC000  }
0xf5: {  	[spmem:s1] =	stream.indirect.scatter.add.f32 [tilespmem:s26], [sflag:$0x3], $0x80, s8, s30, $0xb8;
	[tilespmem:$0x1E000] =	vst v63  }
0xf6: {  	_ =	swait.ge [sflag:s28], $0x4000  }
0xf7: {  	[sflag:s28] =	ssyncset.done $0x0  }
0xf8: {  	s9 =	simm.s32 $0x1200;
	[sflag:s28] =	ssyncadd.s32 $0xFFFFC000  }
0xf9: {  	[tilespmem:s26], [sflag:$0x1] =	stream.indirect.gather [hbm4b:s19+s30], $0x80, s9, s30, $0xb8;
	[tilespmem:$0x1E000] =	vst v63  }
0xfa: {  	_ =	swait.ge [sflag:s6], $0x4000  }
0xfb: {  	[sflag:s6] =	ssyncset.done $0x0  }
0xfc: {  	s10 =	simm.s32 $0x1980;
	[sflag:s6] =	ssyncadd.s32 $0xFFFFC000  }
0xfd: {  	[spmem:s1] =	stream.indirect.scatter.add.f32 [tilespmem:s2], [sflag:$0x3], $0x80, s10, s30, $0xb8;
	[tilespmem:$0x1E000] =	vst v63  }
0xfe: {  	_ =	swait.ge [sflag:s28], $0x4000  }
0xff: {  	[sflag:s28] =	ssyncset.done $0x0  }
0x100: {  	s11 =	simm.s32 $0x1280;
	[sflag:s28] =	ssyncadd.s32 $0xFFFFC000  }
0x101: {  	[tilespmem:s2], [sflag:$0x2] =	stream.indirect.gather [hbm4b:s19+s30], $0x80, s11, s30, $0xb8;
	[tilespmem:$0x1E000] =	vst v63  }
0x102: {  	_ =	swait.ge [sflag:s4], $0x4000  }
0x103: {  	[sflag:s4] =	ssyncset.done $0x0  }
0x104: {  	s8 =	simm.s32 $0x1A00;
	[sflag:s4] =	ssyncadd.s32 $0xFFFFC000  }
0x105: {  	[spmem:s1] =	stream.indirect.scatter.add.f32 [tilespmem:s26], [sflag:$0x3], $0x80, s8, s30, $0xb8;
	[tilespmem:$0x1E000] =	vst v63  }
0x106: {  	_ =	swait.ge [sflag:s28], $0x4000  }
0x107: {  	[sflag:s28] =	ssyncset.done $0x0  }
0x108: {  	s9 =	simm.s32 $0x1300;
	[sflag:s28] =	ssyncadd.s32 $0xFFFFC000  }
0x109: {  	[tilespmem:s26], [sflag:$0x1] =	stream.indirect.gather [hbm4b:s19+s30], $0x80, s9, s30, $0xb8;
	[tilespmem:$0x1E000] =	vst v63  }
0x10a: {  	_ =	swait.ge [sflag:s6], $0x4000  }
0x10b: {  	[sflag:s6] =	ssyncset.done $0x0  }
0x10c: {  	s10 =	simm.s32 $0x1A80;
	[sflag:s6] =	ssyncadd.s32 $0xFFFFC000  }
0x10d: {  	[spmem:s1] =	stream.indirect.scatter.add.f32 [tilespmem:s2], [sflag:$0x3], $0x80, s10, s30, $0xb8;
	[tilespmem:$0x1E000] =	vst v63  }
0x10e: {  	_ =	swait.ge [sflag:s28], $0x4000  }
0x10f: {  	[sflag:s28] =	ssyncset.done $0x0  }
0x110: {  	s11 =	simm.s32 $0x1380;
	[sflag:s28] =	ssyncadd.s32 $0xFFFFC000  }
0x111: {  	[tilespmem:s2], [sflag:$0x2] =	stream.indirect.gather [hbm4b:s19+s30], $0x80, s11, s30, $0xb8;
	[tilespmem:$0x1E000] =	vst v63  }
0x112: {  	_ =	swait.ge [sflag:s4], $0x4000  }
0x113: {  	[sflag:s4] =	ssyncset.done $0x0  }
0x114: {  	s8 =	simm.s32 $0x1B00;
	[sflag:s4] =	ssyncadd.s32 $0xFFFFC000  }
0x115: {  	[spmem:s1] =	stream.indirect.scatter.add.f32 [tilespmem:s26], [sflag:$0x3], $0x80, s8, s30, $0xb8;
	[tilespmem:$0x1E000] =	vst v63  }
0x116: {  	_ =	swait.ge [sflag:s28], $0x4000  }
0x117: {  	[sflag:s28] =	ssyncset.done $0x0  }
0x118: {  	s9 =	simm.s32 $0x1400;
	[sflag:s28] =	ssyncadd.s32 $0xFFFFC000  }
0x119: {  	[tilespmem:s26], [sflag:$0x1] =	stream.indirect.gather [hbm4b:s19+s30], $0x80, s9, s30, $0xb8;
	[tilespmem:$0x1E000] =	vst v63  }
0x11a: {  	_ =	swait.ge [sflag:s6], $0x4000  }
0x11b: {  	[sflag:s6] =	ssyncset.done $0x0  }
0x11c: {  	s10 =	simm.s32 $0x1B80;
	[sflag:s6] =	ssyncadd.s32 $0xFFFFC000  }
0x11d: {  	[spmem:s1] =	stream.indirect.scatter.add.f32 [tilespmem:s2], [sflag:$0x3], $0x80, s10, s30, $0xb8;
	[tilespmem:$0x1E000] =	vst v63  }
0x11e: {  	_ =	swait.ge [sflag:s28], $0x4000  }
0x11f: {  	[sflag:s28] =	ssyncset.done $0x0  }
0x120: {  	s11 =	simm.s32 $0x1480;
	[sflag:s28] =	ssyncadd.s32 $0xFFFFC000  }
0x121: {  	[tilespmem:s2], [sflag:$0x2] =	stream.indirect.gather [hbm4b:s19+s30], $0x80, s11, s30, $0xb8;
	[tilespmem:$0x1E000] =	vst v63  }
0x122: {  	_ =	swait.ge [sflag:s4], $0x4000  }
0x123: {  	[sflag:s4] =	ssyncset.done $0x0  }
0x124: {  	s8 =	simm.s32 $0x1C00;
	[sflag:s4] =	ssyncadd.s32 $0xFFFFC000  }
0x125: {  	[spmem:s1] =	stream.indirect.scatter.add.f32 [tilespmem:s26], [sflag:$0x3], $0x80, s8, s30, $0xb8;
	[tilespmem:$0x1E000] =	vst v63  }
0x126: {  	_ =	swait.ge [sflag:s28], $0x4000  }
0x127: {  	[sflag:s28] =	ssyncset.done $0x0  }
0x128: {  	s9 =	simm.s32 $0x1500;
	[sflag:s28] =	ssyncadd.s32 $0xFFFFC000  }
0x129: {  	[tilespmem:s26], [sflag:$0x1] =	stream.indirect.gather [hbm4b:s19+s30], $0x80, s9, s30, $0xb8;
	[tilespmem:$0x1E000] =	vst v63  }
0x12a: {  	_ =	swait.ge [sflag:s6], $0x4000  }
0x12b: {  	[sflag:s6] =	ssyncset.done $0x0  }
0x12c: {  	s10 =	simm.s32 $0x1C80;
	[sflag:s6] =	ssyncadd.s32 $0xFFFFC000  }
0x12d: {  	[spmem:s1] =	stream.indirect.scatter.add.f32 [tilespmem:s2], [sflag:$0x3], $0x80, s10, s30, $0xb8;
	[tilespmem:$0x1E000] =	vst v63  }
0x12e: {  	_ =	swait.ge [sflag:s28], $0x4000  }
0x12f: {  	[sflag:s28] =	ssyncset.done $0x0  }
0x130: {  	s11 =	simm.s32 $0x1580;
	[sflag:s28] =	ssyncadd.s32 $0xFFFFC000  }
0x131: {  	[tilespmem:s2], [sflag:$0x2] =	stream.indirect.gather [hbm4b:s19+s30], $0x80, s11, s30, $0xb8;
	[tilespmem:$0x1E000] =	vst v63  }
0x132: {  	_ =	swait.ge [sflag:s4], $0x4000  }
0x133: {  	[sflag:s4] =	ssyncset.done $0x0  }
0x134: {  	s8 =	simm.s32 $0x1D00;
	[sflag:s4] =	ssyncadd.s32 $0xFFFFC000  }
0x135: {  	[spmem:s1] =	stream.indirect.scatter.add.f32 [tilespmem:s26], [sflag:$0x3], $0x80, s8, s30, $0xb8;
	[tilespmem:$0x1E000] =	vst v63  }
0x136: {  	_ =	swait.ge [sflag:s28], $0x4000  }
0x137: {  	[sflag:s28] =	ssyncset.done $0x0  }
0x138: {  	s9 =	simm.s32 $0x1600;
	[sflag:s28] =	ssyncadd.s32 $0xFFFFC000  }
0x139: {  	[tilespmem:s26], [sflag:$0x1] =	stream.indirect.gather [hbm4b:s19+s30], $0x80, s9, s30, $0xb8;
	[tilespmem:$0x1E000] =	vst v63  }
0x13a: {  	_ =	swait.ge [sflag:s6], $0x4000  }
0x13b: {  	[sflag:s6] =	ssyncset.done $0x0  }
0x13c: {  	s10 =	simm.s32 $0x1D80;
	[sflag:s6] =	ssyncadd.s32 $0xFFFFC000  }
0x13d: {  	[spmem:s1] =	stream.indirect.scatter.add.f32 [tilespmem:s2], [sflag:$0x3], $0x80, s10, s30, $0xb8;
	[tilespmem:$0x1E000] =	vst v63  }
0x13e: {  	_ =	swait.ge [sflag:s28], $0x4000  }
0x13f: {  	[sflag:s28] =	ssyncset.done $0x0  }
0x140: {  	s11 =	simm.s32 $0x1680;
	[sflag:s28] =	ssyncadd.s32 $0xFFFFC000  }
0x141: {  	[tilespmem:s2], [sflag:$0x2] =	stream.indirect.gather [hbm4b:s19+s30], $0x80, s11, s30, $0xb8;
	[tilespmem:$0x1E000] =	vst v63  }
0x142: {  	_ =	swait.ge [sflag:s4], $0x4000  }
0x143: {  	[sflag:s4] =	ssyncset.done $0x0  }
0x144: {  	s8 =	simm.s32 $0x1E00;
	[sflag:s4] =	ssyncadd.s32 $0xFFFFC000  }
0x145: {  	[spmem:s1] =	stream.indirect.scatter.add.f32 [tilespmem:s26], [sflag:$0x3], $0x80, s8, s30, $0xb8;
	[tilespmem:$0x1E000] =	vst v63  }
0x146: {  	_ =	swait.ge [sflag:s28], $0x4000  }
0x147: {  	[sflag:s28] =	ssyncset.done $0x0  }
0x148: {  	s9 =	simm.s32 $0x1700;
	[sflag:s28] =	ssyncadd.s32 $0xFFFFC000  }
0x149: {  	[tilespmem:s26], [sflag:$0x1] =	stream.indirect.gather [hbm4b:s19+s30], $0x80, s9, s30, $0xb8;
	[tilespmem:$0x1E000] =	vst v63  }
0x14a: {  	_ =	swait.ge [sflag:s6], $0x4000  }
0x14b: {  	[sflag:s6] =	ssyncset.done $0x0  }
0x14c: {  	s10 =	simm.s32 $0x1E80;
	[sflag:s6] =	ssyncadd.s32 $0xFFFFC000  }
0x14d: {  	[spmem:s1] =	stream.indirect.scatter.add.f32 [tilespmem:s2], [sflag:$0x3], $0x80, s10, s30, $0xb8;
	[tilespmem:$0x1E000] =	vst v63  }
0x14e: {  	_ =	swait.ge [sflag:s28], $0x4000  }
0x14f: {  	[sflag:s28] =	ssyncset.done $0x0  }
0x150: {  	s11 =	simm.s32 $0x1780;
	[sflag:s28] =	ssyncadd.s32 $0xFFFFC000  }
0x151: {  	[tilespmem:s2], [sflag:$0x2] =	stream.indirect.gather [hbm4b:s19+s30], $0x80, s11, s30, $0xb8;
	[tilespmem:$0x1E000] =	vst v63  }
0x152: {  	_ =	swait.ge [sflag:s4], $0x4000  }
0x153: {  	[sflag:s4] =	ssyncset.done $0x0  }
0x154: {  	s8 =	simm.s32 $0x1F00;
	[sflag:s4] =	ssyncadd.s32 $0xFFFFC000  }
0x155: {  	[spmem:s1] =	stream.indirect.scatter.add.f32 [tilespmem:s26], [sflag:$0x3], $0x80, s8, s30, $0xb8;
	[tilespmem:$0x1E000] =	vst v63  }
0x156: {  	_ =	swait.ge [sflag:s28], $0x4000  }
0x157: {  	[sflag:s28] =	ssyncset.done $0x0  }
0x158: {  	[sflag:s28] =	ssyncadd.s32 $0xFFFFC000  }
0x159: {  	[tilespmem:s26], [sflag:$0x1] =	stream.indirect.gather [hbm4b:s19+s30], $0x80, s3, s30, $0xb8;
	[tilespmem:$0x1E000] =	vst v63  }
0x15a: {  	_ =	swait.ge [sflag:s6], $0x4000  }
0x15b: {  	[sflag:s6] =	ssyncset.done $0x0  }
0x15c: {  	s9 =	simm.s32 $0x1F80;
	[sflag:s6] =	ssyncadd.s32 $0xFFFFC000  }
0x15d: {  	[spmem:s1] =	stream.indirect.scatter.add.f32 [tilespmem:s2], [sflag:$0x3], $0x80, s9, s30, $0xb8;
	[tilespmem:$0x1E000] =	vst v63  }
0x15e: {  	_ =	swait.ge [sflag:s28], $0x4000  }
0x15f: {  	[sflag:s28] =	ssyncset.done $0x0  }
0x160: {  	s10 =	rddreg [dreg:$0xa];
	[sflag:s28] =	ssyncadd.s32 $0xFFFFC000  }
0x161: {  	[tilespmem:s24], [sflag:$0x3] =	stream.linear.gather [hbm4b:s10+s3], $0x800, $0x38;
	[tilespmem:$0x1E000] =	vst v63  }
0x162: {  	_ =	swait.ge [sflag:s28], $0x800  }
0x163: {  	[sflag:s28] =	ssyncset.done $0x0  }
0x164: {  	s11 =	rddreg [dreg:$0xb];
	[sflag:s28] =	ssyncadd.s32 $0xFFFFF800  }
0x165: {  	[tilespmem:s29], [sflag:$0x3] =	stream.linear.gather [hbm4b:s11+s3], $0x800, $0x38;
	[tilespmem:$0x1E000] =	vst v63  }
0x166: {  	_ =	swait.ge [sflag:s28], $0x800  }
0x167: {  	[sflag:s28] =	ssyncset.done $0x0  }
0x168: {  	[sflag:s28] =	ssyncadd.s32 $0xFFFFF800  }
0x169: {  	[tilespmem:s2], [sflag:$0x2] =	stream.indirect.gather [hbm4b:s19+s30], $0x80, s30, s30, $0xb8;
	[tilespmem:$0x1E000] =	vst v63  }
0x16a: {  	_ =	swait.ge [sflag:s4], $0x4000  }
0x16b: {  	[sflag:s4] =	ssyncset.done $0x0  }
0x16c: {  	[sflag:s4] =	ssyncadd.s32 $0xFFFFC000  }
0x16d: {  	[spmem:s1] =	stream.indirect.scatter.add.f32 [tilespmem:s26], [sflag:$0x3], $0x80, s0, s30, $0xb8;
	[tilespmem:$0x1E000] =	vst v63  }
0x16e: {  	_ =	swait.ge [sflag:s28], $0x4000  }
0x16f: {  	[sflag:s28] =	ssyncset.done $0x0  }
0x170: {  	s5 =	simm.s32 $0x100;
	[sflag:s28] =	ssyncadd.s32 $0xFFFFC000  }
0x171: {  	[tilespmem:s26], [sflag:$0x1] =	stream.indirect.gather [hbm4b:s19+s30], $0x80, s5, s30, $0xb8;
	[tilespmem:$0x1E000] =	vst v63  }
0x172: {  	_ =	swait.ge [sflag:s6], $0x4000  }
0x173: {  	[sflag:s6] =	ssyncset.done $0x0  }
0x174: {  	s9 =	simm.s32 $0x880;
	[sflag:s6] =	ssyncadd.s32 $0xFFFFC000  }
0x175: {  	[spmem:s1] =	stream.indirect.scatter.add.f32 [tilespmem:s2], [sflag:$0x3], $0x80, s9, s30, $0xb8;
	[tilespmem:$0x1E000] =	vst v63  }
0x176: {  	_ =	swait.ge [sflag:s28], $0x4000  }
0x177: {  	[sflag:s28] =	ssyncset.done $0x0  }
0x178: {  	s10 =	simm.s32 $0x180;
	[sflag:s28] =	ssyncadd.s32 $0xFFFFC000  }
0x179: {  	[tilespmem:s2], [sflag:$0x2] =	stream.indirect.gather [hbm4b:s19+s30], $0x80, s10, s30, $0xb8;
	[tilespmem:$0x1E000] =	vst v63  }
0x17a: {  	_ =	swait.ge [sflag:s4], $0x4000  }
0x17b: {  	[sflag:s4] =	ssyncset.done $0x0  }
0x17c: {  	s11 =	simm.s32 $0x900;
	[sflag:s4] =	ssyncadd.s32 $0xFFFFC000  }
0x17d: {  	[spmem:s1] =	stream.indirect.scatter.add.f32 [tilespmem:s26], [sflag:$0x3], $0x80, s11, s30, $0xb8;
	[tilespmem:$0x1E000] =	vst v63  }
0x17e: {  	_ =	swait.ge [sflag:s28], $0x4000  }
0x17f: {  	[sflag:s28] =	ssyncset.done $0x0  }
0x180: {  	[sflag:s28] =	ssyncadd.s32 $0xFFFFC000  }
0x181: {  	[tilespmem:s26], [sflag:$0x1] =	stream.indirect.gather [hbm4b:s19+s30], $0x80, s12, s30, $0xb8;
	[tilespmem:$0x1E000] =	vst v63  }
0x182: {  	_ =	swait.ge [sflag:s6], $0x4000  }
0x183: {  	[sflag:s6] =	ssyncset.done $0x0  }
0x184: {  	[sflag:s6] =	ssyncadd.s32 $0xFFFFC000  }
0x185: {  	[spmem:s1] =	stream.indirect.scatter.add.f32 [tilespmem:s2], [sflag:$0x3], $0x80, s13, s30, $0xb8;
	[tilespmem:$0x1E000] =	vst v63  }
0x186: {  	_ =	swait.ge [sflag:s28], $0x4000  }
0x187: {  	[sflag:s28] =	ssyncset.done $0x0  }
0x188: {  	[sflag:s28] =	ssyncadd.s32 $0xFFFFC000  }
0x189: {  	[tilespmem:s2], [sflag:$0x2] =	stream.indirect.gather [hbm4b:s19+s30], $0x80, s14, s30, $0xb8;
	[tilespmem:$0x1E000] =	vst v63  }
0x18a: {  	_ =	swait.ge [sflag:s4], $0x4000  }
0x18b: {  	[sflag:s4] =	ssyncset.done $0x0  }
0x18c: {  	[sflag:s4] =	ssyncadd.s32 $0xFFFFC000  }
0x18d: {  	[spmem:s1] =	stream.indirect.scatter.add.f32 [tilespmem:s26], [sflag:$0x3], $0x80, s15, s30, $0xb8;
	[tilespmem:$0x1E000] =	vst v63  }
0x18e: {  	_ =	swait.ge [sflag:s28], $0x4000  }
0x18f: {  	[sflag:s28] =	ssyncset.done $0x0  }
0x190: {  	[sflag:s28] =	ssyncadd.s32 $0xFFFFC000  }
0x191: {  	[tilespmem:s26], [sflag:$0x1] =	stream.indirect.gather [hbm4b:s19+s30], $0x80, s16, s30, $0xb8;
	[tilespmem:$0x1E000] =	vst v63  }
0x192: {  	_ =	swait.ge [sflag:s6], $0x4000  }
0x193: {  	[sflag:s6] =	ssyncset.done $0x0  }
0x194: {  	[sflag:s6] =	ssyncadd.s32 $0xFFFFC000  }
0x195: {  	[spmem:s1] =	stream.indirect.scatter.add.f32 [tilespmem:s2], [sflag:$0x3], $0x80, s17, s30, $0xb8;
	[tilespmem:$0x1E000] =	vst v63  }
0x196: {  	_ =	swait.ge [sflag:s28], $0x4000  }
0x197: {  	[sflag:s28] =	ssyncset.done $0x0  }
0x198: {  	[sflag:s28] =	ssyncadd.s32 $0xFFFFC000  }
0x199: {  	[tilespmem:s2], [sflag:$0x2] =	stream.indirect.gather [hbm4b:s19+s30], $0x80, s18, s30, $0xb8;
	[tilespmem:$0x1E000] =	vst v63  }
0x19a: {  	_ =	swait.ge [sflag:s4], $0x4000  }
0x19b: {  	[sflag:s4] =	ssyncset.done $0x0  }
0x19c: {  	[sflag:s4] =	ssyncadd.s32 $0xFFFFC000  }
0x19d: {  	[spmem:s1] =	stream.indirect.scatter.add.f32 [tilespmem:s26], [sflag:$0x3], $0x80, s20, s30, $0xb8;
	[tilespmem:$0x1E000] =	vst v63  }
0x19e: {  	_ =	swait.ge [sflag:s28], $0x4000  }
0x19f: {  	[sflag:s28] =	ssyncset.done $0x0  }
0x1a0: {  	[sflag:s28] =	ssyncadd.s32 $0xFFFFC000  }
0x1a1: {  	[tilespmem:s26], [sflag:$0x1] =	stream.indirect.gather [hbm4b:s19+s30], $0x80, s21, s30, $0xb8;
	[tilespmem:$0x1E000] =	vst v63  }
0x1a2: {  	_ =	swait.ge [sflag:s6], $0x4000  }
0x1a3: {  	[sflag:s6] =	ssyncset.done $0x0  }
0x1a4: {  	[sflag:s6] =	ssyncadd.s32 $0xFFFFC000  }
0x1a5: {  	[spmem:s1] =	stream.indirect.scatter.add.f32 [tilespmem:s2], [sflag:$0x3], $0x80, s22, s30, $0xb8;
	[tilespmem:$0x1E000] =	vst v63  }
0x1a6: {  	_ =	swait.ge [sflag:s28], $0x4000  }
0x1a7: {  	[sflag:s28] =	ssyncset.done $0x0  }
0x1a8: {  	[sflag:s28] =	ssyncadd.s32 $0xFFFFC000  }
0x1a9: {  	[tilespmem:s2], [sflag:$0x2] =	stream.indirect.gather [hbm4b:s19+s30], $0x80, s23, s30, $0xb8;
	[tilespmem:$0x1E000] =	vst v63  }
0x1aa: {  	_ =	swait.ge [sflag:s4], $0x4000  }
0x1ab: {  	[sflag:s4] =	ssyncset.done $0x0  }
0x1ac: {  	[sflag:s4] =	ssyncadd.s32 $0xFFFFC000  }
0x1ad: {  	[spmem:s1] =	stream.indirect.scatter.add.f32 [tilespmem:s26], [sflag:$0x3], $0x80, s25, s30, $0xb8;
	[tilespmem:$0x1E000] =	vst v63  }
0x1ae: {  	_ =	swait.ge [sflag:s28], $0x4000  }
0x1af: {  	[sflag:s28] =	ssyncset.done $0x0  }
0x1b0: {  	[sflag:s28] =	ssyncadd.s32 $0xFFFFC000  }
0x1b1: {  	[tilespmem:s26], [sflag:$0x1] =	stream.indirect.gather [hbm4b:s19+s30], $0x80, s31, s30, $0xb8;
	[tilespmem:$0x1E000] =	vst v63  }
0x1b2: {  	_ =	swait.ge [sflag:s6], $0x4000  }
0x1b3: {  	[sflag:s6] =	ssyncset.done $0x0  }
0x1b4: {  	s8 =	simm.s32 $0xC80;
	[sflag:s6] =	ssyncadd.s32 $0xFFFFC000  }
0x1b5: {  	[spmem:s1] =	stream.indirect.scatter.add.f32 [tilespmem:s2], [sflag:$0x3], $0x80, s8, s30, $0xb8;
	[tilespmem:$0x1E000] =	vst v63  }
0x1b6: {  	_ =	swait.ge [sflag:s28], $0x4000  }
0x1b7: {  	[sflag:s28] =	ssyncset.done $0x0  }
0x1b8: {  	s8 =	simm.s32 $0x580;
	[sflag:s28] =	ssyncadd.s32 $0xFFFFC000  }
0x1b9: {  	[tilespmem:s2], [sflag:$0x2] =	stream.indirect.gather [hbm4b:s19+s30], $0x80, s8, s30, $0xb8;
	[tilespmem:$0x1E000] =	vst v63  }
0x1ba: {  	_ =	swait.ge [sflag:s4], $0x4000  }
0x1bb: {  	[sflag:s4] =	ssyncset.done $0x0  }
0x1bc: {  	s8 =	simm.s32 $0xD00;
	[sflag:s4] =	ssyncadd.s32 $0xFFFFC000  }
0x1bd: {  	[spmem:s1] =	stream.indirect.scatter.add.f32 [tilespmem:s26], [sflag:$0x3], $0x80, s8, s30, $0xb8;
	[tilespmem:$0x1E000] =	vst v63  }
0x1be: {  	_ =	swait.ge [sflag:s28], $0x4000  }
0x1bf: {  	[sflag:s28] =	ssyncset.done $0x0  }
0x1c0: {  	s8 =	simm.s32 $0x600;
	[sflag:s28] =	ssyncadd.s32 $0xFFFFC000  }
0x1c1: {  	[tilespmem:s26], [sflag:$0x1] =	stream.indirect.gather [hbm4b:s19+s30], $0x80, s8, s30, $0xb8;
	[tilespmem:$0x1E000] =	vst v63  }
0x1c2: {  	_ =	swait.ge [sflag:s6], $0x4000  }
0x1c3: {  	[sflag:s6] =	ssyncset.done $0x0  }
0x1c4: {  	s8 =	simm.s32 $0xD80;
	[sflag:s6] =	ssyncadd.s32 $0xFFFFC000  }
0x1c5: {  	[spmem:s1] =	stream.indirect.scatter.add.f32 [tilespmem:s2], [sflag:$0x3], $0x80, s8, s30, $0xb8;
	[tilespmem:$0x1E000] =	vst v63  }
0x1c6: {  	_ =	swait.ge [sflag:s28], $0x4000  }
0x1c7: {  	[sflag:s28] =	ssyncset.done $0x0  }
0x1c8: {  	s8 =	simm.s32 $0x680;
	[sflag:s28] =	ssyncadd.s32 $0xFFFFC000  }
0x1c9: {  	[tilespmem:s2], [sflag:$0x2] =	stream.indirect.gather [hbm4b:s19+s30], $0x80, s8, s30, $0xb8;
	[tilespmem:$0x1E000] =	vst v63  }
0x1ca: {  	_ =	swait.ge [sflag:s4], $0x4000  }
0x1cb: {  	[sflag:s4] =	ssyncset.done $0x0  }
0x1cc: {  	s8 =	simm.s32 $0xE00;
	[sflag:s4] =	ssyncadd.s32 $0xFFFFC000  }
0x1cd: {  	[spmem:s1] =	stream.indirect.scatter.add.f32 [tilespmem:s26], [sflag:$0x3], $0x80, s8, s30, $0xb8;
	[tilespmem:$0x1E000] =	vst v63  }
0x1ce: {  	_ =	swait.ge [sflag:s28], $0x4000  }
0x1cf: {  	[sflag:s28] =	ssyncset.done $0x0  }
0x1d0: {  	s8 =	simm.s32 $0x700;
	[sflag:s28] =	ssyncadd.s32 $0xFFFFC000  }
0x1d1: {  	[tilespmem:s26], [sflag:$0x1] =	stream.indirect.gather [hbm4b:s19+s30], $0x80, s8, s30, $0xb8;
	[tilespmem:$0x1E000] =	vst v63  }
0x1d2: {  	_ =	swait.ge [sflag:s6], $0x4000  }
0x1d3: {  	[sflag:s6] =	ssyncset.done $0x0  }
0x1d4: {  	s8 =	simm.s32 $0xE80;
	[sflag:s6] =	ssyncadd.s32 $0xFFFFC000  }
0x1d5: {  	[spmem:s1] =	stream.indirect.scatter.add.f32 [tilespmem:s2], [sflag:$0x3], $0x80, s8, s30, $0xb8;
	[tilespmem:$0x1E000] =	vst v63  }
0x1d6: {  	_ =	swait.ge [sflag:s28], $0x4000  }
0x1d7: {  	[sflag:s28] =	ssyncset.done $0x0  }
0x1d8: {  	s8 =	simm.s32 $0x780;
	[sflag:s28] =	ssyncadd.s32 $0xFFFFC000  }
0x1d9: {  	[tilespmem:s2], [sflag:$0x2] =	stream.indirect.gather [hbm4b:s19+s30], $0x80, s8, s30, $0xb8;
	[tilespmem:$0x1E000] =	vst v63  }
0x1da: {  	_ =	swait.ge [sflag:s4], $0x4000  }
0x1db: {  	[sflag:s4] =	ssyncset.done $0x0  }
0x1dc: {  	s8 =	simm.s32 $0xF00;
	[sflag:s4] =	ssyncadd.s32 $0xFFFFC000  }
0x1dd: {  	[spmem:s1] =	stream.indirect.scatter.add.f32 [tilespmem:s26], [sflag:$0x3], $0x80, s8, s30, $0xb8;
	[tilespmem:$0x1E000] =	vst v63  }
0x1de: {  	_ =	swait.ge [sflag:s28], $0x4000  }
0x1df: {  	[sflag:s28] =	ssyncset.done $0x0  }
0x1e0: {  	[sflag:s28] =	ssyncadd.s32 $0xFFFFC000  }
0x1e1: {  	[tilespmem:s26], [sflag:$0x1] =	stream.indirect.gather [hbm4b:s19+s30], $0x80, s24, s30, $0xb8;
	[tilespmem:$0x1E000] =	vst v63  }
0x1e2: {  	_ =	swait.ge [sflag:s6], $0x4000  }
0x1e3: {  	[sflag:s6] =	ssyncset.done $0x0  }
0x1e4: {  	s24 =	simm.s32 $0xF80;
	[sflag:s6] =	ssyncadd.s32 $0xFFFFC000  }
0x1e5: {  	[spmem:s1] =	stream.indirect.scatter.add.f32 [tilespmem:s2], [sflag:$0x3], $0x80, s24, s30, $0xb8;
	[tilespmem:$0x1E000] =	vst v63  }
0x1e6: {  	_ =	swait.ge [sflag:s28], $0x4000  }
0x1e7: {  	[sflag:s28] =	ssyncset.done $0x0  }
0x1e8: {  	s8 =	rddreg [dreg:$0xc];
	[sflag:s28] =	ssyncadd.s32 $0xFFFFC000  }
0x1e9: {  	[tilespmem:s3], [sflag:$0x3] =	stream.linear.gather [hbm4b:s8+s3], $0x800, $0x38;
	[tilespmem:$0x1E000] =	vst v63  }
0x1ea: {  	_ =	swait.ge [sflag:s28], $0x800  }
0x1eb: {  	[sflag:s28] =	ssyncset.done $0x0  }
0x1ec: {  	s8 =	rddreg [dreg:$0xd];
	[sflag:s28] =	ssyncadd.s32 $0xFFFFF800  }
0x1ed: {  	[tilespmem:s0], [sflag:$0x3] =	stream.linear.gather [hbm4b:s8+s3], $0x800, $0x38;
	[tilespmem:$0x1E000] =	vst v63  }
0x1ee: {  	_ =	swait.ge [sflag:s28], $0x800  }
0x1ef: {  	[sflag:s28] =	ssyncset.done $0x0  }
0x1f0: {  	s8 =	simm.s32 $0x1080;
	[sflag:s28] =	ssyncadd.s32 $0xFFFFF800  }
0x1f1: {  	[tilespmem:s2], [sflag:$0x2] =	stream.indirect.gather [hbm4b:s19+s30], $0x80, s8, s30, $0xb8;
	[tilespmem:$0x1E000] =	vst v63  }
0x1f2: {  	_ =	swait.ge [sflag:s4], $0x4000  }
0x1f3: {  	[sflag:s4] =	ssyncset.done $0x0  }
0x1f4: {  	[sflag:s4] =	ssyncadd.s32 $0xFFFFC000  }
0x1f5: {  	[spmem:s1] =	stream.indirect.scatter.add.f32 [tilespmem:s26], [sflag:$0x3], $0x80, s29, s30, $0xb8;
	[tilespmem:$0x1E000] =	vst v63  }
0x1f6: {  	_ =	swait.ge [sflag:s28], $0x4000  }
0x1f7: {  	[sflag:s28] =	ssyncset.done $0x0  }
0x1f8: {  	s8 =	simm.s32 $0x1100;
	[sflag:s28] =	ssyncadd.s32 $0xFFFFC000  }
0x1f9: {  	[tilespmem:s26], [sflag:$0x1] =	stream.indirect.gather [hbm4b:s19+s30], $0x80, s8, s30, $0xb8;
	[tilespmem:$0x1E000] =	vst v63  }
0x1fa: {  	_ =	swait.ge [sflag:s6], $0x4000  }
0x1fb: {  	[sflag:s6] =	ssyncset.done $0x0  }
0x1fc: {  	s8 =	simm.s32 $0x1880;
	[sflag:s6] =	ssyncadd.s32 $0xFFFFC000  }
0x1fd: {  	[spmem:s1] =	stream.indirect.scatter.add.f32 [tilespmem:s2], [sflag:$0x3], $0x80, s8, s30, $0xb8;
	[tilespmem:$0x1E000] =	vst v63  }
0x1fe: {  	_ =	swait.ge [sflag:s28], $0x4000  }
0x1ff: {  	[sflag:s28] =	ssyncset.done $0x0  }
0x200: {  	s8 =	simm.s32 $0x1180;
	[sflag:s28] =	ssyncadd.s32 $0xFFFFC000  }
0x201: {  	[tilespmem:s2], [sflag:$0x2] =	stream.indirect.gather [hbm4b:s19+s30], $0x80, s8, s30, $0xb8;
	[tilespmem:$0x1E000] =	vst v63  }
0x202: {  	_ =	swait.ge [sflag:s4], $0x4000  }
0x203: {  	[sflag:s4] =	ssyncset.done $0x0  }
0x204: {  	s8 =	simm.s32 $0x1900;
	[sflag:s4] =	ssyncadd.s32 $0xFFFFC000  }
0x205: {  	[spmem:s1] =	stream.indirect.scatter.add.f32 [tilespmem:s26], [sflag:$0x3], $0x80, s8, s30, $0xb8;
	[tilespmem:$0x1E000] =	vst v63  }
0x206: {  	_ =	swait.ge [sflag:s28], $0x4000  }
0x207: {  	[sflag:s28] =	ssyncset.done $0x0  }
0x208: {  	s8 =	simm.s32 $0x1200;
	[sflag:s28] =	ssyncadd.s32 $0xFFFFC000  }
0x209: {  	[tilespmem:s26], [sflag:$0x1] =	stream.indirect.gather [hbm4b:s19+s30], $0x80, s8, s30, $0xb8;
	[tilespmem:$0x1E000] =	vst v63  }
0x20a: {  	_ =	swait.ge [sflag:s6], $0x4000  }
0x20b: {  	[sflag:s6] =	ssyncset.done $0x0  }
0x20c: {  	s8 =	simm.s32 $0x1980;
	[sflag:s6] =	ssyncadd.s32 $0xFFFFC000  }
0x20d: {  	[spmem:s1] =	stream.indirect.scatter.add.f32 [tilespmem:s2], [sflag:$0x3], $0x80, s8, s30, $0xb8;
	[tilespmem:$0x1E000] =	vst v63  }
0x20e: {  	_ =	swait.ge [sflag:s28], $0x4000  }
0x20f: {  	[sflag:s28] =	ssyncset.done $0x0  }
0x210: {  	s8 =	simm.s32 $0x1280;
	[sflag:s28] =	ssyncadd.s32 $0xFFFFC000  }
0x211: {  	[tilespmem:s2], [sflag:$0x2] =	stream.indirect.gather [hbm4b:s19+s30], $0x80, s8, s30, $0xb8;
	[tilespmem:$0x1E000] =	vst v63  }
0x212: {  	_ =	swait.ge [sflag:s4], $0x4000  }
0x213: {  	[sflag:s4] =	ssyncset.done $0x0  }
0x214: {  	s8 =	simm.s32 $0x1A00;
	[sflag:s4] =	ssyncadd.s32 $0xFFFFC000  }
0x215: {  	[spmem:s1] =	stream.indirect.scatter.add.f32 [tilespmem:s26], [sflag:$0x3], $0x80, s8, s30, $0xb8;
	[tilespmem:$0x1E000] =	vst v63  }
0x216: {  	_ =	swait.ge [sflag:s28], $0x4000  }
0x217: {  	[sflag:s28] =	ssyncset.done $0x0  }
0x218: {  	s8 =	simm.s32 $0x1300;
	[sflag:s28] =	ssyncadd.s32 $0xFFFFC000  }
0x219: {  	[tilespmem:s26], [sflag:$0x1] =	stream.indirect.gather [hbm4b:s19+s30], $0x80, s8, s30, $0xb8;
	[tilespmem:$0x1E000] =	vst v63  }
0x21a: {  	_ =	swait.ge [sflag:s6], $0x4000  }
0x21b: {  	[sflag:s6] =	ssyncset.done $0x0  }
0x21c: {  	s8 =	simm.s32 $0x1A80;
	[sflag:s6] =	ssyncadd.s32 $0xFFFFC000  }
0x21d: {  	[spmem:s1] =	stream.indirect.scatter.add.f32 [tilespmem:s2], [sflag:$0x3], $0x80, s8, s30, $0xb8;
	[tilespmem:$0x1E000] =	vst v63  }
0x21e: {  	_ =	swait.ge [sflag:s28], $0x4000  }
0x21f: {  	[sflag:s28] =	ssyncset.done $0x0  }
0x220: {  	s8 =	simm.s32 $0x1380;
	[sflag:s28] =	ssyncadd.s32 $0xFFFFC000  }
0x221: {  	[tilespmem:s2], [sflag:$0x2] =	stream.indirect.gather [hbm4b:s19+s30], $0x80, s8, s30, $0xb8;
	[tilespmem:$0x1E000] =	vst v63  }
0x222: {  	_ =	swait.ge [sflag:s4], $0x4000  }
0x223: {  	[sflag:s4] =	ssyncset.done $0x0  }
0x224: {  	s8 =	simm.s32 $0x1B00;
	[sflag:s4] =	ssyncadd.s32 $0xFFFFC000  }
0x225: {  	[spmem:s1] =	stream.indirect.scatter.add.f32 [tilespmem:s26], [sflag:$0x3], $0x80, s8, s30, $0xb8;
	[tilespmem:$0x1E000] =	vst v63  }
0x226: {  	_ =	swait.ge [sflag:s28], $0x4000  }
0x227: {  	[sflag:s28] =	ssyncset.done $0x0  }
0x228: {  	s8 =	simm.s32 $0x1400;
	[sflag:s28] =	ssyncadd.s32 $0xFFFFC000  }
0x229: {  	[tilespmem:s26], [sflag:$0x1] =	stream.indirect.gather [hbm4b:s19+s30], $0x80, s8, s30, $0xb8;
	[tilespmem:$0x1E000] =	vst v63  }
0x22a: {  	_ =	swait.ge [sflag:s6], $0x4000  }
0x22b: {  	[sflag:s6] =	ssyncset.done $0x0  }
0x22c: {  	s8 =	simm.s32 $0x1B80;
	[sflag:s6] =	ssyncadd.s32 $0xFFFFC000  }
0x22d: {  	[spmem:s1] =	stream.indirect.scatter.add.f32 [tilespmem:s2], [sflag:$0x3], $0x80, s8, s30, $0xb8;
	[tilespmem:$0x1E000] =	vst v63  }
0x22e: {  	_ =	swait.ge [sflag:s28], $0x4000  }
0x22f: {  	[sflag:s28] =	ssyncset.done $0x0  }
0x230: {  	s8 =	simm.s32 $0x1480;
	[sflag:s28] =	ssyncadd.s32 $0xFFFFC000  }
0x231: {  	[tilespmem:s2], [sflag:$0x2] =	stream.indirect.gather [hbm4b:s19+s30], $0x80, s8, s30, $0xb8;
	[tilespmem:$0x1E000] =	vst v63  }
0x232: {  	_ =	swait.ge [sflag:s4], $0x4000  }
0x233: {  	[sflag:s4] =	ssyncset.done $0x0  }
0x234: {  	s8 =	simm.s32 $0x1C00;
	[sflag:s4] =	ssyncadd.s32 $0xFFFFC000  }
0x235: {  	[spmem:s1] =	stream.indirect.scatter.add.f32 [tilespmem:s26], [sflag:$0x3], $0x80, s8, s30, $0xb8;
	[tilespmem:$0x1E000] =	vst v63  }
0x236: {  	_ =	swait.ge [sflag:s28], $0x4000  }
0x237: {  	[sflag:s28] =	ssyncset.done $0x0  }
0x238: {  	s8 =	simm.s32 $0x1500;
	[sflag:s28] =	ssyncadd.s32 $0xFFFFC000  }
0x239: {  	[tilespmem:s26], [sflag:$0x1] =	stream.indirect.gather [hbm4b:s19+s30], $0x80, s8, s30, $0xb8;
	[tilespmem:$0x1E000] =	vst v63  }
0x23a: {  	_ =	swait.ge [sflag:s6], $0x4000  }
0x23b: {  	[sflag:s6] =	ssyncset.done $0x0  }
0x23c: {  	s8 =	simm.s32 $0x1C80;
	[sflag:s6] =	ssyncadd.s32 $0xFFFFC000  }
0x23d: {  	[spmem:s1] =	stream.indirect.scatter.add.f32 [tilespmem:s2], [sflag:$0x3], $0x80, s8, s30, $0xb8;
	[tilespmem:$0x1E000] =	vst v63  }
0x23e: {  	_ =	swait.ge [sflag:s28], $0x4000  }
0x23f: {  	[sflag:s28] =	ssyncset.done $0x0  }
0x240: {  	s8 =	simm.s32 $0x1580;
	[sflag:s28] =	ssyncadd.s32 $0xFFFFC000  }
0x241: {  	[tilespmem:s2], [sflag:$0x2] =	stream.indirect.gather [hbm4b:s19+s30], $0x80, s8, s30, $0xb8;
	[tilespmem:$0x1E000] =	vst v63  }
0x242: {  	_ =	swait.ge [sflag:s4], $0x4000  }
0x243: {  	[sflag:s4] =	ssyncset.done $0x0  }
0x244: {  	s8 =	simm.s32 $0x1D00;
	[sflag:s4] =	ssyncadd.s32 $0xFFFFC000  }
0x245: {  	[spmem:s1] =	stream.indirect.scatter.add.f32 [tilespmem:s26], [sflag:$0x3], $0x80, s8, s30, $0xb8;
	[tilespmem:$0x1E000] =	vst v63  }
0x246: {  	_ =	swait.ge [sflag:s28], $0x4000  }
0x247: {  	[sflag:s28] =	ssyncset.done $0x0  }
0x248: {  	s8 =	simm.s32 $0x1600;
	[sflag:s28] =	ssyncadd.s32 $0xFFFFC000  }
0x249: {  	[tilespmem:s26], [sflag:$0x1] =	stream.indirect.gather [hbm4b:s19+s30], $0x80, s8, s30, $0xb8;
	[tilespmem:$0x1E000] =	vst v63  }
0x24a: {  	_ =	swait.ge [sflag:s6], $0x4000  }
0x24b: {  	[sflag:s6] =	ssyncset.done $0x0  }
0x24c: {  	s8 =	simm.s32 $0x1D80;
	[sflag:s6] =	ssyncadd.s32 $0xFFFFC000  }
0x24d: {  	[spmem:s1] =	stream.indirect.scatter.add.f32 [tilespmem:s2], [sflag:$0x3], $0x80, s8, s30, $0xb8;
	[tilespmem:$0x1E000] =	vst v63  }
0x24e: {  	_ =	swait.ge [sflag:s28], $0x4000  }
0x24f: {  	[sflag:s28] =	ssyncset.done $0x0  }
0x250: {  	s8 =	simm.s32 $0x1680;
	[sflag:s28] =	ssyncadd.s32 $0xFFFFC000  }
0x251: {  	[tilespmem:s2], [sflag:$0x2] =	stream.indirect.gather [hbm4b:s19+s30], $0x80, s8, s30, $0xb8;
	[tilespmem:$0x1E000] =	vst v63  }
0x252: {  	_ =	swait.ge [sflag:s4], $0x4000  }
0x253: {  	[sflag:s4] =	ssyncset.done $0x0  }
0x254: {  	s8 =	simm.s32 $0x1E00;
	[sflag:s4] =	ssyncadd.s32 $0xFFFFC000  }
0x255: {  	[spmem:s1] =	stream.indirect.scatter.add.f32 [tilespmem:s26], [sflag:$0x3], $0x80, s8, s30, $0xb8;
	[tilespmem:$0x1E000] =	vst v63  }
0x256: {  	_ =	swait.ge [sflag:s28], $0x4000  }
0x257: {  	[sflag:s28] =	ssyncset.done $0x0  }
0x258: {  	s8 =	simm.s32 $0x1700;
	[sflag:s28] =	ssyncadd.s32 $0xFFFFC000  }
0x259: {  	[tilespmem:s26], [sflag:$0x1] =	stream.indirect.gather [hbm4b:s19+s30], $0x80, s8, s30, $0xb8;
	[tilespmem:$0x1E000] =	vst v63  }
0x25a: {  	_ =	swait.ge [sflag:s6], $0x4000  }
0x25b: {  	[sflag:s6] =	ssyncset.done $0x0  }
0x25c: {  	s8 =	simm.s32 $0x1E80;
	[sflag:s6] =	ssyncadd.s32 $0xFFFFC000  }
0x25d: {  	[spmem:s1] =	stream.indirect.scatter.add.f32 [tilespmem:s2], [sflag:$0x3], $0x80, s8, s30, $0xb8;
	[tilespmem:$0x1E000] =	vst v63  }
0x25e: {  	_ =	swait.ge [sflag:s28], $0x4000  }
0x25f: {  	[sflag:s28] =	ssyncset.done $0x0  }
0x260: {  	s8 =	simm.s32 $0x1780;
	[sflag:s28] =	ssyncadd.s32 $0xFFFFC000  }
0x261: {  	[tilespmem:s2], [sflag:$0x2] =	stream.indirect.gather [hbm4b:s19+s30], $0x80, s8, s30, $0xb8;
	[tilespmem:$0x1E000] =	vst v63  }
0x262: {  	_ =	swait.ge [sflag:s4], $0x4000  }
0x263: {  	[sflag:s4] =	ssyncset.done $0x0  }
0x264: {  	s8 =	simm.s32 $0x1F00;
	[sflag:s4] =	ssyncadd.s32 $0xFFFFC000  }
0x265: {  	[spmem:s1] =	stream.indirect.scatter.add.f32 [tilespmem:s26], [sflag:$0x3], $0x80, s8, s30, $0xb8;
	[tilespmem:$0x1E000] =	vst v63  }
0x266: {  	_ =	swait.ge [sflag:s28], $0x4000  }
0x267: {  	[sflag:s28] =	ssyncset.done $0x0  }
0x268: {  	[sflag:s28] =	ssyncadd.s32 $0xFFFFC000  }
0x269: {  	[tilespmem:s26], [sflag:$0x1] =	stream.indirect.gather [hbm4b:s19+s30], $0x80, s3, s30, $0xb8;
	[tilespmem:$0x1E000] =	vst v63  }
0x26a: {  	_ =	swait.ge [sflag:s6], $0x4000  }
0x26b: {  	[sflag:s6] =	ssyncset.done $0x0  }
0x26c: {  	s8 =	simm.s32 $0x1F80;
	[sflag:s6] =	ssyncadd.s32 $0xFFFFC000  }
0x26d: {  	[spmem:s1] =	stream.indirect.scatter.add.f32 [tilespmem:s2], [sflag:$0x3], $0x80, s8, s30, $0xb8;
	[tilespmem:$0x1E000] =	vst v63  }
0x26e: {  	_ =	swait.ge [sflag:s28], $0x4000  }
0x26f: {  	[sflag:s28] =	ssyncset.done $0x0  }
0x270: {  	[sflag:s28] =	ssyncadd.s32 $0xFFFFC000  }
0x271: {  	[tilespmem:s2], [sflag:$0x2] =	stream.indirect.gather [hbm4b:s19+s30], $0x80, s30, s30, $0xb8;
	[tilespmem:$0x1E000] =	vst v63  }
0x272: {  	_ =	swait.ge [sflag:s4], $0x4000  }
0x273: {  	[sflag:s4] =	ssyncset.done $0x0  }
0x274: {  	[sflag:s4] =	ssyncadd.s32 $0xFFFFC000  }
0x275: {  	[spmem:s1] =	stream.indirect.scatter.add.f32 [tilespmem:s26], [sflag:$0x3], $0x80, s0, s30, $0xb8;
	[tilespmem:$0x1E000] =	vst v63  }
0x276: {  	_ =	swait.ge [sflag:s28], $0x4000  }
0x277: {  	[sflag:s28] =	ssyncset.done $0x0  }
0x278: {  	[sflag:s28] =	ssyncadd.s32 $0xFFFFC000  }
0x279: {  	[tilespmem:s26], [sflag:$0x1] =	stream.indirect.gather [hbm4b:s19+s30], $0x80, s5, s30, $0xb8;
	[tilespmem:$0x1E000] =	vst v63  }
0x27a: {  	_ =	swait.ge [sflag:s6], $0x4000  }
0x27b: {  	[sflag:s6] =	ssyncset.done $0x0  }
0x27c: {  	[sflag:s6] =	ssyncadd.s32 $0xFFFFC000  }
0x27d: {  	[spmem:s1] =	stream.indirect.scatter.add.f32 [tilespmem:s2], [sflag:$0x3], $0x80, s9, s30, $0xb8;
	[tilespmem:$0x1E000] =	vst v63  }
0x27e: {  	_ =	swait.ge [sflag:s28], $0x4000  }
0x27f: {  	[sflag:s28] =	ssyncset.done $0x0  }
0x280: {  	[sflag:s28] =	ssyncadd.s32 $0xFFFFC000  }
0x281: {  	[tilespmem:s2], [sflag:$0x2] =	stream.indirect.gather [hbm4b:s19+s30], $0x80, s10, s30, $0xb8;
	[tilespmem:$0x1E000] =	vst v63  }
0x282: {  	_ =	swait.ge [sflag:s4], $0x4000  }
0x283: {  	[sflag:s4] =	ssyncset.done $0x0  }
0x284: {  	[sflag:s4] =	ssyncadd.s32 $0xFFFFC000  }
0x285: {  	[spmem:s1] =	stream.indirect.scatter.add.f32 [tilespmem:s26], [sflag:$0x3], $0x80, s11, s30, $0xb8;
	[tilespmem:$0x1E000] =	vst v63  }
0x286: {  	_ =	swait.ge [sflag:s28], $0x4000  }
0x287: {  	[sflag:s28] =	ssyncset.done $0x0  }
0x288: {  	[sflag:s28] =	ssyncadd.s32 $0xFFFFC000  }
0x289: {  	[tilespmem:s26], [sflag:$0x1] =	stream.indirect.gather [hbm4b:s19+s30], $0x80, s12, s30, $0xb8;
	[tilespmem:$0x1E000] =	vst v63  }
0x28a: {  	_ =	swait.ge [sflag:s6], $0x4000  }
0x28b: {  	[sflag:s6] =	ssyncset.done $0x0  }
0x28c: {  	[sflag:s6] =	ssyncadd.s32 $0xFFFFC000  }
0x28d: {  	[spmem:s1] =	stream.indirect.scatter.add.f32 [tilespmem:s2], [sflag:$0x3], $0x80, s13, s30, $0xb8;
	[tilespmem:$0x1E000] =	vst v63  }
0x28e: {  	_ =	swait.ge [sflag:s28], $0x4000  }
0x28f: {  	[sflag:s28] =	ssyncset.done $0x0  }
0x290: {  	[sflag:s28] =	ssyncadd.s32 $0xFFFFC000  }
0x291: {  	[tilespmem:s2], [sflag:$0x2] =	stream.indirect.gather [hbm4b:s19+s30], $0x80, s14, s30, $0xb8;
	[tilespmem:$0x1E000] =	vst v63  }
0x292: {  	_ =	swait.ge [sflag:s4], $0x4000  }
0x293: {  	[sflag:s4] =	ssyncset.done $0x0  }
0x294: {  	[sflag:s4] =	ssyncadd.s32 $0xFFFFC000  }
0x295: {  	[spmem:s1] =	stream.indirect.scatter.add.f32 [tilespmem:s26], [sflag:$0x3], $0x80, s15, s30, $0xb8;
	[tilespmem:$0x1E000] =	vst v63  }
0x296: {  	_ =	swait.ge [sflag:s28], $0x4000  }
0x297: {  	[sflag:s28] =	ssyncset.done $0x0  }
0x298: {  	[sflag:s28] =	ssyncadd.s32 $0xFFFFC000  }
0x299: {  	[tilespmem:s26], [sflag:$0x1] =	stream.indirect.gather [hbm4b:s19+s30], $0x80, s16, s30, $0xb8;
	[tilespmem:$0x1E000] =	vst v63  }
0x29a: {  	_ =	swait.ge [sflag:s6], $0x4000  }
0x29b: {  	[sflag:s6] =	ssyncset.done $0x0  }
0x29c: {  	[sflag:s6] =	ssyncadd.s32 $0xFFFFC000  }
0x29d: {  	[spmem:s1] =	stream.indirect.scatter.add.f32 [tilespmem:s2], [sflag:$0x3], $0x80, s17, s30, $0xb8;
	[tilespmem:$0x1E000] =	vst v63  }
0x29e: {  	_ =	swait.ge [sflag:s28], $0x4000  }
0x29f: {  	[sflag:s28] =	ssyncset.done $0x0  }
0x2a0: {  	[sflag:s28] =	ssyncadd.s32 $0xFFFFC000  }
0x2a1: {  	[tilespmem:s2], [sflag:$0x2] =	stream.indirect.gather [hbm4b:s19+s30], $0x80, s18, s30, $0xb8;
	[tilespmem:$0x1E000] =	vst v63  }
0x2a2: {  	_ =	swait.ge [sflag:s4], $0x4000  }
0x2a3: {  	[sflag:s4] =	ssyncset.done $0x0  }
0x2a4: {  	[sflag:s4] =	ssyncadd.s32 $0xFFFFC000  }
0x2a5: {  	[spmem:s1] =	stream.indirect.scatter.add.f32 [tilespmem:s26], [sflag:$0x3], $0x80, s20, s30, $0xb8;
	[tilespmem:$0x1E000] =	vst v63  }
0x2a6: {  	_ =	swait.ge [sflag:s28], $0x4000  }
0x2a7: {  	[sflag:s28] =	ssyncset.done $0x0  }
0x2a8: {  	[sflag:s28] =	ssyncadd.s32 $0xFFFFC000  }
0x2a9: {  	[tilespmem:s26], [sflag:$0x1] =	stream.indirect.gather [hbm4b:s19+s30], $0x80, s21, s30, $0xb8;
	[tilespmem:$0x1E000] =	vst v63  }
0x2aa: {  	_ =	swait.ge [sflag:s6], $0x4000  }
0x2ab: {  	[sflag:s6] =	ssyncset.done $0x0  }
0x2ac: {  	[sflag:s6] =	ssyncadd.s32 $0xFFFFC000  }
0x2ad: {  	[spmem:s1] =	stream.indirect.scatter.add.f32 [tilespmem:s2], [sflag:$0x3], $0x80, s22, s30, $0xb8;
	[tilespmem:$0x1E000] =	vst v63  }
0x2ae: {  	_ =	swait.ge [sflag:s28], $0x4000  }
0x2af: {  	[sflag:s28] =	ssyncset.done $0x0  }
0x2b0: {  	[sflag:s28] =	ssyncadd.s32 $0xFFFFC000  }
0x2b1: {  	[tilespmem:s2], [sflag:$0x2] =	stream.indirect.gather [hbm4b:s19+s30], $0x80, s23, s30, $0xb8;
	[tilespmem:$0x1E000] =	vst v63  }
0x2b2: {  	_ =	swait.ge [sflag:s4], $0x4000  }
0x2b3: {  	[sflag:s4] =	ssyncset.done $0x0  }
0x2b4: {  	[sflag:s4] =	ssyncadd.s32 $0xFFFFC000  }
0x2b5: {  	[spmem:s1] =	stream.indirect.scatter.add.f32 [tilespmem:s26], [sflag:$0x3], $0x80, s25, s30, $0xb8;
	[tilespmem:$0x1E000] =	vst v63  }
0x2b6: {  	_ =	swait.ge [sflag:s28], $0x4000  }
0x2b7: {  	[sflag:s28] =	ssyncset.done $0x0  }
0x2b8: {  	[sflag:s28] =	ssyncadd.s32 $0xFFFFC000  }
0x2b9: {  	[tilespmem:s26], [sflag:$0x1] =	stream.indirect.gather [hbm4b:s19+s30], $0x80, s31, s30, $0xb8;
	[tilespmem:$0x1E000] =	vst v63  }
0x2ba: {  	_ =	swait.ge [sflag:s6], $0x4000  }
0x2bb: {  	[sflag:s6] =	ssyncset.done $0x0  }
0x2bc: {  	s11 =	simm.s32 $0xC80;
	[sflag:s6] =	ssyncadd.s32 $0xFFFFC000  }
0x2bd: {  	[spmem:s1] =	stream.indirect.scatter.add.f32 [tilespmem:s2], [sflag:$0x3], $0x80, s11, s30, $0xb8;
	[tilespmem:$0x1E000] =	vst v63  }
0x2be: {  	_ =	swait.ge [sflag:s28], $0x4000  }
0x2bf: {  	[sflag:s28] =	ssyncset.done $0x0  }
0x2c0: {  	s5 =	simm.s32 $0x580;
	[sflag:s28] =	ssyncadd.s32 $0xFFFFC000  }
0x2c1: {  	[tilespmem:s2], [sflag:$0x2] =	stream.indirect.gather [hbm4b:s19+s30], $0x80, s5, s30, $0xb8;
	[tilespmem:$0x1E000] =	vst v63  }
0x2c2: {  	_ =	swait.ge [sflag:s4], $0x4000  }
0x2c3: {  	[sflag:s4] =	ssyncset.done $0x0  }
0x2c4: {  	s8 =	simm.s32 $0xD00;
	[sflag:s4] =	ssyncadd.s32 $0xFFFFC000  }
0x2c5: {  	[spmem:s1] =	stream.indirect.scatter.add.f32 [tilespmem:s26], [sflag:$0x3], $0x80, s8, s30, $0xb8;
	[tilespmem:$0x1E000] =	vst v63  }
0x2c6: {  	_ =	swait.ge [sflag:s28], $0x4000  }
0x2c7: {  	[sflag:s28] =	ssyncset.done $0x0  }
0x2c8: {  	s9 =	simm.s32 $0x600;
	[sflag:s28] =	ssyncadd.s32 $0xFFFFC000  }
0x2c9: {  	[tilespmem:s26], [sflag:$0x1] =	stream.indirect.gather [hbm4b:s19+s30], $0x80, s9, s30, $0xb8;
	[tilespmem:$0x1E000] =	vst v63  }
0x2ca: {  	_ =	swait.ge [sflag:s6], $0x4000  }
0x2cb: {  	[sflag:s6] =	ssyncset.done $0x0  }
0x2cc: {  	s10 =	simm.s32 $0xD80;
	[sflag:s6] =	ssyncadd.s32 $0xFFFFC000  }
0x2cd: {  	[spmem:s1] =	stream.indirect.scatter.add.f32 [tilespmem:s2], [sflag:$0x3], $0x80, s10, s30, $0xb8;
	[tilespmem:$0x1E000] =	vst v63  }
0x2ce: {  	_ =	swait.ge [sflag:s28], $0x4000  }
0x2cf: {  	[sflag:s28] =	ssyncset.done $0x0  }
0x2d0: {  	s11 =	simm.s32 $0x680;
	[sflag:s28] =	ssyncadd.s32 $0xFFFFC000  }
0x2d1: {  	[tilespmem:s2], [sflag:$0x2] =	stream.indirect.gather [hbm4b:s19+s30], $0x80, s11, s30, $0xb8;
	[tilespmem:$0x1E000] =	vst v63  }
0x2d2: {  	_ =	swait.ge [sflag:s4], $0x4000  }
0x2d3: {  	[sflag:s4] =	ssyncset.done $0x0  }
0x2d4: {  	s5 =	simm.s32 $0xE00;
	[sflag:s4] =	ssyncadd.s32 $0xFFFFC000  }
0x2d5: {  	[spmem:s1] =	stream.indirect.scatter.add.f32 [tilespmem:s26], [sflag:$0x3], $0x80, s5, s30, $0xb8;
	[tilespmem:$0x1E000] =	vst v63  }
0x2d6: {  	_ =	swait.ge [sflag:s28], $0x4000  }
0x2d7: {  	[sflag:s28] =	ssyncset.done $0x0  }
0x2d8: {  	s8 =	simm.s32 $0x700;
	[sflag:s28] =	ssyncadd.s32 $0xFFFFC000  }
0x2d9: {  	[tilespmem:s26], [sflag:$0x1] =	stream.indirect.gather [hbm4b:s19+s30], $0x80, s8, s30, $0xb8;
	[tilespmem:$0x1E000] =	vst v63  }
0x2da: {  	_ =	swait.ge [sflag:s6], $0x4000  }
0x2db: {  	[sflag:s6] =	ssyncset.done $0x0  }
0x2dc: {  	s9 =	simm.s32 $0xE80;
	[sflag:s6] =	ssyncadd.s32 $0xFFFFC000  }
0x2dd: {  	[spmem:s1] =	stream.indirect.scatter.add.f32 [tilespmem:s2], [sflag:$0x3], $0x80, s9, s30, $0xb8;
	[tilespmem:$0x1E000] =	vst v63  }
0x2de: {  	_ =	swait.ge [sflag:s28], $0x4000  }
0x2df: {  	[sflag:s28] =	ssyncset.done $0x0  }
0x2e0: {  	s10 =	simm.s32 $0x780;
	[sflag:s28] =	ssyncadd.s32 $0xFFFFC000  }
0x2e1: {  	[tilespmem:s2], [sflag:$0x2] =	stream.indirect.gather [hbm4b:s19+s30], $0x80, s10, s30, $0xb8;
	[tilespmem:$0x1E000] =	vst v63  }
0x2e2: {  	_ =	swait.ge [sflag:s4], $0x4000  }
0x2e3: {  	[sflag:s4] =	ssyncset.done $0x0  }
0x2e4: {  	s11 =	simm.s32 $0xF00;
	[sflag:s4] =	ssyncadd.s32 $0xFFFFC000  }
0x2e5: {  	[spmem:s1] =	stream.indirect.scatter.add.f32 [tilespmem:s26], [sflag:$0x3], $0x80, s11, s30, $0xb8;
	[tilespmem:$0x1E000] =	vst v63  }
0x2e6: {  	_ =	swait.ge [sflag:s28], $0x4000  }
0x2e7: {  	[sflag:s28] =	ssyncset.done $0x0  }
0x2e8: {  	[sflag:s28] =	ssyncadd.s32 $0xFFFFC000  }
0x2e9: {  	_ =	swait.ge [sflag:s6], $0x4000  }
0x2ea: {  	[sflag:s6] =	ssyncset.done $0x0  }
0x2eb: {  	s24 =	simm.s32 $0xF80;
	[sflag:s6] =	ssyncadd.s32 $0xFFFFC000  }
0x2ec: {  	[spmem:s1] =	stream.indirect.scatter.add.f32 [tilespmem:s2], [sflag:$0x3], $0x80, s24, s30, $0xb8;
	[tilespmem:$0x1E000] =	vst v63  }
0x2ed: {  	_ =	swait.ge [sflag:s28], $0x4000  }
0x2ee: {  	[sflag:s28] =	ssyncset.done $0x0  }
0x2ef: {  	[sflag:s28] =	ssyncadd.s32 $0xFFFFC000  }
0x2f0: {  	s5 =	stileid.u32;
	[bflag:$0x0] =	sbarrier.arrive $0xFFFF  }
0x2f1: {  	s8 =	sshll.u32 s5, $0x6;
	s9 =	rddreg [dreg:$0x14]  }
0x2f2: {  	s8 =	sor.u32 $0x1C03, s8;
	s11 =	rddreg [dreg:$0xe];
	s10 =	sshrl.u32 s9, $0x3  }
0x2f3: {  	[hbm:s11], [sflag:s8] =	dma.local [spmem:s10], $0x800  }
0x2f4: {  	_ =	swait.ge [sflag:s28], $0x800  }
0x2f5: {  	[sflag:s28] =	ssyncset.done $0x0;
	s24 =	rddreg [dreg:$0x15]  }
0x2f6: {  	s5 =	rddreg [dreg:$0xf];
	[sflag:s28] =	ssyncadd.s32 $0xFFFFF800;
	s0 =	sshrl.u32 s24, $0x3  }
0x2f7: {  	[hbm:s5], [sflag:s8] =	dma.local [spmem:s0], $0x800  }
0x2f8: {  	_ =	swait.ge [sflag:s28], $0x800  }
0x2f9: {  	[sflag:s28] =	ssyncset.done $0x0;
	s9 =	rddreg [dreg:$0x16]  }
0x2fa: {  	s11 =	rddreg [dreg:$0x10];
	[sflag:s28] =	ssyncadd.s32 $0xFFFFF800;
	s10 =	sshrl.u32 s9, $0x3  }
0x2fb: {  	[hbm:s11], [sflag:s8] =	dma.local [spmem:s10], $0x800  }
0x2fc: {  	_ =	swait.ge [sflag:s28], $0x800  }
0x2fd: {  	[sflag:s28] =	ssyncset.done $0x0;
	s24 =	rddreg [dreg:$0x17]  }
0x2fe: {  	s5 =	rddreg [dreg:$0x11];
	[sflag:s28] =	ssyncadd.s32 $0xFFFFF800;
	s0 =	sshrl.u32 s24, $0x3  }
0x2ff: {  	[hbm:s5], [sflag:s8] =	dma.local [spmem:s0], $0x800  }
0x300: {  	_ =	swait.ge [sflag:s28], $0x800  }
0x301: {  	[sflag:s28] =	ssyncset.done $0x0;
	s9 =	rddreg [dreg:$0x18]  }
0x302: {  	s11 =	rddreg [dreg:$0x12];
	[sflag:s28] =	ssyncadd.s32 $0xFFFFF800;
	s10 =	sshrl.u32 s9, $0x3  }
0x303: {  	[hbm:s11], [sflag:s8] =	dma.local [spmem:s10], $0x800  }
0x304: {  	_ =	swait.ge [sflag:s28], $0x800  }
0x305: {  	s7 =	sadd.s32 $0x1, s7;
	s24 =	rddreg [dreg:$0x13]  }
0x306: {  	p0 =	sne.s32 s7, s24  }
.Ltmp1:
0x307: {  	_ = 	snop;
	(pc) =	sbr.rel @p0 .LBB2_1-.Ltmp1, $3  }
0x308: {  	_ =	sdelay $0x1  }
0x309: {  	[sflag:s28] =	ssyncset.done $0x0  }
0x30a: {  	[sflag:s28] =	ssyncadd.s32 $0xFFFFF800  }
0x30b: {  	_ =	sfence.sel $0x180000  }
0x30c: {  	[bflag:$0x0] =	sbarrier.arrive $0xFFFF  }
0x30d: {  	_ =	strace $0x9000004A  }
0x30e: {  	s0 =	stileid.u32;
	[bflag:$0x2] =	sbarrier.arrive $0xFFFF  }
0x30f: {  	p0 =	sne.s32 s0, $0x0;
	s0 =	rddreg [dreg:$0x3]  }
0x310: {  	s0 =	sadd.s32 @!p0 $0x100000, s0  }
0x311: {  	[sflag:s0] =	ssyncadd.tile.s32 @!p0 $0x1;
	_ =	shalt  }
.Lfunc_end2:
_tile_overlayer_lowered:
.L_overlay_start_2:
0x312: {  	(tag) =	ssettag $0x2  }
0x313: {  	s0 =	rddreg [dreg:$0x0];
	s2 =	stileid.u32  }
0x314: {  	s1 =	rddreg [dreg:$0x1];
	p0 =	sne.s32 s2, $0x0  }
0x315: {  	s3 =	rddreg [dreg:$0x2];
	[bflag:$0x3] =	sbarrier.arrive $0xFFFF;
	s2 =	simm.s32 @!p0 $0x1C03  }
0x316: {  	[timem:s3], [sflag:s2] =	dma.local @!p0 [hbm:s0], s1  }
0x317: {  	s0 =	simm.s32 @!p0 $0x3  }
0x318: {  	_ =	swait.ge @!p0 [sflag:s0], s1  }
0x319: {  	s1 =	ssub.s32 @!p0 $0x0, s1;
	[sflag:s0] =	ssyncset.done @!p0 $0x0  }
0x31a: {  	[sflag:s0] =	ssyncadd.s32 @!p0 s1  }
0x31b: {  	[bflag:$0x3] =	sbarrier.arrive $0xFFFF  }
0x31c: {  	_ =	shalt  }

// kernel: kernel.14.cloned.1.call-start
scs
__scs_entry_jumppad:
0x0: {  	(pc) =	sbr.rel $0x88, $3  }
0x1: {  	(tag) =	ssettag $0x0;
	lr =	simm.s32 $0x1  }
0x2: {  	[smem:$0x3F9B] =	sst lr;
	_ =	strace $0xD0000000  }
0x3: {  	_ = 	snop  }
0x4: {  	_ = 	snop  }
0x5: {  	_ = 	snop  }
0x6: {  	_ = 	snop  }
0x7: {  	_ = 	snop  }
__scs_overlays_trampoline_lowered:
0x8: {  	[smem:$0x3FAA] =	sst s0  }
0x9: {  	[smem:$0x3FAB] =	sst s1  }
0xa: {  	[smem:$0x3FAC] =	sst s2  }
0xb: {  	[smem:$0x3FAD] =	sst s3  }
0xc: {  	[smem:$0x3FAE] =	sst s4  }
0xd: {  	[smem:$0x3FAF] =	sst s5  }
0xe: {  	[smem:$0x3FB0] =	sst s6  }
0xf: {  	[smem:$0x3FB1] =	sst s7  }
0x10: {  	[smem:$0x3FB2] =	sst s8  }
0x11: {  	[smem:$0x3FB3] =	sst s9;
	s0 =	simm.s32 @!p0 $0x0  }
0x12: {  	s1 =	sld [smem:$0x3F99];
	s0 =	simm.s32 @p0 $0x1  }
0x13: {  	[smem:$0x3FB4] =	sst s0;
	s0 =	simm.s32 @!p1 $0x0  }
0x14: {  	s2 =	sld [smem:$0x3F98];
	s0 =	simm.s32 @p1 $0x1  }
0x15: {  	[smem:$0x3FB5] =	sst s0;
	s0 =	simm.s32 @!p2 $0x0  }
0x16: {  	s3 =	sld [smem:$0x3FDB];
	s0 =	simm.s32 @p2 $0x1  }
0x17: {  	s4 =	simm.s32 $0x1BF5;
	[smem:$0x3FB7] =	sst s0  }
0x18: {  	s0 =	sld [smem:$0x3F9A];
	_ =	swait.ge [sflag:s4], $0x0  }
0x19: {  	s7 =	sld [smem:$0x3F9B]  }
0x1a: {  	s8 =	sadd.s32 $0xFFFFE003, lr  }
0x1b: {  	s9 =	sadd.s32 $0xFFFFFEF7, lr;
	s5 =	simm.s32 $0xFFFFFFFF;
	p2 =	slt.u32 s8, $0xFFFFF086  }
0x1c: {  	p1 =	slt.u32 s9, $0xF7A;
	s5 =	simm.s32 @!p2 $0x0  }
0x1d: {  	s5 =	simm.s32 @p1 $0x1;
	p0 =	seq.s32 s7, s2  }
0x1e: {  	s7 =	smul.u32 @!p0 $0xF7A, s2;
	p2 =	seq.s32 @!p0 s5, $0x0  }
0x1f: {  	s9 =	smul.u32 $0xF7A, s1;
	s8 =	simm.s32 @!p0 $0x1BF5;
	p2 =	por !p2, p0  }
0x20: {  	[sflag:s8] =	ssyncset.s32 @!p0 $0xFFFFF086;
	s6 =	sadd.s32 @!p0 s3, s7;
	s7 =	simm.s32 @!p0 $0x108  }
0x21: {  	s3 =	sadd.s32 s3, s9;
	s6 =	sadd.s32 @!p0 $0x88, s6;
	s7 =	simm.s32 @p2 $0x1082  }
0x22: {  	[simem:s7], [sflag:s8] =	dma.local @!p0 [hbm:s6], $0xF7A  }
0x23: {  	s9 =	sor.u32 $0xD0000000, s2;
	s6 =	simm.s32 $0x108;
	_ =	swait.ge @!p0 [sflag:s8], $0x0  }
0x24: {  	s3 =	sadd.s32 $0x88, s3;
	s6 =	simm.s32 @!p1 $0x1082;
	[sflag:s4] =	ssyncset.s32 $0xFFFFF086  }
0x25: {  	[simem:s6], [sflag:s4] =	dma.local [hbm:s3], $0xF7A  }
0x26: {  	[smem:$0x3F9B] =	sst s1;
	(tag) =	ssettag s2;
	_ =	strace s9  }
0x27: {  	s1 =	sld [smem:$0x3FAB]  }
0x28: {  	s2 =	sld [smem:$0x3FAC]  }
0x29: {  	s4 =	sld [smem:$0x3FAE]  }
0x2a: {  	p0 =	seq.s32 s5, $0x0;
	s5 =	sld [smem:$0x3FAF]  }
0x2b: {  	s6 =	sld [smem:$0x3FB0]  }
0x2c: {  	s7 =	sld [smem:$0x3FB1]  }
0x2d: {  	s3 =	simm.s32 $0x108;
	s8 =	sld [smem:$0x3FB2]  }
0x2e: {  	s3 =	simm.s32 @!p0 $0x1082;
	s9 =	sld [smem:$0x3FB3]  }
0x2f: {  	lr =	sadd.s32 s0, s3;
	s0 =	sld [smem:$0x3FAA]  }
0x30: {  	s3 =	sld [smem:$0x3FAD]  }
0x31: {  	[smem:$0x3FB6] =	sst s10  }
0x32: {  	s10 =	sld [smem:$0x3FB4];
	_ =	sdelay $0x3  }
0x33: {  	p0 =	seq.s32 s10, $0x1;
	s10 =	sld [smem:$0x3FB6];
	_ =	sdelay $0x3  }
0x34: {  	[smem:$0x3FB6] =	sst s10  }
0x35: {  	s10 =	sld [smem:$0x3FB5];
	_ =	sdelay $0x3  }
0x36: {  	p1 =	seq.s32 s10, $0x1;
	s10 =	sld [smem:$0x3FB6];
	_ =	sdelay $0x3  }
0x37: {  	[smem:$0x3FB6] =	sst s10  }
0x38: {  	s10 =	sld [smem:$0x3FB7]  }
0x39: {  	_ = 	snop;
	(pc) =	sbr.ind lr, $3  }
0x3a: {  	_ = 	snop  }
0x3b: {  	_ = 	snop  }
0x3c: {  	p2 =	seq.s32 s10, $0x1;
	s10 =	sld [smem:$0x3FB6]  }
0x3d: {  	_ =	shalt  }
0x3e: {  	_ =	shalt  }
0x3f: {  	_ =	shalt  }
0x40: {  	_ =	shalt  }
0x41: {  	_ =	shalt  }
0x42: {  	_ =	shalt  }
0x43: {  	_ =	shalt  }
0x44: {  	_ =	shalt  }
0x45: {  	_ =	shalt  }
0x46: {  	_ =	shalt  }
0x47: {  	_ =	shalt  }
0x48: {  	_ =	shalt  }
0x49: {  	_ =	shalt  }
0x4a: {  	_ =	shalt  }
0x4b: {  	_ =	shalt  }
0x4c: {  	_ =	shalt  }
0x4d: {  	_ =	shalt  }
0x4e: {  	_ =	shalt  }
0x4f: {  	_ =	shalt  }
0x50: {  	_ =	shalt  }
0x51: {  	_ =	shalt  }
0x52: {  	_ =	shalt  }
0x53: {  	_ =	shalt  }
0x54: {  	_ =	shalt  }
0x55: {  	_ =	shalt  }
0x56: {  	_ =	shalt  }
0x57: {  	_ =	shalt  }
0x58: {  	_ =	shalt  }
0x59: {  	_ =	shalt  }
0x5a: {  	_ =	shalt  }
0x5b: {  	_ =	shalt  }
0x5c: {  	_ =	shalt  }
0x5d: {  	_ =	shalt  }
0x5e: {  	_ =	shalt  }
0x5f: {  	_ =	shalt  }
0x60: {  	_ =	shalt  }
0x61: {  	_ =	shalt  }
0x62: {  	_ =	shalt  }
0x63: {  	_ =	shalt  }
0x64: {  	_ =	shalt  }
0x65: {  	_ =	shalt  }
0x66: {  	_ =	shalt  }
0x67: {  	_ =	shalt  }
0x68: {  	_ =	shalt  }
0x69: {  	_ =	shalt  }
0x6a: {  	_ =	shalt  }
0x6b: {  	_ =	shalt  }
0x6c: {  	_ =	shalt  }
0x6d: {  	_ =	shalt  }
0x6e: {  	_ =	shalt  }
0x6f: {  	_ =	shalt  }
0x70: {  	_ =	shalt  }
0x71: {  	_ =	shalt  }
0x72: {  	_ =	shalt  }
0x73: {  	_ =	shalt  }
0x74: {  	_ =	shalt  }
0x75: {  	_ =	shalt  }
0x76: {  	_ =	shalt  }
0x77: {  	_ =	shalt  }
0x78: {  	_ =	shalt  }
0x79: {  	_ =	shalt  }
0x7a: {  	_ =	shalt  }
0x7b: {  	_ =	shalt  }
0x7c: {  	_ =	shalt  }
0x7d: {  	_ =	shalt  }
0x7e: {  	_ =	shalt  }
0x7f: {  	_ =	shalt  }
0x80: {  	_ =	shalt  }
0x81: {  	_ =	shalt  }
0x82: {  	_ =	shalt  }
0x83: {  	_ =	shalt  }
0x84: {  	_ =	shalt  }
0x85: {  	_ =	shalt  }
0x86: {  	_ =	shalt  }
0x87: {  	_ =	shalt  }
.Lfunc_end0:
.L_simem_size_0:
called_computation.2_lowered:
.L_overlay_start_0:
0x88: {  	s2 =	sld [smem:$0x3FD9]  }
0x89: {  	s3 =	sld [smem:$0x3FFE];
	_ =	sdelay $0x1  }
0x8a: {  	s1 =	srdreg.scid  }
0x8b: {  	s0 =	sand.u32 $0x1, s1  }
0x8c: {  	s17 =	sshll.u32 s0, $0xA;
	s2 =	sadd.s32 s3, s2  }
0x8d: {  	s2 =	sadd.s32 s2, s17  }
0x8e: {  	[smem:$0x3FC2] =	sst s2  }
0x8f: {  	_ = 	snop  }
0x90: {  	s2 =	sld [smem:$0x3FD0];
	(tm) =	ssettm $0x1  }
0x91: {  	s18 =	sld [smem:$0x3FFB];
	_ =	sdelay $0x3  }
0x92: {  	_ =	strace s18  }
0x93: {  	s3 =	sld [smem:$0x3FFC];
	_ =	sdelay $0x3  }
0x94: {  	_ =	strace s3  }
0x95: {  	s3 =	sld [smem:$0x3FFD];
	_ =	sdelay $0x3  }
0x96: {  	_ =	strace s3  }
0x97: {  	_ =	strace $0x8FFFFFFF  }
0x98: {  	s19 =	sld [smem:$0x3FDB];
	_ =	sdelay $0x1  }
0x99: {  	s4 =	simm.s32 $_scs_section_size  }
0x9a: {  	s5 =	simm.s32 $_size__tile_overlayer_lowered;
	s6 =	simm.s32 $_tile_overlayer_lowered  }
0x9b: {  	s22 =	simm.s32 $0x1BFF;
	s21 =	sshll.u32 s6, $0x1;
	s3 =	sadd.s32 s4, s19  }
0x9c: {  	s7 =	simm.s32 $0x0;
	s20 =	sshll.u32 s5, $0x1;
	s5 =	sadd.s32 s21, s3  }
0x9d: {  	[timem:s7], [sflag:s22] =	dma.local [hbm:s5], s20  }
0x9e: {  	_ =	swait.ge [sflag:s22], s20  }
0x9f: {  	s4 =	ssub.s32 $0x0, s20;
	[sflag:s22] =	ssyncset.done $0x0  }
0xa0: {  	[sflag:s22] =	ssyncadd.s32 s4;
	_ =	sdelay $0x1  }
0xa1: {  	s23 =	simm.s32 $0x1B8B  }
0xa2: {  	_ =	swait.ge [sflag:s23], $0x1  }
0xa3: {  	[sflag:s23] =	ssyncset.done $0x0  }
0xa4: {  	s25 =	simm.s32 $0x1B8E;
	s24 =	sld [smem:$0x3FFE];
	[sflag:s23] =	ssyncadd.s32 $0xFFFFFFFF  }
0xa5: {  	s26 =	simm.s32 $execute0_lowered;
	[smem:$0x3FD2] =	sst s25  }
0xa6: {  	s5 =	sshll.u32 s26, $0x1;
	_ =	strace $0x8000004C;
	[dreg:$0x1] =	wrdreg $0xFFFFFFFF  }
0xa7: {  	s28 =	simm.s32 $_size_execute0_lowered;
	s3 =	sadd.s32 s3, s5;
	[dreg:$0x0] =	wrdreg $0x0  }
0xa8: {  	s5 =	sshll.u32 s28, $0x1;
	[dreg:$0x2] =	wrdreg s3  }
0xa9: {  	[dreg:$0x3] =	wrdreg s5  }
0xaa: {  	[dreg:$0x4] =	wrdreg $0xC0  }
0xab: {  	_ =	task [dreg:s7], $0x5FFFF  }
0xac: {  	[dreg:$0x1] =	wrdreg $0xFFFFFFFF  }
0xad: {  	[dreg:$0x0] =	wrdreg $0x60  }
0xae: {  	[dreg:$0x2] =	wrdreg s24  }
0xaf: {  	[dreg:$0x3] =	wrdreg s2  }
0xb0: {  	[dreg:$0x4] =	wrdreg $0xA0000  }
0xb1: {  	[dreg:$0x5] =	wrdreg $0x9  }
0xb2: {  	_ =	task.clear_ibuf [dreg:s7], $0x6FFFF;
	_ =	strace $0x9000004C  }
0xb3: {  	s29 =	simm.s32 $0x9;
	_ =	strace $0x8000004E  }
0xb4: {  	_ =	swait.ge [sflag:s29], $0x1  }
0xb5: {  	[sflag:s29] =	ssyncadd.s32 $0xFFFFFFFF  }
0xb6: {  	_ =	strace $0x9000004E  }
0xb7: {  	_ =	sfence  }
0xb8: {  	s30 =	sld [smem:$0x0];
	_ =	sdelay $0x2  }
0xb9: {  	s31 =	sshll.u32 s1, $0xD;
	s1 =	sshrl.u32 s1, $0x2  }
0xba: {  	s3 =	sand.u32 $0x4000, s31;
	s1 =	sadd.s32 s1, s30  }
0xbb: {  	s0 =	sor.u32 s3, s0;
	s1 =	sshll.u32 s1, $0x11  }
0xbc: {  	s0 =	sor.u32 s1, s0  }
0xbd: {  	s0 =	sadd.s32 $0x8F2B, s0  }
0xbe: {  	[sflag:s0] =	ssyncadd.remote.s32 $0x1  }
0xbf: {  	_ =	sfence.sel $0xFFFF  }
0xc0: {  	[dreg:$0x0] =	wrdreg $0xFFFFFFFF;
	(pc) =	sbr.abs _section_cstart, $3  }
0xc1: {  	[dreg:$0x1] =	wrdreg $0xFFFFFFFF  }
0xc2: {  	_ =	task.clear_ibuf [dreg:s7], $0x2FFFF;
	_ =	strace $0x9FFFFFFF  }
0xc3: {  	(tm) =	ssettm $0x7FFFFFFF  }
tec
execute0_lowered:
.L_overlay_start_1:
0x0: {  	(tag) =	ssettag $0x1  }
0x1: {  	s0 =	rddreg [dreg:$0x0]  }
0x2: {  	s2 =	rddreg [dreg:$0x1]  }
0x3: {  	s1 =	rddreg [dreg:$0x2]  }
0x4: {  	s3 =	srdreg.scid;
	s16 =	stileid.u32  }
0x5: {  	s28 =	simm.s32 $0x3;
	s30 =	simm.s32 $0x80;
	s29 =	simm.s32 $0x1800  }
0x6: {  	s31 =	simm.s32 $0x500;
	s4 =	sand.u32 $0x1, s3;
	s3 =	simm.s32 $0x0  }
0x7: {  	s7 =	smul.u32 $0x14000, s16;
	s8 =	sadd.s32 $0x2000, s0;
	s5 =	sshll.u32 s4, $0x4  }
0x8: {  	s10 =	sadd.s32 $0x33200, s0;
	s18 =	smul.u32 $0x50000, s16;
	s5 =	sor.u32 s16, s5  }
0x9: {  	s19 =	sadd.s32 $0xC000, s0;
	s6 =	ssub.s32 $0x2, s4;
	s5 =	smul.u32 $0x2800, s5  }
0xa: {  	s4 =	smul.u32 $0x140000, s4;
	[smem:$0x7FF] =	sst s3;
	s9 =	sshrl.u32 s6, $0x1  }
0xb: {  	s11 =	sadd.s32 $0x8000, s7;
	s12 =	sadd.s32 $0xC000, s7;
	s5 =	sshrl.u32 s5, $0x3  }
0xc: {  	s13 =	sadd.s32 $0x10000, s7;
	s16 =	simm.s32 $0x300;
	s14 =	sadd.s32 s8, s5  }
0xd: {  	s20 =	sadd.s32 $0x100, s5;
	s15 =	sadd.s32 s2, s5;
	[dreg:$0x4] =	wrdreg s14  }
0xe: {  	s6 =	ssub.s32 s6, s9;
	[dreg:$0x5] =	wrdreg s15;
	s21 =	sadd.s32 s8, s20  }
0xf: {  	s22 =	sadd.s32 $0x200, s5;
	s14 =	sadd.s32 s2, s20;
	[dreg:$0x6] =	wrdreg s21  }
0x10: {  	s9 =	sadd.s32 $0x4000, s7;
	s23 =	sadd.s32 s8, s22;
	[dreg:$0x7] =	wrdreg s14  }
0x11: {  	s25 =	sadd.s32 $0x300, s5;
	s24 =	sadd.s32 s2, s22;
	[dreg:$0x8] =	wrdreg s23  }
0x12: {  	s5 =	sadd.s32 $0x400, s5;
	s26 =	sadd.s32 s8, s25;
	[dreg:$0x9] =	wrdreg s24  }
0x13: {  	s17 =	sadd.s32 s4, s12;
	s8 =	sadd.s32 s8, s5;
	[dreg:$0xa] =	wrdreg s26  }
0x14: {  	s22 =	sadd.s32 s9, s1;
	s14 =	sadd.s32 s2, s25;
	[dreg:$0xc] =	wrdreg s8  }
0x15: {  	s2 =	sadd.s32 s2, s5;
	s5 =	sadd.s32 s7, s4;
	s7 =	sadd.s32 s4, s9  }
0x16: {  	s8 =	sadd.s32 s4, s11;
	s4 =	sadd.s32 s4, s13;
	s21 =	sshrl.u32 s18, $0x2  }
0x17: {  	s23 =	sadd.s32 s11, s1;
	s24 =	sadd.s32 s12, s1;
	s25 =	sadd.s32 s13, s1  }
0x18: {  	s26 =	smax.u32 s6, $0x1;
	[dreg:$0xd] =	wrdreg s2;
	s2 =	sshrl.u32 s5, $0x3  }
0x19: {  	[dreg:$0xb] =	wrdreg s14;
	s5 =	sshrl.u32 s7, $0x3;
	s2 =	sadd.s32 s10, s2  }
0x1a: {  	s15 =	sshrl.u32 s8, $0x3;
	s14 =	sadd.s32 s10, s5;
	[dreg:$0xe] =	wrdreg s2  }
0x1b: {  	s4 =	sshrl.u32 s4, $0x3;
	[dreg:$0xf] =	wrdreg s14;
	s2 =	sadd.s32 s10, s15  }
0x1c: {  	s20 =	sadd.s32 s10, s4;
	[dreg:$0x10] =	wrdreg s2;
	s2 =	sshrl.u32 s17, $0x3  }
0x1d: {  	s6 =	simm.s32 $0x2;
	[dreg:$0x12] =	wrdreg s20;
	s2 =	sadd.s32 s10, s2  }
0x1e: {  	s12 =	simm.s32 $0x200;
	s0 =	sadd.s32 s21, s1;
	[dreg:$0x11] =	wrdreg s2  }
0x1f: {  	s13 =	simm.s32 $0x980;
	_ =	strace $0x8000004D;
	[dreg:$0x14] =	wrdreg s0  }
0x20: {  	s18 =	simm.s32 $0x380;
	s7 =	simm.s32 $0x0;
	[dreg:$0x15] =	wrdreg s22  }
0x21: {  	s21 =	simm.s32 $0x400;
	s4 =	simm.s32 $0x1;
	[dreg:$0x16] =	wrdreg s23  }
0x22: {  	s14 =	simm.s32 $0x280;
	s15 =	simm.s32 $0xA00;
	[dreg:$0x17] =	wrdreg s24  }
0x23: {  	s20 =	simm.s32 $0xB00;
	s17 =	simm.s32 $0xA80;
	[dreg:$0x18] =	wrdreg s25  }
0x24: {  	s2 =	simm.s32 $0x6000;
	[dreg:$0x13] =	wrdreg s26;
	s26 =	simm.s32 $0x2000  }
0x25: {  	v0 =	vimm.f32 $0.0e+00;
	s22 =	simm.s32 $0xB80;
	s23 =	simm.s32 $0x480;
	s25 =	simm.s32 $0xC00  }
.LBB2_1:
0x26: {  	s8 =	sand.u32 $0xFE00, s3  }
0x27: {  	s9 =	sand.u32 $0x70, s3;
	s10 =	sshrl.u32 s8, $0x2  }
0x28: {  	s8 =	simm.s32 $0x40;
	s10 =	sor.u32 s9, s10;
	s9 =	simm.s32 $0x0  }
.LBB2_2:
0x29: {  	p0 =	sne.s32 s8, $0xFFC0  }
0x2a: {  	[tilespmem:s10+$0x2000] =	vst v0;
	s9 =	sadd.s32 $0x10, s9;
	s10 =	smov.u32 s8;
	s8 =	sadd.s32 $0x40, s8  }
.Ltmp0:
0x2b: {  	(pc) =	sbr.rel @p0 .LBB2_2-.Ltmp0, $4  }
0x2c: {  	_ = 	snop  }
0x2d: {  	s10 =	sand.u32 $0xFE00, s10  }
0x2e: {  	s11 =	sand.u32 $0x70, s9;
	s10 =	sshrl.u32 s10, $0x2  }
0x2f: {  	s10 =	sor.u32 s11, s10  }
0x30: {  	[tilespmem:s10+$0x2000] =	vst v0;
	s0 =	rddreg [dreg:$0x14]  }
0x31: {  	[spmem:s0] =	stream.linear.scatter [tilespmem:s26], [sflag:$0x3], $0x4000, $0x38;
	[tilespmem:$0x1E000] =	vst v63  }
0x32: {  	_ =	swait.ge [sflag:s28], $0x4000  }
0x33: {  	[sflag:s28] =	ssyncset.done $0x0  }
0x34: {  	s9 =	rddreg [dreg:$0x15];
	[sflag:s28] =	ssyncadd.s32 $0xFFFFC000  }
0x35: {  	[spmem:s9] =	stream.linear.scatter [tilespmem:s26], [sflag:$0x3], $0x4000, $0x38;
	[tilespmem:$0x1E000] =	vst v63  }
0x36: {  	_ =	swait.ge [sflag:s28], $0x4000  }
0x37: {  	[sflag:s28] =	ssyncset.done $0x0  }
0x38: {  	s10 =	rddreg [dreg:$0x16];
	[sflag:s28] =	ssyncadd.s32 $0xFFFFC000  }
0x39: {  	[spmem:s10] =	stream.linear.scatter [tilespmem:s26], [sflag:$0x3], $0x4000, $0x38;
	[tilespmem:$0x1E000] =	vst v63  }
0x3a: {  	_ =	swait.ge [sflag:s28], $0x4000  }
0x3b: {  	[sflag:s28] =	ssyncset.done $0x0  }
0x3c: {  	s11 =	rddreg [dreg:$0x17];
	[sflag:s28] =	ssyncadd.s32 $0xFFFFC000  }
0x3d: {  	[spmem:s11] =	stream.linear.scatter [tilespmem:s26], [sflag:$0x3], $0x4000, $0x38;
	[tilespmem:$0x1E000] =	vst v63  }
0x3e: {  	_ =	swait.ge [sflag:s28], $0x4000  }
0x3f: {  	[sflag:s28] =	ssyncset.done $0x0  }
0x40: {  	s24 =	rddreg [dreg:$0x18];
	[sflag:s28] =	ssyncadd.s32 $0xFFFFC000  }
0x41: {  	[spmem:s24] =	stream.linear.scatter [tilespmem:s26], [sflag:$0x3], $0x4000, $0x38;
	[tilespmem:$0x1E000] =	vst v63  }
0x42: {  	_ =	swait.ge [sflag:s28], $0x4000  }
0x43: {  	[sflag:s28] =	ssyncset.done $0x0  }
0x44: {  	[sflag:s28] =	ssyncadd.s32 $0xFFFFC000  }
0x45: {  	[bflag:$0x0] =	sbarrier.arrive $0xFFFF  }
0x46: {  	s8 =	rddreg [dreg:$0x4]  }
0x47: {  	[tilespmem:s3], [sflag:$0x3] =	stream.linear.gather [hbm4b:s8+s3], $0x800, $0x38;
	[tilespmem:$0x1E000] =	vst v63  }
0x48: {  	_ =	swait.ge [sflag:s28], $0x800  }
0x49: {  	[sflag:s28] =	ssyncset.done $0x0  }
0x4a: {  	s0 =	simm.s32 $0x800;
	s5 =	rddreg [dreg:$0x5];
	[sflag:s28] =	ssyncadd.s32 $0xFFFFF800  }
0x4b: {  	[tilespmem:s0], [sflag:$0x3] =	stream.linear.gather [hbm4b:s5+s3], $0x800, $0x38;
	[tilespmem:$0x1E000] =	vst v63  }
0x4c: {  	_ =	swait.ge [sflag:s28], $0x800  }
0x4d: {  	[sflag:s28] =	ssyncset.done $0x0  }
0x4e: {  	[sflag:s28] =	ssyncadd.s32 $0xFFFFF800  }
0x4f: {  	[tilespmem:s26], [sflag:$0x1] =	stream.indirect.gather [hbm4b:s19+s30], $0x80, s3, s30, $0xb8;
	[tilespmem:$0x1E000] =	vst v63  }
0x50: {  	s24 =	simm.s32 $0x1000;
	s9 =	rddreg [dreg:$0x6]  }
0x51: {  	[tilespmem:s24], [sflag:$0x3] =	stream.linear.gather [hbm4b:s9+s3], $0x800, $0x38;
	[tilespmem:$0x1E000] =	vst v63  }
0x52: {  	_ =	swait.ge [sflag:s28], $0x800  }
0x53: {  	[sflag:s28] =	ssyncset.done $0x0  }
0x54: {  	s10 =	rddreg [dreg:$0x7];
	[sflag:s28] =	ssyncadd.s32 $0xFFFFF800  }
0x55: {  	[tilespmem:s29], [sflag:$0x3] =	stream.linear.gather [hbm4b:s10+s3], $0x800, $0x38;
	[tilespmem:$0x1E000] =	vst v63  }
0x56: {  	_ =	swait.ge [sflag:s28], $0x800  }
0x57: {  	[sflag:s28] =	ssyncset.done $0x0  }
0x58: {  	[sflag:s28] =	ssyncadd.s32 $0xFFFFF800  }
0x59: {  	[tilespmem:s2], [sflag:$0x2] =	stream.indirect.gather [hbm4b:s19+s30], $0x80, s30, s30, $0xb8;
	[tilespmem:$0x1E000] =	vst v63  }
0x5a: {  	_ =	swait.ge [sflag:s4], $0x4000  }
0x5b: {  	[sflag:s4] =	ssyncset.done $0x0  }
0x5c: {  	[sflag:s4] =	ssyncadd.s32 $0xFFFFC000  }
0x5d: {  	[spmem:s1] =	stream.indirect.scatter.add.f32 [tilespmem:s26], [sflag:$0x3], $0x80, s0, s30, $0xb8;
	[tilespmem:$0x1E000] =	vst v63  }
0x5e: {  	_ =	swait.ge [sflag:s28], $0x4000  }
0x5f: {  	[sflag:s28] =	ssyncset.done $0x0  }
0x60: {  	s5 =	simm.s32 $0x100;
	[sflag:s28] =	ssyncadd.s32 $0xFFFFC000  }
0x61: {  	[tilespmem:s26], [sflag:$0x1] =	stream.indirect.gather [hbm4b:s19+s30], $0x80, s5, s30, $0xb8;
	[tilespmem:$0x1E000] =	vst v63  }
0x62: {  	_ =	swait.ge [sflag:s6], $0x4000  }
0x63: {  	[sflag:s6] =	ssyncset.done $0x0  }
0x64: {  	s11 =	simm.s32 $0x880;
	[sflag:s6] =	ssyncadd.s32 $0xFFFFC000  }
0x65: {  	[spmem:s1] =	stream.indirect.scatter.add.f32 [tilespmem:s2], [sflag:$0x3], $0x80, s11, s30, $0xb8;
	[tilespmem:$0x1E000] =	vst v63  }
0x66: {  	_ =	swait.ge [sflag:s28], $0x4000  }
0x67: {  	[sflag:s28] =	ssyncset.done $0x0  }
0x68: {  	s8 =	simm.s32 $0x180;
	[sflag:s28] =	ssyncadd.s32 $0xFFFFC000  }
0x69: {  	[tilespmem:s2], [sflag:$0x2] =	stream.indirect.gather [hbm4b:s19+s30], $0x80, s8, s30, $0xb8;
	[tilespmem:$0x1E000] =	vst v63  }
0x6a: {  	_ =	swait.ge [sflag:s4], $0x4000  }
0x6b: {  	[sflag:s4] =	ssyncset.done $0x0  }
0x6c: {  	s9 =	simm.s32 $0x900;
	[sflag:s4] =	ssyncadd.s32 $0xFFFFC000  }
0x6d: {  	[spmem:s1] =	stream.indirect.scatter.add.f32 [tilespmem:s26], [sflag:$0x3], $0x80, s9, s30, $0xb8;
	[tilespmem:$0x1E000] =	vst v63  }
0x6e: {  	_ =	swait.ge [sflag:s28], $0x4000  }
0x6f: {  	[sflag:s28] =	ssyncset.done $0x0  }
0x70: {  	s10 =	simm.s32 $0x200;
	[sflag:s28] =	ssyncadd.s32 $0xFFFFC000  }
0x71: {  	[tilespmem:s26], [sflag:$0x1] =	stream.indirect.gather [hbm4b:s19+s30], $0x80, s10, s30, $0xb8;
	[tilespmem:$0x1E000] =	vst v63  }
0x72: {  	_ =	swait.ge [sflag:s6], $0x4000  }
0x73: {  	[sflag:s6] =	ssyncset.done $0x0  }
0x74: {  	s11 =	simm.s32 $0x980;
	[sflag:s6] =	ssyncadd.s32 $0xFFFFC000  }
0x75: {  	[spmem:s1] =	stream.indirect.scatter.add.f32 [tilespmem:s2], [sflag:$0x3], $0x80, s11, s30, $0xb8;
	[tilespmem:$0x1E000] =	vst v63  }
0x76: {  	_ =	swait.ge [sflag:s28], $0x4000  }
0x77: {  	[sflag:s28] =	ssyncset.done $0x0  }
0x78: {  	s8 =	simm.s32 $0x280;
	[sflag:s28] =	ssyncadd.s32 $0xFFFFC000  }
0x79: {  	[tilespmem:s2], [sflag:$0x2] =	stream.indirect.gather [hbm4b:s19+s30], $0x80, s8, s30, $0xb8;
	[tilespmem:$0x1E000] =	vst v63  }
0x7a: {  	_ =	swait.ge [sflag:s4], $0x4000  }
0x7b: {  	[sflag:s4] =	ssyncset.done $0x0  }
0x7c: {  	s9 =	simm.s32 $0xA00;
	[sflag:s4] =	ssyncadd.s32 $0xFFFFC000  }
0x7d: {  	[spmem:s1] =	stream.indirect.scatter.add.f32 [tilespmem:s26], [sflag:$0x3], $0x80, s9, s30, $0xb8;
	[tilespmem:$0x1E000] =	vst v63  }
0x7e: {  	_ =	swait.ge [sflag:s28], $0x4000  }
0x7f: {  	[sflag:s28] =	ssyncset.done $0x0  }
0x80: {  	s10 =	simm.s32 $0x300;
	[sflag:s28] =	ssyncadd.s32 $0xFFFFC000  }
0x81: {  	[tilespmem:s26], [sflag:$0x1] =	stream.indirect.gather [hbm4b:s19+s30], $0x80, s10, s30, $0xb8;
	[tilespmem:$0x1E000] =	vst v63  }
0x82: {  	_ =	swait.ge [sflag:s6], $0x4000  }
0x83: {  	[sflag:s6] =	ssyncset.done $0x0  }
0x84: {  	s11 =	simm.s32 $0xA80;
	[sflag:s6] =	ssyncadd.s32 $0xFFFFC000  }
0x85: {  	[spmem:s1] =	stream.indirect.scatter.add.f32 [tilespmem:s2], [sflag:$0x3], $0x80, s11, s30, $0xb8;
	[tilespmem:$0x1E000] =	vst v63  }
0x86: {  	_ =	swait.ge [sflag:s28], $0x4000  }
0x87: {  	[sflag:s28] =	ssyncset.done $0x0  }
0x88: {  	s8 =	simm.s32 $0x380;
	[sflag:s28] =	ssyncadd.s32 $0xFFFFC000  }
0x89: {  	[tilespmem:s2], [sflag:$0x2] =	stream.indirect.gather [hbm4b:s19+s30], $0x80, s8, s30, $0xb8;
	[tilespmem:$0x1E000] =	vst v63  }
0x8a: {  	_ =	swait.ge [sflag:s4], $0x4000  }
0x8b: {  	[sflag:s4] =	ssyncset.done $0x0  }
0x8c: {  	s9 =	simm.s32 $0xB00;
	[sflag:s4] =	ssyncadd.s32 $0xFFFFC000  }
0x8d: {  	[spmem:s1] =	stream.indirect.scatter.add.f32 [tilespmem:s26], [sflag:$0x3], $0x80, s9, s30, $0xb8;
	[tilespmem:$0x1E000] =	vst v63  }
0x8e: {  	_ =	swait.ge [sflag:s28], $0x4000  }
0x8f: {  	[sflag:s28] =	ssyncset.done $0x0  }
0x90: {  	s10 =	simm.s32 $0x400;
	[sflag:s28] =	ssyncadd.s32 $0xFFFFC000  }
0x91: {  	[tilespmem:s26], [sflag:$0x1] =	stream.indirect.gather [hbm4b:s19+s30], $0x80, s10, s30, $0xb8;
	[tilespmem:$0x1E000] =	vst v63  }
0x92: {  	_ =	swait.ge [sflag:s6], $0x4000  }
0x93: {  	[sflag:s6] =	ssyncset.done $0x0  }
0x94: {  	s11 =	simm.s32 $0xB80;
	[sflag:s6] =	ssyncadd.s32 $0xFFFFC000  }
0x95: {  	[spmem:s1] =	stream.indirect.scatter.add.f32 [tilespmem:s2], [sflag:$0x3], $0x80, s11, s30, $0xb8;
	[tilespmem:$0x1E000] =	vst v63  }
0x96: {  	_ =	swait.ge [sflag:s28], $0x4000  }
0x97: {  	[sflag:s28] =	ssyncset.done $0x0  }
0x98: {  	s8 =	simm.s32 $0x480;
	[sflag:s28] =	ssyncadd.s32 $0xFFFFC000  }
0x99: {  	[tilespmem:s2], [sflag:$0x2] =	stream.indirect.gather [hbm4b:s19+s30], $0x80, s8, s30, $0xb8;
	[tilespmem:$0x1E000] =	vst v63  }
0x9a: {  	_ =	swait.ge [sflag:s4], $0x4000  }
0x9b: {  	[sflag:s4] =	ssyncset.done $0x0  }
0x9c: {  	s9 =	simm.s32 $0xC00;
	[sflag:s4] =	ssyncadd.s32 $0xFFFFC000  }
0x9d: {  	[spmem:s1] =	stream.indirect.scatter.add.f32 [tilespmem:s26], [sflag:$0x3], $0x80, s9, s30, $0xb8;
	[tilespmem:$0x1E000] =	vst v63  }
0x9e: {  	_ =	swait.ge [sflag:s28], $0x4000  }
0x9f: {  	[sflag:s28] =	ssyncset.done $0x0  }
0xa0: {  	s10 =	simm.s32 $0x500;
	[sflag:s28] =	ssyncadd.s32 $0xFFFFC000  }
0xa1: {  	[tilespmem:s26], [sflag:$0x1] =	stream.indirect.gather [hbm4b:s19+s30], $0x80, s10, s30, $0xb8;
	[tilespmem:$0x1E000] =	vst v63  }
0xa2: {  	_ =	swait.ge [sflag:s6], $0x4000  }
0xa3: {  	[sflag:s6] =	ssyncset.done $0x0  }
0xa4: {  	s11 =	simm.s32 $0xC80;
	[sflag:s6] =	ssyncadd.s32 $0xFFFFC000  }
0xa5: {  	[spmem:s1] =	stream.indirect.scatter.add.f32 [tilespmem:s2], [sflag:$0x3], $0x80, s11, s30, $0xb8;
	[tilespmem:$0x1E000] =	vst v63  }
0xa6: {  	_ =	swait.ge [sflag:s28], $0x4000  }
0xa7: {  	[sflag:s28] =	ssyncset.done $0x0  }
0xa8: {  	s8 =	simm.s32 $0x580;
	[sflag:s28] =	ssyncadd.s32 $0xFFFFC000  }
0xa9: {  	[tilespmem:s2], [sflag:$0x2] =	stream.indirect.gather [hbm4b:s19+s30], $0x80, s8, s30, $0xb8;
	[tilespmem:$0x1E000] =	vst v63  }
0xaa: {  	_ =	swait.ge [sflag:s4], $0x4000  }
0xab: {  	[sflag:s4] =	ssyncset.done $0x0  }
0xac: {  	s9 =	simm.s32 $0xD00;
	[sflag:s4] =	ssyncadd.s32 $0xFFFFC000  }
0xad: {  	[spmem:s1] =	stream.indirect.scatter.add.f32 [tilespmem:s26], [sflag:$0x3], $0x80, s9, s30, $0xb8;
	[tilespmem:$0x1E000] =	vst v63  }
0xae: {  	_ =	swait.ge [sflag:s28], $0x4000  }
0xaf: {  	[sflag:s28] =	ssyncset.done $0x0  }
0xb0: {  	s10 =	simm.s32 $0x600;
	[sflag:s28] =	ssyncadd.s32 $0xFFFFC000  }
0xb1: {  	[tilespmem:s26], [sflag:$0x1] =	stream.indirect.gather [hbm4b:s19+s30], $0x80, s10, s30, $0xb8;
	[tilespmem:$0x1E000] =	vst v63  }
0xb2: {  	_ =	swait.ge [sflag:s6], $0x4000  }
0xb3: {  	[sflag:s6] =	ssyncset.done $0x0  }
0xb4: {  	s11 =	simm.s32 $0xD80;
	[sflag:s6] =	ssyncadd.s32 $0xFFFFC000  }
0xb5: {  	[spmem:s1] =	stream.indirect.scatter.add.f32 [tilespmem:s2], [sflag:$0x3], $0x80, s11, s30, $0xb8;
	[tilespmem:$0x1E000] =	vst v63  }
0xb6: {  	_ =	swait.ge [sflag:s28], $0x4000  }
0xb7: {  	[sflag:s28] =	ssyncset.done $0x0  }
0xb8: {  	s8 =	simm.s32 $0x680;
	[sflag:s28] =	ssyncadd.s32 $0xFFFFC000  }
0xb9: {  	[tilespmem:s2], [sflag:$0x2] =	stream.indirect.gather [hbm4b:s19+s30], $0x80, s8, s30, $0xb8;
	[tilespmem:$0x1E000] =	vst v63  }
0xba: {  	_ =	swait.ge [sflag:s4], $0x4000  }
0xbb: {  	[sflag:s4] =	ssyncset.done $0x0  }
0xbc: {  	s9 =	simm.s32 $0xE00;
	[sflag:s4] =	ssyncadd.s32 $0xFFFFC000  }
0xbd: {  	[spmem:s1] =	stream.indirect.scatter.add.f32 [tilespmem:s26], [sflag:$0x3], $0x80, s9, s30, $0xb8;
	[tilespmem:$0x1E000] =	vst v63  }
0xbe: {  	_ =	swait.ge [sflag:s28], $0x4000  }
0xbf: {  	[sflag:s28] =	ssyncset.done $0x0  }
0xc0: {  	s10 =	simm.s32 $0x700;
	[sflag:s28] =	ssyncadd.s32 $0xFFFFC000  }
0xc1: {  	[tilespmem:s26], [sflag:$0x1] =	stream.indirect.gather [hbm4b:s19+s30], $0x80, s10, s30, $0xb8;
	[tilespmem:$0x1E000] =	vst v63  }
0xc2: {  	_ =	swait.ge [sflag:s6], $0x4000  }
0xc3: {  	[sflag:s6] =	ssyncset.done $0x0  }
0xc4: {  	s11 =	simm.s32 $0xE80;
	[sflag:s6] =	ssyncadd.s32 $0xFFFFC000  }
0xc5: {  	[spmem:s1] =	stream.indirect.scatter.add.f32 [tilespmem:s2], [sflag:$0x3], $0x80, s11, s30, $0xb8;
	[tilespmem:$0x1E000] =	vst v63  }
0xc6: {  	_ =	swait.ge [sflag:s28], $0x4000  }
0xc7: {  	[sflag:s28] =	ssyncset.done $0x0  }
0xc8: {  	s8 =	simm.s32 $0x780;
	[sflag:s28] =	ssyncadd.s32 $0xFFFFC000  }
0xc9: {  	[tilespmem:s2], [sflag:$0x2] =	stream.indirect.gather [hbm4b:s19+s30], $0x80, s8, s30, $0xb8;
	[tilespmem:$0x1E000] =	vst v63  }
0xca: {  	_ =	swait.ge [sflag:s4], $0x4000  }
0xcb: {  	[sflag:s4] =	ssyncset.done $0x0  }
0xcc: {  	s9 =	simm.s32 $0xF00;
	[sflag:s4] =	ssyncadd.s32 $0xFFFFC000  }
0xcd: {  	[spmem:s1] =	stream.indirect.scatter.add.f32 [tilespmem:s26], [sflag:$0x3], $0x80, s9, s30, $0xb8;
	[tilespmem:$0x1E000] =	vst v63  }
0xce: {  	_ =	swait.ge [sflag:s28], $0x4000  }
0xcf: {  	[sflag:s28] =	ssyncset.done $0x0  }
0xd0: {  	[sflag:s28] =	ssyncadd.s32 $0xFFFFC000  }
0xd1: {  	[tilespmem:s26], [sflag:$0x1] =	stream.indirect.gather [hbm4b:s19+s30], $0x80, s24, s30, $0xb8;
	[tilespmem:$0x1E000] =	vst v63  }
0xd2: {  	_ =	swait.ge [sflag:s6], $0x4000  }
0xd3: {  	[sflag:s6] =	ssyncset.done $0x0  }
0xd4: {  	s10 =	simm.s32 $0xF80;
	[sflag:s6] =	ssyncadd.s32 $0xFFFFC000  }
0xd5: {  	[spmem:s1] =	stream.indirect.scatter.add.f32 [tilespmem:s2], [sflag:$0x3], $0x80, s10, s30, $0xb8;
	[tilespmem:$0x1E000] =	vst v63  }
0xd6: {  	_ =	swait.ge [sflag:s28], $0x4000  }
0xd7: {  	[sflag:s28] =	ssyncset.done $0x0  }
0xd8: {  	s11 =	rddreg [dreg:$0x8];
	[sflag:s28] =	ssyncadd.s32 $0xFFFFC000  }
0xd9: {  	[tilespmem:s3], [sflag:$0x3] =	stream.linear.gather [hbm4b:s11+s3], $0x800, $0x38;
	[tilespmem:$0x1E000] =	vst v63  }
0xda: {  	_ =	swait.ge [sflag:s28], $0x800  }
0xdb: {  	[sflag:s28] =	ssyncset.done $0x0  }
0xdc: {  	s5 =	rddreg [dreg:$0x9];
	[sflag:s28] =	ssyncadd.s32 $0xFFFFF800  }
0xdd: {  	[tilespmem:s0], [sflag:$0x3] =	stream.linear.gather [hbm4b:s5+s3], $0x800, $0x38;
	[tilespmem:$0x1E000] =	vst v63  }
0xde: {  	_ =	swait.ge [sflag:s28], $0x800  }
0xdf: {  	[sflag:s28] =	ssyncset.done $0x0  }
0xe0: {  	s8 =	simm.s32 $0x1080;
	[sflag:s28] =	ssyncadd.s32 $0xFFFFF800  }
0xe1: {  	[tilespmem:s2], [sflag:$0x2] =	stream.indirect.gather [hbm4b:s19+s30], $0x80, s8, s30, $0xb8;
	[tilespmem:$0x1E000] =	vst v63  }
0xe2: {  	_ =	swait.ge [sflag:s4], $0x4000  }
0xe3: {  	[sflag:s4] =	ssyncset.done $0x0  }
0xe4: {  	[sflag:s4] =	ssyncadd.s32 $0xFFFFC000  }
0xe5: {  	[spmem:s1] =	stream.indirect.scatter.add.f32 [tilespmem:s26], [sflag:$0x3], $0x80, s29, s30, $0xb8;
	[tilespmem:$0x1E000] =	vst v63  }
0xe6: {  	_ =	swait.ge [sflag:s28], $0x4000  }
0xe7: {  	[sflag:s28] =	ssyncset.done $0x0  }
0xe8: {  	s9 =	simm.s32 $0x1100;
	[sflag:s28] =	ssyncadd.s32 $0xFFFFC000  }
0xe9: {  	[tilespmem:s26], [sflag:$0x1] =	stream.indirect.gather [hbm4b:s19+s30], $0x80, s9, s30, $0xb8;
	[tilespmem:$0x1E000] =	vst v63  }
0xea: {  	_ =	swait.ge [sflag:s6], $0x4000  }
0xeb: {  	[sflag:s6] =	ssyncset.done $0x0  }
0xec: {  	s10 =	simm.s32 $0x1880;
	[sflag:s6] =	ssyncadd.s32 $0xFFFFC000  }
0xed: {  	[spmem:s1] =	stream.indirect.scatter.add.f32 [tilespmem:s2], [sflag:$0x3], $0x80, s10, s30, $0xb8;
	[tilespmem:$0x1E000] =	vst v63  }
0xee: {  	_ =	swait.ge [sflag:s28], $0x4000  }
0xef: {  	[sflag:s28] =	ssyncset.done $0x0  }
0xf0: {  	s11 =	simm.s32 $0x1180;
	[sflag:s28] =	ssyncadd.s32 $0xFFFFC000  }
0xf1: {  	[tilespmem:s2], [sflag:$0x2] =	stream.indirect.gather [hbm4b:s19+s30], $0x80, s11, s30, $0xb8;
	[tilespmem:$0x1E000] =	vst v63  }
0xf2: {  	_ =	swait.ge [sflag:s4], $0x4000  }
0xf3: {  	[sflag:s4] =	ssyncset.done $0x0  }
0xf4: {  	s8 =	simm.s32 $0x1900;
	[sflag:s4] =	ssyncadd.s32 $0xFFFFC000  }
0xf5: {  	[spmem:s1] =	stream.indirect.scatter.add.f32 [tilespmem:s26], [sflag:$0x3], $0x80, s8, s30, $0xb8;
	[tilespmem:$0x1E000] =	vst v63  }
0xf6: {  	_ =	swait.ge [sflag:s28], $0x4000  }
0xf7: {  	[sflag:s28] =	ssyncset.done $0x0  }
0xf8: {  	s9 =	simm.s32 $0x1200;
	[sflag:s28] =	ssyncadd.s32 $0xFFFFC000  }
0xf9: {  	[tilespmem:s26], [sflag:$0x1] =	stream.indirect.gather [hbm4b:s19+s30], $0x80, s9, s30, $0xb8;
	[tilespmem:$0x1E000] =	vst v63  }
0xfa: {  	_ =	swait.ge [sflag:s6], $0x4000  }
0xfb: {  	[sflag:s6] =	ssyncset.done $0x0  }
0xfc: {  	s10 =	simm.s32 $0x1980;
	[sflag:s6] =	ssyncadd.s32 $0xFFFFC000  }
0xfd: {  	[spmem:s1] =	stream.indirect.scatter.add.f32 [tilespmem:s2], [sflag:$0x3], $0x80, s10, s30, $0xb8;
	[tilespmem:$0x1E000] =	vst v63  }
0xfe: {  	_ =	swait.ge [sflag:s28], $0x4000  }
0xff: {  	[sflag:s28] =	ssyncset.done $0x0  }
0x100: {  	s11 =	simm.s32 $0x1280;
	[sflag:s28] =	ssyncadd.s32 $0xFFFFC000  }
0x101: {  	[tilespmem:s2], [sflag:$0x2] =	stream.indirect.gather [hbm4b:s19+s30], $0x80, s11, s30, $0xb8;
	[tilespmem:$0x1E000] =	vst v63  }
0x102: {  	_ =	swait.ge [sflag:s4], $0x4000  }
0x103: {  	[sflag:s4] =	ssyncset.done $0x0  }
0x104: {  	s8 =	simm.s32 $0x1A00;
	[sflag:s4] =	ssyncadd.s32 $0xFFFFC000  }
0x105: {  	[spmem:s1] =	stream.indirect.scatter.add.f32 [tilespmem:s26], [sflag:$0x3], $0x80, s8, s30, $0xb8;
	[tilespmem:$0x1E000] =	vst v63  }
0x106: {  	_ =	swait.ge [sflag:s28], $0x4000  }
0x107: {  	[sflag:s28] =	ssyncset.done $0x0  }
0x108: {  	s9 =	simm.s32 $0x1300;
	[sflag:s28] =	ssyncadd.s32 $0xFFFFC000  }
0x109: {  	[tilespmem:s26], [sflag:$0x1] =	stream.indirect.gather [hbm4b:s19+s30], $0x80, s9, s30, $0xb8;
	[tilespmem:$0x1E000] =	vst v63  }
0x10a: {  	_ =	swait.ge [sflag:s6], $0x4000  }
0x10b: {  	[sflag:s6] =	ssyncset.done $0x0  }
0x10c: {  	s10 =	simm.s32 $0x1A80;
	[sflag:s6] =	ssyncadd.s32 $0xFFFFC000  }
0x10d: {  	[spmem:s1] =	stream.indirect.scatter.add.f32 [tilespmem:s2], [sflag:$0x3], $0x80, s10, s30, $0xb8;
	[tilespmem:$0x1E000] =	vst v63  }
0x10e: {  	_ =	swait.ge [sflag:s28], $0x4000  }
0x10f: {  	[sflag:s28] =	ssyncset.done $0x0  }
0x110: {  	s11 =	simm.s32 $0x1380;
	[sflag:s28] =	ssyncadd.s32 $0xFFFFC000  }
0x111: {  	[tilespmem:s2], [sflag:$0x2] =	stream.indirect.gather [hbm4b:s19+s30], $0x80, s11, s30, $0xb8;
	[tilespmem:$0x1E000] =	vst v63  }
0x112: {  	_ =	swait.ge [sflag:s4], $0x4000  }
0x113: {  	[sflag:s4] =	ssyncset.done $0x0  }
0x114: {  	s8 =	simm.s32 $0x1B00;
	[sflag:s4] =	ssyncadd.s32 $0xFFFFC000  }
0x115: {  	[spmem:s1] =	stream.indirect.scatter.add.f32 [tilespmem:s26], [sflag:$0x3], $0x80, s8, s30, $0xb8;
	[tilespmem:$0x1E000] =	vst v63  }
0x116: {  	_ =	swait.ge [sflag:s28], $0x4000  }
0x117: {  	[sflag:s28] =	ssyncset.done $0x0  }
0x118: {  	s9 =	simm.s32 $0x1400;
	[sflag:s28] =	ssyncadd.s32 $0xFFFFC000  }
0x119: {  	[tilespmem:s26], [sflag:$0x1] =	stream.indirect.gather [hbm4b:s19+s30], $0x80, s9, s30, $0xb8;
	[tilespmem:$0x1E000] =	vst v63  }
0x11a: {  	_ =	swait.ge [sflag:s6], $0x4000  }
0x11b: {  	[sflag:s6] =	ssyncset.done $0x0  }
0x11c: {  	s10 =	simm.s32 $0x1B80;
	[sflag:s6] =	ssyncadd.s32 $0xFFFFC000  }
0x11d: {  	[spmem:s1] =	stream.indirect.scatter.add.f32 [tilespmem:s2], [sflag:$0x3], $0x80, s10, s30, $0xb8;
	[tilespmem:$0x1E000] =	vst v63  }
0x11e: {  	_ =	swait.ge [sflag:s28], $0x4000  }
0x11f: {  	[sflag:s28] =	ssyncset.done $0x0  }
0x120: {  	s11 =	simm.s32 $0x1480;
	[sflag:s28] =	ssyncadd.s32 $0xFFFFC000  }
0x121: {  	[tilespmem:s2], [sflag:$0x2] =	stream.indirect.gather [hbm4b:s19+s30], $0x80, s11, s30, $0xb8;
	[tilespmem:$0x1E000] =	vst v63  }
0x122: {  	_ =	swait.ge [sflag:s4], $0x4000  }
0x123: {  	[sflag:s4] =	ssyncset.done $0x0  }
0x124: {  	s8 =	simm.s32 $0x1C00;
	[sflag:s4] =	ssyncadd.s32 $0xFFFFC000  }
0x125: {  	[spmem:s1] =	stream.indirect.scatter.add.f32 [tilespmem:s26], [sflag:$0x3], $0x80, s8, s30, $0xb8;
	[tilespmem:$0x1E000] =	vst v63  }
0x126: {  	_ =	swait.ge [sflag:s28], $0x4000  }
0x127: {  	[sflag:s28] =	ssyncset.done $0x0  }
0x128: {  	s9 =	simm.s32 $0x1500;
	[sflag:s28] =	ssyncadd.s32 $0xFFFFC000  }
0x129: {  	[tilespmem:s26], [sflag:$0x1] =	stream.indirect.gather [hbm4b:s19+s30], $0x80, s9, s30, $0xb8;
	[tilespmem:$0x1E000] =	vst v63  }
0x12a: {  	_ =	swait.ge [sflag:s6], $0x4000  }
0x12b: {  	[sflag:s6] =	ssyncset.done $0x0  }
0x12c: {  	s10 =	simm.s32 $0x1C80;
	[sflag:s6] =	ssyncadd.s32 $0xFFFFC000  }
0x12d: {  	[spmem:s1] =	stream.indirect.scatter.add.f32 [tilespmem:s2], [sflag:$0x3], $0x80, s10, s30, $0xb8;
	[tilespmem:$0x1E000] =	vst v63  }
0x12e: {  	_ =	swait.ge [sflag:s28], $0x4000  }
0x12f: {  	[sflag:s28] =	ssyncset.done $0x0  }
0x130: {  	s11 =	simm.s32 $0x1580;
	[sflag:s28] =	ssyncadd.s32 $0xFFFFC000  }
0x131: {  	[tilespmem:s2], [sflag:$0x2] =	stream.indirect.gather [hbm4b:s19+s30], $0x80, s11, s30, $0xb8;
	[tilespmem:$0x1E000] =	vst v63  }
0x132: {  	_ =	swait.ge [sflag:s4], $0x4000  }
0x133: {  	[sflag:s4] =	ssyncset.done $0x0  }
0x134: {  	s8 =	simm.s32 $0x1D00;
	[sflag:s4] =	ssyncadd.s32 $0xFFFFC000  }
0x135: {  	[spmem:s1] =	stream.indirect.scatter.add.f32 [tilespmem:s26], [sflag:$0x3], $0x80, s8, s30, $0xb8;
	[tilespmem:$0x1E000] =	vst v63  }
0x136: {  	_ =	swait.ge [sflag:s28], $0x4000  }
0x137: {  	[sflag:s28] =	ssyncset.done $0x0  }
0x138: {  	s9 =	simm.s32 $0x1600;
	[sflag:s28] =	ssyncadd.s32 $0xFFFFC000  }
0x139: {  	[tilespmem:s26], [sflag:$0x1] =	stream.indirect.gather [hbm4b:s19+s30], $0x80, s9, s30, $0xb8;
	[tilespmem:$0x1E000] =	vst v63  }
0x13a: {  	_ =	swait.ge [sflag:s6], $0x4000  }
0x13b: {  	[sflag:s6] =	ssyncset.done $0x0  }
0x13c: {  	s10 =	simm.s32 $0x1D80;
	[sflag:s6] =	ssyncadd.s32 $0xFFFFC000  }
0x13d: {  	[spmem:s1] =	stream.indirect.scatter.add.f32 [tilespmem:s2], [sflag:$0x3], $0x80, s10, s30, $0xb8;
	[tilespmem:$0x1E000] =	vst v63  }
0x13e: {  	_ =	swait.ge [sflag:s28], $0x4000  }
0x13f: {  	[sflag:s28] =	ssyncset.done $0x0  }
0x140: {  	s11 =	simm.s32 $0x1680;
	[sflag:s28] =	ssyncadd.s32 $0xFFFFC000  }
0x141: {  	[tilespmem:s2], [sflag:$0x2] =	stream.indirect.gather [hbm4b:s19+s30], $0x80, s11, s30, $0xb8;
	[tilespmem:$0x1E000] =	vst v63  }
0x142: {  	_ =	swait.ge [sflag:s4], $0x4000  }
0x143: {  	[sflag:s4] =	ssyncset.done $0x0  }
0x144: {  	s8 =	simm.s32 $0x1E00;
	[sflag:s4] =	ssyncadd.s32 $0xFFFFC000  }
0x145: {  	[spmem:s1] =	stream.indirect.scatter.add.f32 [tilespmem:s26], [sflag:$0x3], $0x80, s8, s30, $0xb8;
	[tilespmem:$0x1E000] =	vst v63  }
0x146: {  	_ =	swait.ge [sflag:s28], $0x4000  }
0x147: {  	[sflag:s28] =	ssyncset.done $0x0  }
0x148: {  	s9 =	simm.s32 $0x1700;
	[sflag:s28] =	ssyncadd.s32 $0xFFFFC000  }
0x149: {  	[tilespmem:s26], [sflag:$0x1] =	stream.indirect.gather [hbm4b:s19+s30], $0x80, s9, s30, $0xb8;
	[tilespmem:$0x1E000] =	vst v63  }
0x14a: {  	_ =	swait.ge [sflag:s6], $0x4000  }
0x14b: {  	[sflag:s6] =	ssyncset.done $0x0  }
0x14c: {  	s10 =	simm.s32 $0x1E80;
	[sflag:s6] =	ssyncadd.s32 $0xFFFFC000  }
0x14d: {  	[spmem:s1] =	stream.indirect.scatter.add.f32 [tilespmem:s2], [sflag:$0x3], $0x80, s10, s30, $0xb8;
	[tilespmem:$0x1E000] =	vst v63  }
0x14e: {  	_ =	swait.ge [sflag:s28], $0x4000  }
0x14f: {  	[sflag:s28] =	ssyncset.done $0x0  }
0x150: {  	s11 =	simm.s32 $0x1780;
	[sflag:s28] =	ssyncadd.s32 $0xFFFFC000  }
0x151: {  	[tilespmem:s2], [sflag:$0x2] =	stream.indirect.gather [hbm4b:s19+s30], $0x80, s11, s30, $0xb8;
	[tilespmem:$0x1E000] =	vst v63  }
0x152: {  	_ =	swait.ge [sflag:s4], $0x4000  }
0x153: {  	[sflag:s4] =	ssyncset.done $0x0  }
0x154: {  	s8 =	simm.s32 $0x1F00;
	[sflag:s4] =	ssyncadd.s32 $0xFFFFC000  }
0x155: {  	[spmem:s1] =	stream.indirect.scatter.add.f32 [tilespmem:s26], [sflag:$0x3], $0x80, s8, s30, $0xb8;
	[tilespmem:$0x1E000] =	vst v63  }
0x156: {  	_ =	swait.ge [sflag:s28], $0x4000  }
0x157: {  	[sflag:s28] =	ssyncset.done $0x0  }
0x158: {  	[sflag:s28] =	ssyncadd.s32 $0xFFFFC000  }
0x159: {  	[tilespmem:s26], [sflag:$0x1] =	stream.indirect.gather [hbm4b:s19+s30], $0x80, s3, s30, $0xb8;
	[tilespmem:$0x1E000] =	vst v63  }
0x15a: {  	_ =	swait.ge [sflag:s6], $0x4000  }
0x15b: {  	[sflag:s6] =	ssyncset.done $0x0  }
0x15c: {  	s9 =	simm.s32 $0x1F80;
	[sflag:s6] =	ssyncadd.s32 $0xFFFFC000  }
0x15d: {  	[spmem:s1] =	stream.indirect.scatter.add.f32 [tilespmem:s2], [sflag:$0x3], $0x80, s9, s30, $0xb8;
	[tilespmem:$0x1E000] =	vst v63  }
0x15e: {  	_ =	swait.ge [sflag:s28], $0x4000  }
0x15f: {  	[sflag:s28] =	ssyncset.done $0x0  }
0x160: {  	s10 =	rddreg [dreg:$0xa];
	[sflag:s28] =	ssyncadd.s32 $0xFFFFC000  }
0x161: {  	[tilespmem:s24], [sflag:$0x3] =	stream.linear.gather [hbm4b:s10+s3], $0x800, $0x38;
	[tilespmem:$0x1E000] =	vst v63  }
0x162: {  	_ =	swait.ge [sflag:s28], $0x800  }
0x163: {  	[sflag:s28] =	ssyncset.done $0x0  }
0x164: {  	s11 =	rddreg [dreg:$0xb];
	[sflag:s28] =	ssyncadd.s32 $0xFFFFF800  }
0x165: {  	[tilespmem:s29], [sflag:$0x3] =	stream.linear.gather [hbm4b:s11+s3], $0x800, $0x38;
	[tilespmem:$0x1E000] =	vst v63  }
0x166: {  	_ =	swait.ge [sflag:s28], $0x800  }
0x167: {  	[sflag:s28] =	ssyncset.done $0x0  }
0x168: {  	[sflag:s28] =	ssyncadd.s32 $0xFFFFF800  }
0x169: {  	[tilespmem:s2], [sflag:$0x2] =	stream.indirect.gather [hbm4b:s19+s30], $0x80, s30, s30, $0xb8;
	[tilespmem:$0x1E000] =	vst v63  }
0x16a: {  	_ =	swait.ge [sflag:s4], $0x4000  }
0x16b: {  	[sflag:s4] =	ssyncset.done $0x0  }
0x16c: {  	[sflag:s4] =	ssyncadd.s32 $0xFFFFC000  }
0x16d: {  	[spmem:s1] =	stream.indirect.scatter.add.f32 [tilespmem:s26], [sflag:$0x3], $0x80, s0, s30, $0xb8;
	[tilespmem:$0x1E000] =	vst v63  }
0x16e: {  	_ =	swait.ge [sflag:s28], $0x4000  }
0x16f: {  	[sflag:s28] =	ssyncset.done $0x0  }
0x170: {  	s5 =	simm.s32 $0x100;
	[sflag:s28] =	ssyncadd.s32 $0xFFFFC000  }
0x171: {  	[tilespmem:s26], [sflag:$0x1] =	stream.indirect.gather [hbm4b:s19+s30], $0x80, s5, s30, $0xb8;
	[tilespmem:$0x1E000] =	vst v63  }
0x172: {  	_ =	swait.ge [sflag:s6], $0x4000  }
0x173: {  	[sflag:s6] =	ssyncset.done $0x0  }
0x174: {  	s9 =	simm.s32 $0x880;
	[sflag:s6] =	ssyncadd.s32 $0xFFFFC000  }
0x175: {  	[spmem:s1] =	stream.indirect.scatter.add.f32 [tilespmem:s2], [sflag:$0x3], $0x80, s9, s30, $0xb8;
	[tilespmem:$0x1E000] =	vst v63  }
0x176: {  	_ =	swait.ge [sflag:s28], $0x4000  }
0x177: {  	[sflag:s28] =	ssyncset.done $0x0  }
0x178: {  	s10 =	simm.s32 $0x180;
	[sflag:s28] =	ssyncadd.s32 $0xFFFFC000  }
0x179: {  	[tilespmem:s2], [sflag:$0x2] =	stream.indirect.gather [hbm4b:s19+s30], $0x80, s10, s30, $0xb8;
	[tilespmem:$0x1E000] =	vst v63  }
0x17a: {  	_ =	swait.ge [sflag:s4], $0x4000  }
0x17b: {  	[sflag:s4] =	ssyncset.done $0x0  }
0x17c: {  	s11 =	simm.s32 $0x900;
	[sflag:s4] =	ssyncadd.s32 $0xFFFFC000  }
0x17d: {  	[spmem:s1] =	stream.indirect.scatter.add.f32 [tilespmem:s26], [sflag:$0x3], $0x80, s11, s30, $0xb8;
	[tilespmem:$0x1E000] =	vst v63  }
0x17e: {  	_ =	swait.ge [sflag:s28], $0x4000  }
0x17f: {  	[sflag:s28] =	ssyncset.done $0x0  }
0x180: {  	[sflag:s28] =	ssyncadd.s32 $0xFFFFC000  }
0x181: {  	[tilespmem:s26], [sflag:$0x1] =	stream.indirect.gather [hbm4b:s19+s30], $0x80, s12, s30, $0xb8;
	[tilespmem:$0x1E000] =	vst v63  }
0x182: {  	_ =	swait.ge [sflag:s6], $0x4000  }
0x183: {  	[sflag:s6] =	ssyncset.done $0x0  }
0x184: {  	[sflag:s6] =	ssyncadd.s32 $0xFFFFC000  }
0x185: {  	[spmem:s1] =	stream.indirect.scatter.add.f32 [tilespmem:s2], [sflag:$0x3], $0x80, s13, s30, $0xb8;
	[tilespmem:$0x1E000] =	vst v63  }
0x186: {  	_ =	swait.ge [sflag:s28], $0x4000  }
0x187: {  	[sflag:s28] =	ssyncset.done $0x0  }
0x188: {  	[sflag:s28] =	ssyncadd.s32 $0xFFFFC000  }
0x189: {  	[tilespmem:s2], [sflag:$0x2] =	stream.indirect.gather [hbm4b:s19+s30], $0x80, s14, s30, $0xb8;
	[tilespmem:$0x1E000] =	vst v63  }
0x18a: {  	_ =	swait.ge [sflag:s4], $0x4000  }
0x18b: {  	[sflag:s4] =	ssyncset.done $0x0  }
0x18c: {  	[sflag:s4] =	ssyncadd.s32 $0xFFFFC000  }
0x18d: {  	[spmem:s1] =	stream.indirect.scatter.add.f32 [tilespmem:s26], [sflag:$0x3], $0x80, s15, s30, $0xb8;
	[tilespmem:$0x1E000] =	vst v63  }
0x18e: {  	_ =	swait.ge [sflag:s28], $0x4000  }
0x18f: {  	[sflag:s28] =	ssyncset.done $0x0  }
0x190: {  	[sflag:s28] =	ssyncadd.s32 $0xFFFFC000  }
0x191: {  	[tilespmem:s26], [sflag:$0x1] =	stream.indirect.gather [hbm4b:s19+s30], $0x80, s16, s30, $0xb8;
	[tilespmem:$0x1E000] =	vst v63  }
0x192: {  	_ =	swait.ge [sflag:s6], $0x4000  }
0x193: {  	[sflag:s6] =	ssyncset.done $0x0  }
0x194: {  	[sflag:s6] =	ssyncadd.s32 $0xFFFFC000  }
0x195: {  	[spmem:s1] =	stream.indirect.scatter.add.f32 [tilespmem:s2], [sflag:$0x3], $0x80, s17, s30, $0xb8;
	[tilespmem:$0x1E000] =	vst v63  }
0x196: {  	_ =	swait.ge [sflag:s28], $0x4000  }
0x197: {  	[sflag:s28] =	ssyncset.done $0x0  }
0x198: {  	[sflag:s28] =	ssyncadd.s32 $0xFFFFC000  }
0x199: {  	[tilespmem:s2], [sflag:$0x2] =	stream.indirect.gather [hbm4b:s19+s30], $0x80, s18, s30, $0xb8;
	[tilespmem:$0x1E000] =	vst v63  }
0x19a: {  	_ =	swait.ge [sflag:s4], $0x4000  }
0x19b: {  	[sflag:s4] =	ssyncset.done $0x0  }
0x19c: {  	[sflag:s4] =	ssyncadd.s32 $0xFFFFC000  }
0x19d: {  	[spmem:s1] =	stream.indirect.scatter.add.f32 [tilespmem:s26], [sflag:$0x3], $0x80, s20, s30, $0xb8;
	[tilespmem:$0x1E000] =	vst v63  }
0x19e: {  	_ =	swait.ge [sflag:s28], $0x4000  }
0x19f: {  	[sflag:s28] =	ssyncset.done $0x0  }
0x1a0: {  	[sflag:s28] =	ssyncadd.s32 $0xFFFFC000  }
0x1a1: {  	[tilespmem:s26], [sflag:$0x1] =	stream.indirect.gather [hbm4b:s19+s30], $0x80, s21, s30, $0xb8;
	[tilespmem:$0x1E000] =	vst v63  }
0x1a2: {  	_ =	swait.ge [sflag:s6], $0x4000  }
0x1a3: {  	[sflag:s6] =	ssyncset.done $0x0  }
0x1a4: {  	[sflag:s6] =	ssyncadd.s32 $0xFFFFC000  }
0x1a5: {  	[spmem:s1] =	stream.indirect.scatter.add.f32 [tilespmem:s2], [sflag:$0x3], $0x80, s22, s30, $0xb8;
	[tilespmem:$0x1E000] =	vst v63  }
0x1a6: {  	_ =	swait.ge [sflag:s28], $0x4000  }
0x1a7: {  	[sflag:s28] =	ssyncset.done $0x0  }
0x1a8: {  	[sflag:s28] =	ssyncadd.s32 $0xFFFFC000  }
0x1a9: {  	[tilespmem:s2], [sflag:$0x2] =	stream.indirect.gather [hbm4b:s19+s30], $0x80, s23, s30, $0xb8;
	[tilespmem:$0x1E000] =	vst v63  }
0x1aa: {  	_ =	swait.ge [sflag:s4], $0x4000  }
0x1ab: {  	[sflag:s4] =	ssyncset.done $0x0  }
0x1ac: {  	[sflag:s4] =	ssyncadd.s32 $0xFFFFC000  }
0x1ad: {  	[spmem:s1] =	stream.indirect.scatter.add.f32 [tilespmem:s26], [sflag:$0x3], $0x80, s25, s30, $0xb8;
	[tilespmem:$0x1E000] =	vst v63  }
0x1ae: {  	_ =	swait.ge [sflag:s28], $0x4000  }
0x1af: {  	[sflag:s28] =	ssyncset.done $0x0  }
0x1b0: {  	[sflag:s28] =	ssyncadd.s32 $0xFFFFC000  }
0x1b1: {  	[tilespmem:s26], [sflag:$0x1] =	stream.indirect.gather [hbm4b:s19+s30], $0x80, s31, s30, $0xb8;
	[tilespmem:$0x1E000] =	vst v63  }
0x1b2: {  	_ =	swait.ge [sflag:s6], $0x4000  }
0x1b3: {  	[sflag:s6] =	ssyncset.done $0x0  }
0x1b4: {  	s8 =	simm.s32 $0xC80;
	[sflag:s6] =	ssyncadd.s32 $0xFFFFC000  }
0x1b5: {  	[spmem:s1] =	stream.indirect.scatter.add.f32 [tilespmem:s2], [sflag:$0x3], $0x80, s8, s30, $0xb8;
	[tilespmem:$0x1E000] =	vst v63  }
0x1b6: {  	_ =	swait.ge [sflag:s28], $0x4000  }
0x1b7: {  	[sflag:s28] =	ssyncset.done $0x0  }
0x1b8: {  	s8 =	simm.s32 $0x580;
	[sflag:s28] =	ssyncadd.s32 $0xFFFFC000  }
0x1b9: {  	[tilespmem:s2], [sflag:$0x2] =	stream.indirect.gather [hbm4b:s19+s30], $0x80, s8, s30, $0xb8;
	[tilespmem:$0x1E000] =	vst v63  }
0x1ba: {  	_ =	swait.ge [sflag:s4], $0x4000  }
0x1bb: {  	[sflag:s4] =	ssyncset.done $0x0  }
0x1bc: {  	s8 =	simm.s32 $0xD00;
	[sflag:s4] =	ssyncadd.s32 $0xFFFFC000  }
0x1bd: {  	[spmem:s1] =	stream.indirect.scatter.add.f32 [tilespmem:s26], [sflag:$0x3], $0x80, s8, s30, $0xb8;
	[tilespmem:$0x1E000] =	vst v63  }
0x1be: {  	_ =	swait.ge [sflag:s28], $0x4000  }
0x1bf: {  	[sflag:s28] =	ssyncset.done $0x0  }
0x1c0: {  	s8 =	simm.s32 $0x600;
	[sflag:s28] =	ssyncadd.s32 $0xFFFFC000  }
0x1c1: {  	[tilespmem:s26], [sflag:$0x1] =	stream.indirect.gather [hbm4b:s19+s30], $0x80, s8, s30, $0xb8;
	[tilespmem:$0x1E000] =	vst v63  }
0x1c2: {  	_ =	swait.ge [sflag:s6], $0x4000  }
0x1c3: {  	[sflag:s6] =	ssyncset.done $0x0  }
0x1c4: {  	s8 =	simm.s32 $0xD80;
	[sflag:s6] =	ssyncadd.s32 $0xFFFFC000  }
0x1c5: {  	[spmem:s1] =	stream.indirect.scatter.add.f32 [tilespmem:s2], [sflag:$0x3], $0x80, s8, s30, $0xb8;
	[tilespmem:$0x1E000] =	vst v63  }
0x1c6: {  	_ =	swait.ge [sflag:s28], $0x4000  }
0x1c7: {  	[sflag:s28] =	ssyncset.done $0x0  }
0x1c8: {  	s8 =	simm.s32 $0x680;
	[sflag:s28] =	ssyncadd.s32 $0xFFFFC000  }
0x1c9: {  	[tilespmem:s2], [sflag:$0x2] =	stream.indirect.gather [hbm4b:s19+s30], $0x80, s8, s30, $0xb8;
	[tilespmem:$0x1E000] =	vst v63  }
0x1ca: {  	_ =	swait.ge [sflag:s4], $0x4000  }
0x1cb: {  	[sflag:s4] =	ssyncset.done $0x0  }
0x1cc: {  	s8 =	simm.s32 $0xE00;
	[sflag:s4] =	ssyncadd.s32 $0xFFFFC000  }
0x1cd: {  	[spmem:s1] =	stream.indirect.scatter.add.f32 [tilespmem:s26], [sflag:$0x3], $0x80, s8, s30, $0xb8;
	[tilespmem:$0x1E000] =	vst v63  }
0x1ce: {  	_ =	swait.ge [sflag:s28], $0x4000  }
0x1cf: {  	[sflag:s28] =	ssyncset.done $0x0  }
0x1d0: {  	s8 =	simm.s32 $0x700;
	[sflag:s28] =	ssyncadd.s32 $0xFFFFC000  }
0x1d1: {  	[tilespmem:s26], [sflag:$0x1] =	stream.indirect.gather [hbm4b:s19+s30], $0x80, s8, s30, $0xb8;
	[tilespmem:$0x1E000] =	vst v63  }
0x1d2: {  	_ =	swait.ge [sflag:s6], $0x4000  }
0x1d3: {  	[sflag:s6] =	ssyncset.done $0x0  }
0x1d4: {  	s8 =	simm.s32 $0xE80;
	[sflag:s6] =	ssyncadd.s32 $0xFFFFC000  }
0x1d5: {  	[spmem:s1] =	stream.indirect.scatter.add.f32 [tilespmem:s2], [sflag:$0x3], $0x80, s8, s30, $0xb8;
	[tilespmem:$0x1E000] =	vst v63  }
0x1d6: {  	_ =	swait.ge [sflag:s28], $0x4000  }
0x1d7: {  	[sflag:s28] =	ssyncset.done $0x0  }
0x1d8: {  	s8 =	simm.s32 $0x780;
	[sflag:s28] =	ssyncadd.s32 $0xFFFFC000  }
0x1d9: {  	[tilespmem:s2], [sflag:$0x2] =	stream.indirect.gather [hbm4b:s19+s30], $0x80, s8, s30, $0xb8;
	[tilespmem:$0x1E000] =	vst v63  }
0x1da: {  	_ =	swait.ge [sflag:s4], $0x4000  }
0x1db: {  	[sflag:s4] =	ssyncset.done $0x0  }
0x1dc: {  	s8 =	simm.s32 $0xF00;
	[sflag:s4] =	ssyncadd.s32 $0xFFFFC000  }
0x1dd: {  	[spmem:s1] =	stream.indirect.scatter.add.f32 [tilespmem:s26], [sflag:$0x3], $0x80, s8, s30, $0xb8;
	[tilespmem:$0x1E000] =	vst v63  }
0x1de: {  	_ =	swait.ge [sflag:s28], $0x4000  }
0x1df: {  	[sflag:s28] =	ssyncset.done $0x0  }
0x1e0: {  	[sflag:s28] =	ssyncadd.s32 $0xFFFFC000  }
0x1e1: {  	[tilespmem:s26], [sflag:$0x1] =	stream.indirect.gather [hbm4b:s19+s30], $0x80, s24, s30, $0xb8;
	[tilespmem:$0x1E000] =	vst v63  }
0x1e2: {  	_ =	swait.ge [sflag:s6], $0x4000  }
0x1e3: {  	[sflag:s6] =	ssyncset.done $0x0  }
0x1e4: {  	s24 =	simm.s32 $0xF80;
	[sflag:s6] =	ssyncadd.s32 $0xFFFFC000  }
0x1e5: {  	[spmem:s1] =	stream.indirect.scatter.add.f32 [tilespmem:s2], [sflag:$0x3], $0x80, s24, s30, $0xb8;
	[tilespmem:$0x1E000] =	vst v63  }
0x1e6: {  	_ =	swait.ge [sflag:s28], $0x4000  }
0x1e7: {  	[sflag:s28] =	ssyncset.done $0x0  }
0x1e8: {  	s8 =	rddreg [dreg:$0xc];
	[sflag:s28] =	ssyncadd.s32 $0xFFFFC000  }
0x1e9: {  	[tilespmem:s3], [sflag:$0x3] =	stream.linear.gather [hbm4b:s8+s3], $0x800, $0x38;
	[tilespmem:$0x1E000] =	vst v63  }
0x1ea: {  	_ =	swait.ge [sflag:s28], $0x800  }
0x1eb: {  	[sflag:s28] =	ssyncset.done $0x0  }
0x1ec: {  	s8 =	rddreg [dreg:$0xd];
	[sflag:s28] =	ssyncadd.s32 $0xFFFFF800  }
0x1ed: {  	[tilespmem:s0], [sflag:$0x3] =	stream.linear.gather [hbm4b:s8+s3], $0x800, $0x38;
	[tilespmem:$0x1E000] =	vst v63  }
0x1ee: {  	_ =	swait.ge [sflag:s28], $0x800  }
0x1ef: {  	[sflag:s28] =	ssyncset.done $0x0  }
0x1f0: {  	s8 =	simm.s32 $0x1080;
	[sflag:s28] =	ssyncadd.s32 $0xFFFFF800  }
0x1f1: {  	[tilespmem:s2], [sflag:$0x2] =	stream.indirect.gather [hbm4b:s19+s30], $0x80, s8, s30, $0xb8;
	[tilespmem:$0x1E000] =	vst v63  }
0x1f2: {  	_ =	swait.ge [sflag:s4], $0x4000  }
0x1f3: {  	[sflag:s4] =	ssyncset.done $0x0  }
0x1f4: {  	[sflag:s4] =	ssyncadd.s32 $0xFFFFC000  }
0x1f5: {  	[spmem:s1] =	stream.indirect.scatter.add.f32 [tilespmem:s26], [sflag:$0x3], $0x80, s29, s30, $0xb8;
	[tilespmem:$0x1E000] =	vst v63  }
0x1f6: {  	_ =	swait.ge [sflag:s28], $0x4000  }
0x1f7: {  	[sflag:s28] =	ssyncset.done $0x0  }
0x1f8: {  	s8 =	simm.s32 $0x1100;
	[sflag:s28] =	ssyncadd.s32 $0xFFFFC000  }
0x1f9: {  	[tilespmem:s26], [sflag:$0x1] =	stream.indirect.gather [hbm4b:s19+s30], $0x80, s8, s30, $0xb8;
	[tilespmem:$0x1E000] =	vst v63  }
0x1fa: {  	_ =	swait.ge [sflag:s6], $0x4000  }
0x1fb: {  	[sflag:s6] =	ssyncset.done $0x0  }
0x1fc: {  	s8 =	simm.s32 $0x1880;
	[sflag:s6] =	ssyncadd.s32 $0xFFFFC000  }
0x1fd: {  	[spmem:s1] =	stream.indirect.scatter.add.f32 [tilespmem:s2], [sflag:$0x3], $0x80, s8, s30, $0xb8;
	[tilespmem:$0x1E000] =	vst v63  }
0x1fe: {  	_ =	swait.ge [sflag:s28], $0x4000  }
0x1ff: {  	[sflag:s28] =	ssyncset.done $0x0  }
0x200: {  	s8 =	simm.s32 $0x1180;
	[sflag:s28] =	ssyncadd.s32 $0xFFFFC000  }
0x201: {  	[tilespmem:s2], [sflag:$0x2] =	stream.indirect.gather [hbm4b:s19+s30], $0x80, s8, s30, $0xb8;
	[tilespmem:$0x1E000] =	vst v63  }
0x202: {  	_ =	swait.ge [sflag:s4], $0x4000  }
0x203: {  	[sflag:s4] =	ssyncset.done $0x0  }
0x204: {  	s8 =	simm.s32 $0x1900;
	[sflag:s4] =	ssyncadd.s32 $0xFFFFC000  }
0x205: {  	[spmem:s1] =	stream.indirect.scatter.add.f32 [tilespmem:s26], [sflag:$0x3], $0x80, s8, s30, $0xb8;
	[tilespmem:$0x1E000] =	vst v63  }
0x206: {  	_ =	swait.ge [sflag:s28], $0x4000  }
0x207: {  	[sflag:s28] =	ssyncset.done $0x0  }
0x208: {  	s8 =	simm.s32 $0x1200;
	[sflag:s28] =	ssyncadd.s32 $0xFFFFC000  }
0x209: {  	[tilespmem:s26], [sflag:$0x1] =	stream.indirect.gather [hbm4b:s19+s30], $0x80, s8, s30, $0xb8;
	[tilespmem:$0x1E000] =	vst v63  }
0x20a: {  	_ =	swait.ge [sflag:s6], $0x4000  }
0x20b: {  	[sflag:s6] =	ssyncset.done $0x0  }
0x20c: {  	s8 =	simm.s32 $0x1980;
	[sflag:s6] =	ssyncadd.s32 $0xFFFFC000  }
0x20d: {  	[spmem:s1] =	stream.indirect.scatter.add.f32 [tilespmem:s2], [sflag:$0x3], $0x80, s8, s30, $0xb8;
	[tilespmem:$0x1E000] =	vst v63  }
0x20e: {  	_ =	swait.ge [sflag:s28], $0x4000  }
0x20f: {  	[sflag:s28] =	ssyncset.done $0x0  }
0x210: {  	s8 =	simm.s32 $0x1280;
	[sflag:s28] =	ssyncadd.s32 $0xFFFFC000  }
0x211: {  	[tilespmem:s2], [sflag:$0x2] =	stream.indirect.gather [hbm4b:s19+s30], $0x80, s8, s30, $0xb8;
	[tilespmem:$0x1E000] =	vst v63  }
0x212: {  	_ =	swait.ge [sflag:s4], $0x4000  }
0x213: {  	[sflag:s4] =	ssyncset.done $0x0  }
0x214: {  	s8 =	simm.s32 $0x1A00;
	[sflag:s4] =	ssyncadd.s32 $0xFFFFC000  }
0x215: {  	[spmem:s1] =	stream.indirect.scatter.add.f32 [tilespmem:s26], [sflag:$0x3], $0x80, s8, s30, $0xb8;
	[tilespmem:$0x1E000] =	vst v63  }
0x216: {  	_ =	swait.ge [sflag:s28], $0x4000  }
0x217: {  	[sflag:s28] =	ssyncset.done $0x0  }
0x218: {  	s8 =	simm.s32 $0x1300;
	[sflag:s28] =	ssyncadd.s32 $0xFFFFC000  }
0x219: {  	[tilespmem:s26], [sflag:$0x1] =	stream.indirect.gather [hbm4b:s19+s30], $0x80, s8, s30, $0xb8;
	[tilespmem:$0x1E000] =	vst v63  }
0x21a: {  	_ =	swait.ge [sflag:s6], $0x4000  }
0x21b: {  	[sflag:s6] =	ssyncset.done $0x0  }
0x21c: {  	s8 =	simm.s32 $0x1A80;
	[sflag:s6] =	ssyncadd.s32 $0xFFFFC000  }
0x21d: {  	[spmem:s1] =	stream.indirect.scatter.add.f32 [tilespmem:s2], [sflag:$0x3], $0x80, s8, s30, $0xb8;
	[tilespmem:$0x1E000] =	vst v63  }
0x21e: {  	_ =	swait.ge [sflag:s28], $0x4000  }
0x21f: {  	[sflag:s28] =	ssyncset.done $0x0  }
0x220: {  	s8 =	simm.s32 $0x1380;
	[sflag:s28] =	ssyncadd.s32 $0xFFFFC000  }
0x221: {  	[tilespmem:s2], [sflag:$0x2] =	stream.indirect.gather [hbm4b:s19+s30], $0x80, s8, s30, $0xb8;
	[tilespmem:$0x1E000] =	vst v63  }
0x222: {  	_ =	swait.ge [sflag:s4], $0x4000  }
0x223: {  	[sflag:s4] =	ssyncset.done $0x0  }
0x224: {  	s8 =	simm.s32 $0x1B00;
	[sflag:s4] =	ssyncadd.s32 $0xFFFFC000  }
0x225: {  	[spmem:s1] =	stream.indirect.scatter.add.f32 [tilespmem:s26], [sflag:$0x3], $0x80, s8, s30, $0xb8;
	[tilespmem:$0x1E000] =	vst v63  }
0x226: {  	_ =	swait.ge [sflag:s28], $0x4000  }
0x227: {  	[sflag:s28] =	ssyncset.done $0x0  }
0x228: {  	s8 =	simm.s32 $0x1400;
	[sflag:s28] =	ssyncadd.s32 $0xFFFFC000  }
0x229: {  	[tilespmem:s26], [sflag:$0x1] =	stream.indirect.gather [hbm4b:s19+s30], $0x80, s8, s30, $0xb8;
	[tilespmem:$0x1E000] =	vst v63  }
0x22a: {  	_ =	swait.ge [sflag:s6], $0x4000  }
0x22b: {  	[sflag:s6] =	ssyncset.done $0x0  }
0x22c: {  	s8 =	simm.s32 $0x1B80;
	[sflag:s6] =	ssyncadd.s32 $0xFFFFC000  }
0x22d: {  	[spmem:s1] =	stream.indirect.scatter.add.f32 [tilespmem:s2], [sflag:$0x3], $0x80, s8, s30, $0xb8;
	[tilespmem:$0x1E000] =	vst v63  }
0x22e: {  	_ =	swait.ge [sflag:s28], $0x4000  }
0x22f: {  	[sflag:s28] =	ssyncset.done $0x0  }
0x230: {  	s8 =	simm.s32 $0x1480;
	[sflag:s28] =	ssyncadd.s32 $0xFFFFC000  }
0x231: {  	[tilespmem:s2], [sflag:$0x2] =	stream.indirect.gather [hbm4b:s19+s30], $0x80, s8, s30, $0xb8;
	[tilespmem:$0x1E000] =	vst v63  }
0x232: {  	_ =	swait.ge [sflag:s4], $0x4000  }
0x233: {  	[sflag:s4] =	ssyncset.done $0x0  }
0x234: {  	s8 =	simm.s32 $0x1C00;
	[sflag:s4] =	ssyncadd.s32 $0xFFFFC000  }
0x235: {  	[spmem:s1] =	stream.indirect.scatter.add.f32 [tilespmem:s26], [sflag:$0x3], $0x80, s8, s30, $0xb8;
	[tilespmem:$0x1E000] =	vst v63  }
0x236: {  	_ =	swait.ge [sflag:s28], $0x4000  }
0x237: {  	[sflag:s28] =	ssyncset.done $0x0  }
0x238: {  	s8 =	simm.s32 $0x1500;
	[sflag:s28] =	ssyncadd.s32 $0xFFFFC000  }
0x239: {  	[tilespmem:s26], [sflag:$0x1] =	stream.indirect.gather [hbm4b:s19+s30], $0x80, s8, s30, $0xb8;
	[tilespmem:$0x1E000] =	vst v63  }
0x23a: {  	_ =	swait.ge [sflag:s6], $0x4000  }
0x23b: {  	[sflag:s6] =	ssyncset.done $0x0  }
0x23c: {  	s8 =	simm.s32 $0x1C80;
	[sflag:s6] =	ssyncadd.s32 $0xFFFFC000  }
0x23d: {  	[spmem:s1] =	stream.indirect.scatter.add.f32 [tilespmem:s2], [sflag:$0x3], $0x80, s8, s30, $0xb8;
	[tilespmem:$0x1E000] =	vst v63  }
0x23e: {  	_ =	swait.ge [sflag:s28], $0x4000  }
0x23f: {  	[sflag:s28] =	ssyncset.done $0x0  }
0x240: {  	s8 =	simm.s32 $0x1580;
	[sflag:s28] =	ssyncadd.s32 $0xFFFFC000  }
0x241: {  	[tilespmem:s2], [sflag:$0x2] =	stream.indirect.gather [hbm4b:s19+s30], $0x80, s8, s30, $0xb8;
	[tilespmem:$0x1E000] =	vst v63  }
0x242: {  	_ =	swait.ge [sflag:s4], $0x4000  }
0x243: {  	[sflag:s4] =	ssyncset.done $0x0  }
0x244: {  	s8 =	simm.s32 $0x1D00;
	[sflag:s4] =	ssyncadd.s32 $0xFFFFC000  }
0x245: {  	[spmem:s1] =	stream.indirect.scatter.add.f32 [tilespmem:s26], [sflag:$0x3], $0x80, s8, s30, $0xb8;
	[tilespmem:$0x1E000] =	vst v63  }
0x246: {  	_ =	swait.ge [sflag:s28], $0x4000  }
0x247: {  	[sflag:s28] =	ssyncset.done $0x0  }
0x248: {  	s8 =	simm.s32 $0x1600;
	[sflag:s28] =	ssyncadd.s32 $0xFFFFC000  }
0x249: {  	[tilespmem:s26], [sflag:$0x1] =	stream.indirect.gather [hbm4b:s19+s30], $0x80, s8, s30, $0xb8;
	[tilespmem:$0x1E000] =	vst v63  }
0x24a: {  	_ =	swait.ge [sflag:s6], $0x4000  }
0x24b: {  	[sflag:s6] =	ssyncset.done $0x0  }
0x24c: {  	s8 =	simm.s32 $0x1D80;
	[sflag:s6] =	ssyncadd.s32 $0xFFFFC000  }
0x24d: {  	[spmem:s1] =	stream.indirect.scatter.add.f32 [tilespmem:s2], [sflag:$0x3], $0x80, s8, s30, $0xb8;
	[tilespmem:$0x1E000] =	vst v63  }
0x24e: {  	_ =	swait.ge [sflag:s28], $0x4000  }
0x24f: {  	[sflag:s28] =	ssyncset.done $0x0  }
0x250: {  	s8 =	simm.s32 $0x1680;
	[sflag:s28] =	ssyncadd.s32 $0xFFFFC000  }
0x251: {  	[tilespmem:s2], [sflag:$0x2] =	stream.indirect.gather [hbm4b:s19+s30], $0x80, s8, s30, $0xb8;
	[tilespmem:$0x1E000] =	vst v63  }
0x252: {  	_ =	swait.ge [sflag:s4], $0x4000  }
0x253: {  	[sflag:s4] =	ssyncset.done $0x0  }
0x254: {  	s8 =	simm.s32 $0x1E00;
	[sflag:s4] =	ssyncadd.s32 $0xFFFFC000  }
0x255: {  	[spmem:s1] =	stream.indirect.scatter.add.f32 [tilespmem:s26], [sflag:$0x3], $0x80, s8, s30, $0xb8;
	[tilespmem:$0x1E000] =	vst v63  }
0x256: {  	_ =	swait.ge [sflag:s28], $0x4000  }
0x257: {  	[sflag:s28] =	ssyncset.done $0x0  }
0x258: {  	s8 =	simm.s32 $0x1700;
	[sflag:s28] =	ssyncadd.s32 $0xFFFFC000  }
0x259: {  	[tilespmem:s26], [sflag:$0x1] =	stream.indirect.gather [hbm4b:s19+s30], $0x80, s8, s30, $0xb8;
	[tilespmem:$0x1E000] =	vst v63  }
0x25a: {  	_ =	swait.ge [sflag:s6], $0x4000  }
0x25b: {  	[sflag:s6] =	ssyncset.done $0x0  }
0x25c: {  	s8 =	simm.s32 $0x1E80;
	[sflag:s6] =	ssyncadd.s32 $0xFFFFC000  }
0x25d: {  	[spmem:s1] =	stream.indirect.scatter.add.f32 [tilespmem:s2], [sflag:$0x3], $0x80, s8, s30, $0xb8;
	[tilespmem:$0x1E000] =	vst v63  }
0x25e: {  	_ =	swait.ge [sflag:s28], $0x4000  }
0x25f: {  	[sflag:s28] =	ssyncset.done $0x0  }
0x260: {  	s8 =	simm.s32 $0x1780;
	[sflag:s28] =	ssyncadd.s32 $0xFFFFC000  }
0x261: {  	[tilespmem:s2], [sflag:$0x2] =	stream.indirect.gather [hbm4b:s19+s30], $0x80, s8, s30, $0xb8;
	[tilespmem:$0x1E000] =	vst v63  }
0x262: {  	_ =	swait.ge [sflag:s4], $0x4000  }
0x263: {  	[sflag:s4] =	ssyncset.done $0x0  }
0x264: {  	s8 =	simm.s32 $0x1F00;
	[sflag:s4] =	ssyncadd.s32 $0xFFFFC000  }
0x265: {  	[spmem:s1] =	stream.indirect.scatter.add.f32 [tilespmem:s26], [sflag:$0x3], $0x80, s8, s30, $0xb8;
	[tilespmem:$0x1E000] =	vst v63  }
0x266: {  	_ =	swait.ge [sflag:s28], $0x4000  }
0x267: {  	[sflag:s28] =	ssyncset.done $0x0  }
0x268: {  	[sflag:s28] =	ssyncadd.s32 $0xFFFFC000  }
0x269: {  	[tilespmem:s26], [sflag:$0x1] =	stream.indirect.gather [hbm4b:s19+s30], $0x80, s3, s30, $0xb8;
	[tilespmem:$0x1E000] =	vst v63  }
0x26a: {  	_ =	swait.ge [sflag:s6], $0x4000  }
0x26b: {  	[sflag:s6] =	ssyncset.done $0x0  }
0x26c: {  	s8 =	simm.s32 $0x1F80;
	[sflag:s6] =	ssyncadd.s32 $0xFFFFC000  }
0x26d: {  	[spmem:s1] =	stream.indirect.scatter.add.f32 [tilespmem:s2], [sflag:$0x3], $0x80, s8, s30, $0xb8;
	[tilespmem:$0x1E000] =	vst v63  }
0x26e: {  	_ =	swait.ge [sflag:s28], $0x4000  }
0x26f: {  	[sflag:s28] =	ssyncset.done $0x0  }
0x270: {  	[sflag:s28] =	ssyncadd.s32 $0xFFFFC000  }
0x271: {  	[tilespmem:s2], [sflag:$0x2] =	stream.indirect.gather [hbm4b:s19+s30], $0x80, s30, s30, $0xb8;
	[tilespmem:$0x1E000] =	vst v63  }
0x272: {  	_ =	swait.ge [sflag:s4], $0x4000  }
0x273: {  	[sflag:s4] =	ssyncset.done $0x0  }
0x274: {  	[sflag:s4] =	ssyncadd.s32 $0xFFFFC000  }
0x275: {  	[spmem:s1] =	stream.indirect.scatter.add.f32 [tilespmem:s26], [sflag:$0x3], $0x80, s0, s30, $0xb8;
	[tilespmem:$0x1E000] =	vst v63  }
0x276: {  	_ =	swait.ge [sflag:s28], $0x4000  }
0x277: {  	[sflag:s28] =	ssyncset.done $0x0  }
0x278: {  	[sflag:s28] =	ssyncadd.s32 $0xFFFFC000  }
0x279: {  	[tilespmem:s26], [sflag:$0x1] =	stream.indirect.gather [hbm4b:s19+s30], $0x80, s5, s30, $0xb8;
	[tilespmem:$0x1E000] =	vst v63  }
0x27a: {  	_ =	swait.ge [sflag:s6], $0x4000  }
0x27b: {  	[sflag:s6] =	ssyncset.done $0x0  }
0x27c: {  	[sflag:s6] =	ssyncadd.s32 $0xFFFFC000  }
0x27d: {  	[spmem:s1] =	stream.indirect.scatter.add.f32 [tilespmem:s2], [sflag:$0x3], $0x80, s9, s30, $0xb8;
	[tilespmem:$0x1E000] =	vst v63  }
0x27e: {  	_ =	swait.ge [sflag:s28], $0x4000  }
0x27f: {  	[sflag:s28] =	ssyncset.done $0x0  }
0x280: {  	[sflag:s28] =	ssyncadd.s32 $0xFFFFC000  }
0x281: {  	[tilespmem:s2], [sflag:$0x2] =	stream.indirect.gather [hbm4b:s19+s30], $0x80, s10, s30, $0xb8;
	[tilespmem:$0x1E000] =	vst v63  }
0x282: {  	_ =	swait.ge [sflag:s4], $0x4000  }
0x283: {  	[sflag:s4] =	ssyncset.done $0x0  }
0x284: {  	[sflag:s4] =	ssyncadd.s32 $0xFFFFC000  }
0x285: {  	[spmem:s1] =	stream.indirect.scatter.add.f32 [tilespmem:s26], [sflag:$0x3], $0x80, s11, s30, $0xb8;
	[tilespmem:$0x1E000] =	vst v63  }
0x286: {  	_ =	swait.ge [sflag:s28], $0x4000  }
0x287: {  	[sflag:s28] =	ssyncset.done $0x0  }
0x288: {  	[sflag:s28] =	ssyncadd.s32 $0xFFFFC000  }
0x289: {  	[tilespmem:s26], [sflag:$0x1] =	stream.indirect.gather [hbm4b:s19+s30], $0x80, s12, s30, $0xb8;
	[tilespmem:$0x1E000] =	vst v63  }
0x28a: {  	_ =	swait.ge [sflag:s6], $0x4000  }
0x28b: {  	[sflag:s6] =	ssyncset.done $0x0  }
0x28c: {  	[sflag:s6] =	ssyncadd.s32 $0xFFFFC000  }
0x28d: {  	[spmem:s1] =	stream.indirect.scatter.add.f32 [tilespmem:s2], [sflag:$0x3], $0x80, s13, s30, $0xb8;
	[tilespmem:$0x1E000] =	vst v63  }
0x28e: {  	_ =	swait.ge [sflag:s28], $0x4000  }
0x28f: {  	[sflag:s28] =	ssyncset.done $0x0  }
0x290: {  	[sflag:s28] =	ssyncadd.s32 $0xFFFFC000  }
0x291: {  	[tilespmem:s2], [sflag:$0x2] =	stream.indirect.gather [hbm4b:s19+s30], $0x80, s14, s30, $0xb8;
	[tilespmem:$0x1E000] =	vst v63  }
0x292: {  	_ =	swait.ge [sflag:s4], $0x4000  }
0x293: {  	[sflag:s4] =	ssyncset.done $0x0  }
0x294: {  	[sflag:s4] =	ssyncadd.s32 $0xFFFFC000  }
0x295: {  	[spmem:s1] =	stream.indirect.scatter.add.f32 [tilespmem:s26], [sflag:$0x3], $0x80, s15, s30, $0xb8;
	[tilespmem:$0x1E000] =	vst v63  }
0x296: {  	_ =	swait.ge [sflag:s28], $0x4000  }
0x297: {  	[sflag:s28] =	ssyncset.done $0x0  }
0x298: {  	[sflag:s28] =	ssyncadd.s32 $0xFFFFC000  }
0x299: {  	[tilespmem:s26], [sflag:$0x1] =	stream.indirect.gather [hbm4b:s19+s30], $0x80, s16, s30, $0xb8;
	[tilespmem:$0x1E000] =	vst v63  }
0x29a: {  	_ =	swait.ge [sflag:s6], $0x4000  }
0x29b: {  	[sflag:s6] =	ssyncset.done $0x0  }
0x29c: {  	[sflag:s6] =	ssyncadd.s32 $0xFFFFC000  }
0x29d: {  	[spmem:s1] =	stream.indirect.scatter.add.f32 [tilespmem:s2], [sflag:$0x3], $0x80, s17, s30, $0xb8;
	[tilespmem:$0x1E000] =	vst v63  }
0x29e: {  	_ =	swait.ge [sflag:s28], $0x4000  }
0x29f: {  	[sflag:s28] =	ssyncset.done $0x0  }
0x2a0: {  	[sflag:s28] =	ssyncadd.s32 $0xFFFFC000  }
0x2a1: {  	[tilespmem:s2], [sflag:$0x2] =	stream.indirect.gather [hbm4b:s19+s30], $0x80, s18, s30, $0xb8;
	[tilespmem:$0x1E000] =	vst v63  }
0x2a2: {  	_ =	swait.ge [sflag:s4], $0x4000  }
0x2a3: {  	[sflag:s4] =	ssyncset.done $0x0  }
0x2a4: {  	[sflag:s4] =	ssyncadd.s32 $0xFFFFC000  }
0x2a5: {  	[spmem:s1] =	stream.indirect.scatter.add.f32 [tilespmem:s26], [sflag:$0x3], $0x80, s20, s30, $0xb8;
	[tilespmem:$0x1E000] =	vst v63  }
0x2a6: {  	_ =	swait.ge [sflag:s28], $0x4000  }
0x2a7: {  	[sflag:s28] =	ssyncset.done $0x0  }
0x2a8: {  	[sflag:s28] =	ssyncadd.s32 $0xFFFFC000  }
0x2a9: {  	[tilespmem:s26], [sflag:$0x1] =	stream.indirect.gather [hbm4b:s19+s30], $0x80, s21, s30, $0xb8;
	[tilespmem:$0x1E000] =	vst v63  }
0x2aa: {  	_ =	swait.ge [sflag:s6], $0x4000  }
0x2ab: {  	[sflag:s6] =	ssyncset.done $0x0  }
0x2ac: {  	[sflag:s6] =	ssyncadd.s32 $0xFFFFC000  }
0x2ad: {  	[spmem:s1] =	stream.indirect.scatter.add.f32 [tilespmem:s2], [sflag:$0x3], $0x80, s22, s30, $0xb8;
	[tilespmem:$0x1E000] =	vst v63  }
0x2ae: {  	_ =	swait.ge [sflag:s28], $0x4000  }
0x2af: {  	[sflag:s28] =	ssyncset.done $0x0  }
0x2b0: {  	[sflag:s28] =	ssyncadd.s32 $0xFFFFC000  }
0x2b1: {  	[tilespmem:s2], [sflag:$0x2] =	stream.indirect.gather [hbm4b:s19+s30], $0x80, s23, s30, $0xb8;
	[tilespmem:$0x1E000] =	vst v63  }
0x2b2: {  	_ =	swait.ge [sflag:s4], $0x4000  }
0x2b3: {  	[sflag:s4] =	ssyncset.done $0x0  }
0x2b4: {  	[sflag:s4] =	ssyncadd.s32 $0xFFFFC000  }
0x2b5: {  	[spmem:s1] =	stream.indirect.scatter.add.f32 [tilespmem:s26], [sflag:$0x3], $0x80, s25, s30, $0xb8;
	[tilespmem:$0x1E000] =	vst v63  }
0x2b6: {  	_ =	swait.ge [sflag:s28], $0x4000  }
0x2b7: {  	[sflag:s28] =	ssyncset.done $0x0  }
0x2b8: {  	[sflag:s28] =	ssyncadd.s32 $0xFFFFC000  }
0x2b9: {  	[tilespmem:s26], [sflag:$0x1] =	stream.indirect.gather [hbm4b:s19+s30], $0x80, s31, s30, $0xb8;
	[tilespmem:$0x1E000] =	vst v63  }
0x2ba: {  	_ =	swait.ge [sflag:s6], $0x4000  }
0x2bb: {  	[sflag:s6] =	ssyncset.done $0x0  }
0x2bc: {  	s11 =	simm.s32 $0xC80;
	[sflag:s6] =	ssyncadd.s32 $0xFFFFC000  }
0x2bd: {  	[spmem:s1] =	stream.indirect.scatter.add.f32 [tilespmem:s2], [sflag:$0x3], $0x80, s11, s30, $0xb8;
	[tilespmem:$0x1E000] =	vst v63  }
0x2be: {  	_ =	swait.ge [sflag:s28], $0x4000  }
0x2bf: {  	[sflag:s28] =	ssyncset.done $0x0  }
0x2c0: {  	s5 =	simm.s32 $0x580;
	[sflag:s28] =	ssyncadd.s32 $0xFFFFC000  }
0x2c1: {  	[tilespmem:s2], [sflag:$0x2] =	stream.indirect.gather [hbm4b:s19+s30], $0x80, s5, s30, $0xb8;
	[tilespmem:$0x1E000] =	vst v63  }
0x2c2: {  	_ =	swait.ge [sflag:s4], $0x4000  }
0x2c3: {  	[sflag:s4] =	ssyncset.done $0x0  }
0x2c4: {  	s8 =	simm.s32 $0xD00;
	[sflag:s4] =	ssyncadd.s32 $0xFFFFC000  }
0x2c5: {  	[spmem:s1] =	stream.indirect.scatter.add.f32 [tilespmem:s26], [sflag:$0x3], $0x80, s8, s30, $0xb8;
	[tilespmem:$0x1E000] =	vst v63  }
0x2c6: {  	_ =	swait.ge [sflag:s28], $0x4000  }
0x2c7: {  	[sflag:s28] =	ssyncset.done $0x0  }
0x2c8: {  	s9 =	simm.s32 $0x600;
	[sflag:s28] =	ssyncadd.s32 $0xFFFFC000  }
0x2c9: {  	[tilespmem:s26], [sflag:$0x1] =	stream.indirect.gather [hbm4b:s19+s30], $0x80, s9, s30, $0xb8;
	[tilespmem:$0x1E000] =	vst v63  }
0x2ca: {  	_ =	swait.ge [sflag:s6], $0x4000  }
0x2cb: {  	[sflag:s6] =	ssyncset.done $0x0  }
0x2cc: {  	s10 =	simm.s32 $0xD80;
	[sflag:s6] =	ssyncadd.s32 $0xFFFFC000  }
0x2cd: {  	[spmem:s1] =	stream.indirect.scatter.add.f32 [tilespmem:s2], [sflag:$0x3], $0x80, s10, s30, $0xb8;
	[tilespmem:$0x1E000] =	vst v63  }
0x2ce: {  	_ =	swait.ge [sflag:s28], $0x4000  }
0x2cf: {  	[sflag:s28] =	ssyncset.done $0x0  }
0x2d0: {  	s11 =	simm.s32 $0x680;
	[sflag:s28] =	ssyncadd.s32 $0xFFFFC000  }
0x2d1: {  	[tilespmem:s2], [sflag:$0x2] =	stream.indirect.gather [hbm4b:s19+s30], $0x80, s11, s30, $0xb8;
	[tilespmem:$0x1E000] =	vst v63  }
0x2d2: {  	_ =	swait.ge [sflag:s4], $0x4000  }
0x2d3: {  	[sflag:s4] =	ssyncset.done $0x0  }
0x2d4: {  	s5 =	simm.s32 $0xE00;
	[sflag:s4] =	ssyncadd.s32 $0xFFFFC000  }
0x2d5: {  	[spmem:s1] =	stream.indirect.scatter.add.f32 [tilespmem:s26], [sflag:$0x3], $0x80, s5, s30, $0xb8;
	[tilespmem:$0x1E000] =	vst v63  }
0x2d6: {  	_ =	swait.ge [sflag:s28], $0x4000  }
0x2d7: {  	[sflag:s28] =	ssyncset.done $0x0  }
0x2d8: {  	s8 =	simm.s32 $0x700;
	[sflag:s28] =	ssyncadd.s32 $0xFFFFC000  }
0x2d9: {  	[tilespmem:s26], [sflag:$0x1] =	stream.indirect.gather [hbm4b:s19+s30], $0x80, s8, s30, $0xb8;
	[tilespmem:$0x1E000] =	vst v63  }
0x2da: {  	_ =	swait.ge [sflag:s6], $0x4000  }
0x2db: {  	[sflag:s6] =	ssyncset.done $0x0  }
0x2dc: {  	s9 =	simm.s32 $0xE80;
	[sflag:s6] =	ssyncadd.s32 $0xFFFFC000  }
0x2dd: {  	[spmem:s1] =	stream.indirect.scatter.add.f32 [tilespmem:s2], [sflag:$0x3], $0x80, s9, s30, $0xb8;
	[tilespmem:$0x1E000] =	vst v63  }
0x2de: {  	_ =	swait.ge [sflag:s28], $0x4000  }
0x2df: {  	[sflag:s28] =	ssyncset.done $0x0  }
0x2e0: {  	s10 =	simm.s32 $0x780;
	[sflag:s28] =	ssyncadd.s32 $0xFFFFC000  }
0x2e1: {  	[tilespmem:s2], [sflag:$0x2] =	stream.indirect.gather [hbm4b:s19+s30], $0x80, s10, s30, $0xb8;
	[tilespmem:$0x1E000] =	vst v63  }
0x2e2: {  	_ =	swait.ge [sflag:s4], $0x4000  }
0x2e3: {  	[sflag:s4] =	ssyncset.done $0x0  }
0x2e4: {  	s11 =	simm.s32 $0xF00;
	[sflag:s4] =	ssyncadd.s32 $0xFFFFC000  }
0x2e5: {  	[spmem:s1] =	stream.indirect.scatter.add.f32 [tilespmem:s26], [sflag:$0x3], $0x80, s11, s30, $0xb8;
	[tilespmem:$0x1E000] =	vst v63  }
0x2e6: {  	_ =	swait.ge [sflag:s28], $0x4000  }
0x2e7: {  	[sflag:s28] =	ssyncset.done $0x0  }
0x2e8: {  	[sflag:s28] =	ssyncadd.s32 $0xFFFFC000  }
0x2e9: {  	_ =	swait.ge [sflag:s6], $0x4000  }
0x2ea: {  	[sflag:s6] =	ssyncset.done $0x0  }
0x2eb: {  	s24 =	simm.s32 $0xF80;
	[sflag:s6] =	ssyncadd.s32 $0xFFFFC000  }
0x2ec: {  	[spmem:s1] =	stream.indirect.scatter.add.f32 [tilespmem:s2], [sflag:$0x3], $0x80, s24, s30, $0xb8;
	[tilespmem:$0x1E000] =	vst v63  }
0x2ed: {  	_ =	swait.ge [sflag:s28], $0x4000  }
0x2ee: {  	[sflag:s28] =	ssyncset.done $0x0  }
0x2ef: {  	[sflag:s28] =	ssyncadd.s32 $0xFFFFC000  }
0x2f0: {  	s5 =	stileid.u32;
	[bflag:$0x0] =	sbarrier.arrive $0xFFFF  }
0x2f1: {  	s8 =	sshll.u32 s5, $0x6;
	s9 =	rddreg [dreg:$0x14]  }
0x2f2: {  	s8 =	sor.u32 $0x1C03, s8;
	s11 =	rddreg [dreg:$0xe];
	s10 =	sshrl.u32 s9, $0x3  }
0x2f3: {  	[hbm:s11], [sflag:s8] =	dma.local [spmem:s10], $0x800  }
0x2f4: {  	_ =	swait.ge [sflag:s28], $0x800  }
0x2f5: {  	[sflag:s28] =	ssyncset.done $0x0;
	s24 =	rddreg [dreg:$0x15]  }
0x2f6: {  	s5 =	rddreg [dreg:$0xf];
	[sflag:s28] =	ssyncadd.s32 $0xFFFFF800;
	s0 =	sshrl.u32 s24, $0x3  }
0x2f7: {  	[hbm:s5], [sflag:s8] =	dma.local [spmem:s0], $0x800  }
0x2f8: {  	_ =	swait.ge [sflag:s28], $0x800  }
0x2f9: {  	[sflag:s28] =	ssyncset.done $0x0;
	s9 =	rddreg [dreg:$0x16]  }
0x2fa: {  	s11 =	rddreg [dreg:$0x10];
	[sflag:s28] =	ssyncadd.s32 $0xFFFFF800;
	s10 =	sshrl.u32 s9, $0x3  }
0x2fb: {  	[hbm:s11], [sflag:s8] =	dma.local [spmem:s10], $0x800  }
0x2fc: {  	_ =	swait.ge [sflag:s28], $0x800  }
0x2fd: {  	[sflag:s28] =	ssyncset.done $0x0;
	s24 =	rddreg [dreg:$0x17]  }
0x2fe: {  	s5 =	rddreg [dreg:$0x11];
	[sflag:s28] =	ssyncadd.s32 $0xFFFFF800;
	s0 =	sshrl.u32 s24, $0x3  }
0x2ff: {  	[hbm:s5], [sflag:s8] =	dma.local [spmem:s0], $0x800  }
0x300: {  	_ =	swait.ge [sflag:s28], $0x800  }
0x301: {  	[sflag:s28] =	ssyncset.done $0x0;
	s9 =	rddreg [dreg:$0x18]  }
0x302: {  	s11 =	rddreg [dreg:$0x12];
	[sflag:s28] =	ssyncadd.s32 $0xFFFFF800;
	s10 =	sshrl.u32 s9, $0x3  }
0x303: {  	[hbm:s11], [sflag:s8] =	dma.local [spmem:s10], $0x800  }
0x304: {  	_ =	swait.ge [sflag:s28], $0x800  }
0x305: {  	s7 =	sadd.s32 $0x1, s7;
	s24 =	rddreg [dreg:$0x13]  }
0x306: {  	p0 =	sne.s32 s7, s24  }
.Ltmp1:
0x307: {  	_ = 	snop;
	(pc) =	sbr.rel @p0 .LBB2_1-.Ltmp1, $3  }
0x308: {  	_ =	sdelay $0x1  }
0x309: {  	[sflag:s28] =	ssyncset.done $0x0  }
0x30a: {  	[sflag:s28] =	ssyncadd.s32 $0xFFFFF800  }
0x30b: {  	_ =	sfence.sel $0x180000  }
0x30c: {  	[bflag:$0x0] =	sbarrier.arrive $0xFFFF  }
0x30d: {  	_ =	strace $0x9000004D  }
0x30e: {  	s0 =	stileid.u32;
	[bflag:$0x2] =	sbarrier.arrive $0xFFFF  }
0x30f: {  	p0 =	sne.s32 s0, $0x0;
	s0 =	rddreg [dreg:$0x3]  }
0x310: {  	s0 =	sadd.s32 @!p0 $0x100000, s0  }
0x311: {  	[sflag:s0] =	ssyncadd.tile.s32 @!p0 $0x1;
	_ =	shalt  }
.Lfunc_end2:
_tile_overlayer_lowered:
.L_overlay_start_2:
0x312: {  	(tag) =	ssettag $0x2  }
0x313: {  	s0 =	rddreg [dreg:$0x0];
	s2 =	stileid.u32  }
0x314: {  	s1 =	rddreg [dreg:$0x1];
	p0 =	sne.s32 s2, $0x0  }
0x315: {  	s3 =	rddreg [dreg:$0x2];
	[bflag:$0x3] =	sbarrier.arrive $0xFFFF;
	s2 =	simm.s32 @!p0 $0x1C03  }
0x316: {  	[timem:s3], [sflag:s2] =	dma.local @!p0 [hbm:s0], s1  }
0x317: {  	s0 =	simm.s32 @!p0 $0x3  }
0x318: {  	_ =	swait.ge @!p0 [sflag:s0], s1  }
0x319: {  	s1 =	ssub.s32 @!p0 $0x0, s1;
	[sflag:s0] =	ssyncset.done @!p0 $0x0  }
0x31a: {  	[sflag:s0] =	ssyncadd.s32 @!p0 s1  }
0x31b: {  	[bflag:$0x3] =	sbarrier.arrive $0xFFFF  }
0x31c: {  	_ =	shalt  }

// kernel: kernel.8.cloned.1.call-start
scs
__scs_entry_jumppad:
0x0: {  	(pc) =	sbr.rel $0x88, $3  }
0x1: {  	(tag) =	ssettag $0x0;
	lr =	simm.s32 $0x1  }
0x2: {  	[smem:$0x3F9B] =	sst lr;
	_ =	strace $0xD0000000  }
0x3: {  	_ = 	snop  }
0x4: {  	_ = 	snop  }
0x5: {  	_ = 	snop  }
0x6: {  	_ = 	snop  }
0x7: {  	_ = 	snop  }
__scs_overlays_trampoline_lowered:
0x8: {  	[smem:$0x3FAA] =	sst s0  }
0x9: {  	[smem:$0x3FAB] =	sst s1  }
0xa: {  	[smem:$0x3FAC] =	sst s2  }
0xb: {  	[smem:$0x3FAD] =	sst s3  }
0xc: {  	[smem:$0x3FAE] =	sst s4  }
0xd: {  	[smem:$0x3FAF] =	sst s5  }
0xe: {  	[smem:$0x3FB0] =	sst s6  }
0xf: {  	[smem:$0x3FB1] =	sst s7  }
0x10: {  	[smem:$0x3FB2] =	sst s8  }
0x11: {  	[smem:$0x3FB3] =	sst s9;
	s0 =	simm.s32 @!p0 $0x0  }
0x12: {  	s1 =	sld [smem:$0x3F99];
	s0 =	simm.s32 @p0 $0x1  }
0x13: {  	[smem:$0x3FB4] =	sst s0;
	s0 =	simm.s32 @!p1 $0x0  }
0x14: {  	s2 =	sld [smem:$0x3F98];
	s0 =	simm.s32 @p1 $0x1  }
0x15: {  	[smem:$0x3FB5] =	sst s0;
	s0 =	simm.s32 @!p2 $0x0  }
0x16: {  	s3 =	sld [smem:$0x3FDB];
	s0 =	simm.s32 @p2 $0x1  }
0x17: {  	s4 =	simm.s32 $0x1BF5;
	[smem:$0x3FB7] =	sst s0  }
0x18: {  	s0 =	sld [smem:$0x3F9A];
	_ =	swait.ge [sflag:s4], $0x0  }
0x19: {  	s7 =	sld [smem:$0x3F9B]  }
0x1a: {  	s8 =	sadd.s32 $0xFFFFE003, lr  }
0x1b: {  	s9 =	sadd.s32 $0xFFFFFEF7, lr;
	s5 =	simm.s32 $0xFFFFFFFF;
	p2 =	slt.u32 s8, $0xFFFFF086  }
0x1c: {  	p1 =	slt.u32 s9, $0xF7A;
	s5 =	simm.s32 @!p2 $0x0  }
0x1d: {  	s5 =	simm.s32 @p1 $0x1;
	p0 =	seq.s32 s7, s2  }
0x1e: {  	s7 =	smul.u32 @!p0 $0xF7A, s2;
	p2 =	seq.s32 @!p0 s5, $0x0  }
0x1f: {  	s9 =	smul.u32 $0xF7A, s1;
	s8 =	simm.s32 @!p0 $0x1BF5;
	p2 =	por !p2, p0  }
0x20: {  	[sflag:s8] =	ssyncset.s32 @!p0 $0xFFFFF086;
	s6 =	sadd.s32 @!p0 s3, s7;
	s7 =	simm.s32 @!p0 $0x108  }
0x21: {  	s3 =	sadd.s32 s3, s9;
	s6 =	sadd.s32 @!p0 $0x88, s6;
	s7 =	simm.s32 @p2 $0x1082  }
0x22: {  	[simem:s7], [sflag:s8] =	dma.local @!p0 [hbm:s6], $0xF7A  }
0x23: {  	s9 =	sor.u32 $0xD0000000, s2;
	s6 =	simm.s32 $0x108;
	_ =	swait.ge @!p0 [sflag:s8], $0x0  }
0x24: {  	s3 =	sadd.s32 $0x88, s3;
	s6 =	simm.s32 @!p1 $0x1082;
	[sflag:s4] =	ssyncset.s32 $0xFFFFF086  }
0x25: {  	[simem:s6], [sflag:s4] =	dma.local [hbm:s3], $0xF7A  }
0x26: {  	[smem:$0x3F9B] =	sst s1;
	(tag) =	ssettag s2;
	_ =	strace s9  }
0x27: {  	s1 =	sld [smem:$0x3FAB]  }
0x28: {  	s2 =	sld [smem:$0x3FAC]  }
0x29: {  	s4 =	sld [smem:$0x3FAE]  }
0x2a: {  	p0 =	seq.s32 s5, $0x0;
	s5 =	sld [smem:$0x3FAF]  }
0x2b: {  	s6 =	sld [smem:$0x3FB0]  }
0x2c: {  	s7 =	sld [smem:$0x3FB1]  }
0x2d: {  	s3 =	simm.s32 $0x108;
	s8 =	sld [smem:$0x3FB2]  }
0x2e: {  	s3 =	simm.s32 @!p0 $0x1082;
	s9 =	sld [smem:$0x3FB3]  }
0x2f: {  	lr =	sadd.s32 s0, s3;
	s0 =	sld [smem:$0x3FAA]  }
0x30: {  	s3 =	sld [smem:$0x3FAD]  }
0x31: {  	[smem:$0x3FB6] =	sst s10  }
0x32: {  	s10 =	sld [smem:$0x3FB4];
	_ =	sdelay $0x3  }
0x33: {  	p0 =	seq.s32 s10, $0x1;
	s10 =	sld [smem:$0x3FB6];
	_ =	sdelay $0x3  }
0x34: {  	[smem:$0x3FB6] =	sst s10  }
0x35: {  	s10 =	sld [smem:$0x3FB5];
	_ =	sdelay $0x3  }
0x36: {  	p1 =	seq.s32 s10, $0x1;
	s10 =	sld [smem:$0x3FB6];
	_ =	sdelay $0x3  }
0x37: {  	[smem:$0x3FB6] =	sst s10  }
0x38: {  	s10 =	sld [smem:$0x3FB7]  }
0x39: {  	_ = 	snop;
	(pc) =	sbr.ind lr, $3  }
0x3a: {  	_ = 	snop  }
0x3b: {  	_ = 	snop  }
0x3c: {  	p2 =	seq.s32 s10, $0x1;
	s10 =	sld [smem:$0x3FB6]  }
0x3d: {  	_ =	shalt  }
0x3e: {  	_ =	shalt  }
0x3f: {  	_ =	shalt  }
0x40: {  	_ =	shalt  }
0x41: {  	_ =	shalt  }
0x42: {  	_ =	shalt  }
0x43: {  	_ =	shalt  }
0x44: {  	_ =	shalt  }
0x45: {  	_ =	shalt  }
0x46: {  	_ =	shalt  }
0x47: {  	_ =	shalt  }
0x48: {  	_ =	shalt  }
0x49: {  	_ =	shalt  }
0x4a: {  	_ =	shalt  }
0x4b: {  	_ =	shalt  }
0x4c: {  	_ =	shalt  }
0x4d: {  	_ =	shalt  }
0x4e: {  	_ =	shalt  }
0x4f: {  	_ =	shalt  }
0x50: {  	_ =	shalt  }
0x51: {  	_ =	shalt  }
0x52: {  	_ =	shalt  }
0x53: {  	_ =	shalt  }
0x54: {  	_ =	shalt  }
0x55: {  	_ =	shalt  }
0x56: {  	_ =	shalt  }
0x57: {  	_ =	shalt  }
0x58: {  	_ =	shalt  }
0x59: {  	_ =	shalt  }
0x5a: {  	_ =	shalt  }
0x5b: {  	_ =	shalt  }
0x5c: {  	_ =	shalt  }
0x5d: {  	_ =	shalt  }
0x5e: {  	_ =	shalt  }
0x5f: {  	_ =	shalt  }
0x60: {  	_ =	shalt  }
0x61: {  	_ =	shalt  }
0x62: {  	_ =	shalt  }
0x63: {  	_ =	shalt  }
0x64: {  	_ =	shalt  }
0x65: {  	_ =	shalt  }
0x66: {  	_ =	shalt  }
0x67: {  	_ =	shalt  }
0x68: {  	_ =	shalt  }
0x69: {  	_ =	shalt  }
0x6a: {  	_ =	shalt  }
0x6b: {  	_ =	shalt  }
0x6c: {  	_ =	shalt  }
0x6d: {  	_ =	shalt  }
0x6e: {  	_ =	shalt  }
0x6f: {  	_ =	shalt  }
0x70: {  	_ =	shalt  }
0x71: {  	_ =	shalt  }
0x72: {  	_ =	shalt  }
0x73: {  	_ =	shalt  }
0x74: {  	_ =	shalt  }
0x75: {  	_ =	shalt  }
0x76: {  	_ =	shalt  }
0x77: {  	_ =	shalt  }
0x78: {  	_ =	shalt  }
0x79: {  	_ =	shalt  }
0x7a: {  	_ =	shalt  }
0x7b: {  	_ =	shalt  }
0x7c: {  	_ =	shalt  }
0x7d: {  	_ =	shalt  }
0x7e: {  	_ =	shalt  }
0x7f: {  	_ =	shalt  }
0x80: {  	_ =	shalt  }
0x81: {  	_ =	shalt  }
0x82: {  	_ =	shalt  }
0x83: {  	_ =	shalt  }
0x84: {  	_ =	shalt  }
0x85: {  	_ =	shalt  }
0x86: {  	_ =	shalt  }
0x87: {  	_ =	shalt  }
.Lfunc_end0:
.L_simem_size_0:
called_computation_lowered:
.L_overlay_start_0:
0x88: {  	s2 =	sld [smem:$0x3FD9]  }
0x89: {  	s3 =	sld [smem:$0x3FFE];
	_ =	sdelay $0x1  }
0x8a: {  	s1 =	srdreg.scid  }
0x8b: {  	s0 =	sand.u32 $0x1, s1  }
0x8c: {  	s17 =	sshll.u32 s0, $0xA;
	s2 =	sadd.s32 s3, s2  }
0x8d: {  	s2 =	sadd.s32 s2, s17  }
0x8e: {  	[smem:$0x3FC2] =	sst s2  }
0x8f: {  	_ = 	snop  }
0x90: {  	s2 =	sld [smem:$0x3FD0];
	(tm) =	ssettm $0x1  }
0x91: {  	s18 =	sld [smem:$0x3FFB];
	_ =	sdelay $0x3  }
0x92: {  	_ =	strace s18  }
0x93: {  	s3 =	sld [smem:$0x3FFC];
	_ =	sdelay $0x3  }
0x94: {  	_ =	strace s3  }
0x95: {  	s3 =	sld [smem:$0x3FFD];
	_ =	sdelay $0x3  }
0x96: {  	_ =	strace s3  }
0x97: {  	_ =	strace $0x8FFFFFFF  }
0x98: {  	s19 =	sld [smem:$0x3FDB];
	_ =	sdelay $0x1  }
0x99: {  	s4 =	simm.s32 $_scs_section_size  }
0x9a: {  	s5 =	simm.s32 $_size__tile_overlayer_lowered;
	s6 =	simm.s32 $_tile_overlayer_lowered  }
0x9b: {  	s22 =	simm.s32 $0x1BFF;
	s21 =	sshll.u32 s6, $0x1;
	s3 =	sadd.s32 s4, s19  }
0x9c: {  	s7 =	simm.s32 $0x0;
	s20 =	sshll.u32 s5, $0x1;
	s5 =	sadd.s32 s21, s3  }
0x9d: {  	[timem:s7], [sflag:s22] =	dma.local [hbm:s5], s20  }
0x9e: {  	_ =	swait.ge [sflag:s22], s20  }
0x9f: {  	s4 =	ssub.s32 $0x0, s20;
	[sflag:s22] =	ssyncset.done $0x0  }
0xa0: {  	[sflag:s22] =	ssyncadd.s32 s4;
	_ =	sdelay $0x1  }
0xa1: {  	s23 =	simm.s32 $0x1B8B  }
0xa2: {  	_ =	swait.ge [sflag:s23], $0x1  }
0xa3: {  	[sflag:s23] =	ssyncset.done $0x0  }
0xa4: {  	s25 =	simm.s32 $0x1B8E;
	s24 =	sld [smem:$0x3FFE];
	[sflag:s23] =	ssyncadd.s32 $0xFFFFFFFF  }
0xa5: {  	s26 =	simm.s32 $execute0_lowered;
	[smem:$0x3FD2] =	sst s25  }
0xa6: {  	s5 =	sshll.u32 s26, $0x1;
	_ =	strace $0x80000046;
	[dreg:$0x1] =	wrdreg $0xFFFFFFFF  }
0xa7: {  	s28 =	simm.s32 $_size_execute0_lowered;
	s3 =	sadd.s32 s3, s5;
	[dreg:$0x0] =	wrdreg $0x0  }
0xa8: {  	s5 =	sshll.u32 s28, $0x1;
	[dreg:$0x2] =	wrdreg s3  }
0xa9: {  	[dreg:$0x3] =	wrdreg s5  }
0xaa: {  	[dreg:$0x4] =	wrdreg $0xC0  }
0xab: {  	_ =	task [dreg:s7], $0x5FFFF  }
0xac: {  	[dreg:$0x1] =	wrdreg $0xFFFFFFFF  }
0xad: {  	[dreg:$0x0] =	wrdreg $0x60  }
0xae: {  	[dreg:$0x2] =	wrdreg s2  }
0xaf: {  	[dreg:$0x3] =	wrdreg s24  }
0xb0: {  	[dreg:$0x4] =	wrdreg $0x2A800  }
0xb1: {  	[dreg:$0x5] =	wrdreg $0x9  }
0xb2: {  	_ =	task.clear_ibuf [dreg:s7], $0x6FFFF;
	_ =	strace $0x90000046  }
0xb3: {  	s29 =	simm.s32 $0x9;
	_ =	strace $0x80000048  }
0xb4: {  	_ =	swait.ge [sflag:s29], $0x1  }
0xb5: {  	[sflag:s29] =	ssyncadd.s32 $0xFFFFFFFF  }
0xb6: {  	_ =	strace $0x90000048  }
0xb7: {  	_ =	sfence  }
0xb8: {  	s30 =	sld [smem:$0x0];
	_ =	sdelay $0x2  }
0xb9: {  	s31 =	sshll.u32 s1, $0xD;
	s1 =	sshrl.u32 s1, $0x2  }
0xba: {  	s3 =	sand.u32 $0x4000, s31;
	s1 =	sadd.s32 s1, s30  }
0xbb: {  	s0 =	sor.u32 s3, s0;
	s1 =	sshll.u32 s1, $0x11  }
0xbc: {  	s0 =	sor.u32 s1, s0  }
0xbd: {  	s0 =	sadd.s32 $0x8F2B, s0  }
0xbe: {  	[sflag:s0] =	ssyncadd.remote.s32 $0x1  }
0xbf: {  	_ =	sfence.sel $0xFFFF  }
0xc0: {  	[dreg:$0x0] =	wrdreg $0xFFFFFFFF;
	(pc) =	sbr.abs _section_cstart, $3  }
0xc1: {  	[dreg:$0x1] =	wrdreg $0xFFFFFFFF  }
0xc2: {  	_ =	task.clear_ibuf [dreg:s7], $0x2FFFF;
	_ =	strace $0x9FFFFFFF  }
0xc3: {  	(tm) =	ssettm $0x7FFFFFFF  }
tec
execute0_lowered:
.L_overlay_start_1:
0x0: {  	(tag) =	ssettag $0x1  }
0x1: {  	s5 =	rddreg [dreg:$0x0]  }
0x2: {  	s1 =	srdreg.scid;
	s4 =	rddreg [dreg:$0x1]  }
0x3: {  	s0 =	stileid.u32;
	s2 =	rddreg [dreg:$0x2]  }
0x4: {  	s3 =	simm.s32 $0x0;
	s6 =	sand.u32 $0x1, s1;
	s7 =	smul.u32 $0x280, s0  }
0x5: {  	s11 =	simm.s32 $0x0;
	s1 =	rddreg [dreg:$0x3];
	s8 =	smul.u32 $0x2800, s6  }
0x6: {  	[smem:$0x7FF] =	sst s3;
	s9 =	sshll.u32 s6, $0x4;
	s6 =	ssub.s32 $0x2, s6  }
0x7: {  	_ =	strace $0x80000047;
	s9 =	sor.u32 s0, s9;
	s8 =	sadd.s32 s7, s8  }
0x8: {  	s31 =	sshrl.u32 s6, $0x1;
	s9 =	smul.u32 $0x500, s9;
	s8 =	sshrl.u32 s8, $0x3  }
0x9: {  	s10 =	ssub.s32 s6, s31;
	s8 =	sadd.s32 s8, s4;
	s4 =	sadd.s32 s7, s2  }
0xa: {  	s5 =	sadd.s32 s5, s9;
	s7 =	smax.u32 s10, $0x1;
	s9 =	simm.s32 $0x1  }
0xb: {  	v0 =	vimm.f32 $0.0e+00;
	v1 =	vimm.f32 $1.000000000e+00;
	s10 =	simm.s32 $0x80;
	s6 =	sadd.s32 $0xC000, s8;
	s8 =	simm.s32 $0x2800  }
.LBB2_1:
0xc: {  	[tilespmem:$0x2800] =	vst v0  }
0xd: {  	[tilespmem:$0x2810] =	vst v0  }
0xe: {  	[tilespmem:$0x2820] =	vst v0  }
0xf: {  	[tilespmem:$0x2830] =	vst v0  }
0x10: {  	[tilespmem:$0x2840] =	vst v0  }
0x11: {  	[tilespmem:$0x2850] =	vst v0  }
0x12: {  	[tilespmem:$0x2860] =	vst v0  }
0x13: {  	[tilespmem:$0x2870] =	vst v0  }
0x14: {  	[tilespmem:$0x2880] =	vst v0  }
0x15: {  	[tilespmem:$0x2890] =	vst v0  }
0x16: {  	[tilespmem:$0x28A0] =	vst v0  }
0x17: {  	[tilespmem:$0x28B0] =	vst v0  }
0x18: {  	[tilespmem:$0x28C0] =	vst v0  }
0x19: {  	[tilespmem:$0x28D0] =	vst v0  }
0x1a: {  	[tilespmem:$0x28E0] =	vst v0  }
0x1b: {  	[tilespmem:$0x28F0] =	vst v0  }
0x1c: {  	[tilespmem:$0x2900] =	vst v0  }
0x1d: {  	[tilespmem:$0x2910] =	vst v0  }
0x1e: {  	[tilespmem:$0x2920] =	vst v0  }
0x1f: {  	[tilespmem:$0x2930] =	vst v0  }
0x20: {  	[tilespmem:$0x2940] =	vst v0  }
0x21: {  	[tilespmem:$0x2950] =	vst v0  }
0x22: {  	[tilespmem:$0x2960] =	vst v0  }
0x23: {  	[tilespmem:$0x2970] =	vst v0  }
0x24: {  	[tilespmem:$0x2980] =	vst v0  }
0x25: {  	[tilespmem:$0x2990] =	vst v0  }
0x26: {  	[tilespmem:$0x29A0] =	vst v0  }
0x27: {  	[tilespmem:$0x29B0] =	vst v0  }
0x28: {  	[tilespmem:$0x29C0] =	vst v0  }
0x29: {  	[tilespmem:$0x29D0] =	vst v0  }
0x2a: {  	[tilespmem:$0x29E0] =	vst v0  }
0x2b: {  	[tilespmem:$0x29F0] =	vst v0  }
0x2c: {  	[tilespmem:$0x2A00] =	vst v0  }
0x2d: {  	[tilespmem:$0x2A10] =	vst v0  }
0x2e: {  	[tilespmem:$0x2A20] =	vst v0  }
0x2f: {  	[tilespmem:$0x2A30] =	vst v0  }
0x30: {  	[tilespmem:$0x2A40] =	vst v0  }
0x31: {  	[tilespmem:$0x2A50] =	vst v0  }
0x32: {  	[tilespmem:$0x2A60] =	vst v0  }
0x33: {  	[tilespmem:$0x2A70] =	vst v0  }
0x34: {  	[spmem:s4] =	stream.linear.scatter [tilespmem:s8], [sflag:$0x1], $0x280, $0x38;
	[tilespmem:$0x2D00] =	vst v63  }
0x35: {  	_ =	swait.ge [sflag:s9], $0x280  }
0x36: {  	[sflag:s9] =	ssyncset.done $0x0  }
0x37: {  	[sflag:s9] =	ssyncadd.s32 $0xFFFFFD80  }
0x38: {  	[tilespmem:$0x2800] =	vst v1  }
0x39: {  	[tilespmem:$0x2810] =	vst v1  }
0x3a: {  	[tilespmem:$0x2820] =	vst v1  }
0x3b: {  	[tilespmem:$0x2830] =	vst v1  }
0x3c: {  	[tilespmem:$0x2840] =	vst v1  }
0x3d: {  	[tilespmem:$0x2850] =	vst v1  }
0x3e: {  	[tilespmem:$0x2860] =	vst v1  }
0x3f: {  	[tilespmem:$0x2870] =	vst v1  }
0x40: {  	[tilespmem:s3], [sflag:$0x1] =	stream.linear.gather [hbm4b:s5+s3], $0x2800, $0x38;
	[tilespmem:$0x2D00] =	vst v63  }
0x41: {  	_ =	swait.ge [sflag:s9], $0x2800  }
0x42: {  	[sflag:s9] =	ssyncset.done $0x0  }
0x43: {  	[sflag:s9] =	ssyncadd.s32 $0xFFFFD800  }
0x44: {  	s12 =	simm.s32 $0x0;
	[bflag:$0x0] =	sbarrier.arrive $0xFFFF  }
0x45: {  	[spmem:s2] =	stream.indirect.scatter.add.f32 [tilespmem:s8], [sflag:$0x1], $0x1, s12, s10, $0xb8;
	[tilespmem:$0x2D00] =	vst v63  }
0x46: {  	_ =	swait.ge [sflag:s9], $0x80  }
0x47: {  	s12 =	simm.s32 $0x200;
	[sflag:s9] =	ssyncset.done $0x0  }
.LBB2_2:
0x48: {  	s13 =	sshra.s32 s12, $0x2;
	[sflag:s9] =	ssyncadd.s32 $0xFFFFFF80;
	p0 =	sne.s32 s12, $0x9E00  }
0x49: {  	[spmem:s2] =	stream.indirect.scatter.add.f32 [tilespmem:s8], [sflag:$0x1], $0x1, s13, s10, $0xb8;
	[tilespmem:$0x2D00] =	vst v63  }
.Ltmp0:
0x4a: {  	_ = 	snop;
	(pc) =	sbr.rel @p0 .LBB2_2-.Ltmp0, $4  }
0x4b: {  	_ = 	snop  }
0x4c: {  	s12 =	sadd.s32 $0x200, s12  }
0x4d: {  	_ =	swait.ge [sflag:s9], $0x80  }
0x4e: {  	[sflag:s9] =	ssyncset.done $0x0  }
0x4f: {  	[sflag:s9] =	ssyncadd.s32 $0xFFFFFF80  }
0x50: {  	[bflag:$0x0] =	sbarrier.arrive $0xFFFF  }
0x51: {  	[tilespmem:s8], [sflag:$0x1] =	stream.linear.gather [spmem:s4], $0x280, $0x38;
	[tilespmem:$0x2D00] =	vst v63  }
0x52: {  	s11 =	sadd.s32 $0x1, s11;
	_ =	swait.ge [sflag:s9], $0x280  }
0x53: {  	p0 =	sne.s32 s11, s7;
	[sflag:s9] =	ssyncset.done $0x0  }
.Ltmp1:
0x54: {  	[sflag:s9] =	ssyncadd.s32 $0xFFFFFD80;
	(pc) =	sbr.rel @p0 .LBB2_1-.Ltmp1, $4  }
0x55: {  	[hbm4b:s6+s3] =	stream.linear.scatter [tilespmem:s8], [sflag:$0x1], $0x280, $0x38;
	[tilespmem:$0x2D00] =	vst v63  }
0x56: {  	_ =	swait.ge [sflag:s9], $0x280  }
0x57: {  	[sflag:s9] =	ssyncset.done $0x0  }
0x58: {  	[sflag:s9] =	ssyncadd.s32 $0xFFFFFD80  }
0x59: {  	_ =	sfence.sel $0x180000  }
0x5a: {  	[bflag:$0x0] =	sbarrier.arrive $0xFFFF  }
0x5b: {  	p0 =	sne.s32 s0, $0x0;
	_ =	strace $0x90000047  }
0x5c: {  	s0 =	sadd.s32 @!p0 $0x100000, s1;
	[bflag:$0x2] =	sbarrier.arrive $0xFFFF  }
0x5d: {  	[sflag:s0] =	ssyncadd.tile.s32 @!p0 $0x1;
	_ =	shalt  }
.Lfunc_end2:
_tile_overlayer_lowered:
.L_overlay_start_2:
0x5e: {  	(tag) =	ssettag $0x2  }
0x5f: {  	s0 =	rddreg [dreg:$0x0];
	s2 =	stileid.u32  }
0x60: {  	s1 =	rddreg [dreg:$0x1];
	p0 =	sne.s32 s2, $0x0  }
0x61: {  	s3 =	rddreg [dreg:$0x2];
	[bflag:$0x3] =	sbarrier.arrive $0xFFFF;
	s2 =	simm.s32 @!p0 $0x1C01  }
0x62: {  	[timem:s3], [sflag:s2] =	dma.local @!p0 [hbm:s0], s1  }
0x63: {  	s0 =	simm.s32 @!p0 $0x1  }
0x64: {  	_ =	swait.ge @!p0 [sflag:s0], s1  }
0x65: {  	s1 =	ssub.s32 @!p0 $0x0, s1;
	[sflag:s0] =	ssyncset.done @!p0 $0x0  }
0x66: {  	[sflag:s0] =	ssyncadd.s32 @!p0 s1  }
0x67: {  	[bflag:$0x3] =	sbarrier.arrive $0xFFFF  }
0x68: {  	_ =	shalt  }

</sc_bundles>
